<compile_context>
chip_gen: v7x
topology: tpu7x:2x2x1
jax: 0.10.2.dev20260603
libtpu: 0.0.44.dev20260713+nightly
codegen_flags: <defaults>
</compile_context>

<pallas_src>
import functools

import jax
import jax.numpy as jnp
from jax import lax
from jax.experimental import pallas as pl
from jax.experimental.pallas import tpu as pltpu
from jax.experimental.pallas import tpu_sc as plsc

N = 10000
E = 160000
D = 256
V = 128
G = 16
FF = 512
L = 3

H = D // 2
NTILE = 16
NP = 10240
NPT = NP // NTILE
BN = 256
EPT = E // NTILE
K = 128
NCH = 79
EPAD = NTILE * NCH * K

_f32 = jnp.float32


def _deg_body(edge_hbm, deg_hbm, edges_v, hist_v, red_v, out_v, shared):
    c = lax.axis_index("c")
    s = lax.axis_index("s")

    def zero(i, _):
        hist_v[pl.ds(i * 16, 16)] = jnp.zeros((16,), _f32)
        return 0
    lax.fori_loop(0, NP // 16, zero, 0)

    pltpu.sync_copy(edge_hbm.at[pl.ds(c * E + s * EPT, EPT)], edges_v)

    ones = jnp.ones((16,), _f32)

    def hist(i, _):
        idx = edges_v[pl.ds(i * 16, 16)]
        plsc.addupdate_scatter(hist_v, [idx], ones)
        return 0
    lax.fori_loop(0, EPT // 16, hist, 0)

    pltpu.sync_copy(hist_v, shared.at[s])
    plsc.subcore_barrier()
    pltpu.sync_copy(shared.at[:, pl.ds(s * NPT, NPT)], red_v)

    def red(i, _):
        acc = red_v[0, pl.ds(i * 16, 16)]
        for r in range(1, NTILE):
            acc = acc + red_v[r, pl.ds(i * 16, 16)]
        out_v[pl.ds(i * 16, 16)] = acc
        return 0
    lax.fori_loop(0, NPT // 16, red, 0)

    pltpu.sync_copy(out_v, deg_hbm.at[pl.ds(c * NP + s * NPT, NPT)])


@functools.cache
def _deg_call():
    return functools.partial(
        pl.kernel,
        out_type=jax.ShapeDtypeStruct((2 * NP,), _f32),
        mesh=plsc.VectorSubcoreMesh(core_axis_name="c", subcore_axis_name="s"),
        compiler_params=pltpu.CompilerParams(needs_layout_passes=False),
        scratch_types=[
            pltpu.VMEM((EPT,), jnp.int32),
            pltpu.VMEM((NP,), _f32),
            pltpu.VMEM((NTILE, NPT), _f32),
            pltpu.VMEM((NPT,), _f32),
            pltpu.VMEM_SHARED((NTILE, NP), _f32),
        ],
    )(_deg_body)


def _prop_body(table_hbm, src_hbm, dst_hbm, out_hbm, sidx_v, didx_v, rows_v,
               acc_sh):
    c = lax.axis_index("c")
    s = lax.axis_index("s")

    pltpu.sync_copy(src_hbm.at[s], sidx_v)
    pltpu.sync_copy(dst_hbm.at[s], didx_v)

    off = c * NP

    def adj(k, _):
        i = k // (K // 16)
        j = k % (K // 16)
        sidx_v[i, pl.ds(j * 16, 16)] = sidx_v[i, pl.ds(j * 16, 16)] + off
        return 0
    lax.fori_loop(0, NCH * (K // 16), adj, 0)

    def zero(k, _):
        rows_v[k // (H // 16), pl.ds((k % (H // 16)) * 16, 16)] = (
            jnp.zeros((16,), _f32))
        return 0
    lax.fori_loop(0, K * (H // 16), zero, 0)

    for j in range(NPT // K):
        pltpu.sync_copy(rows_v, acc_sh.at[pl.ds(s * NPT + j * K, K)])
    plsc.subcore_barrier()

    def step(i, _):
        pltpu.sync_copy(table_hbm.at[sidx_v.at[i]], rows_v)
        pltpu.sync_copy(rows_v, acc_sh.at[didx_v.at[i]], add=True)
        return 0
    lax.fori_loop(0, NCH, step, 0)

    plsc.subcore_barrier()
    pltpu.sync_copy(acc_sh.at[pl.ds(s * NPT, NPT)],
                    out_hbm.at[c, pl.ds(s * NPT, NPT)])


@functools.cache
def _prop_call():
    return functools.partial(
        pl.kernel,
        out_type=jax.ShapeDtypeStruct((2, NP, H), _f32),
        mesh=plsc.VectorSubcoreMesh(core_axis_name="c", subcore_axis_name="s"),
        compiler_params=pltpu.CompilerParams(needs_layout_passes=False),
        scratch_types=[
            pltpu.VMEM((NCH, K), jnp.int32),
            pltpu.VMEM((NCH, K), jnp.int32),
            pltpu.VMEM((K, H), _f32),
            pltpu.VMEM_SHARED((NP, H), _f32),
        ],
    )(_prop_body)


NFCH = NPT // K


def _embg_body(tab_hbm, feat_hbm, gcn_hbm, gin_hbm, fidx_v, gidx_v, rows_v):
    c = lax.axis_index("c")
    s = lax.axis_index("s")

    pltpu.sync_copy(feat_hbm.at[s], fidx_v)

    for which in range(2):
        off = c * V + which * (2 * V)
        out = gcn_hbm if which == 0 else gin_hbm

        def adj(k, _):
            i = k // (K // 16)
            j = k % (K // 16)
            gidx_v[i, pl.ds(j * 16, 16)] = fidx_v[i, pl.ds(j * 16, 16)] + off
            return 0
        lax.fori_loop(0, NFCH * (K // 16), adj, 0)

        for i in range(NFCH):
            pltpu.sync_copy(tab_hbm.at[gidx_v.at[i]], rows_v)
            pltpu.sync_copy(rows_v, out.at[c, pl.ds(s * NPT + i * K, K)])


@functools.cache
def _embg_call():
    return functools.partial(
        pl.kernel,
        out_type=[jax.ShapeDtypeStruct((2, NP, H), _f32),
                  jax.ShapeDtypeStruct((2, NP, H), _f32)],
        mesh=plsc.VectorSubcoreMesh(core_axis_name="c", subcore_axis_name="s"),
        compiler_params=pltpu.CompilerParams(needs_layout_passes=False),
        scratch_types=[
            pltpu.VMEM((NFCH, K), jnp.int32),
            pltpu.VMEM((NFCH, K), jnp.int32),
            pltpu.VMEM((K, H), _f32),
        ],
    )(_embg_body)


def _norm_body(dego_ref, degi_ref, gcn_ref, gcns_ref, no_ref, ni_ref):
    no = 1.0 / jnp.sqrt(jnp.maximum(dego_ref[...], 1.0))
    ni = 1.0 / jnp.sqrt(jnp.maximum(degi_ref[...], 1.0))
    no_ref[...] = no
    ni_ref[...] = ni
    gcns_ref[0] = gcn_ref[0] * no
    gcns_ref[1] = gcn_ref[1] * no


_norm_call = pl.pallas_call(
    _norm_body,
    grid=(NP // BN,),
    in_specs=[
        pl.BlockSpec((BN, 1), lambda i: (i, 0)),
        pl.BlockSpec((BN, 1), lambda i: (i, 0)),
        pl.BlockSpec((2, BN, H), lambda i: (0, i, 0)),
    ],
    out_specs=[
        pl.BlockSpec((2, BN, H), lambda i: (0, i, 0)),
        pl.BlockSpec((BN, 1), lambda i: (i, 0)),
        pl.BlockSpec((BN, 1), lambda i: (i, 0)),
    ],
    out_shape=[
        jax.ShapeDtypeStruct((2, NP, H), _f32),
        jax.ShapeDtypeStruct((NP, 1), _f32),
        jax.ShapeDtypeStruct((NP, 1), _f32),
    ],
)


def _gcn_body(agg_ref, ni_ref, no_ref, w_ref, b_ref, out_ref, *, scale_out):
    ni = ni_ref[...]
    x = jnp.concatenate([agg_ref[0], agg_ref[1]], axis=1) * ni
    y = jnp.dot(x, w_ref[...], preferred_element_type=_f32) + b_ref[...]
    y = jnp.maximum(y, 0.0)
    if scale_out:
        y = y * no_ref[...]
    out_ref[0] = y[:, :H]
    out_ref[1] = y[:, H:]


def _make_gcn_call(scale_out):
    return pl.pallas_call(
        functools.partial(_gcn_body, scale_out=scale_out),
        grid=(NP // BN,),
        in_specs=[
            pl.BlockSpec((2, BN, H), lambda i: (0, i, 0)),
            pl.BlockSpec((BN, 1), lambda i: (i, 0)),
            pl.BlockSpec((BN, 1), lambda i: (i, 0)),
            pl.BlockSpec((D, D), lambda i: (0, 0)),
            pl.BlockSpec((1, D), lambda i: (0, 0)),
        ],
        out_specs=pl.BlockSpec((2, BN, H), lambda i: (0, i, 0)),
        out_shape=jax.ShapeDtypeStruct((2, NP, H), _f32),
    )


_gcn_mid_call = _make_gcn_call(True)
_gcn_last_call = _make_gcn_call(False)


def _gin_body(h_ref, agg_ref, eps_ref, w1_ref, b1_ref, w2_ref, b2_ref,
              out_ref):
    e = 1.0 + eps_ref[0, 0]
    x = (jnp.concatenate([h_ref[0], h_ref[1]], axis=1) * e
         + jnp.concatenate([agg_ref[0], agg_ref[1]], axis=1))
    t = jnp.dot(x, w1_ref[...], preferred_element_type=_f32) + b1_ref[...]
    t = jnp.maximum(t, 0.0)
    y = jnp.dot(t, w2_ref[...], preferred_element_type=_f32) + b2_ref[...]
    out_ref[0] = y[:, :H]
    out_ref[1] = y[:, H:]


_gin_call = pl.pallas_call(
    _gin_body,
    grid=(NP // BN,),
    in_specs=[
        pl.BlockSpec((2, BN, H), lambda i: (0, i, 0)),
        pl.BlockSpec((2, BN, H), lambda i: (0, i, 0)),
        pl.BlockSpec((1, 1), lambda i: (0, 0)),
        pl.BlockSpec((D, D), lambda i: (0, 0)),
        pl.BlockSpec((1, D), lambda i: (0, 0)),
        pl.BlockSpec((D, D), lambda i: (0, 0)),
        pl.BlockSpec((1, D), lambda i: (0, 0)),
    ],
    out_specs=pl.BlockSpec((2, BN, H), lambda i: (0, i, 0)),
    out_shape=jax.ShapeDtypeStruct((2, NP, H), _f32),
)


def _pool_body(gcn_ref, gin_ref, gid_ref, pool_ref, cnt_ref):
    i = pl.program_id(0)
    gid = gid_ref[...]
    oh = (gid == lax.broadcasted_iota(jnp.int32, (1, G), 1)).astype(_f32)

    dn = (((0,), (0,)), ((), ()))

    @pl.when(i == 0)
    def _():
        pool_ref[...] = jnp.zeros((G, 2 * D), _f32)
        cnt_ref[...] = jnp.zeros((G, 1), _f32)

    pool_ref[:, 0 * H:1 * H] += lax.dot_general(
        oh, gcn_ref[0], dn, preferred_element_type=_f32,
        precision=lax.Precision.HIGHEST)
    pool_ref[:, 1 * H:2 * H] += lax.dot_general(
        oh, gcn_ref[1], dn, preferred_element_type=_f32,
        precision=lax.Precision.HIGHEST)
    pool_ref[:, 2 * H:3 * H] += lax.dot_general(
        oh, gin_ref[0], dn, preferred_element_type=_f32,
        precision=lax.Precision.HIGHEST)
    pool_ref[:, 3 * H:4 * H] += lax.dot_general(
        oh, gin_ref[1], dn, preferred_element_type=_f32,
        precision=lax.Precision.HIGHEST)
    cnt_ref[...] += lax.dot_general(
        oh, jnp.ones((BN, 1), _f32), dn, preferred_element_type=_f32,
        precision=lax.Precision.HIGHEST)


_pool_call = pl.pallas_call(
    _pool_body,
    grid=(NP // BN,),
    in_specs=[
        pl.BlockSpec((2, BN, H), lambda i: (0, i, 0)),
        pl.BlockSpec((2, BN, H), lambda i: (0, i, 0)),
        pl.BlockSpec((BN, 1), lambda i: (i, 0)),
    ],
    out_specs=[
        pl.BlockSpec((G, 2 * D), lambda i: (0, 0)),
        pl.BlockSpec((G, 1), lambda i: (0, 0)),
    ],
    out_shape=[
        jax.ShapeDtypeStruct((G, 2 * D), _f32),
        jax.ShapeDtypeStruct((G, 1), _f32),
    ],
)


def _head_body(pool_ref, cnt_ref, w0_ref, b0_ref, w1_ref, b1_ref,
               fcw_ref, fcb_ref, out_ref):
    cnt = jnp.maximum(cnt_ref[...], 1.0)
    x = pool_ref[...] / cnt
    x = jnp.maximum(jnp.dot(x, w0_ref[...], preferred_element_type=_f32)
                    + b0_ref[...], 0.0)
    x = jnp.maximum(jnp.dot(x, w1_ref[...], preferred_element_type=_f32)
                    + b1_ref[...], 0.0)
    z = jnp.dot(x, fcw_ref[...], preferred_element_type=_f32) + fcb_ref[...]
    out_ref[...] = jax.nn.sigmoid(z)


_head_call = pl.pallas_call(
    _head_body,
    out_shape=jax.ShapeDtypeStruct((G, 1), _f32),
)


def kernel(node_feat, edge_index, graph_ids, gcn_emb, gin_emb, gcn_W, gcn_b,
           mlp_W1, mlp_b1, mlp_W2, mlp_b2, eps,
           ffnn_W0, ffnn_b0, ffnn_W1, ffnn_b1, fc_W, fc_b):
    src = edge_index[0]
    dst = edge_index[1]

    pad = EPAD - E
    perm = jnp.argsort(dst, stable=True)
    src_s = jnp.concatenate([src[perm], jnp.zeros((pad,), jnp.int32)]
                            ).reshape(NTILE, NCH, K)
    dst_s = jnp.concatenate([dst[perm], jnp.full((pad,), NP - 8, jnp.int32)]
                            ).reshape(NTILE, NCH, K)

    feat_r = jnp.concatenate(
        [node_feat, jnp.zeros((NP - N,), jnp.int32)]).reshape(NTILE, NFCH, K)
    gid_c = jnp.concatenate(
        [graph_ids, jnp.full((NP - N,), G, jnp.int32)]).reshape(NP, 1)

    deg = _deg_call()(edge_index.reshape(2 * E))
    dego = deg[:NP].reshape(NP, 1)
    degi = deg[NP:].reshape(NP, 1)

    tab = jnp.concatenate([gcn_emb[:, :H], gcn_emb[:, H:],
                           gin_emb[:, :H], gin_emb[:, H:]], axis=0)
    gcn0, gin_h = _embg_call()(tab, feat_r)
    gcn_h, no_c, ni_c = _norm_call(dego, degi, gcn0)

    for i in range(L):
        agg = _prop_call()(gcn_h.reshape(2 * NP, H), src_s, dst_s)
        call = _gcn_mid_call if i < L - 1 else _gcn_last_call
        gcn_h = call(agg, ni_c, no_c, gcn_W[i], gcn_b[i].reshape(1, D))

    b1r = mlp_b1.reshape(1, D)
    b2r = mlp_b2.reshape(1, D)
    for i in range(L):
        agg = _prop_call()(gin_h.reshape(2 * NP, H), src_s, dst_s)
        gin_h = _gin_call(gin_h, agg, eps[i].reshape(1, 1),
                          mlp_W1, b1r, mlp_W2, b2r)

    pool, cnt = _pool_call(gcn_h, gin_h, gid_c)
    out = _head_call(pool, cnt,
                     ffnn_W0, ffnn_b0.reshape(1, FF),
                     ffnn_W1, ffnn_b1.reshape(1, FF),
                     fc_W, fc_b.reshape(1, 1))
    return out

# --- scband reference (transcript-rebuilt; emitter-appended) ---
"""Pipeline reference for scband-multi-gnns-35381940584612 (READ-ONLY COPY).

The authoritative reference and input builder live on the scoring server;
editing this copy changes nothing except your own understanding.
"""

import jax, jax.numpy as jnp
import numpy as np

N = 10000   # nodes
E = 160000  # edges
D = 256     # gnn_hidden_dim
V = 128     # input_feature_dim (node-feature vocab)
G = 16      # graphs in batch
FF = 512    # ffnn_hidden_dim
L = 3       # gnn_layer_num


def setup_inputs(seed: int = 0) -> dict:
    key = jax.random.key(seed)
    ks = jax.random.split(key, 20)
    node_feat = jax.random.randint(ks[0], (N,), 0, V, dtype=jnp.int32)
    edge_index = jax.random.randint(ks[1], (2, E), 0, N, dtype=jnp.int32)
    graph_ids = jnp.sort(jax.random.randint(ks[2], (N,), 0, G, dtype=jnp.int32))
    s = 1.0 / np.sqrt(D)
    inp = {
        'node_feat': node_feat,
        'edge_index': edge_index,
        'graph_ids': graph_ids,
        'gcn_emb': jax.random.normal(ks[3], (V, D), jnp.float32) * s,
        'gin_emb': jax.random.normal(ks[4], (V, D), jnp.float32) * s,
        'gcn_W': jax.random.normal(ks[5], (L, D, D), jnp.float32) * s,
        'gcn_b': jnp.zeros((L, D), jnp.float32),
        'mlp_W1': jax.random.normal(ks[6], (D, D), jnp.float32) * s,
        'mlp_b1': jnp.zeros((D,), jnp.float32),
        'mlp_W2': jax.random.normal(ks[7], (D, D), jnp.float32) * s,
        'mlp_b2': jnp.zeros((D,), jnp.float32),
        'eps': jnp.zeros((L,), jnp.float32),
        'ffnn_W0': jax.random.normal(ks[8], (2 * D, FF), jnp.float32) / np.sqrt(2 * D),
        'ffnn_b0': jnp.zeros((FF,), jnp.float32),
        'ffnn_W1': jax.random.normal(ks[9], (FF, FF), jnp.float32) / np.sqrt(FF),
        'ffnn_b1': jnp.zeros((FF,), jnp.float32),
        'fc_W': jax.random.normal(ks[10], (FF, 1), jnp.float32) / np.sqrt(FF),
        'fc_b': jnp.zeros((1,), jnp.float32),
    }
    return inp


def reference(node_feat, edge_index, graph_ids, gcn_emb, gin_emb, gcn_W, gcn_b,
              mlp_W1, mlp_b1, mlp_W2, mlp_b2, eps,
              ffnn_W0, ffnn_b0, ffnn_W1, ffnn_b1, fc_W, fc_b):
    src = edge_index[0]
    dst = edge_index[1]
    ones_e = jnp.ones((E,), jnp.float32)
    deg_out = jax.ops.segment_sum(ones_e, src, num_segments=N)
    deg_in = jax.ops.segment_sum(ones_e, dst, num_segments=N)
    norm_out = (1.0 / jnp.sqrt(jnp.clip(deg_out, 1.0)))[:, None]
    norm_in = (1.0 / jnp.sqrt(jnp.clip(deg_in, 1.0)))[:, None]

    def gcn_layer(h, W, b):
        # DGL GraphConv, norm='both': D_out^{-1/2} A D_in^{-1/2} h W + b
        h = h * norm_out
        agg = jax.ops.segment_sum(h[src], dst, num_segments=N)
        agg = agg * norm_in
        return agg @ W + b

    # GCN branch
    gcn_h = jnp.take(gcn_emb, node_feat, axis=0)
    for i in range(L):
        gcn_h = jax.nn.relu(gcn_layer(gcn_h, gcn_W[i], gcn_b[i]))
        # dropout is identity in eval mode

    # GIN branch (mlp shared across layers, as in the torch code)
    def mlp(h):
        return jax.nn.relu(h @ mlp_W1 + mlp_b1) @ mlp_W2 + mlp_b2

    gin_h = jnp.take(gin_emb, node_feat, axis=0)
    for i in range(L):
        agg = jax.ops.segment_sum(gin_h[src], dst, num_segments=N)  # sum aggregator
        gin_h = mlp((1.0 + eps[i]) * gin_h + agg)

    # dgl.mean_nodes: per-graph mean of node features
    counts = jax.ops.segment_sum(jnp.ones((N,), jnp.float32), graph_ids, num_segments=G)
    counts = jnp.clip(counts, 1.0)[:, None]
    gcn_agg = jax.ops.segment_sum(gcn_h, graph_ids, num_segments=G) / counts
    gin_agg = jax.ops.segment_sum(gin_h, graph_ids, num_segments=G) / counts

    out = jnp.concatenate([gcn_agg, gin_agg], axis=-1)
    out = jax.nn.relu(out @ ffnn_W0 + ffnn_b0)
    out = jax.nn.relu(out @ ffnn_W1 + ffnn_b1)
    return jax.nn.sigmoid(out @ fc_W + fc_b)

if __name__ == "__main__":
    import jax
    _d = setup_inputs()
    print(jax.jit(kernel)(*tuple(_d.values())))

</pallas_src>

<mosaic_0001>
#map = affine_map<(d0, d1) -> (0)>
module attributes {stable_mosaic.version = 14 : i64} {
  func.func @_deg_body(%arg0: i32, %arg1: i32, %arg2: memref<320000xi32, #tpu.memory_space<hbm>>, %arg3: memref<20480xf32, #tpu.memory_space<hbm>>, %arg4: memref<10000xi32, #tpu.memory_space<vmem>>, %arg5: memref<10240xf32, #tpu.memory_space<vmem>>, %arg6: memref<16x640xf32, #tpu.memory_space<vmem>>, %arg7: memref<640xf32, #tpu.memory_space<vmem>>, %arg8: memref<16x10240xf32, #tpu.memory_space<vmem_shared>>) attributes {dimension_semantics = [#tpu.dimension_semantics<core_parallel>, #tpu.dimension_semantics<subcore_parallel>], iteration_bounds = array<i64: 2, 16>, scalar_prefetch = 0 : i64, scratch_operands = 5 : i64, tpu.core_type = #tpu.core_type<sc_vector_subcore>, window_params = [{transform_indices = #map}, {transform_indices = #map}]} {
    %scan3A = arith.constant 0 : i32
    %scan3A_0 = arith.constant 0 : i32
    %scan3A_1 = arith.constant 640 : i32
    %scan3A_2 = arith.addi %scan3A_0, %scan3A_1 : i32
    %scan3A_3 = arith.constant 1 : i32
    %scan3A_4 = scf.for %scan3A_31 = %scan3A_0 to %scan3A_2 step %scan3A_3 iter_args(%scan3A_32 = %scan3A) -> (i32)  : i32 {
      %broadcast_in_dim3A_33 = arith.constant 0.000000e+00 : f32
      %broadcast_in_dim3A_34 = vector.broadcast %broadcast_in_dim3A_33 : f32 to vector<16xf32>
      %mul3A_35 = arith.constant 16 : i32
      %mul3A_36 = arith.muli %scan3A_31, %mul3A_35 : i32
      %swap3A = arith.index_cast %mul3A_36 : i32 to index
      %swap3A_37 = tpu.vector_load %arg5[%swap3A] {strides = array<i32>} : memref<10240xf32, #tpu.memory_space<vmem>>, vector<16xf32>,
      tpu.vector_store %arg5[%swap3A], %broadcast_in_dim3A_34 {strides = array<i32>} : memref<10240xf32, #tpu.memory_space<vmem>>, vector<16xf32>,
      %scan3A_38 = arith.constant 0 : i32
      scf.yield %scan3A_38 : i32
    }
    %scan3A_5 = arith.constant 640 : i32
    %mul3A = arith.constant 160000 : i32
    %mul3A_6 = arith.muli %arg0, %mul3A : i32
    %mul3A_7 = arith.constant 10000 : i32
    %mul3A_8 = arith.muli %arg1, %mul3A_7 : i32
    %add3A = arith.addi %mul3A_6, %mul3A_8 : i32
    "tpu.region"() ({
      %run_scoped3A = tpu.sem_alloc : memref<!tpu.dma_semaphore, #tpu.memory_space<semaphore_mem>>
      %dma_start3A = tpu.memref_slice %arg2[%add3A] : memref<320000xi32, #tpu.memory_space<hbm>> -> memref<10000xi32, #tpu.memory_space<hbm>>
      %dma_start3A_31 = tpu.memref_slice %arg2[%add3A] : memref<320000xi32, #tpu.memory_space<hbm>> -> memref<10000xi32, #tpu.memory_space<hbm>>
      tpu.enqueue_dma source(%dma_start3A_31 : memref<10000xi32, #tpu.memory_space<hbm>>) target(%arg4 : memref<10000xi32, #tpu.memory_space<vmem>>) target_semaphore(%run_scoped3A : memref<!tpu.dma_semaphore, #tpu.memory_space<semaphore_mem>>)
      %dma_wait3A = tpu.memref_slice %arg2[%add3A] : memref<320000xi32, #tpu.memory_space<hbm>> -> memref<10000xi32, #tpu.memory_space<hbm>>
      %dma_wait3A_32 = tpu.memref_slice %arg2[%add3A] : memref<320000xi32, #tpu.memory_space<hbm>> -> memref<10000xi32, #tpu.memory_space<hbm>>
      tpu.wait_dma2 semaphore(%run_scoped3A : memref<!tpu.dma_semaphore, #tpu.memory_space<semaphore_mem>>) src(%dma_wait3A_32 : memref<10000xi32, #tpu.memory_space<hbm>>) dst(%arg4 : memref<10000xi32, #tpu.memory_space<vmem>>)
      tpu.yield
    }) : () -> ()
    %broadcast_in_dim3A = arith.constant 1.000000e+00 : f32
    %broadcast_in_dim3A_9 = vector.broadcast %broadcast_in_dim3A : f32 to vector<16xf32>
    %scan3A_10 = arith.constant 0 : i32
    %scan3A_11 = arith.constant 0 : i32
    %scan3A_12 = arith.constant 625 : i32
    %scan3A_13 = arith.addi %scan3A_11, %scan3A_12 : i32
    %scan3A_14 = arith.constant 1 : i32
    %scan3A_15 = scf.for %scan3A_31 = %scan3A_11 to %scan3A_13 step %scan3A_14 iter_args(%scan3A_32 = %scan3A_10) -> (i32)  : i32 {
      %mul3A_33 = arith.constant 16 : i32
      %mul3A_34 = arith.muli %scan3A_31, %mul3A_33 : i32
      %get3A = arith.index_cast %mul3A_34 : i32 to index
      %get3A_35 = tpu.vector_load %arg4[%get3A] {strides = array<i32>} : memref<10000xi32, #tpu.memory_space<vmem>>, vector<16xi32>,
      tpu.vector_store_idx %arg5[%get3A_35], %broadcast_in_dim3A_9 {add = true} : memref<10240xf32, #tpu.memory_space<vmem>>[vector<16xi32>], vector<16xf32>,
      %scan3A_36 = arith.constant 0 : i32
      scf.yield %scan3A_36 : i32
    }
    %scan3A_16 = arith.constant 625 : i32
    "tpu.region"() ({
      %run_scoped3A = tpu.sem_alloc : memref<!tpu.dma_semaphore, #tpu.memory_space<semaphore_mem>>
      %dma_start3A = arith.constant 0 : i32
      %dma_start3A_31 = tpu.memref_slice %arg8[%arg1, %dma_start3A] : memref<16x10240xf32, #tpu.memory_space<vmem_shared>> -> memref<1x10240xf32, #tpu.memory_space<vmem_shared>>
      %dma_start3A_32 = tpu.memref_squeeze %dma_start3A_31 : memref<1x10240xf32, #tpu.memory_space<vmem_shared>> -> memref<10240xf32, #tpu.memory_space<vmem_shared>>
      %dma_start3A_33 = arith.constant 0 : i32
      %dma_start3A_34 = tpu.memref_slice %arg8[%arg1, %dma_start3A_33] : memref<16x10240xf32, #tpu.memory_space<vmem_shared>> -> memref<1x10240xf32, #tpu.memory_space<vmem_shared>>
      %dma_start3A_35 = tpu.memref_squeeze %dma_start3A_34 : memref<1x10240xf32, #tpu.memory_space<vmem_shared>> -> memref<10240xf32, #tpu.memory_space<vmem_shared>>
      tpu.enqueue_dma source(%arg5 : memref<10240xf32, #tpu.memory_space<vmem>>) target(%dma_start3A_35 : memref<10240xf32, #tpu.memory_space<vmem_shared>>) target_semaphore(%run_scoped3A : memref<!tpu.dma_semaphore, #tpu.memory_space<semaphore_mem>>)
      %dma_wait3A = arith.constant 0 : i32
      %dma_wait3A_36 = tpu.memref_slice %arg8[%arg1, %dma_wait3A] : memref<16x10240xf32, #tpu.memory_space<vmem_shared>> -> memref<1x10240xf32, #tpu.memory_space<vmem_shared>>
      %dma_wait3A_37 = tpu.memref_squeeze %dma_wait3A_36 : memref<1x10240xf32, #tpu.memory_space<vmem_shared>> -> memref<10240xf32, #tpu.memory_space<vmem_shared>>
      %dma_wait3A_38 = arith.constant 0 : i32
      %dma_wait3A_39 = tpu.memref_slice %arg8[%arg1, %dma_wait3A_38] : memref<16x10240xf32, #tpu.memory_space<vmem_shared>> -> memref<1x10240xf32, #tpu.memory_space<vmem_shared>>
      %dma_wait3A_40 = tpu.memref_squeeze %dma_wait3A_39 : memref<1x10240xf32, #tpu.memory_space<vmem_shared>> -> memref<10240xf32, #tpu.memory_space<vmem_shared>>
      tpu.wait_dma2 semaphore(%run_scoped3A : memref<!tpu.dma_semaphore, #tpu.memory_space<semaphore_mem>>) src(%arg5 : memref<10240xf32, #tpu.memory_space<vmem>>) dst(%dma_wait3A_40 : memref<10240xf32, #tpu.memory_space<vmem_shared>>)
      tpu.yield
    }) : () -> ()
    %barrier3A = arith.constant 0 : index
    tpu.barrier barrier_id(%barrier3A)
    %mul3A_17 = arith.constant 640 : i32
    %mul3A_18 = arith.muli %arg1, %mul3A_17 : i32
    "tpu.region"() ({
      %run_scoped3A = tpu.sem_alloc : memref<!tpu.dma_semaphore, #tpu.memory_space<semaphore_mem>>
      %dma_start3A = arith.constant 0 : i32
      %dma_start3A_31 = tpu.memref_slice %arg8[%dma_start3A, %mul3A_18] : memref<16x10240xf32, #tpu.memory_space<vmem_shared>> -> memref<16x640xf32, #tpu.memory_space<vmem_shared>>
      %dma_start3A_32 = arith.constant 0 : i32
      %dma_start3A_33 = tpu.memref_slice %arg8[%dma_start3A_32, %mul3A_18] : memref<16x10240xf32, #tpu.memory_space<vmem_shared>> -> memref<16x640xf32, #tpu.memory_space<vmem_shared>>
      tpu.enqueue_dma source(%dma_start3A_33 : memref<16x640xf32, #tpu.memory_space<vmem_shared>>) target(%arg6 : memref<16x640xf32, #tpu.memory_space<vmem>>) target_semaphore(%run_scoped3A : memref<!tpu.dma_semaphore, #tpu.memory_space<semaphore_mem>>)
      %dma_wait3A = arith.constant 0 : i32
      %dma_wait3A_34 = tpu.memref_slice %arg8[%dma_wait3A, %mul3A_18] : memref<16x10240xf32, #tpu.memory_space<vmem_shared>> -> memref<16x640xf32, #tpu.memory_space<vmem_shared>>
      %dma_wait3A_35 = arith.constant 0 : i32
      %dma_wait3A_36 = tpu.memref_slice %arg8[%dma_wait3A_35, %mul3A_18] : memref<16x10240xf32, #tpu.memory_space<vmem_shared>> -> memref<16x640xf32, #tpu.memory_space<vmem_shared>>
      tpu.wait_dma2 semaphore(%run_scoped3A : memref<!tpu.dma_semaphore, #tpu.memory_space<semaphore_mem>>) src(%dma_wait3A_36 : memref<16x640xf32, #tpu.memory_space<vmem_shared>>) dst(%arg6 : memref<16x640xf32, #tpu.memory_space<vmem>>)
      tpu.yield
    }) : () -> ()
    %scan3A_19 = arith.constant 0 : i32
    %scan3A_20 = arith.constant 0 : i32
    %scan3A_21 = arith.constant 40 : i32
    %scan3A_22 = arith.addi %scan3A_20, %scan3A_21 : i32
    %scan3A_23 = arith.constant 1 : i32
    %scan3A_24 = scf.for %scan3A_31 = %scan3A_20 to %scan3A_22 step %scan3A_23 iter_args(%scan3A_32 = %scan3A_19) -> (i32)  : i32 {
      %mul3A_33 = arith.constant 16 : i32
      %mul3A_34 = arith.muli %scan3A_31, %mul3A_33 : i32
      %get3A = arith.constant 0 : i32
      %get3A_35 = arith.index_cast %get3A : i32 to index
      %get3A_36 = arith.index_cast %mul3A_34 : i32 to index
      %get3A_37 = tpu.vector_load %arg6[%get3A_35, %get3A_36] {strides = array<i32>} : memref<16x640xf32, #tpu.memory_space<vmem>>, vector<16xf32>,
      %mul3A_38 = arith.constant 16 : i32
      %mul3A_39 = arith.muli %scan3A_31, %mul3A_38 : i32
      %get3A_40 = arith.constant 1 : i32
      %get3A_41 = arith.index_cast %get3A_40 : i32 to index
      %get3A_42 = arith.index_cast %mul3A_39 : i32 to index
      %get3A_43 = tpu.vector_load %arg6[%get3A_41, %get3A_42] {strides = array<i32>} : memref<16x640xf32, #tpu.memory_space<vmem>>, vector<16xf32>,
      %add3A_44 = arith.addf %get3A_37, %get3A_43 : vector<16xf32>
      %mul3A_45 = arith.constant 16 : i32
      %mul3A_46 = arith.muli %scan3A_31, %mul3A_45 : i32
      %get3A_47 = arith.constant 2 : i32
      %get3A_48 = arith.index_cast %get3A_47 : i32 to index
      %get3A_49 = arith.index_cast %mul3A_46 : i32 to index
      %get3A_50 = tpu.vector_load %arg6[%get3A_48, %get3A_49] {strides = array<i32>} : memref<16x640xf32, #tpu.memory_space<vmem>>, vector<16xf32>,
      %add3A_51 = arith.addf %add3A_44, %get3A_50 : vector<16xf32>
      %mul3A_52 = arith.constant 16 : i32
      %mul3A_53 = arith.muli %scan3A_31, %mul3A_52 : i32
      %get3A_54 = arith.constant 3 : i32
      %get3A_55 = arith.index_cast %get3A_54 : i32 to index
      %get3A_56 = arith.index_cast %mul3A_53 : i32 to index
      %get3A_57 = tpu.vector_load %arg6[%get3A_55, %get3A_56] {strides = array<i32>} : memref<16x640xf32, #tpu.memory_space<vmem>>, vector<16xf32>,
      %add3A_58 = arith.addf %add3A_51, %get3A_57 : vector<16xf32>
      %mul3A_59 = arith.constant 16 : i32
      %mul3A_60 = arith.muli %scan3A_31, %mul3A_59 : i32
      %get3A_61 = arith.constant 4 : i32
      %get3A_62 = arith.index_cast %get3A_61 : i32 to index
      %get3A_63 = arith.index_cast %mul3A_60 : i32 to index
      %get3A_64 = tpu.vector_load %arg6[%get3A_62, %get3A_63] {strides = array<i32>} : memref<16x640xf32, #tpu.memory_space<vmem>>, vector<16xf32>,
      %add3A_65 = arith.addf %add3A_58, %get3A_64 : vector<16xf32>
      %mul3A_66 = arith.constant 16 : i32
      %mul3A_67 = arith.muli %scan3A_31, %mul3A_66 : i32
      %get3A_68 = arith.constant 5 : i32
      %get3A_69 = arith.index_cast %get3A_68 : i32 to index
      %get3A_70 = arith.index_cast %mul3A_67 : i32 to index
      %get3A_71 = tpu.vector_load %arg6[%get3A_69, %get3A_70] {strides = array<i32>} : memref<16x640xf32, #tpu.memory_space<vmem>>, vector<16xf32>,
      %add3A_72 = arith.addf %add3A_65, %get3A_71 : vector<16xf32>
      %mul3A_73 = arith.constant 16 : i32
      %mul3A_74 = arith.muli %scan3A_31, %mul3A_73 : i32
      %get3A_75 = arith.constant 6 : i32
      %get3A_76 = arith.index_cast %get3A_75 : i32 to index
      %get3A_77 = arith.index_cast %mul3A_74 : i32 to index
      %get3A_78 = tpu.vector_load %arg6[%get3A_76, %get3A_77] {strides = array<i32>} : memref<16x640xf32, #tpu.memory_space<vmem>>, vector<16xf32>,
      %add3A_79 = arith.addf %add3A_72, %get3A_78 : vector<16xf32>
      %mul3A_80 = arith.constant 16 : i32
      %mul3A_81 = arith.muli %scan3A_31, %mul3A_80 : i32
      %get3A_82 = arith.constant 7 : i32
      %get3A_83 = arith.index_cast %get3A_82 : i32 to index
      %get3A_84 = arith.index_cast %mul3A_81 : i32 to index
      %get3A_85 = tpu.vector_load %arg6[%get3A_83, %get3A_84] {strides = array<i32>} : memref<16x640xf32, #tpu.memory_space<vmem>>, vector<16xf32>,
      %add3A_86 = arith.addf %add3A_79, %get3A_85 : vector<16xf32>
      %mul3A_87 = arith.constant 16 : i32
      %mul3A_88 = arith.muli %scan3A_31, %mul3A_87 : i32
      %get3A_89 = arith.constant 8 : i32
      %get3A_90 = arith.index_cast %get3A_89 : i32 to index
      %get3A_91 = arith.index_cast %mul3A_88 : i32 to index
      %get3A_92 = tpu.vector_load %arg6[%get3A_90, %get3A_91] {strides = array<i32>} : memref<16x640xf32, #tpu.memory_space<vmem>>, vector<16xf32>,
      %add3A_93 = arith.addf %add3A_86, %get3A_92 : vector<16xf32>
      %mul3A_94 = arith.constant 16 : i32
      %mul3A_95 = arith.muli %scan3A_31, %mul3A_94 : i32
      %get3A_96 = arith.constant 9 : i32
      %get3A_97 = arith.index_cast %get3A_96 : i32 to index
      %get3A_98 = arith.index_cast %mul3A_95 : i32 to index
      %get3A_99 = tpu.vector_load %arg6[%get3A_97, %get3A_98] {strides = array<i32>} : memref<16x640xf32, #tpu.memory_space<vmem>>, vector<16xf32>,
      %add3A_100 = arith.addf %add3A_93, %get3A_99 : vector<16xf32>
      %mul3A_101 = arith.constant 16 : i32
      %mul3A_102 = arith.muli %scan3A_31, %mul3A_101 : i32
      %get3A_103 = arith.constant 10 : i32
      %get3A_104 = arith.index_cast %get3A_103 : i32 to index
      %get3A_105 = arith.index_cast %mul3A_102 : i32 to index
      %get3A_106 = tpu.vector_load %arg6[%get3A_104, %get3A_105] {strides = array<i32>} : memref<16x640xf32, #tpu.memory_space<vmem>>, vector<16xf32>,
      %add3A_107 = arith.addf %add3A_100, %get3A_106 : vector<16xf32>
      %mul3A_108 = arith.constant 16 : i32
      %mul3A_109 = arith.muli %scan3A_31, %mul3A_108 : i32
      %get3A_110 = arith.constant 11 : i32
      %get3A_111 = arith.index_cast %get3A_110 : i32 to index
      %get3A_112 = arith.index_cast %mul3A_109 : i32 to index
      %get3A_113 = tpu.vector_load %arg6[%get3A_111, %get3A_112] {strides = array<i32>} : memref<16x640xf32, #tpu.memory_space<vmem>>, vector<16xf32>,
      %add3A_114 = arith.addf %add3A_107, %get3A_113 : vector<16xf32>
      %mul3A_115 = arith.constant 16 : i32
      %mul3A_116 = arith.muli %scan3A_31, %mul3A_115 : i32
      %get3A_117 = arith.constant 12 : i32
      %get3A_118 = arith.index_cast %get3A_117 : i32 to index
      %get3A_119 = arith.index_cast %mul3A_116 : i32 to index
      %get3A_120 = tpu.vector_load %arg6[%get3A_118, %get3A_119] {strides = array<i32>} : memref<16x640xf32, #tpu.memory_space<vmem>>, vector<16xf32>,
      %add3A_121 = arith.addf %add3A_114, %get3A_120 : vector<16xf32>
      %mul3A_122 = arith.constant 16 : i32
      %mul3A_123 = arith.muli %scan3A_31, %mul3A_122 : i32
      %get3A_124 = arith.constant 13 : i32
      %get3A_125 = arith.index_cast %get3A_124 : i32 to index
      %get3A_126 = arith.index_cast %mul3A_123 : i32 to index
      %get3A_127 = tpu.vector_load %arg6[%get3A_125, %get3A_126] {strides = array<i32>} : memref<16x640xf32, #tpu.memory_space<vmem>>, vector<16xf32>,
      %add3A_128 = arith.addf %add3A_121, %get3A_127 : vector<16xf32>
      %mul3A_129 = arith.constant 16 : i32
      %mul3A_130 = arith.muli %scan3A_31, %mul3A_129 : i32
      %get3A_131 = arith.constant 14 : i32
      %get3A_132 = arith.index_cast %get3A_131 : i32 to index
      %get3A_133 = arith.index_cast %mul3A_130 : i32 to index
      %get3A_134 = tpu.vector_load %arg6[%get3A_132, %get3A_133] {strides = array<i32>} : memref<16x640xf32, #tpu.memory_space<vmem>>, vector<16xf32>,
      %add3A_135 = arith.addf %add3A_128, %get3A_134 : vector<16xf32>
      %mul3A_136 = arith.constant 16 : i32
      %mul3A_137 = arith.muli %scan3A_31, %mul3A_136 : i32
      %get3A_138 = arith.constant 15 : i32
      %get3A_139 = arith.index_cast %get3A_138 : i32 to index
      %get3A_140 = arith.index_cast %mul3A_137 : i32 to index
      %get3A_141 = tpu.vector_load %arg6[%get3A_139, %get3A_140] {strides = array<i32>} : memref<16x640xf32, #tpu.memory_space<vmem>>, vector<16xf32>,
      %add3A_142 = arith.addf %add3A_135, %get3A_141 : vector<16xf32>
      %mul3A_143 = arith.constant 16 : i32
      %mul3A_144 = arith.muli %scan3A_31, %mul3A_143 : i32
      %swap3A = arith.index_cast %mul3A_144 : i32 to index
      %swap3A_145 = tpu.vector_load %arg7[%swap3A] {strides = array<i32>} : memref<640xf32, #tpu.memory_space<vmem>>, vector<16xf32>,
      tpu.vector_store %arg7[%swap3A], %add3A_142 {strides = array<i32>} : memref<640xf32, #tpu.memory_space<vmem>>, vector<16xf32>,
      %scan3A_146 = arith.constant 0 : i32
      scf.yield %scan3A_146 : i32
    }
    %scan3A_25 = arith.constant 40 : i32
    %mul3A_26 = arith.constant 10240 : i32
    %mul3A_27 = arith.muli %arg0, %mul3A_26 : i32
    %mul3A_28 = arith.constant 640 : i32
    %mul3A_29 = arith.muli %arg1, %mul3A_28 : i32
    %add3A_30 = arith.addi %mul3A_27, %mul3A_29 : i32
    "tpu.region"() ({
      %run_scoped3A = tpu.sem_alloc : memref<!tpu.dma_semaphore, #tpu.memory_space<semaphore_mem>>
      %dma_start3A = tpu.memref_slice %arg3[%add3A_30] : memref<20480xf32, #tpu.memory_space<hbm>> -> memref<640xf32, #tpu.memory_space<hbm>>
      %dma_start3A_31 = tpu.memref_slice %arg3[%add3A_30] : memref<20480xf32, #tpu.memory_space<hbm>> -> memref<640xf32, #tpu.memory_space<hbm>>
      tpu.enqueue_dma source(%arg7 : memref<640xf32, #tpu.memory_space<vmem>>) target(%dma_start3A_31 : memref<640xf32, #tpu.memory_space<hbm>>) target_semaphore(%run_scoped3A : memref<!tpu.dma_semaphore, #tpu.memory_space<semaphore_mem>>)
      %dma_wait3A = tpu.memref_slice %arg3[%add3A_30] : memref<20480xf32, #tpu.memory_space<hbm>> -> memref<640xf32, #tpu.memory_space<hbm>>
      %dma_wait3A_32 = tpu.memref_slice %arg3[%add3A_30] : memref<20480xf32, #tpu.memory_space<hbm>> -> memref<640xf32, #tpu.memory_space<hbm>>
      tpu.wait_dma2 semaphore(%run_scoped3A : memref<!tpu.dma_semaphore, #tpu.memory_space<semaphore_mem>>) src(%arg7 : memref<640xf32, #tpu.memory_space<vmem>>) dst(%dma_wait3A_32 : memref<640xf32, #tpu.memory_space<hbm>>)
      tpu.yield
    }) : () -> ()
    return
  }
}

#map = affine_map<(d0, d1) -> (0, 0)>
#map1 = affine_map<(d0, d1) -> (0, 0, 0)>
module attributes {stable_mosaic.version = 14 : i64} {
  func.func @_prop_body(%arg0: i32, %arg1: i32, %arg2: memref<20480x128xf32, #tpu.memory_space<hbm>>, %arg3: memref<16x79x128xi32, #tpu.memory_space<hbm>>, %arg4: memref<16x79x128xi32, #tpu.memory_space<hbm>>, %arg5: memref<2x10240x128xf32, #tpu.memory_space<hbm>>, %arg6: memref<79x128xi32, #tpu.memory_space<vmem>>, %arg7: memref<79x128xi32, #tpu.memory_space<vmem>>, %arg8: memref<128x128xf32, #tpu.memory_space<vmem>>, %arg9: memref<10240x128xf32, #tpu.memory_space<vmem_shared>>) attributes {dimension_semantics = [#tpu.dimension_semantics<core_parallel>, #tpu.dimension_semantics<subcore_parallel>], iteration_bounds = array<i64: 2, 16>, scalar_prefetch = 0 : i64, scratch_operands = 4 : i64, tpu.core_type = #tpu.core_type<sc_vector_subcore>, window_params = [{transform_indices = #map}, {transform_indices = #map1}, {transform_indices = #map1}, {transform_indices = #map1}]} {
    "tpu.region"() ({
      %run_scoped3A = tpu.sem_alloc : memref<!tpu.dma_semaphore, #tpu.memory_space<semaphore_mem>>
      %dma_start3A = arith.constant 0 : i32
      %dma_start3A_45 = arith.constant 0 : i32
      %dma_start3A_46 = tpu.memref_slice %arg3[%arg1, %dma_start3A, %dma_start3A_45] : memref<16x79x128xi32, #tpu.memory_space<hbm>> -> memref<1x79x128xi32, #tpu.memory_space<hbm>>
      %dma_start3A_47 = tpu.memref_squeeze %dma_start3A_46 : memref<1x79x128xi32, #tpu.memory_space<hbm>> -> memref<79x128xi32, #tpu.memory_space<hbm>>
      %dma_start3A_48 = arith.constant 0 : i32
      %dma_start3A_49 = arith.constant 0 : i32
      %dma_start3A_50 = tpu.memref_slice %arg3[%arg1, %dma_start3A_48, %dma_start3A_49] : memref<16x79x128xi32, #tpu.memory_space<hbm>> -> memref<1x79x128xi32, #tpu.memory_space<hbm>>
      %dma_start3A_51 = tpu.memref_squeeze %dma_start3A_50 : memref<1x79x128xi32, #tpu.memory_space<hbm>> -> memref<79x128xi32, #tpu.memory_space<hbm>>
      tpu.enqueue_dma source(%dma_start3A_51 : memref<79x128xi32, #tpu.memory_space<hbm>>) target(%arg6 : memref<79x128xi32, #tpu.memory_space<vmem>>) target_semaphore(%run_scoped3A : memref<!tpu.dma_semaphore, #tpu.memory_space<semaphore_mem>>)
      %dma_wait3A = arith.constant 0 : i32
      %dma_wait3A_52 = arith.constant 0 : i32
      %dma_wait3A_53 = tpu.memref_slice %arg3[%arg1, %dma_wait3A, %dma_wait3A_52] : memref<16x79x128xi32, #tpu.memory_space<hbm>> -> memref<1x79x128xi32, #tpu.memory_space<hbm>>
      %dma_wait3A_54 = tpu.memref_squeeze %dma_wait3A_53 : memref<1x79x128xi32, #tpu.memory_space<hbm>> -> memref<79x128xi32, #tpu.memory_space<hbm>>
      %dma_wait3A_55 = arith.constant 0 : i32
      %dma_wait3A_56 = arith.constant 0 : i32
      %dma_wait3A_57 = tpu.memref_slice %arg3[%arg1, %dma_wait3A_55, %dma_wait3A_56] : memref<16x79x128xi32, #tpu.memory_space<hbm>> -> memref<1x79x128xi32, #tpu.memory_space<hbm>>
      %dma_wait3A_58 = tpu.memref_squeeze %dma_wait3A_57 : memref<1x79x128xi32, #tpu.memory_space<hbm>> -> memref<79x128xi32, #tpu.memory_space<hbm>>
      tpu.wait_dma2 semaphore(%run_scoped3A : memref<!tpu.dma_semaphore, #tpu.memory_space<semaphore_mem>>) src(%dma_wait3A_58 : memref<79x128xi32, #tpu.memory_space<hbm>>) dst(%arg6 : memref<79x128xi32, #tpu.memory_space<vmem>>)
      tpu.yield
    }) : () -> ()
    "tpu.region"() ({
      %run_scoped3A = tpu.sem_alloc : memref<!tpu.dma_semaphore, #tpu.memory_space<semaphore_mem>>
      %dma_start3A = arith.constant 0 : i32
      %dma_start3A_45 = arith.constant 0 : i32
      %dma_start3A_46 = tpu.memref_slice %arg4[%arg1, %dma_start3A, %dma_start3A_45] : memref<16x79x128xi32, #tpu.memory_space<hbm>> -> memref<1x79x128xi32, #tpu.memory_space<hbm>>
      %dma_start3A_47 = tpu.memref_squeeze %dma_start3A_46 : memref<1x79x128xi32, #tpu.memory_space<hbm>> -> memref<79x128xi32, #tpu.memory_space<hbm>>
      %dma_start3A_48 = arith.constant 0 : i32
      %dma_start3A_49 = arith.constant 0 : i32
      %dma_start3A_50 = tpu.memref_slice %arg4[%arg1, %dma_start3A_48, %dma_start3A_49] : memref<16x79x128xi32, #tpu.memory_space<hbm>> -> memref<1x79x128xi32, #tpu.memory_space<hbm>>
      %dma_start3A_51 = tpu.memref_squeeze %dma_start3A_50 : memref<1x79x128xi32, #tpu.memory_space<hbm>> -> memref<79x128xi32, #tpu.memory_space<hbm>>
      tpu.enqueue_dma source(%dma_start3A_51 : memref<79x128xi32, #tpu.memory_space<hbm>>) target(%arg7 : memref<79x128xi32, #tpu.memory_space<vmem>>) target_semaphore(%run_scoped3A : memref<!tpu.dma_semaphore, #tpu.memory_space<semaphore_mem>>)
      %dma_wait3A = arith.constant 0 : i32
      %dma_wait3A_52 = arith.constant 0 : i32
      %dma_wait3A_53 = tpu.memref_slice %arg4[%arg1, %dma_wait3A, %dma_wait3A_52] : memref<16x79x128xi32, #tpu.memory_space<hbm>> -> memref<1x79x128xi32, #tpu.memory_space<hbm>>
      %dma_wait3A_54 = tpu.memref_squeeze %dma_wait3A_53 : memref<1x79x128xi32, #tpu.memory_space<hbm>> -> memref<79x128xi32, #tpu.memory_space<hbm>>
      %dma_wait3A_55 = arith.constant 0 : i32
      %dma_wait3A_56 = arith.constant 0 : i32
      %dma_wait3A_57 = tpu.memref_slice %arg4[%arg1, %dma_wait3A_55, %dma_wait3A_56] : memref<16x79x128xi32, #tpu.memory_space<hbm>> -> memref<1x79x128xi32, #tpu.memory_space<hbm>>
      %dma_wait3A_58 = tpu.memref_squeeze %dma_wait3A_57 : memref<1x79x128xi32, #tpu.memory_space<hbm>> -> memref<79x128xi32, #tpu.memory_space<hbm>>
      tpu.wait_dma2 semaphore(%run_scoped3A : memref<!tpu.dma_semaphore, #tpu.memory_space<semaphore_mem>>) src(%dma_wait3A_58 : memref<79x128xi32, #tpu.memory_space<hbm>>) dst(%arg7 : memref<79x128xi32, #tpu.memory_space<vmem>>)
      tpu.yield
    }) : () -> ()
    %mul3A = arith.constant 10240 : i32
    %mul3A_0 = arith.muli %arg0, %mul3A : i32
    %scan3A = arith.constant 0 : i32
    %scan3A_1 = arith.constant 0 : i32
    %scan3A_2 = arith.constant 632 : i32
    %scan3A_3 = arith.addi %scan3A_1, %scan3A_2 : i32
    %scan3A_4 = arith.constant 1 : i32
    %scan3A_5 = scf.for %scan3A_45 = %scan3A_1 to %scan3A_3 step %scan3A_4 iter_args(%scan3A_46 = %scan3A) -> (i32)  : i32 {
      %jit3A = arith.constant 8 : i32
      %div3A = arith.divsi %scan3A_45, %jit3A : i32
      %sign3A = arith.constant 0 : i32
      %sign3A_47 = arith.cmpi sgt, %scan3A_45, %sign3A : i32
      %sign3A_48 = arith.extui %sign3A_47 : i1 to i32
      %sign3A_49 = arith.constant 0 : i32
      %sign3A_50 = arith.cmpi slt, %scan3A_45, %sign3A_49 : i32
      %sign3A_51 = arith.extui %sign3A_50 : i1 to i32
      %sign3A_52 = arith.subi %sign3A_48, %sign3A_51 : i32
      %sign3A_53 = arith.constant 0 : i32
      %sign3A_54 = arith.cmpi sgt, %jit3A, %sign3A_53 : i32
      %sign3A_55 = arith.extui %sign3A_54 : i1 to i32
      %sign3A_56 = arith.constant 0 : i32
      %sign3A_57 = arith.cmpi slt, %jit3A, %sign3A_56 : i32
      %sign3A_58 = arith.extui %sign3A_57 : i1 to i32
      %sign3A_59 = arith.subi %sign3A_55, %sign3A_58 : i32
      %ne3A = arith.cmpi ne, %sign3A_52, %sign3A_59 : i32
      %rem3A = arith.remsi %scan3A_45, %jit3A : i32
      %ne3A_60 = arith.constant 0 : i32
      %ne3A_61 = arith.cmpi ne, %rem3A, %ne3A_60 : i32
      %and3A = arith.andi %ne3A, %ne3A_61 : i1
      %sub3A = arith.constant 1 : i32
      %sub3A_62 = arith.subi %div3A, %sub3A : i32
      %select_n3A = arith.select %and3A, %sub3A_62, %div3A : i32
      %jit3A_63 = arith.constant 8 : i32
      %eq3A = arith.constant 0 : i32
      %eq3A_64 = arith.cmpi eq, %jit3A_63, %eq3A : i32
      %jit3A_65 = arith.constant 1 : i32
      %select_n3A_66 = arith.select %eq3A_64, %jit3A_65, %jit3A_63 : i32
      %rem3A_67 = arith.remsi %scan3A_45, %select_n3A_66 : i32
      %ne3A_68 = arith.constant 0 : i32
      %ne3A_69 = arith.cmpi ne, %rem3A_67, %ne3A_68 : i32
      %lt3A = arith.constant 0 : i32
      %lt3A_70 = arith.cmpi slt, %rem3A_67, %lt3A : i32
      %lt3A_71 = arith.constant 0 : i32
      %lt3A_72 = arith.cmpi slt, %select_n3A_66, %lt3A_71 : i32
      %ne3A_73 = arith.xori %lt3A_70, %lt3A_72 : i1
      %and3A_74 = arith.andi %ne3A_73, %ne3A_69 : i1
      %add3A_75 = arith.addi %rem3A_67, %select_n3A_66 : i32
      %select_n3A_76 = arith.select %and3A_74, %add3A_75, %rem3A_67 : i32
      %mul3A_77 = arith.constant 16 : i32
      %mul3A_78 = arith.muli %select_n3A_76, %mul3A_77 : i32
      %get3A = arith.index_cast %select_n3A : i32 to index
      %get3A_79 = arith.index_cast %mul3A_78 : i32 to index
      %get3A_80 = tpu.vector_load %arg6[%get3A, %get3A_79] {strides = array<i32>} : memref<79x128xi32, #tpu.memory_space<vmem>>, vector<16xi32>,
      %add3A_81 = vector.broadcast %mul3A_0 : i32 to vector<16xi32>
      %add3A_82 = arith.addi %get3A_80, %add3A_81 : vector<16xi32>
      %mul3A_83 = arith.constant 16 : i32
      %mul3A_84 = arith.muli %select_n3A_76, %mul3A_83 : i32
      %swap3A = arith.index_cast %select_n3A : i32 to index
      %swap3A_85 = arith.index_cast %mul3A_84 : i32 to index
      %swap3A_86 = tpu.vector_load %arg6[%swap3A, %swap3A_85] {strides = array<i32>} : memref<79x128xi32, #tpu.memory_space<vmem>>, vector<16xi32>,
      tpu.vector_store %arg6[%swap3A, %swap3A_85], %add3A_82 {strides = array<i32>} : memref<79x128xi32, #tpu.memory_space<vmem>>, vector<16xi32>,
      %scan3A_87 = arith.constant 0 : i32
      scf.yield %scan3A_87 : i32
    }
    %scan3A_6 = arith.constant 632 : i32
    %scan3A_7 = arith.constant 0 : i32
    %scan3A_8 = arith.constant 0 : i32
    %scan3A_9 = arith.constant 1024 : i32
    %scan3A_10 = arith.addi %scan3A_8, %scan3A_9 : i32
    %scan3A_11 = arith.constant 1 : i32
    %scan3A_12 = scf.for %scan3A_45 = %scan3A_8 to %scan3A_10 step %scan3A_11 iter_args(%scan3A_46 = %scan3A_7) -> (i32)  : i32 {
      %broadcast_in_dim3A = arith.constant 0.000000e+00 : f32
      %broadcast_in_dim3A_47 = vector.broadcast %broadcast_in_dim3A : f32 to vector<16xf32>
      %jit3A = arith.constant 8 : i32
      %div3A = arith.divsi %scan3A_45, %jit3A : i32
      %sign3A = arith.constant 0 : i32
      %sign3A_48 = arith.cmpi sgt, %scan3A_45, %sign3A : i32
      %sign3A_49 = arith.extui %sign3A_48 : i1 to i32
      %sign3A_50 = arith.constant 0 : i32
      %sign3A_51 = arith.cmpi slt, %scan3A_45, %sign3A_50 : i32
      %sign3A_52 = arith.extui %sign3A_51 : i1 to i32
      %sign3A_53 = arith.subi %sign3A_49, %sign3A_52 : i32
      %sign3A_54 = arith.constant 0 : i32
      %sign3A_55 = arith.cmpi sgt, %jit3A, %sign3A_54 : i32
      %sign3A_56 = arith.extui %sign3A_55 : i1 to i32
      %sign3A_57 = arith.constant 0 : i32
      %sign3A_58 = arith.cmpi slt, %jit3A, %sign3A_57 : i32
      %sign3A_59 = arith.extui %sign3A_58 : i1 to i32
      %sign3A_60 = arith.subi %sign3A_56, %sign3A_59 : i32
      %ne3A = arith.cmpi ne, %sign3A_53, %sign3A_60 : i32
      %rem3A = arith.remsi %scan3A_45, %jit3A : i32
      %ne3A_61 = arith.constant 0 : i32
      %ne3A_62 = arith.cmpi ne, %rem3A, %ne3A_61 : i32
      %and3A = arith.andi %ne3A, %ne3A_62 : i1
      %sub3A = arith.constant 1 : i32
      %sub3A_63 = arith.subi %div3A, %sub3A : i32
      %select_n3A = arith.select %and3A, %sub3A_63, %div3A : i32
      %jit3A_64 = arith.constant 8 : i32
      %eq3A = arith.constant 0 : i32
      %eq3A_65 = arith.cmpi eq, %jit3A_64, %eq3A : i32
      %jit3A_66 = arith.constant 1 : i32
      %select_n3A_67 = arith.select %eq3A_65, %jit3A_66, %jit3A_64 : i32
      %rem3A_68 = arith.remsi %scan3A_45, %select_n3A_67 : i32
      %ne3A_69 = arith.constant 0 : i32
      %ne3A_70 = arith.cmpi ne, %rem3A_68, %ne3A_69 : i32
      %lt3A = arith.constant 0 : i32
      %lt3A_71 = arith.cmpi slt, %rem3A_68, %lt3A : i32
      %lt3A_72 = arith.constant 0 : i32
      %lt3A_73 = arith.cmpi slt, %select_n3A_67, %lt3A_72 : i32
      %ne3A_74 = arith.xori %lt3A_71, %lt3A_73 : i1
      %and3A_75 = arith.andi %ne3A_74, %ne3A_70 : i1
      %add3A_76 = arith.addi %rem3A_68, %select_n3A_67 : i32
      %select_n3A_77 = arith.select %and3A_75, %add3A_76, %rem3A_68 : i32
      %mul3A_78 = arith.constant 16 : i32
      %mul3A_79 = arith.muli %select_n3A_77, %mul3A_78 : i32
      %swap3A = arith.index_cast %select_n3A : i32 to index
      %swap3A_80 = arith.index_cast %mul3A_79 : i32 to index
      %swap3A_81 = tpu.vector_load %arg8[%swap3A, %swap3A_80] {strides = array<i32>} : memref<128x128xf32, #tpu.memory_space<vmem>>, vector<16xf32>,
      tpu.vector_store %arg8[%swap3A, %swap3A_80], %broadcast_in_dim3A_47 {strides = array<i32>} : memref<128x128xf32, #tpu.memory_space<vmem>>, vector<16xf32>,
      %scan3A_82 = arith.constant 0 : i32
      scf.yield %scan3A_82 : i32
    }
    %scan3A_13 = arith.constant 1024 : i32
    %mul3A_14 = arith.constant 640 : i32
    %mul3A_15 = arith.muli %arg1, %mul3A_14 : i32
    %add3A = arith.constant 0 : i32
    %add3A_16 = arith.addi %mul3A_15, %add3A : i32
    "tpu.region"() ({
      %run_scoped3A = tpu.sem_alloc : memref<!tpu.dma_semaphore, #tpu.memory_space<semaphore_mem>>
      %dma_start3A = arith.constant 0 : i32
      %dma_start3A_45 = tpu.memref_slice %arg9[%add3A_16, %dma_start3A] : memref<10240x128xf32, #tpu.memory_space<vmem_shared>> -> memref<128x128xf32, #tpu.memory_space<vmem_shared>>
      %dma_start3A_46 = arith.constant 0 : i32
      %dma_start3A_47 = tpu.memref_slice %arg9[%add3A_16, %dma_start3A_46] : memref<10240x128xf32, #tpu.memory_space<vmem_shared>> -> memref<128x128xf32, #tpu.memory_space<vmem_shared>>
      tpu.enqueue_dma source(%arg8 : memref<128x128xf32, #tpu.memory_space<vmem>>) target(%dma_start3A_47 : memref<128x128xf32, #tpu.memory_space<vmem_shared>>) target_semaphore(%run_scoped3A : memref<!tpu.dma_semaphore, #tpu.memory_space<semaphore_mem>>)
      %dma_wait3A = arith.constant 0 : i32
      %dma_wait3A_48 = tpu.memref_slice %arg9[%add3A_16, %dma_wait3A] : memref<10240x128xf32, #tpu.memory_space<vmem_shared>> -> memref<128x128xf32, #tpu.memory_space<vmem_shared>>
      %dma_wait3A_49 = arith.constant 0 : i32
      %dma_wait3A_50 = tpu.memref_slice %arg9[%add3A_16, %dma_wait3A_49] : memref<10240x128xf32, #tpu.memory_space<vmem_shared>> -> memref<128x128xf32, #tpu.memory_space<vmem_shared>>
      tpu.wait_dma2 semaphore(%run_scoped3A : memref<!tpu.dma_semaphore, #tpu.memory_space<semaphore_mem>>) src(%arg8 : memref<128x128xf32, #tpu.memory_space<vmem>>) dst(%dma_wait3A_50 : memref<128x128xf32, #tpu.memory_space<vmem_shared>>)
      tpu.yield
    }) : () -> ()
    %mul3A_17 = arith.constant 640 : i32
    %mul3A_18 = arith.muli %arg1, %mul3A_17 : i32
    %add3A_19 = arith.constant 128 : i32
    %add3A_20 = arith.addi %mul3A_18, %add3A_19 : i32
    "tpu.region"() ({
      %run_scoped3A = tpu.sem_alloc : memref<!tpu.dma_semaphore, #tpu.memory_space<semaphore_mem>>
      %dma_start3A = arith.constant 0 : i32
      %dma_start3A_45 = tpu.memref_slice %arg9[%add3A_20, %dma_start3A] : memref<10240x128xf32, #tpu.memory_space<vmem_shared>> -> memref<128x128xf32, #tpu.memory_space<vmem_shared>>
      %dma_start3A_46 = arith.constant 0 : i32
      %dma_start3A_47 = tpu.memref_slice %arg9[%add3A_20, %dma_start3A_46] : memref<10240x128xf32, #tpu.memory_space<vmem_shared>> -> memref<128x128xf32, #tpu.memory_space<vmem_shared>>
      tpu.enqueue_dma source(%arg8 : memref<128x128xf32, #tpu.memory_space<vmem>>) target(%dma_start3A_47 : memref<128x128xf32, #tpu.memory_space<vmem_shared>>) target_semaphore(%run_scoped3A : memref<!tpu.dma_semaphore, #tpu.memory_space<semaphore_mem>>)
      %dma_wait3A = arith.constant 0 : i32
      %dma_wait3A_48 = tpu.memref_slice %arg9[%add3A_20, %dma_wait3A] : memref<10240x128xf32, #tpu.memory_space<vmem_shared>> -> memref<128x128xf32, #tpu.memory_space<vmem_shared>>
      %dma_wait3A_49 = arith.constant 0 : i32
      %dma_wait3A_50 = tpu.memref_slice %arg9[%add3A_20, %dma_wait3A_49] : memref<10240x128xf32, #tpu.memory_space<vmem_shared>> -> memref<128x128xf32, #tpu.memory_space<vmem_shared>>
      tpu.wait_dma2 semaphore(%run_scoped3A : memref<!tpu.dma_semaphore, #tpu.memory_space<semaphore_mem>>) src(%arg8 : memref<128x128xf32, #tpu.memory_space<vmem>>) dst(%dma_wait3A_50 : memref<128x128xf32, #tpu.memory_space<vmem_shared>>)
      tpu.yield
    }) : () -> ()
    %mul3A_21 = arith.constant 640 : i32
    %mul3A_22 = arith.muli %arg1, %mul3A_21 : i32
    %add3A_23 = arith.constant 256 : i32
    %add3A_24 = arith.addi %mul3A_22, %add3A_23 : i32
    "tpu.region"() ({
      %run_scoped3A = tpu.sem_alloc : memref<!tpu.dma_semaphore, #tpu.memory_space<semaphore_mem>>
      %dma_start3A = arith.constant 0 : i32
      %dma_start3A_45 = tpu.memref_slice %arg9[%add3A_24, %dma_start3A] : memref<10240x128xf32, #tpu.memory_space<vmem_shared>> -> memref<128x128xf32, #tpu.memory_space<vmem_shared>>
      %dma_start3A_46 = arith.constant 0 : i32
      %dma_start3A_47 = tpu.memref_slice %arg9[%add3A_24, %dma_start3A_46] : memref<10240x128xf32, #tpu.memory_space<vmem_shared>> -> memref<128x128xf32, #tpu.memory_space<vmem_shared>>
      tpu.enqueue_dma source(%arg8 : memref<128x128xf32, #tpu.memory_space<vmem>>) target(%dma_start3A_47 : memref<128x128xf32, #tpu.memory_space<vmem_shared>>) target_semaphore(%run_scoped3A : memref<!tpu.dma_semaphore, #tpu.memory_space<semaphore_mem>>)
      %dma_wait3A = arith.constant 0 : i32
      %dma_wait3A_48 = tpu.memref_slice %arg9[%add3A_24, %dma_wait3A] : memref<10240x128xf32, #tpu.memory_space<vmem_shared>> -> memref<128x128xf32, #tpu.memory_space<vmem_shared>>
      %dma_wait3A_49 = arith.constant 0 : i32
      %dma_wait3A_50 = tpu.memref_slice %arg9[%add3A_24, %dma_wait3A_49] : memref<10240x128xf32, #tpu.memory_space<vmem_shared>> -> memref<128x128xf32, #tpu.memory_space<vmem_shared>>
      tpu.wait_dma2 semaphore(%run_scoped3A : memref<!tpu.dma_semaphore, #tpu.memory_space<semaphore_mem>>) src(%arg8 : memref<128x128xf32, #tpu.memory_space<vmem>>) dst(%dma_wait3A_50 : memref<128x128xf32, #tpu.memory_space<vmem_shared>>)
      tpu.yield
    }) : () -> ()
    %mul3A_25 = arith.constant 640 : i32
    %mul3A_26 = arith.muli %arg1, %mul3A_25 : i32
    %add3A_27 = arith.constant 384 : i32
    %add3A_28 = arith.addi %mul3A_26, %add3A_27 : i32
    "tpu.region"() ({
      %run_scoped3A = tpu.sem_alloc : memref<!tpu.dma_semaphore, #tpu.memory_space<semaphore_mem>>
      %dma_start3A = arith.constant 0 : i32
      %dma_start3A_45 = tpu.memref_slice %arg9[%add3A_28, %dma_start3A] : memref<10240x128xf32, #tpu.memory_space<vmem_shared>> -> memref<128x128xf32, #tpu.memory_space<vmem_shared>>
      %dma_start3A_46 = arith.constant 0 : i32
      %dma_start3A_47 = tpu.memref_slice %arg9[%add3A_28, %dma_start3A_46] : memref<10240x128xf32, #tpu.memory_space<vmem_shared>> -> memref<128x128xf32, #tpu.memory_space<vmem_shared>>
      tpu.enqueue_dma source(%arg8 : memref<128x128xf32, #tpu.memory_space<vmem>>) target(%dma_start3A_47 : memref<128x128xf32, #tpu.memory_space<vmem_shared>>) target_semaphore(%run_scoped3A : memref<!tpu.dma_semaphore, #tpu.memory_space<semaphore_mem>>)
      %dma_wait3A = arith.constant 0 : i32
      %dma_wait3A_48 = tpu.memref_slice %arg9[%add3A_28, %dma_wait3A] : memref<10240x128xf32, #tpu.memory_space<vmem_shared>> -> memref<128x128xf32, #tpu.memory_space<vmem_shared>>
      %dma_wait3A_49 = arith.constant 0 : i32
      %dma_wait3A_50 = tpu.memref_slice %arg9[%add3A_28, %dma_wait3A_49] : memref<10240x128xf32, #tpu.memory_space<vmem_shared>> -> memref<128x128xf32, #tpu.memory_space<vmem_shared>>
      tpu.wait_dma2 semaphore(%run_scoped3A : memref<!tpu.dma_semaphore, #tpu.memory_space<semaphore_mem>>) src(%arg8 : memref<128x128xf32, #tpu.memory_space<vmem>>) dst(%dma_wait3A_50 : memref<128x128xf32, #tpu.memory_space<vmem_shared>>)
      tpu.yield
    }) : () -> ()
    %mul3A_29 = arith.constant 640 : i32
    %mul3A_30 = arith.muli %arg1, %mul3A_29 : i32
    %add3A_31 = arith.constant 512 : i32
    %add3A_32 = arith.addi %mul3A_30, %add3A_31 : i32
    "tpu.region"() ({
      %run_scoped3A = tpu.sem_alloc : memref<!tpu.dma_semaphore, #tpu.memory_space<semaphore_mem>>
      %dma_start3A = arith.constant 0 : i32
      %dma_start3A_45 = tpu.memref_slice %arg9[%add3A_32, %dma_start3A] : memref<10240x128xf32, #tpu.memory_space<vmem_shared>> -> memref<128x128xf32, #tpu.memory_space<vmem_shared>>
      %dma_start3A_46 = arith.constant 0 : i32
      %dma_start3A_47 = tpu.memref_slice %arg9[%add3A_32, %dma_start3A_46] : memref<10240x128xf32, #tpu.memory_space<vmem_shared>> -> memref<128x128xf32, #tpu.memory_space<vmem_shared>>
      tpu.enqueue_dma source(%arg8 : memref<128x128xf32, #tpu.memory_space<vmem>>) target(%dma_start3A_47 : memref<128x128xf32, #tpu.memory_space<vmem_shared>>) target_semaphore(%run_scoped3A : memref<!tpu.dma_semaphore, #tpu.memory_space<semaphore_mem>>)
      %dma_wait3A = arith.constant 0 : i32
      %dma_wait3A_48 = tpu.memref_slice %arg9[%add3A_32, %dma_wait3A] : memref<10240x128xf32, #tpu.memory_space<vmem_shared>> -> memref<128x128xf32, #tpu.memory_space<vmem_shared>>
      %dma_wait3A_49 = arith.constant 0 : i32
      %dma_wait3A_50 = tpu.memref_slice %arg9[%add3A_32, %dma_wait3A_49] : memref<10240x128xf32, #tpu.memory_space<vmem_shared>> -> memref<128x128xf32, #tpu.memory_space<vmem_shared>>
      tpu.wait_dma2 semaphore(%run_scoped3A : memref<!tpu.dma_semaphore, #tpu.memory_space<semaphore_mem>>) src(%arg8 : memref<128x128xf32, #tpu.memory_space<vmem>>) dst(%dma_wait3A_50 : memref<128x128xf32, #tpu.memory_space<vmem_shared>>)
      tpu.yield
    }) : () -> ()
    %barrier3A = arith.constant 0 : index
    tpu.barrier barrier_id(%barrier3A)
    %scan3A_33 = arith.constant 0 : i32
    %scan3A_34 = arith.constant 0 : i32
    %scan3A_35 = arith.constant 79 : i32
    %scan3A_36 = arith.addi %scan3A_34, %scan3A_35 : i32
    %scan3A_37 = arith.constant 1 : i32
    %scan3A_38 = scf.for %scan3A_45 = %scan3A_34 to %scan3A_36 step %scan3A_37 iter_args(%scan3A_46 = %scan3A_33) -> (i32)  : i32 {
      "tpu.region"() ({
        %run_scoped3A = tpu.sem_alloc : memref<!tpu.dma_semaphore, #tpu.memory_space<semaphore_mem>>
        %dma_start3A = arith.constant 0 : i32
        %dma_start3A_48 = tpu.memref_slice %arg6[%scan3A_45, %dma_start3A] : memref<79x128xi32, #tpu.memory_space<vmem>> -> memref<1x128xi32, #tpu.memory_space<vmem>>
        %dma_start3A_49 = tpu.memref_squeeze %dma_start3A_48 : memref<1x128xi32, #tpu.memory_space<vmem>> -> memref<128xi32, #tpu.memory_space<vmem>>
        %dma_start3A_50 = arith.constant 0 : i32
        %dma_start3A_51 = arith.constant 0 : i32
        %dma_start3A_52 = tpu.memref_slice %arg2[%dma_start3A_50, %dma_start3A_51] : memref<20480x128xf32, #tpu.memory_space<hbm>> -> memref<20480x128xf32, #tpu.memory_space<hbm>>
        tpu.enqueue_indirect_dma source(%dma_start3A_52 : memref<20480x128xf32, #tpu.memory_space<hbm>>) target(%arg8 : memref<128x128xf32, #tpu.memory_space<vmem>>) offsets(%dma_start3A_49 : memref<128xi32, #tpu.memory_space<vmem>>) semaphore(%run_scoped3A : memref<!tpu.dma_semaphore, #tpu.memory_space<semaphore_mem>>)
        %dma_wait3A = arith.constant 0 : i32
        %dma_wait3A_53 = tpu.memref_slice %arg6[%scan3A_45, %dma_wait3A] : memref<79x128xi32, #tpu.memory_space<vmem>> -> memref<1x128xi32, #tpu.memory_space<vmem>>
        %dma_wait3A_54 = tpu.memref_squeeze %dma_wait3A_53 : memref<1x128xi32, #tpu.memory_space<vmem>> -> memref<128xi32, #tpu.memory_space<vmem>>
        %dma_wait3A_55 = arith.constant 0 : i32
        %dma_wait3A_56 = arith.constant 0 : i32
        %dma_wait3A_57 = tpu.memref_slice %arg2[%dma_wait3A_55, %dma_wait3A_56] : memref<20480x128xf32, #tpu.memory_space<hbm>> -> memref<20480x128xf32, #tpu.memory_space<hbm>>
        tpu.wait_indirect_dma semaphore(%run_scoped3A : memref<!tpu.dma_semaphore, #tpu.memory_space<semaphore_mem>>) src(%dma_wait3A_57 : memref<20480x128xf32, #tpu.memory_space<hbm>>) dst(%arg8 : memref<128x128xf32, #tpu.memory_space<vmem>>)
        tpu.yield
      }) : () -> ()
      "tpu.region"() ({
        %run_scoped3A = tpu.sem_alloc : memref<!tpu.dma_semaphore, #tpu.memory_space<semaphore_mem>>
        %dma_start3A = arith.constant 0 : i32
        %dma_start3A_48 = tpu.memref_slice %arg7[%scan3A_45, %dma_start3A] : memref<79x128xi32, #tpu.memory_space<vmem>> -> memref<1x128xi32, #tpu.memory_space<vmem>>
        %dma_start3A_49 = tpu.memref_squeeze %dma_start3A_48 : memref<1x128xi32, #tpu.memory_space<vmem>> -> memref<128xi32, #tpu.memory_space<vmem>>
        %dma_start3A_50 = arith.constant 0 : i32
        %dma_start3A_51 = arith.constant 0 : i32
        %dma_start3A_52 = tpu.memref_slice %arg9[%dma_start3A_50, %dma_start3A_51] : memref<10240x128xf32, #tpu.memory_space<vmem_shared>> -> memref<10240x128xf32, #tpu.memory_space<vmem_shared>>
        tpu.enqueue_indirect_dma source(%arg8 : memref<128x128xf32, #tpu.memory_space<vmem>>) target(%dma_start3A_52 : memref<10240x128xf32, #tpu.memory_space<vmem_shared>>) offsets(%dma_start3A_49 : memref<128xi32, #tpu.memory_space<vmem>>) semaphore(%run_scoped3A : memref<!tpu.dma_semaphore, #tpu.memory_space<semaphore_mem>>) {add = true}
        %dma_wait3A = arith.constant 0 : i32
        %dma_wait3A_53 = tpu.memref_slice %arg7[%scan3A_45, %dma_wait3A] : memref<79x128xi32, #tpu.memory_space<vmem>> -> memref<1x128xi32, #tpu.memory_space<vmem>>
        %dma_wait3A_54 = tpu.memref_squeeze %dma_wait3A_53 : memref<1x128xi32, #tpu.memory_space<vmem>> -> memref<128xi32, #tpu.memory_space<vmem>>
        %dma_wait3A_55 = arith.constant 0 : i32
        %dma_wait3A_56 = arith.constant 0 : i32
        %dma_wait3A_57 = tpu.memref_slice %arg9[%dma_wait3A_55, %dma_wait3A_56] : memref<10240x128xf32, #tpu.memory_space<vmem_shared>> -> memref<10240x128xf32, #tpu.memory_space<vmem_shared>>
        tpu.wait_indirect_dma semaphore(%run_scoped3A : memref<!tpu.dma_semaphore, #tpu.memory_space<semaphore_mem>>) src(%arg8 : memref<128x128xf32, #tpu.memory_space<vmem>>) dst(%dma_wait3A_57 : memref<10240x128xf32, #tpu.memory_space<vmem_shared>>)
        tpu.yield
      }) : () -> ()
      %scan3A_47 = arith.constant 0 : i32
      scf.yield %scan3A_47 : i32
    }
    %scan3A_39 = arith.constant 79 : i32
    %barrier3A_40 = arith.constant 0 : index
    tpu.barrier barrier_id(%barrier3A_40)
    %mul3A_41 = arith.constant 640 : i32
    %mul3A_42 = arith.muli %arg1, %mul3A_41 : i32
    %mul3A_43 = arith.constant 640 : i32
    %mul3A_44 = arith.muli %arg1, %mul3A_43 : i32
    "tpu.region"() ({
      %run_scoped3A = tpu.sem_alloc : memref<!tpu.dma_semaphore, #tpu.memory_space<semaphore_mem>>
      %dma_start3A = arith.constant 0 : i32
      %dma_start3A_45 = tpu.memref_slice %arg5[%arg0, %mul3A_44, %dma_start3A] : memref<2x10240x128xf32, #tpu.memory_space<hbm>> -> memref<1x640x128xf32, #tpu.memory_space<hbm>>
      %dma_start3A_46 = tpu.memref_squeeze %dma_start3A_45 : memref<1x640x128xf32, #tpu.memory_space<hbm>> -> memref<640x128xf32, #tpu.memory_space<hbm>>
      %dma_start3A_47 = arith.constant 0 : i32
      %dma_start3A_48 = tpu.memref_slice %arg9[%mul3A_42, %dma_start3A_47] : memref<10240x128xf32, #tpu.memory_space<vmem_shared>> -> memref<640x128xf32, #tpu.memory_space<vmem_shared>>
      tpu.enqueue_dma source(%dma_start3A_48 : memref<640x128xf32, #tpu.memory_space<vmem_shared>>) target(%dma_start3A_46 : memref<640x128xf32, #tpu.memory_space<hbm>>) target_semaphore(%run_scoped3A : memref<!tpu.dma_semaphore, #tpu.memory_space<semaphore_mem>>)
      %dma_wait3A = arith.constant 0 : i32
      %dma_wait3A_49 = tpu.memref_slice %arg5[%arg0, %mul3A_44, %dma_wait3A] : memref<2x10240x128xf32, #tpu.memory_space<hbm>> -> memref<1x640x128xf32, #tpu.memory_space<hbm>>
      %dma_wait3A_50 = tpu.memref_squeeze %dma_wait3A_49 : memref<1x640x128xf32, #tpu.memory_space<hbm>> -> memref<640x128xf32, #tpu.memory_space<hbm>>
      %dma_wait3A_51 = arith.constant 0 : i32
      %dma_wait3A_52 = tpu.memref_slice %arg9[%mul3A_42, %dma_wait3A_51] : memref<10240x128xf32, #tpu.memory_space<vmem_shared>> -> memref<640x128xf32, #tpu.memory_space<vmem_shared>>
      tpu.wait_dma2 semaphore(%run_scoped3A : memref<!tpu.dma_semaphore, #tpu.memory_space<semaphore_mem>>) src(%dma_wait3A_52 : memref<640x128xf32, #tpu.memory_space<vmem_shared>>) dst(%dma_wait3A_50 : memref<640x128xf32, #tpu.memory_space<hbm>>)
      tpu.yield
    }) : () -> ()
    return
  }
}

#map = affine_map<(d0, d1) -> (0, 0)>
#map1 = affine_map<(d0, d1) -> (0, 0, 0)>
module attributes {stable_mosaic.version = 14 : i64} {
  func.func @_embg_body(%arg0: i32, %arg1: i32, %arg2: memref<512x128xf32, #tpu.memory_space<hbm>>, %arg3: memref<16x5x128xi32, #tpu.memory_space<hbm>>, %arg4: memref<2x10240x128xf32, #tpu.memory_space<hbm>>, %arg5: memref<2x10240x128xf32, #tpu.memory_space<hbm>>, %arg6: memref<5x128xi32, #tpu.memory_space<vmem>>, %arg7: memref<5x128xi32, #tpu.memory_space<vmem>>, %arg8: memref<128x128xf32, #tpu.memory_space<vmem>>) attributes {dimension_semantics = [#tpu.dimension_semantics<core_parallel>, #tpu.dimension_semantics<subcore_parallel>], iteration_bounds = array<i64: 2, 16>, scalar_prefetch = 0 : i64, scratch_operands = 3 : i64, tpu.core_type = #tpu.core_type<sc_vector_subcore>, window_params = [{transform_indices = #map}, {transform_indices = #map1}, {transform_indices = #map1}, {transform_indices = #map1}]} {
    "tpu.region"() ({
      %run_scoped3A_68 = tpu.sem_alloc : memref<!tpu.dma_semaphore, #tpu.memory_space<semaphore_mem>>
      %dma_start3A = arith.constant 0 : i32
      %dma_start3A_69 = arith.constant 0 : i32
      %dma_start3A_70 = tpu.memref_slice %arg3[%arg1, %dma_start3A, %dma_start3A_69] : memref<16x5x128xi32, #tpu.memory_space<hbm>> -> memref<1x5x128xi32, #tpu.memory_space<hbm>>
      %dma_start3A_71 = tpu.memref_squeeze %dma_start3A_70 : memref<1x5x128xi32, #tpu.memory_space<hbm>> -> memref<5x128xi32, #tpu.memory_space<hbm>>
      %dma_start3A_72 = arith.constant 0 : i32
      %dma_start3A_73 = arith.constant 0 : i32
      %dma_start3A_74 = tpu.memref_slice %arg3[%arg1, %dma_start3A_72, %dma_start3A_73] : memref<16x5x128xi32, #tpu.memory_space<hbm>> -> memref<1x5x128xi32, #tpu.memory_space<hbm>>
      %dma_start3A_75 = tpu.memref_squeeze %dma_start3A_74 : memref<1x5x128xi32, #tpu.memory_space<hbm>> -> memref<5x128xi32, #tpu.memory_space<hbm>>
      tpu.enqueue_dma source(%dma_start3A_75 : memref<5x128xi32, #tpu.memory_space<hbm>>) target(%arg6 : memref<5x128xi32, #tpu.memory_space<vmem>>) target_semaphore(%run_scoped3A_68 : memref<!tpu.dma_semaphore, #tpu.memory_space<semaphore_mem>>)
      %dma_wait3A = arith.constant 0 : i32
      %dma_wait3A_76 = arith.constant 0 : i32
      %dma_wait3A_77 = tpu.memref_slice %arg3[%arg1, %dma_wait3A, %dma_wait3A_76] : memref<16x5x128xi32, #tpu.memory_space<hbm>> -> memref<1x5x128xi32, #tpu.memory_space<hbm>>
      %dma_wait3A_78 = tpu.memref_squeeze %dma_wait3A_77 : memref<1x5x128xi32, #tpu.memory_space<hbm>> -> memref<5x128xi32, #tpu.memory_space<hbm>>
      %dma_wait3A_79 = arith.constant 0 : i32
      %dma_wait3A_80 = arith.constant 0 : i32
      %dma_wait3A_81 = tpu.memref_slice %arg3[%arg1, %dma_wait3A_79, %dma_wait3A_80] : memref<16x5x128xi32, #tpu.memory_space<hbm>> -> memref<1x5x128xi32, #tpu.memory_space<hbm>>
      %dma_wait3A_82 = tpu.memref_squeeze %dma_wait3A_81 : memref<1x5x128xi32, #tpu.memory_space<hbm>> -> memref<5x128xi32, #tpu.memory_space<hbm>>
      tpu.wait_dma2 semaphore(%run_scoped3A_68 : memref<!tpu.dma_semaphore, #tpu.memory_space<semaphore_mem>>) src(%dma_wait3A_82 : memref<5x128xi32, #tpu.memory_space<hbm>>) dst(%arg6 : memref<5x128xi32, #tpu.memory_space<vmem>>)
      tpu.yield
    }) : () -> ()
    %mul3A = arith.constant 128 : i32
    %mul3A_0 = arith.muli %arg0, %mul3A : i32
    %add3A = arith.constant 0 : i32
    %add3A_1 = arith.addi %mul3A_0, %add3A : i32
    %scan3A = arith.constant 0 : i32
    %scan3A_2 = arith.constant 0 : i32
    %scan3A_3 = arith.constant 40 : i32
    %scan3A_4 = arith.addi %scan3A_2, %scan3A_3 : i32
    %scan3A_5 = arith.constant 1 : i32
    %scan3A_6 = scf.for %scan3A_68 = %scan3A_2 to %scan3A_4 step %scan3A_5 iter_args(%scan3A_69 = %scan3A) -> (i32)  : i32 {
      %jit3A = arith.constant 8 : i32
      %div3A = arith.divsi %scan3A_68, %jit3A : i32
      %sign3A = arith.constant 0 : i32
      %sign3A_70 = arith.cmpi sgt, %scan3A_68, %sign3A : i32
      %sign3A_71 = arith.extui %sign3A_70 : i1 to i32
      %sign3A_72 = arith.constant 0 : i32
      %sign3A_73 = arith.cmpi slt, %scan3A_68, %sign3A_72 : i32
      %sign3A_74 = arith.extui %sign3A_73 : i1 to i32
      %sign3A_75 = arith.subi %sign3A_71, %sign3A_74 : i32
      %sign3A_76 = arith.constant 0 : i32
      %sign3A_77 = arith.cmpi sgt, %jit3A, %sign3A_76 : i32
      %sign3A_78 = arith.extui %sign3A_77 : i1 to i32
      %sign3A_79 = arith.constant 0 : i32
      %sign3A_80 = arith.cmpi slt, %jit3A, %sign3A_79 : i32
      %sign3A_81 = arith.extui %sign3A_80 : i1 to i32
      %sign3A_82 = arith.subi %sign3A_78, %sign3A_81 : i32
      %ne3A = arith.cmpi ne, %sign3A_75, %sign3A_82 : i32
      %rem3A = arith.remsi %scan3A_68, %jit3A : i32
      %ne3A_83 = arith.constant 0 : i32
      %ne3A_84 = arith.cmpi ne, %rem3A, %ne3A_83 : i32
      %and3A = arith.andi %ne3A, %ne3A_84 : i1
      %sub3A = arith.constant 1 : i32
      %sub3A_85 = arith.subi %div3A, %sub3A : i32
      %select_n3A = arith.select %and3A, %sub3A_85, %div3A : i32
      %jit3A_86 = arith.constant 8 : i32
      %eq3A = arith.constant 0 : i32
      %eq3A_87 = arith.cmpi eq, %jit3A_86, %eq3A : i32
      %jit3A_88 = arith.constant 1 : i32
      %select_n3A_89 = arith.select %eq3A_87, %jit3A_88, %jit3A_86 : i32
      %rem3A_90 = arith.remsi %scan3A_68, %select_n3A_89 : i32
      %ne3A_91 = arith.constant 0 : i32
      %ne3A_92 = arith.cmpi ne, %rem3A_90, %ne3A_91 : i32
      %lt3A = arith.constant 0 : i32
      %lt3A_93 = arith.cmpi slt, %rem3A_90, %lt3A : i32
      %lt3A_94 = arith.constant 0 : i32
      %lt3A_95 = arith.cmpi slt, %select_n3A_89, %lt3A_94 : i32
      %ne3A_96 = arith.xori %lt3A_93, %lt3A_95 : i1
      %and3A_97 = arith.andi %ne3A_96, %ne3A_92 : i1
      %add3A_98 = arith.addi %rem3A_90, %select_n3A_89 : i32
      %select_n3A_99 = arith.select %and3A_97, %add3A_98, %rem3A_90 : i32
      %mul3A_100 = arith.constant 16 : i32
      %mul3A_101 = arith.muli %select_n3A_99, %mul3A_100 : i32
      %get3A = arith.index_cast %select_n3A : i32 to index
      %get3A_102 = arith.index_cast %mul3A_101 : i32 to index
      %get3A_103 = tpu.vector_load %arg6[%get3A, %get3A_102] {strides = array<i32>} : memref<5x128xi32, #tpu.memory_space<vmem>>, vector<16xi32>,
      %add3A_104 = vector.broadcast %add3A_1 : i32 to vector<16xi32>
      %add3A_105 = arith.addi %get3A_103, %add3A_104 : vector<16xi32>
      %mul3A_106 = arith.constant 16 : i32
      %mul3A_107 = arith.muli %select_n3A_99, %mul3A_106 : i32
      %swap3A = arith.index_cast %select_n3A : i32 to index
      %swap3A_108 = arith.index_cast %mul3A_107 : i32 to index
      %swap3A_109 = tpu.vector_load %arg7[%swap3A, %swap3A_108] {strides = array<i32>} : memref<5x128xi32, #tpu.memory_space<vmem>>, vector<16xi32>,
      tpu.vector_store %arg7[%swap3A, %swap3A_108], %add3A_105 {strides = array<i32>} : memref<5x128xi32, #tpu.memory_space<vmem>>, vector<16xi32>,
      %scan3A_110 = arith.constant 0 : i32
      scf.yield %scan3A_110 : i32
    }
    %scan3A_7 = arith.constant 40 : i32
    %run_scoped3A = arith.constant 0 : i32
    "tpu.region"() ({
      %run_scoped3A_68 = tpu.sem_alloc : memref<!tpu.dma_semaphore, #tpu.memory_space<semaphore_mem>>
      %dma_start3A = arith.constant 0 : i32
      %dma_start3A_69 = tpu.memref_slice %arg7[%run_scoped3A, %dma_start3A] : memref<5x128xi32, #tpu.memory_space<vmem>> -> memref<1x128xi32, #tpu.memory_space<vmem>>
      %dma_start3A_70 = tpu.memref_squeeze %dma_start3A_69 : memref<1x128xi32, #tpu.memory_space<vmem>> -> memref<128xi32, #tpu.memory_space<vmem>>
      %dma_start3A_71 = arith.constant 0 : i32
      %dma_start3A_72 = arith.constant 0 : i32
      %dma_start3A_73 = tpu.memref_slice %arg2[%dma_start3A_71, %dma_start3A_72] : memref<512x128xf32, #tpu.memory_space<hbm>> -> memref<512x128xf32, #tpu.memory_space<hbm>>
      tpu.enqueue_indirect_dma source(%dma_start3A_73 : memref<512x128xf32, #tpu.memory_space<hbm>>) target(%arg8 : memref<128x128xf32, #tpu.memory_space<vmem>>) offsets(%dma_start3A_70 : memref<128xi32, #tpu.memory_space<vmem>>) semaphore(%run_scoped3A_68 : memref<!tpu.dma_semaphore, #tpu.memory_space<semaphore_mem>>)
      %dma_wait3A = arith.constant 0 : i32
      %dma_wait3A_74 = tpu.memref_slice %arg7[%run_scoped3A, %dma_wait3A] : memref<5x128xi32, #tpu.memory_space<vmem>> -> memref<1x128xi32, #tpu.memory_space<vmem>>
      %dma_wait3A_75 = tpu.memref_squeeze %dma_wait3A_74 : memref<1x128xi32, #tpu.memory_space<vmem>> -> memref<128xi32, #tpu.memory_space<vmem>>
      %dma_wait3A_76 = arith.constant 0 : i32
      %dma_wait3A_77 = arith.constant 0 : i32
      %dma_wait3A_78 = tpu.memref_slice %arg2[%dma_wait3A_76, %dma_wait3A_77] : memref<512x128xf32, #tpu.memory_space<hbm>> -> memref<512x128xf32, #tpu.memory_space<hbm>>
      tpu.wait_indirect_dma semaphore(%run_scoped3A_68 : memref<!tpu.dma_semaphore, #tpu.memory_space<semaphore_mem>>) src(%dma_wait3A_78 : memref<512x128xf32, #tpu.memory_space<hbm>>) dst(%arg8 : memref<128x128xf32, #tpu.memory_space<vmem>>)
      tpu.yield
    }) : () -> ()
    %mul3A_8 = arith.constant 640 : i32
    %mul3A_9 = arith.muli %arg1, %mul3A_8 : i32
    %add3A_10 = arith.constant 0 : i32
    %add3A_11 = arith.addi %mul3A_9, %add3A_10 : i32
    "tpu.region"() ({
      %run_scoped3A_68 = tpu.sem_alloc : memref<!tpu.dma_semaphore, #tpu.memory_space<semaphore_mem>>
      %dma_start3A = arith.constant 0 : i32
      %dma_start3A_69 = tpu.memref_slice %arg4[%arg0, %add3A_11, %dma_start3A] : memref<2x10240x128xf32, #tpu.memory_space<hbm>> -> memref<1x128x128xf32, #tpu.memory_space<hbm>>
      %dma_start3A_70 = tpu.memref_squeeze %dma_start3A_69 : memref<1x128x128xf32, #tpu.memory_space<hbm>> -> memref<128x128xf32, #tpu.memory_space<hbm>>
      %dma_start3A_71 = arith.constant 0 : i32
      %dma_start3A_72 = tpu.memref_slice %arg4[%arg0, %add3A_11, %dma_start3A_71] : memref<2x10240x128xf32, #tpu.memory_space<hbm>> -> memref<1x128x128xf32, #tpu.memory_space<hbm>>
      %dma_start3A_73 = tpu.memref_squeeze %dma_start3A_72 : memref<1x128x128xf32, #tpu.memory_space<hbm>> -> memref<128x128xf32, #tpu.memory_space<hbm>>
      tpu.enqueue_dma source(%arg8 : memref<128x128xf32, #tpu.memory_space<vmem>>) target(%dma_start3A_73 : memref<128x128xf32, #tpu.memory_space<hbm>>) target_semaphore(%run_scoped3A_68 : memref<!tpu.dma_semaphore, #tpu.memory_space<semaphore_mem>>)
      %dma_wait3A = arith.constant 0 : i32
      %dma_wait3A_74 = tpu.memref_slice %arg4[%arg0, %add3A_11, %dma_wait3A] : memref<2x10240x128xf32, #tpu.memory_space<hbm>> -> memref<1x128x128xf32, #tpu.memory_space<hbm>>
      %dma_wait3A_75 = tpu.memref_squeeze %dma_wait3A_74 : memref<1x128x128xf32, #tpu.memory_space<hbm>> -> memref<128x128xf32, #tpu.memory_space<hbm>>
      %dma_wait3A_76 = arith.constant 0 : i32
      %dma_wait3A_77 = tpu.memref_slice %arg4[%arg0, %add3A_11, %dma_wait3A_76] : memref<2x10240x128xf32, #tpu.memory_space<hbm>> -> memref<1x128x128xf32, #tpu.memory_space<hbm>>
      %dma_wait3A_78 = tpu.memref_squeeze %dma_wait3A_77 : memref<1x128x128xf32, #tpu.memory_space<hbm>> -> memref<128x128xf32, #tpu.memory_space<hbm>>
      tpu.wait_dma2 semaphore(%run_scoped3A_68 : memref<!tpu.dma_semaphore, #tpu.memory_space<semaphore_mem>>) src(%arg8 : memref<128x128xf32, #tpu.memory_space<vmem>>) dst(%dma_wait3A_78 : memref<128x128xf32, #tpu.memory_space<hbm>>)
      tpu.yield
    }) : () -> ()
    %run_scoped3A_12 = arith.constant 1 : i32
    "tpu.region"() ({
      %run_scoped3A_68 = tpu.sem_alloc : memref<!tpu.dma_semaphore, #tpu.memory_space<semaphore_mem>>
      %dma_start3A = arith.constant 0 : i32
      %dma_start3A_69 = tpu.memref_slice %arg7[%run_scoped3A_12, %dma_start3A] : memref<5x128xi32, #tpu.memory_space<vmem>> -> memref<1x128xi32, #tpu.memory_space<vmem>>
      %dma_start3A_70 = tpu.memref_squeeze %dma_start3A_69 : memref<1x128xi32, #tpu.memory_space<vmem>> -> memref<128xi32, #tpu.memory_space<vmem>>
      %dma_start3A_71 = arith.constant 0 : i32
      %dma_start3A_72 = arith.constant 0 : i32
      %dma_start3A_73 = tpu.memref_slice %arg2[%dma_start3A_71, %dma_start3A_72] : memref<512x128xf32, #tpu.memory_space<hbm>> -> memref<512x128xf32, #tpu.memory_space<hbm>>
      tpu.enqueue_indirect_dma source(%dma_start3A_73 : memref<512x128xf32, #tpu.memory_space<hbm>>) target(%arg8 : memref<128x128xf32, #tpu.memory_space<vmem>>) offsets(%dma_start3A_70 : memref<128xi32, #tpu.memory_space<vmem>>) semaphore(%run_scoped3A_68 : memref<!tpu.dma_semaphore, #tpu.memory_space<semaphore_mem>>)
      %dma_wait3A = arith.constant 0 : i32
      %dma_wait3A_74 = tpu.memref_slice %arg7[%run_scoped3A_12, %dma_wait3A] : memref<5x128xi32, #tpu.memory_space<vmem>> -> memref<1x128xi32, #tpu.memory_space<vmem>>
      %dma_wait3A_75 = tpu.memref_squeeze %dma_wait3A_74 : memref<1x128xi32, #tpu.memory_space<vmem>> -> memref<128xi32, #tpu.memory_space<vmem>>
      %dma_wait3A_76 = arith.constant 0 : i32
      %dma_wait3A_77 = arith.constant 0 : i32
      %dma_wait3A_78 = tpu.memref_slice %arg2[%dma_wait3A_76, %dma_wait3A_77] : memref<512x128xf32, #tpu.memory_space<hbm>> -> memref<512x128xf32, #tpu.memory_space<hbm>>
      tpu.wait_indirect_dma semaphore(%run_scoped3A_68 : memref<!tpu.dma_semaphore, #tpu.memory_space<semaphore_mem>>) src(%dma_wait3A_78 : memref<512x128xf32, #tpu.memory_space<hbm>>) dst(%arg8 : memref<128x128xf32, #tpu.memory_space<vmem>>)
      tpu.yield
    }) : () -> ()
    %mul3A_13 = arith.constant 640 : i32
    %mul3A_14 = arith.muli %arg1, %mul3A_13 : i32
    %add3A_15 = arith.constant 128 : i32
    %add3A_16 = arith.addi %mul3A_14, %add3A_15 : i32
    "tpu.region"() ({
      %run_scoped3A_68 = tpu.sem_alloc : memref<!tpu.dma_semaphore, #tpu.memory_space<semaphore_mem>>
      %dma_start3A = arith.constant 0 : i32
      %dma_start3A_69 = tpu.memref_slice %arg4[%arg0, %add3A_16, %dma_start3A] : memref<2x10240x128xf32, #tpu.memory_space<hbm>> -> memref<1x128x128xf32, #tpu.memory_space<hbm>>
      %dma_start3A_70 = tpu.memref_squeeze %dma_start3A_69 : memref<1x128x128xf32, #tpu.memory_space<hbm>> -> memref<128x128xf32, #tpu.memory_space<hbm>>
      %dma_start3A_71 = arith.constant 0 : i32
      %dma_start3A_72 = tpu.memref_slice %arg4[%arg0, %add3A_16, %dma_start3A_71] : memref<2x10240x128xf32, #tpu.memory_space<hbm>> -> memref<1x128x128xf32, #tpu.memory_space<hbm>>
      %dma_start3A_73 = tpu.memref_squeeze %dma_start3A_72 : memref<1x128x128xf32, #tpu.memory_space<hbm>> -> memref<128x128xf32, #tpu.memory_space<hbm>>
      tpu.enqueue_dma source(%arg8 : memref<128x128xf32, #tpu.memory_space<vmem>>) target(%dma_start3A_73 : memref<128x128xf32, #tpu.memory_space<hbm>>) target_semaphore(%run_scoped3A_68 : memref<!tpu.dma_semaphore, #tpu.memory_space<semaphore_mem>>)
      %dma_wait3A = arith.constant 0 : i32
      %dma_wait3A_74 = tpu.memref_slice %arg4[%arg0, %add3A_16, %dma_wait3A] : memref<2x10240x128xf32, #tpu.memory_space<hbm>> -> memref<1x128x128xf32, #tpu.memory_space<hbm>>
      %dma_wait3A_75 = tpu.memref_squeeze %dma_wait3A_74 : memref<1x128x128xf32, #tpu.memory_space<hbm>> -> memref<128x128xf32, #tpu.memory_space<hbm>>
      %dma_wait3A_76 = arith.constant 0 : i32
      %dma_wait3A_77 = tpu.memref_slice %arg4[%arg0, %add3A_16, %dma_wait3A_76] : memref<2x10240x128xf32, #tpu.memory_space<hbm>> -> memref<1x128x128xf32, #tpu.memory_space<hbm>>
      %dma_wait3A_78 = tpu.memref_squeeze %dma_wait3A_77 : memref<1x128x128xf32, #tpu.memory_space<hbm>> -> memref<128x128xf32, #tpu.memory_space<hbm>>
      tpu.wait_dma2 semaphore(%run_scoped3A_68 : memref<!tpu.dma_semaphore, #tpu.memory_space<semaphore_mem>>) src(%arg8 : memref<128x128xf32, #tpu.memory_space<vmem>>) dst(%dma_wait3A_78 : memref<128x128xf32, #tpu.memory_space<hbm>>)
      tpu.yield
    }) : () -> ()
    %run_scoped3A_17 = arith.constant 2 : i32
    "tpu.region"() ({
      %run_scoped3A_68 = tpu.sem_alloc : memref<!tpu.dma_semaphore, #tpu.memory_space<semaphore_mem>>
      %dma_start3A = arith.constant 0 : i32
      %dma_start3A_69 = tpu.memref_slice %arg7[%run_scoped3A_17, %dma_start3A] : memref<5x128xi32, #tpu.memory_space<vmem>> -> memref<1x128xi32, #tpu.memory_space<vmem>>
      %dma_start3A_70 = tpu.memref_squeeze %dma_start3A_69 : memref<1x128xi32, #tpu.memory_space<vmem>> -> memref<128xi32, #tpu.memory_space<vmem>>
      %dma_start3A_71 = arith.constant 0 : i32
      %dma_start3A_72 = arith.constant 0 : i32
      %dma_start3A_73 = tpu.memref_slice %arg2[%dma_start3A_71, %dma_start3A_72] : memref<512x128xf32, #tpu.memory_space<hbm>> -> memref<512x128xf32, #tpu.memory_space<hbm>>
      tpu.enqueue_indirect_dma source(%dma_start3A_73 : memref<512x128xf32, #tpu.memory_space<hbm>>) target(%arg8 : memref<128x128xf32, #tpu.memory_space<vmem>>) offsets(%dma_start3A_70 : memref<128xi32, #tpu.memory_space<vmem>>) semaphore(%run_scoped3A_68 : memref<!tpu.dma_semaphore, #tpu.memory_space<semaphore_mem>>)
      %dma_wait3A = arith.constant 0 : i32
      %dma_wait3A_74 = tpu.memref_slice %arg7[%run_scoped3A_17, %dma_wait3A] : memref<5x128xi32, #tpu.memory_space<vmem>> -> memref<1x128xi32, #tpu.memory_space<vmem>>
      %dma_wait3A_75 = tpu.memref_squeeze %dma_wait3A_74 : memref<1x128xi32, #tpu.memory_space<vmem>> -> memref<128xi32, #tpu.memory_space<vmem>>
      %dma_wait3A_76 = arith.constant 0 : i32
      %dma_wait3A_77 = arith.constant 0 : i32
      %dma_wait3A_78 = tpu.memref_slice %arg2[%dma_wait3A_76, %dma_wait3A_77] : memref<512x128xf32, #tpu.memory_space<hbm>> -> memref<512x128xf32, #tpu.memory_space<hbm>>
      tpu.wait_indirect_dma semaphore(%run_scoped3A_68 : memref<!tpu.dma_semaphore, #tpu.memory_space<semaphore_mem>>) src(%dma_wait3A_78 : memref<512x128xf32, #tpu.memory_space<hbm>>) dst(%arg8 : memref<128x128xf32, #tpu.memory_space<vmem>>)
      tpu.yield
    }) : () -> ()
    %mul3A_18 = arith.constant 640 : i32
    %mul3A_19 = arith.muli %arg1, %mul3A_18 : i32
    %add3A_20 = arith.constant 256 : i32
    %add3A_21 = arith.addi %mul3A_19, %add3A_20 : i32
    "tpu.region"() ({
      %run_scoped3A_68 = tpu.sem_alloc : memref<!tpu.dma_semaphore, #tpu.memory_space<semaphore_mem>>
      %dma_start3A = arith.constant 0 : i32
      %dma_start3A_69 = tpu.memref_slice %arg4[%arg0, %add3A_21, %dma_start3A] : memref<2x10240x128xf32, #tpu.memory_space<hbm>> -> memref<1x128x128xf32, #tpu.memory_space<hbm>>
      %dma_start3A_70 = tpu.memref_squeeze %dma_start3A_69 : memref<1x128x128xf32, #tpu.memory_space<hbm>> -> memref<128x128xf32, #tpu.memory_space<hbm>>
      %dma_start3A_71 = arith.constant 0 : i32
      %dma_start3A_72 = tpu.memref_slice %arg4[%arg0, %add3A_21, %dma_start3A_71] : memref<2x10240x128xf32, #tpu.memory_space<hbm>> -> memref<1x128x128xf32, #tpu.memory_space<hbm>>
      %dma_start3A_73 = tpu.memref_squeeze %dma_start3A_72 : memref<1x128x128xf32, #tpu.memory_space<hbm>> -> memref<128x128xf32, #tpu.memory_space<hbm>>
      tpu.enqueue_dma source(%arg8 : memref<128x128xf32, #tpu.memory_space<vmem>>) target(%dma_start3A_73 : memref<128x128xf32, #tpu.memory_space<hbm>>) target_semaphore(%run_scoped3A_68 : memref<!tpu.dma_semaphore, #tpu.memory_space<semaphore_mem>>)
      %dma_wait3A = arith.constant 0 : i32
      %dma_wait3A_74 = tpu.memref_slice %arg4[%arg0, %add3A_21, %dma_wait3A] : memref<2x10240x128xf32, #tpu.memory_space<hbm>> -> memref<1x128x128xf32, #tpu.memory_space<hbm>>
      %dma_wait3A_75 = tpu.memref_squeeze %dma_wait3A_74 : memref<1x128x128xf32, #tpu.memory_space<hbm>> -> memref<128x128xf32, #tpu.memory_space<hbm>>
      %dma_wait3A_76 = arith.constant 0 : i32
      %dma_wait3A_77 = tpu.memref_slice %arg4[%arg0, %add3A_21, %dma_wait3A_76] : memref<2x10240x128xf32, #tpu.memory_space<hbm>> -> memref<1x128x128xf32, #tpu.memory_space<hbm>>
      %dma_wait3A_78 = tpu.memref_squeeze %dma_wait3A_77 : memref<1x128x128xf32, #tpu.memory_space<hbm>> -> memref<128x128xf32, #tpu.memory_space<hbm>>
      tpu.wait_dma2 semaphore(%run_scoped3A_68 : memref<!tpu.dma_semaphore, #tpu.memory_space<semaphore_mem>>) src(%arg8 : memref<128x128xf32, #tpu.memory_space<vmem>>) dst(%dma_wait3A_78 : memref<128x128xf32, #tpu.memory_space<hbm>>)
      tpu.yield
    }) : () -> ()
    %run_scoped3A_22 = arith.constant 3 : i32
    "tpu.region"() ({
      %run_scoped3A_68 = tpu.sem_alloc : memref<!tpu.dma_semaphore, #tpu.memory_space<semaphore_mem>>
      %dma_start3A = arith.constant 0 : i32
      %dma_start3A_69 = tpu.memref_slice %arg7[%run_scoped3A_22, %dma_start3A] : memref<5x128xi32, #tpu.memory_space<vmem>> -> memref<1x128xi32, #tpu.memory_space<vmem>>
      %dma_start3A_70 = tpu.memref_squeeze %dma_start3A_69 : memref<1x128xi32, #tpu.memory_space<vmem>> -> memref<128xi32, #tpu.memory_space<vmem>>
      %dma_start3A_71 = arith.constant 0 : i32
      %dma_start3A_72 = arith.constant 0 : i32
      %dma_start3A_73 = tpu.memref_slice %arg2[%dma_start3A_71, %dma_start3A_72] : memref<512x128xf32, #tpu.memory_space<hbm>> -> memref<512x128xf32, #tpu.memory_space<hbm>>
      tpu.enqueue_indirect_dma source(%dma_start3A_73 : memref<512x128xf32, #tpu.memory_space<hbm>>) target(%arg8 : memref<128x128xf32, #tpu.memory_space<vmem>>) offsets(%dma_start3A_70 : memref<128xi32, #tpu.memory_space<vmem>>) semaphore(%run_scoped3A_68 : memref<!tpu.dma_semaphore, #tpu.memory_space<semaphore_mem>>)
      %dma_wait3A = arith.constant 0 : i32
      %dma_wait3A_74 = tpu.memref_slice %arg7[%run_scoped3A_22, %dma_wait3A] : memref<5x128xi32, #tpu.memory_space<vmem>> -> memref<1x128xi32, #tpu.memory_space<vmem>>
      %dma_wait3A_75 = tpu.memref_squeeze %dma_wait3A_74 : memref<1x128xi32, #tpu.memory_space<vmem>> -> memref<128xi32, #tpu.memory_space<vmem>>
      %dma_wait3A_76 = arith.constant 0 : i32
      %dma_wait3A_77 = arith.constant 0 : i32
      %dma_wait3A_78 = tpu.memref_slice %arg2[%dma_wait3A_76, %dma_wait3A_77] : memref<512x128xf32, #tpu.memory_space<hbm>> -> memref<512x128xf32, #tpu.memory_space<hbm>>
      tpu.wait_indirect_dma semaphore(%run_scoped3A_68 : memref<!tpu.dma_semaphore, #tpu.memory_space<semaphore_mem>>) src(%dma_wait3A_78 : memref<512x128xf32, #tpu.memory_space<hbm>>) dst(%arg8 : memref<128x128xf32, #tpu.memory_space<vmem>>)
      tpu.yield
    }) : () -> ()
    %mul3A_23 = arith.constant 640 : i32
    %mul3A_24 = arith.muli %arg1, %mul3A_23 : i32
    %add3A_25 = arith.constant 384 : i32
    %add3A_26 = arith.addi %mul3A_24, %add3A_25 : i32
    "tpu.region"() ({
      %run_scoped3A_68 = tpu.sem_alloc : memref<!tpu.dma_semaphore, #tpu.memory_space<semaphore_mem>>
      %dma_start3A = arith.constant 0 : i32
      %dma_start3A_69 = tpu.memref_slice %arg4[%arg0, %add3A_26, %dma_start3A] : memref<2x10240x128xf32, #tpu.memory_space<hbm>> -> memref<1x128x128xf32, #tpu.memory_space<hbm>>
      %dma_start3A_70 = tpu.memref_squeeze %dma_start3A_69 : memref<1x128x128xf32, #tpu.memory_space<hbm>> -> memref<128x128xf32, #tpu.memory_space<hbm>>
      %dma_start3A_71 = arith.constant 0 : i32
      %dma_start3A_72 = tpu.memref_slice %arg4[%arg0, %add3A_26, %dma_start3A_71] : memref<2x10240x128xf32, #tpu.memory_space<hbm>> -> memref<1x128x128xf32, #tpu.memory_space<hbm>>
      %dma_start3A_73 = tpu.memref_squeeze %dma_start3A_72 : memref<1x128x128xf32, #tpu.memory_space<hbm>> -> memref<128x128xf32, #tpu.memory_space<hbm>>
      tpu.enqueue_dma source(%arg8 : memref<128x128xf32, #tpu.memory_space<vmem>>) target(%dma_start3A_73 : memref<128x128xf32, #tpu.memory_space<hbm>>) target_semaphore(%run_scoped3A_68 : memref<!tpu.dma_semaphore, #tpu.memory_space<semaphore_mem>>)
      %dma_wait3A = arith.constant 0 : i32
      %dma_wait3A_74 = tpu.memref_slice %arg4[%arg0, %add3A_26, %dma_wait3A] : memref<2x10240x128xf32, #tpu.memory_space<hbm>> -> memref<1x128x128xf32, #tpu.memory_space<hbm>>
      %dma_wait3A_75 = tpu.memref_squeeze %dma_wait3A_74 : memref<1x128x128xf32, #tpu.memory_space<hbm>> -> memref<128x128xf32, #tpu.memory_space<hbm>>
      %dma_wait3A_76 = arith.constant 0 : i32
      %dma_wait3A_77 = tpu.memref_slice %arg4[%arg0, %add3A_26, %dma_wait3A_76] : memref<2x10240x128xf32, #tpu.memory_space<hbm>> -> memref<1x128x128xf32, #tpu.memory_space<hbm>>
      %dma_wait3A_78 = tpu.memref_squeeze %dma_wait3A_77 : memref<1x128x128xf32, #tpu.memory_space<hbm>> -> memref<128x128xf32, #tpu.memory_space<hbm>>
      tpu.wait_dma2 semaphore(%run_scoped3A_68 : memref<!tpu.dma_semaphore, #tpu.memory_space<semaphore_mem>>) src(%arg8 : memref<128x128xf32, #tpu.memory_space<vmem>>) dst(%dma_wait3A_78 : memref<128x128xf32, #tpu.memory_space<hbm>>)
      tpu.yield
    }) : () -> ()
    %run_scoped3A_27 = arith.constant 4 : i32
    "tpu.region"() ({
      %run_scoped3A_68 = tpu.sem_alloc : memref<!tpu.dma_semaphore, #tpu.memory_space<semaphore_mem>>
      %dma_start3A = arith.constant 0 : i32
      %dma_start3A_69 = tpu.memref_slice %arg7[%run_scoped3A_27, %dma_start3A] : memref<5x128xi32, #tpu.memory_space<vmem>> -> memref<1x128xi32, #tpu.memory_space<vmem>>
      %dma_start3A_70 = tpu.memref_squeeze %dma_start3A_69 : memref<1x128xi32, #tpu.memory_space<vmem>> -> memref<128xi32, #tpu.memory_space<vmem>>
      %dma_start3A_71 = arith.constant 0 : i32
      %dma_start3A_72 = arith.constant 0 : i32
      %dma_start3A_73 = tpu.memref_slice %arg2[%dma_start3A_71, %dma_start3A_72] : memref<512x128xf32, #tpu.memory_space<hbm>> -> memref<512x128xf32, #tpu.memory_space<hbm>>
      tpu.enqueue_indirect_dma source(%dma_start3A_73 : memref<512x128xf32, #tpu.memory_space<hbm>>) target(%arg8 : memref<128x128xf32, #tpu.memory_space<vmem>>) offsets(%dma_start3A_70 : memref<128xi32, #tpu.memory_space<vmem>>) semaphore(%run_scoped3A_68 : memref<!tpu.dma_semaphore, #tpu.memory_space<semaphore_mem>>)
      %dma_wait3A = arith.constant 0 : i32
      %dma_wait3A_74 = tpu.memref_slice %arg7[%run_scoped3A_27, %dma_wait3A] : memref<5x128xi32, #tpu.memory_space<vmem>> -> memref<1x128xi32, #tpu.memory_space<vmem>>
      %dma_wait3A_75 = tpu.memref_squeeze %dma_wait3A_74 : memref<1x128xi32, #tpu.memory_space<vmem>> -> memref<128xi32, #tpu.memory_space<vmem>>
      %dma_wait3A_76 = arith.constant 0 : i32
      %dma_wait3A_77 = arith.constant 0 : i32
      %dma_wait3A_78 = tpu.memref_slice %arg2[%dma_wait3A_76, %dma_wait3A_77] : memref<512x128xf32, #tpu.memory_space<hbm>> -> memref<512x128xf32, #tpu.memory_space<hbm>>
      tpu.wait_indirect_dma semaphore(%run_scoped3A_68 : memref<!tpu.dma_semaphore, #tpu.memory_space<semaphore_mem>>) src(%dma_wait3A_78 : memref<512x128xf32, #tpu.memory_space<hbm>>) dst(%arg8 : memref<128x128xf32, #tpu.memory_space<vmem>>)
      tpu.yield
    }) : () -> ()
    %mul3A_28 = arith.constant 640 : i32
    %mul3A_29 = arith.muli %arg1, %mul3A_28 : i32
    %add3A_30 = arith.constant 512 : i32
    %add3A_31 = arith.addi %mul3A_29, %add3A_30 : i32
    "tpu.region"() ({
      %run_scoped3A_68 = tpu.sem_alloc : memref<!tpu.dma_semaphore, #tpu.memory_space<semaphore_mem>>
      %dma_start3A = arith.constant 0 : i32
      %dma_start3A_69 = tpu.memref_slice %arg4[%arg0, %add3A_31, %dma_start3A] : memref<2x10240x128xf32, #tpu.memory_space<hbm>> -> memref<1x128x128xf32, #tpu.memory_space<hbm>>
      %dma_start3A_70 = tpu.memref_squeeze %dma_start3A_69 : memref<1x128x128xf32, #tpu.memory_space<hbm>> -> memref<128x128xf32, #tpu.memory_space<hbm>>
      %dma_start3A_71 = arith.constant 0 : i32
      %dma_start3A_72 = tpu.memref_slice %arg4[%arg0, %add3A_31, %dma_start3A_71] : memref<2x10240x128xf32, #tpu.memory_space<hbm>> -> memref<1x128x128xf32, #tpu.memory_space<hbm>>
      %dma_start3A_73 = tpu.memref_squeeze %dma_start3A_72 : memref<1x128x128xf32, #tpu.memory_space<hbm>> -> memref<128x128xf32, #tpu.memory_space<hbm>>
      tpu.enqueue_dma source(%arg8 : memref<128x128xf32, #tpu.memory_space<vmem>>) target(%dma_start3A_73 : memref<128x128xf32, #tpu.memory_space<hbm>>) target_semaphore(%run_scoped3A_68 : memref<!tpu.dma_semaphore, #tpu.memory_space<semaphore_mem>>)
      %dma_wait3A = arith.constant 0 : i32
      %dma_wait3A_74 = tpu.memref_slice %arg4[%arg0, %add3A_31, %dma_wait3A] : memref<2x10240x128xf32, #tpu.memory_space<hbm>> -> memref<1x128x128xf32, #tpu.memory_space<hbm>>
      %dma_wait3A_75 = tpu.memref_squeeze %dma_wait3A_74 : memref<1x128x128xf32, #tpu.memory_space<hbm>> -> memref<128x128xf32, #tpu.memory_space<hbm>>
      %dma_wait3A_76 = arith.constant 0 : i32
      %dma_wait3A_77 = tpu.memref_slice %arg4[%arg0, %add3A_31, %dma_wait3A_76] : memref<2x10240x128xf32, #tpu.memory_space<hbm>> -> memref<1x128x128xf32, #tpu.memory_space<hbm>>
      %dma_wait3A_78 = tpu.memref_squeeze %dma_wait3A_77 : memref<1x128x128xf32, #tpu.memory_space<hbm>> -> memref<128x128xf32, #tpu.memory_space<hbm>>
      tpu.wait_dma2 semaphore(%run_scoped3A_68 : memref<!tpu.dma_semaphore, #tpu.memory_space<semaphore_mem>>) src(%arg8 : memref<128x128xf32, #tpu.memory_space<vmem>>) dst(%dma_wait3A_78 : memref<128x128xf32, #tpu.memory_space<hbm>>)
      tpu.yield
    }) : () -> ()
    %mul3A_32 = arith.constant 128 : i32
    %mul3A_33 = arith.muli %arg0, %mul3A_32 : i32
    %add3A_34 = arith.constant 256 : i32
    %add3A_35 = arith.addi %mul3A_33, %add3A_34 : i32
    %scan3A_36 = arith.constant 0 : i32
    %scan3A_37 = arith.constant 0 : i32
    %scan3A_38 = arith.constant 40 : i32
    %scan3A_39 = arith.addi %scan3A_37, %scan3A_38 : i32
    %scan3A_40 = arith.constant 1 : i32
    %scan3A_41 = scf.for %scan3A_68 = %scan3A_37 to %scan3A_39 step %scan3A_40 iter_args(%scan3A_69 = %scan3A_36) -> (i32)  : i32 {
      %jit3A = arith.constant 8 : i32
      %div3A = arith.divsi %scan3A_68, %jit3A : i32
      %sign3A = arith.constant 0 : i32
      %sign3A_70 = arith.cmpi sgt, %scan3A_68, %sign3A : i32
      %sign3A_71 = arith.extui %sign3A_70 : i1 to i32
      %sign3A_72 = arith.constant 0 : i32
      %sign3A_73 = arith.cmpi slt, %scan3A_68, %sign3A_72 : i32
      %sign3A_74 = arith.extui %sign3A_73 : i1 to i32
      %sign3A_75 = arith.subi %sign3A_71, %sign3A_74 : i32
      %sign3A_76 = arith.constant 0 : i32
      %sign3A_77 = arith.cmpi sgt, %jit3A, %sign3A_76 : i32
      %sign3A_78 = arith.extui %sign3A_77 : i1 to i32
      %sign3A_79 = arith.constant 0 : i32
      %sign3A_80 = arith.cmpi slt, %jit3A, %sign3A_79 : i32
      %sign3A_81 = arith.extui %sign3A_80 : i1 to i32
      %sign3A_82 = arith.subi %sign3A_78, %sign3A_81 : i32
      %ne3A = arith.cmpi ne, %sign3A_75, %sign3A_82 : i32
      %rem3A = arith.remsi %scan3A_68, %jit3A : i32
      %ne3A_83 = arith.constant 0 : i32
      %ne3A_84 = arith.cmpi ne, %rem3A, %ne3A_83 : i32
      %and3A = arith.andi %ne3A, %ne3A_84 : i1
      %sub3A = arith.constant 1 : i32
      %sub3A_85 = arith.subi %div3A, %sub3A : i32
      %select_n3A = arith.select %and3A, %sub3A_85, %div3A : i32
      %jit3A_86 = arith.constant 8 : i32
      %eq3A = arith.constant 0 : i32
      %eq3A_87 = arith.cmpi eq, %jit3A_86, %eq3A : i32
      %jit3A_88 = arith.constant 1 : i32
      %select_n3A_89 = arith.select %eq3A_87, %jit3A_88, %jit3A_86 : i32
      %rem3A_90 = arith.remsi %scan3A_68, %select_n3A_89 : i32
      %ne3A_91 = arith.constant 0 : i32
      %ne3A_92 = arith.cmpi ne, %rem3A_90, %ne3A_91 : i32
      %lt3A = arith.constant 0 : i32
      %lt3A_93 = arith.cmpi slt, %rem3A_90, %lt3A : i32
      %lt3A_94 = arith.constant 0 : i32
      %lt3A_95 = arith.cmpi slt, %select_n3A_89, %lt3A_94 : i32
      %ne3A_96 = arith.xori %lt3A_93, %lt3A_95 : i1
      %and3A_97 = arith.andi %ne3A_96, %ne3A_92 : i1
      %add3A_98 = arith.addi %rem3A_90, %select_n3A_89 : i32
      %select_n3A_99 = arith.select %and3A_97, %add3A_98, %rem3A_90 : i32
      %mul3A_100 = arith.constant 16 : i32
      %mul3A_101 = arith.muli %select_n3A_99, %mul3A_100 : i32
      %get3A = arith.index_cast %select_n3A : i32 to index
      %get3A_102 = arith.index_cast %mul3A_101 : i32 to index
      %get3A_103 = tpu.vector_load %arg6[%get3A, %get3A_102] {strides = array<i32>} : memref<5x128xi32, #tpu.memory_space<vmem>>, vector<16xi32>,
      %add3A_104 = vector.broadcast %add3A_35 : i32 to vector<16xi32>
      %add3A_105 = arith.addi %get3A_103, %add3A_104 : vector<16xi32>
      %mul3A_106 = arith.constant 16 : i32
      %mul3A_107 = arith.muli %select_n3A_99, %mul3A_106 : i32
      %swap3A = arith.index_cast %select_n3A : i32 to index
      %swap3A_108 = arith.index_cast %mul3A_107 : i32 to index
      %swap3A_109 = tpu.vector_load %arg7[%swap3A, %swap3A_108] {strides = array<i32>} : memref<5x128xi32, #tpu.memory_space<vmem>>, vector<16xi32>,
      tpu.vector_store %arg7[%swap3A, %swap3A_108], %add3A_105 {strides = array<i32>} : memref<5x128xi32, #tpu.memory_space<vmem>>, vector<16xi32>,
      %scan3A_110 = arith.constant 0 : i32
      scf.yield %scan3A_110 : i32
    }
    %scan3A_42 = arith.constant 40 : i32
    %run_scoped3A_43 = arith.constant 0 : i32
    "tpu.region"() ({
      %run_scoped3A_68 = tpu.sem_alloc : memref<!tpu.dma_semaphore, #tpu.memory_space<semaphore_mem>>
      %dma_start3A = arith.constant 0 : i32
      %dma_start3A_69 = tpu.memref_slice %arg7[%run_scoped3A_43, %dma_start3A] : memref<5x128xi32, #tpu.memory_space<vmem>> -> memref<1x128xi32, #tpu.memory_space<vmem>>
      %dma_start3A_70 = tpu.memref_squeeze %dma_start3A_69 : memref<1x128xi32, #tpu.memory_space<vmem>> -> memref<128xi32, #tpu.memory_space<vmem>>
      %dma_start3A_71 = arith.constant 0 : i32
      %dma_start3A_72 = arith.constant 0 : i32
      %dma_start3A_73 = tpu.memref_slice %arg2[%dma_start3A_71, %dma_start3A_72] : memref<512x128xf32, #tpu.memory_space<hbm>> -> memref<512x128xf32, #tpu.memory_space<hbm>>
      tpu.enqueue_indirect_dma source(%dma_start3A_73 : memref<512x128xf32, #tpu.memory_space<hbm>>) target(%arg8 : memref<128x128xf32, #tpu.memory_space<vmem>>) offsets(%dma_start3A_70 : memref<128xi32, #tpu.memory_space<vmem>>) semaphore(%run_scoped3A_68 : memref<!tpu.dma_semaphore, #tpu.memory_space<semaphore_mem>>)
      %dma_wait3A = arith.constant 0 : i32
      %dma_wait3A_74 = tpu.memref_slice %arg7[%run_scoped3A_43, %dma_wait3A] : memref<5x128xi32, #tpu.memory_space<vmem>> -> memref<1x128xi32, #tpu.memory_space<vmem>>
      %dma_wait3A_75 = tpu.memref_squeeze %dma_wait3A_74 : memref<1x128xi32, #tpu.memory_space<vmem>> -> memref<128xi32, #tpu.memory_space<vmem>>
      %dma_wait3A_76 = arith.constant 0 : i32
      %dma_wait3A_77 = arith.constant 0 : i32
      %dma_wait3A_78 = tpu.memref_slice %arg2[%dma_wait3A_76, %dma_wait3A_77] : memref<512x128xf32, #tpu.memory_space<hbm>> -> memref<512x128xf32, #tpu.memory_space<hbm>>
      tpu.wait_indirect_dma semaphore(%run_scoped3A_68 : memref<!tpu.dma_semaphore, #tpu.memory_space<semaphore_mem>>) src(%dma_wait3A_78 : memref<512x128xf32, #tpu.memory_space<hbm>>) dst(%arg8 : memref<128x128xf32, #tpu.memory_space<vmem>>)
      tpu.yield
    }) : () -> ()
    %mul3A_44 = arith.constant 640 : i32
    %mul3A_45 = arith.muli %arg1, %mul3A_44 : i32
    %add3A_46 = arith.constant 0 : i32
    %add3A_47 = arith.addi %mul3A_45, %add3A_46 : i32
    "tpu.region"() ({
      %run_scoped3A_68 = tpu.sem_alloc : memref<!tpu.dma_semaphore, #tpu.memory_space<semaphore_mem>>
      %dma_start3A = arith.constant 0 : i32
      %dma_start3A_69 = tpu.memref_slice %arg5[%arg0, %add3A_47, %dma_start3A] : memref<2x10240x128xf32, #tpu.memory_space<hbm>> -> memref<1x128x128xf32, #tpu.memory_space<hbm>>
      %dma_start3A_70 = tpu.memref_squeeze %dma_start3A_69 : memref<1x128x128xf32, #tpu.memory_space<hbm>> -> memref<128x128xf32, #tpu.memory_space<hbm>>
      %dma_start3A_71 = arith.constant 0 : i32
      %dma_start3A_72 = tpu.memref_slice %arg5[%arg0, %add3A_47, %dma_start3A_71] : memref<2x10240x128xf32, #tpu.memory_space<hbm>> -> memref<1x128x128xf32, #tpu.memory_space<hbm>>
      %dma_start3A_73 = tpu.memref_squeeze %dma_start3A_72 : memref<1x128x128xf32, #tpu.memory_space<hbm>> -> memref<128x128xf32, #tpu.memory_space<hbm>>
      tpu.enqueue_dma source(%arg8 : memref<128x128xf32, #tpu.memory_space<vmem>>) target(%dma_start3A_73 : memref<128x128xf32, #tpu.memory_space<hbm>>) target_semaphore(%run_scoped3A_68 : memref<!tpu.dma_semaphore, #tpu.memory_space<semaphore_mem>>)
      %dma_wait3A = arith.constant 0 : i32
      %dma_wait3A_74 = tpu.memref_slice %arg5[%arg0, %add3A_47, %dma_wait3A] : memref<2x10240x128xf32, #tpu.memory_space<hbm>> -> memref<1x128x128xf32, #tpu.memory_space<hbm>>
      %dma_wait3A_75 = tpu.memref_squeeze %dma_wait3A_74 : memref<1x128x128xf32, #tpu.memory_space<hbm>> -> memref<128x128xf32, #tpu.memory_space<hbm>>
      %dma_wait3A_76 = arith.constant 0 : i32
      %dma_wait3A_77 = tpu.memref_slice %arg5[%arg0, %add3A_47, %dma_wait3A_76] : memref<2x10240x128xf32, #tpu.memory_space<hbm>> -> memref<1x128x128xf32, #tpu.memory_space<hbm>>
      %dma_wait3A_78 = tpu.memref_squeeze %dma_wait3A_77 : memref<1x128x128xf32, #tpu.memory_space<hbm>> -> memref<128x128xf32, #tpu.memory_space<hbm>>
      tpu.wait_dma2 semaphore(%run_scoped3A_68 : memref<!tpu.dma_semaphore, #tpu.memory_space<semaphore_mem>>) src(%arg8 : memref<128x128xf32, #tpu.memory_space<vmem>>) dst(%dma_wait3A_78 : memref<128x128xf32, #tpu.memory_space<hbm>>)
      tpu.yield
    }) : () -> ()
    %run_scoped3A_48 = arith.constant 1 : i32
    "tpu.region"() ({
      %run_scoped3A_68 = tpu.sem_alloc : memref<!tpu.dma_semaphore, #tpu.memory_space<semaphore_mem>>
      %dma_start3A = arith.constant 0 : i32
      %dma_start3A_69 = tpu.memref_slice %arg7[%run_scoped3A_48, %dma_start3A] : memref<5x128xi32, #tpu.memory_space<vmem>> -> memref<1x128xi32, #tpu.memory_space<vmem>>
      %dma_start3A_70 = tpu.memref_squeeze %dma_start3A_69 : memref<1x128xi32, #tpu.memory_space<vmem>> -> memref<128xi32, #tpu.memory_space<vmem>>
      %dma_start3A_71 = arith.constant 0 : i32
      %dma_start3A_72 = arith.constant 0 : i32
      %dma_start3A_73 = tpu.memref_slice %arg2[%dma_start3A_71, %dma_start3A_72] : memref<512x128xf32, #tpu.memory_space<hbm>> -> memref<512x128xf32, #tpu.memory_space<hbm>>
      tpu.enqueue_indirect_dma source(%dma_start3A_73 : memref<512x128xf32, #tpu.memory_space<hbm>>) target(%arg8 : memref<128x128xf32, #tpu.memory_space<vmem>>) offsets(%dma_start3A_70 : memref<128xi32, #tpu.memory_space<vmem>>) semaphore(%run_scoped3A_68 : memref<!tpu.dma_semaphore, #tpu.memory_space<semaphore_mem>>)
      %dma_wait3A = arith.constant 0 : i32
      %dma_wait3A_74 = tpu.memref_slice %arg7[%run_scoped3A_48, %dma_wait3A] : memref<5x128xi32, #tpu.memory_space<vmem>> -> memref<1x128xi32, #tpu.memory_space<vmem>>
      %dma_wait3A_75 = tpu.memref_squeeze %dma_wait3A_74 : memref<1x128xi32, #tpu.memory_space<vmem>> -> memref<128xi32, #tpu.memory_space<vmem>>
      %dma_wait3A_76 = arith.constant 0 : i32
      %dma_wait3A_77 = arith.constant 0 : i32
      %dma_wait3A_78 = tpu.memref_slice %arg2[%dma_wait3A_76, %dma_wait3A_77] : memref<512x128xf32, #tpu.memory_space<hbm>> -> memref<512x128xf32, #tpu.memory_space<hbm>>
      tpu.wait_indirect_dma semaphore(%run_scoped3A_68 : memref<!tpu.dma_semaphore, #tpu.memory_space<semaphore_mem>>) src(%dma_wait3A_78 : memref<512x128xf32, #tpu.memory_space<hbm>>) dst(%arg8 : memref<128x128xf32, #tpu.memory_space<vmem>>)
      tpu.yield
    }) : () -> ()
    %mul3A_49 = arith.constant 640 : i32
    %mul3A_50 = arith.muli %arg1, %mul3A_49 : i32
    %add3A_51 = arith.constant 128 : i32
    %add3A_52 = arith.addi %mul3A_50, %add3A_51 : i32
    "tpu.region"() ({
      %run_scoped3A_68 = tpu.sem_alloc : memref<!tpu.dma_semaphore, #tpu.memory_space<semaphore_mem>>
      %dma_start3A = arith.constant 0 : i32
      %dma_start3A_69 = tpu.memref_slice %arg5[%arg0, %add3A_52, %dma_start3A] : memref<2x10240x128xf32, #tpu.memory_space<hbm>> -> memref<1x128x128xf32, #tpu.memory_space<hbm>>
      %dma_start3A_70 = tpu.memref_squeeze %dma_start3A_69 : memref<1x128x128xf32, #tpu.memory_space<hbm>> -> memref<128x128xf32, #tpu.memory_space<hbm>>
      %dma_start3A_71 = arith.constant 0 : i32
      %dma_start3A_72 = tpu.memref_slice %arg5[%arg0, %add3A_52, %dma_start3A_71] : memref<2x10240x128xf32, #tpu.memory_space<hbm>> -> memref<1x128x128xf32, #tpu.memory_space<hbm>>
      %dma_start3A_73 = tpu.memref_squeeze %dma_start3A_72 : memref<1x128x128xf32, #tpu.memory_space<hbm>> -> memref<128x128xf32, #tpu.memory_space<hbm>>
      tpu.enqueue_dma source(%arg8 : memref<128x128xf32, #tpu.memory_space<vmem>>) target(%dma_start3A_73 : memref<128x128xf32, #tpu.memory_space<hbm>>) target_semaphore(%run_scoped3A_68 : memref<!tpu.dma_semaphore, #tpu.memory_space<semaphore_mem>>)
      %dma_wait3A = arith.constant 0 : i32
      %dma_wait3A_74 = tpu.memref_slice %arg5[%arg0, %add3A_52, %dma_wait3A] : memref<2x10240x128xf32, #tpu.memory_space<hbm>> -> memref<1x128x128xf32, #tpu.memory_space<hbm>>
      %dma_wait3A_75 = tpu.memref_squeeze %dma_wait3A_74 : memref<1x128x128xf32, #tpu.memory_space<hbm>> -> memref<128x128xf32, #tpu.memory_space<hbm>>
      %dma_wait3A_76 = arith.constant 0 : i32
      %dma_wait3A_77 = tpu.memref_slice %arg5[%arg0, %add3A_52, %dma_wait3A_76] : memref<2x10240x128xf32, #tpu.memory_space<hbm>> -> memref<1x128x128xf32, #tpu.memory_space<hbm>>
      %dma_wait3A_78 = tpu.memref_squeeze %dma_wait3A_77 : memref<1x128x128xf32, #tpu.memory_space<hbm>> -> memref<128x128xf32, #tpu.memory_space<hbm>>
      tpu.wait_dma2 semaphore(%run_scoped3A_68 : memref<!tpu.dma_semaphore, #tpu.memory_space<semaphore_mem>>) src(%arg8 : memref<128x128xf32, #tpu.memory_space<vmem>>) dst(%dma_wait3A_78 : memref<128x128xf32, #tpu.memory_space<hbm>>)
      tpu.yield
    }) : () -> ()
    %run_scoped3A_53 = arith.constant 2 : i32
    "tpu.region"() ({
      %run_scoped3A_68 = tpu.sem_alloc : memref<!tpu.dma_semaphore, #tpu.memory_space<semaphore_mem>>
      %dma_start3A = arith.constant 0 : i32
      %dma_start3A_69 = tpu.memref_slice %arg7[%run_scoped3A_53, %dma_start3A] : memref<5x128xi32, #tpu.memory_space<vmem>> -> memref<1x128xi32, #tpu.memory_space<vmem>>
      %dma_start3A_70 = tpu.memref_squeeze %dma_start3A_69 : memref<1x128xi32, #tpu.memory_space<vmem>> -> memref<128xi32, #tpu.memory_space<vmem>>
      %dma_start3A_71 = arith.constant 0 : i32
      %dma_start3A_72 = arith.constant 0 : i32
      %dma_start3A_73 = tpu.memref_slice %arg2[%dma_start3A_71, %dma_start3A_72] : memref<512x128xf32, #tpu.memory_space<hbm>> -> memref<512x128xf32, #tpu.memory_space<hbm>>
      tpu.enqueue_indirect_dma source(%dma_start3A_73 : memref<512x128xf32, #tpu.memory_space<hbm>>) target(%arg8 : memref<128x128xf32, #tpu.memory_space<vmem>>) offsets(%dma_start3A_70 : memref<128xi32, #tpu.memory_space<vmem>>) semaphore(%run_scoped3A_68 : memref<!tpu.dma_semaphore, #tpu.memory_space<semaphore_mem>>)
      %dma_wait3A = arith.constant 0 : i32
      %dma_wait3A_74 = tpu.memref_slice %arg7[%run_scoped3A_53, %dma_wait3A] : memref<5x128xi32, #tpu.memory_space<vmem>> -> memref<1x128xi32, #tpu.memory_space<vmem>>
      %dma_wait3A_75 = tpu.memref_squeeze %dma_wait3A_74 : memref<1x128xi32, #tpu.memory_space<vmem>> -> memref<128xi32, #tpu.memory_space<vmem>>
      %dma_wait3A_76 = arith.constant 0 : i32
      %dma_wait3A_77 = arith.constant 0 : i32
      %dma_wait3A_78 = tpu.memref_slice %arg2[%dma_wait3A_76, %dma_wait3A_77] : memref<512x128xf32, #tpu.memory_space<hbm>> -> memref<512x128xf32, #tpu.memory_space<hbm>>
      tpu.wait_indirect_dma semaphore(%run_scoped3A_68 : memref<!tpu.dma_semaphore, #tpu.memory_space<semaphore_mem>>) src(%dma_wait3A_78 : memref<512x128xf32, #tpu.memory_space<hbm>>) dst(%arg8 : memref<128x128xf32, #tpu.memory_space<vmem>>)
      tpu.yield
    }) : () -> ()
    %mul3A_54 = arith.constant 640 : i32
    %mul3A_55 = arith.muli %arg1, %mul3A_54 : i32
    %add3A_56 = arith.constant 256 : i32
    %add3A_57 = arith.addi %mul3A_55, %add3A_56 : i32
    "tpu.region"() ({
      %run_scoped3A_68 = tpu.sem_alloc : memref<!tpu.dma_semaphore, #tpu.memory_space<semaphore_mem>>
      %dma_start3A = arith.constant 0 : i32
      %dma_start3A_69 = tpu.memref_slice %arg5[%arg0, %add3A_57, %dma_start3A] : memref<2x10240x128xf32, #tpu.memory_space<hbm>> -> memref<1x128x128xf32, #tpu.memory_space<hbm>>
      %dma_start3A_70 = tpu.memref_squeeze %dma_start3A_69 : memref<1x128x128xf32, #tpu.memory_space<hbm>> -> memref<128x128xf32, #tpu.memory_space<hbm>>
      %dma_start3A_71 = arith.constant 0 : i32
      %dma_start3A_72 = tpu.memref_slice %arg5[%arg0, %add3A_57, %dma_start3A_71] : memref<2x10240x128xf32, #tpu.memory_space<hbm>> -> memref<1x128x128xf32, #tpu.memory_space<hbm>>
      %dma_start3A_73 = tpu.memref_squeeze %dma_start3A_72 : memref<1x128x128xf32, #tpu.memory_space<hbm>> -> memref<128x128xf32, #tpu.memory_space<hbm>>
      tpu.enqueue_dma source(%arg8 : memref<128x128xf32, #tpu.memory_space<vmem>>) target(%dma_start3A_73 : memref<128x128xf32, #tpu.memory_space<hbm>>) target_semaphore(%run_scoped3A_68 : memref<!tpu.dma_semaphore, #tpu.memory_space<semaphore_mem>>)
      %dma_wait3A = arith.constant 0 : i32
      %dma_wait3A_74 = tpu.memref_slice %arg5[%arg0, %add3A_57, %dma_wait3A] : memref<2x10240x128xf32, #tpu.memory_space<hbm>> -> memref<1x128x128xf32, #tpu.memory_space<hbm>>
      %dma_wait3A_75 = tpu.memref_squeeze %dma_wait3A_74 : memref<1x128x128xf32, #tpu.memory_space<hbm>> -> memref<128x128xf32, #tpu.memory_space<hbm>>
      %dma_wait3A_76 = arith.constant 0 : i32
      %dma_wait3A_77 = tpu.memref_slice %arg5[%arg0, %add3A_57, %dma_wait3A_76] : memref<2x10240x128xf32, #tpu.memory_space<hbm>> -> memref<1x128x128xf32, #tpu.memory_space<hbm>>
      %dma_wait3A_78 = tpu.memref_squeeze %dma_wait3A_77 : memref<1x128x128xf32, #tpu.memory_space<hbm>> -> memref<128x128xf32, #tpu.memory_space<hbm>>
      tpu.wait_dma2 semaphore(%run_scoped3A_68 : memref<!tpu.dma_semaphore, #tpu.memory_space<semaphore_mem>>) src(%arg8 : memref<128x128xf32, #tpu.memory_space<vmem>>) dst(%dma_wait3A_78 : memref<128x128xf32, #tpu.memory_space<hbm>>)
      tpu.yield
    }) : () -> ()
    %run_scoped3A_58 = arith.constant 3 : i32
    "tpu.region"() ({
      %run_scoped3A_68 = tpu.sem_alloc : memref<!tpu.dma_semaphore, #tpu.memory_space<semaphore_mem>>
      %dma_start3A = arith.constant 0 : i32
      %dma_start3A_69 = tpu.memref_slice %arg7[%run_scoped3A_58, %dma_start3A] : memref<5x128xi32, #tpu.memory_space<vmem>> -> memref<1x128xi32, #tpu.memory_space<vmem>>
      %dma_start3A_70 = tpu.memref_squeeze %dma_start3A_69 : memref<1x128xi32, #tpu.memory_space<vmem>> -> memref<128xi32, #tpu.memory_space<vmem>>
      %dma_start3A_71 = arith.constant 0 : i32
      %dma_start3A_72 = arith.constant 0 : i32
      %dma_start3A_73 = tpu.memref_slice %arg2[%dma_start3A_71, %dma_start3A_72] : memref<512x128xf32, #tpu.memory_space<hbm>> -> memref<512x128xf32, #tpu.memory_space<hbm>>
      tpu.enqueue_indirect_dma source(%dma_start3A_73 : memref<512x128xf32, #tpu.memory_space<hbm>>) target(%arg8 : memref<128x128xf32, #tpu.memory_space<vmem>>) offsets(%dma_start3A_70 : memref<128xi32, #tpu.memory_space<vmem>>) semaphore(%run_scoped3A_68 : memref<!tpu.dma_semaphore, #tpu.memory_space<semaphore_mem>>)
      %dma_wait3A = arith.constant 0 : i32
      %dma_wait3A_74 = tpu.memref_slice %arg7[%run_scoped3A_58, %dma_wait3A] : memref<5x128xi32, #tpu.memory_space<vmem>> -> memref<1x128xi32, #tpu.memory_space<vmem>>
      %dma_wait3A_75 = tpu.memref_squeeze %dma_wait3A_74 : memref<1x128xi32, #tpu.memory_space<vmem>> -> memref<128xi32, #tpu.memory_space<vmem>>
      %dma_wait3A_76 = arith.constant 0 : i32
      %dma_wait3A_77 = arith.constant 0 : i32
      %dma_wait3A_78 = tpu.memref_slice %arg2[%dma_wait3A_76, %dma_wait3A_77] : memref<512x128xf32, #tpu.memory_space<hbm>> -> memref<512x128xf32, #tpu.memory_space<hbm>>
      tpu.wait_indirect_dma semaphore(%run_scoped3A_68 : memref<!tpu.dma_semaphore, #tpu.memory_space<semaphore_mem>>) src(%dma_wait3A_78 : memref<512x128xf32, #tpu.memory_space<hbm>>) dst(%arg8 : memref<128x128xf32, #tpu.memory_space<vmem>>)
      tpu.yield
    }) : () -> ()
    %mul3A_59 = arith.constant 640 : i32
    %mul3A_60 = arith.muli %arg1, %mul3A_59 : i32
    %add3A_61 = arith.constant 384 : i32
    %add3A_62 = arith.addi %mul3A_60, %add3A_61 : i32
    "tpu.region"() ({
      %run_scoped3A_68 = tpu.sem_alloc : memref<!tpu.dma_semaphore, #tpu.memory_space<semaphore_mem>>
      %dma_start3A = arith.constant 0 : i32
      %dma_start3A_69 = tpu.memref_slice %arg5[%arg0, %add3A_62, %dma_start3A] : memref<2x10240x128xf32, #tpu.memory_space<hbm>> -> memref<1x128x128xf32, #tpu.memory_space<hbm>>
      %dma_start3A_70 = tpu.memref_squeeze %dma_start3A_69 : memref<1x128x128xf32, #tpu.memory_space<hbm>> -> memref<128x128xf32, #tpu.memory_space<hbm>>
      %dma_start3A_71 = arith.constant 0 : i32
      %dma_start3A_72 = tpu.memref_slice %arg5[%arg0, %add3A_62, %dma_start3A_71] : memref<2x10240x128xf32, #tpu.memory_space<hbm>> -> memref<1x128x128xf32, #tpu.memory_space<hbm>>
      %dma_start3A_73 = tpu.memref_squeeze %dma_start3A_72 : memref<1x128x128xf32, #tpu.memory_space<hbm>> -> memref<128x128xf32, #tpu.memory_space<hbm>>
      tpu.enqueue_dma source(%arg8 : memref<128x128xf32, #tpu.memory_space<vmem>>) target(%dma_start3A_73 : memref<128x128xf32, #tpu.memory_space<hbm>>) target_semaphore(%run_scoped3A_68 : memref<!tpu.dma_semaphore, #tpu.memory_space<semaphore_mem>>)
      %dma_wait3A = arith.constant 0 : i32
      %dma_wait3A_74 = tpu.memref_slice %arg5[%arg0, %add3A_62, %dma_wait3A] : memref<2x10240x128xf32, #tpu.memory_space<hbm>> -> memref<1x128x128xf32, #tpu.memory_space<hbm>>
      %dma_wait3A_75 = tpu.memref_squeeze %dma_wait3A_74 : memref<1x128x128xf32, #tpu.memory_space<hbm>> -> memref<128x128xf32, #tpu.memory_space<hbm>>
      %dma_wait3A_76 = arith.constant 0 : i32
      %dma_wait3A_77 = tpu.memref_slice %arg5[%arg0, %add3A_62, %dma_wait3A_76] : memref<2x10240x128xf32, #tpu.memory_space<hbm>> -> memref<1x128x128xf32, #tpu.memory_space<hbm>>
      %dma_wait3A_78 = tpu.memref_squeeze %dma_wait3A_77 : memref<1x128x128xf32, #tpu.memory_space<hbm>> -> memref<128x128xf32, #tpu.memory_space<hbm>>
      tpu.wait_dma2 semaphore(%run_scoped3A_68 : memref<!tpu.dma_semaphore, #tpu.memory_space<semaphore_mem>>) src(%arg8 : memref<128x128xf32, #tpu.memory_space<vmem>>) dst(%dma_wait3A_78 : memref<128x128xf32, #tpu.memory_space<hbm>>)
      tpu.yield
    }) : () -> ()
    %run_scoped3A_63 = arith.constant 4 : i32
    "tpu.region"() ({
      %run_scoped3A_68 = tpu.sem_alloc : memref<!tpu.dma_semaphore, #tpu.memory_space<semaphore_mem>>
      %dma_start3A = arith.constant 0 : i32
      %dma_start3A_69 = tpu.memref_slice %arg7[%run_scoped3A_63, %dma_start3A] : memref<5x128xi32, #tpu.memory_space<vmem>> -> memref<1x128xi32, #tpu.memory_space<vmem>>
      %dma_start3A_70 = tpu.memref_squeeze %dma_start3A_69 : memref<1x128xi32, #tpu.memory_space<vmem>> -> memref<128xi32, #tpu.memory_space<vmem>>
      %dma_start3A_71 = arith.constant 0 : i32
      %dma_start3A_72 = arith.constant 0 : i32
      %dma_start3A_73 = tpu.memref_slice %arg2[%dma_start3A_71, %dma_start3A_72] : memref<512x128xf32, #tpu.memory_space<hbm>> -> memref<512x128xf32, #tpu.memory_space<hbm>>
      tpu.enqueue_indirect_dma source(%dma_start3A_73 : memref<512x128xf32, #tpu.memory_space<hbm>>) target(%arg8 : memref<128x128xf32, #tpu.memory_space<vmem>>) offsets(%dma_start3A_70 : memref<128xi32, #tpu.memory_space<vmem>>) semaphore(%run_scoped3A_68 : memref<!tpu.dma_semaphore, #tpu.memory_space<semaphore_mem>>)
      %dma_wait3A = arith.constant 0 : i32
      %dma_wait3A_74 = tpu.memref_slice %arg7[%run_scoped3A_63, %dma_wait3A] : memref<5x128xi32, #tpu.memory_space<vmem>> -> memref<1x128xi32, #tpu.memory_space<vmem>>
      %dma_wait3A_75 = tpu.memref_squeeze %dma_wait3A_74 : memref<1x128xi32, #tpu.memory_space<vmem>> -> memref<128xi32, #tpu.memory_space<vmem>>
      %dma_wait3A_76 = arith.constant 0 : i32
      %dma_wait3A_77 = arith.constant 0 : i32
      %dma_wait3A_78 = tpu.memref_slice %arg2[%dma_wait3A_76, %dma_wait3A_77] : memref<512x128xf32, #tpu.memory_space<hbm>> -> memref<512x128xf32, #tpu.memory_space<hbm>>
      tpu.wait_indirect_dma semaphore(%run_scoped3A_68 : memref<!tpu.dma_semaphore, #tpu.memory_space<semaphore_mem>>) src(%dma_wait3A_78 : memref<512x128xf32, #tpu.memory_space<hbm>>) dst(%arg8 : memref<128x128xf32, #tpu.memory_space<vmem>>)
      tpu.yield
    }) : () -> ()
    %mul3A_64 = arith.constant 640 : i32
    %mul3A_65 = arith.muli %arg1, %mul3A_64 : i32
    %add3A_66 = arith.constant 512 : i32
    %add3A_67 = arith.addi %mul3A_65, %add3A_66 : i32
    "tpu.region"() ({
      %run_scoped3A_68 = tpu.sem_alloc : memref<!tpu.dma_semaphore, #tpu.memory_space<semaphore_mem>>
      %dma_start3A = arith.constant 0 : i32
      %dma_start3A_69 = tpu.memref_slice %arg5[%arg0, %add3A_67, %dma_start3A] : memref<2x10240x128xf32, #tpu.memory_space<hbm>> -> memref<1x128x128xf32, #tpu.memory_space<hbm>>
      %dma_start3A_70 = tpu.memref_squeeze %dma_start3A_69 : memref<1x128x128xf32, #tpu.memory_space<hbm>> -> memref<128x128xf32, #tpu.memory_space<hbm>>
      %dma_start3A_71 = arith.constant 0 : i32
      %dma_start3A_72 = tpu.memref_slice %arg5[%arg0, %add3A_67, %dma_start3A_71] : memref<2x10240x128xf32, #tpu.memory_space<hbm>> -> memref<1x128x128xf32, #tpu.memory_space<hbm>>
      %dma_start3A_73 = tpu.memref_squeeze %dma_start3A_72 : memref<1x128x128xf32, #tpu.memory_space<hbm>> -> memref<128x128xf32, #tpu.memory_space<hbm>>
      tpu.enqueue_dma source(%arg8 : memref<128x128xf32, #tpu.memory_space<vmem>>) target(%dma_start3A_73 : memref<128x128xf32, #tpu.memory_space<hbm>>) target_semaphore(%run_scoped3A_68 : memref<!tpu.dma_semaphore, #tpu.memory_space<semaphore_mem>>)
      %dma_wait3A = arith.constant 0 : i32
      %dma_wait3A_74 = tpu.memref_slice %arg5[%arg0, %add3A_67, %dma_wait3A] : memref<2x10240x128xf32, #tpu.memory_space<hbm>> -> memref<1x128x128xf32, #tpu.memory_space<hbm>>
      %dma_wait3A_75 = tpu.memref_squeeze %dma_wait3A_74 : memref<1x128x128xf32, #tpu.memory_space<hbm>> -> memref<128x128xf32, #tpu.memory_space<hbm>>
      %dma_wait3A_76 = arith.constant 0 : i32
      %dma_wait3A_77 = tpu.memref_slice %arg5[%arg0, %add3A_67, %dma_wait3A_76] : memref<2x10240x128xf32, #tpu.memory_space<hbm>> -> memref<1x128x128xf32, #tpu.memory_space<hbm>>
      %dma_wait3A_78 = tpu.memref_squeeze %dma_wait3A_77 : memref<1x128x128xf32, #tpu.memory_space<hbm>> -> memref<128x128xf32, #tpu.memory_space<hbm>>
      tpu.wait_dma2 semaphore(%run_scoped3A_68 : memref<!tpu.dma_semaphore, #tpu.memory_space<semaphore_mem>>) src(%arg8 : memref<128x128xf32, #tpu.memory_space<vmem>>) dst(%dma_wait3A_78 : memref<128x128xf32, #tpu.memory_space<hbm>>)
      tpu.yield
    }) : () -> ()
    return
  }
}

#map = affine_map<(d0, d1) -> (0, 0)>
#map1 = affine_map<(d0, d1) -> (0, 0, 0)>
module attributes {stable_mosaic.version = 14 : i64} {
  func.func @_prop_body(%arg0: i32, %arg1: i32, %arg2: memref<20480x128xf32, #tpu.memory_space<hbm>>, %arg3: memref<16x79x128xi32, #tpu.memory_space<hbm>>, %arg4: memref<16x79x128xi32, #tpu.memory_space<hbm>>, %arg5: memref<2x10240x128xf32, #tpu.memory_space<hbm>>, %arg6: memref<79x128xi32, #tpu.memory_space<vmem>>, %arg7: memref<79x128xi32, #tpu.memory_space<vmem>>, %arg8: memref<128x128xf32, #tpu.memory_space<vmem>>, %arg9: memref<10240x128xf32, #tpu.memory_space<vmem_shared>>) attributes {dimension_semantics = [#tpu.dimension_semantics<core_parallel>, #tpu.dimension_semantics<subcore_parallel>], iteration_bounds = array<i64: 2, 16>, scalar_prefetch = 0 : i64, scratch_operands = 4 : i64, tpu.core_type = #tpu.core_type<sc_vector_subcore>, window_params = [{transform_indices = #map}, {transform_indices = #map1}, {transform_indices = #map1}, {transform_indices = #map1}]} {
    "tpu.region"() ({
      %run_scoped3A = tpu.sem_alloc : memref<!tpu.dma_semaphore, #tpu.memory_space<semaphore_mem>>
      %dma_start3A = arith.constant 0 : i32
      %dma_start3A_45 = arith.constant 0 : i32
      %dma_start3A_46 = tpu.memref_slice %arg3[%arg1, %dma_start3A, %dma_start3A_45] : memref<16x79x128xi32, #tpu.memory_space<hbm>> -> memref<1x79x128xi32, #tpu.memory_space<hbm>>
      %dma_start3A_47 = tpu.memref_squeeze %dma_start3A_46 : memref<1x79x128xi32, #tpu.memory_space<hbm>> -> memref<79x128xi32, #tpu.memory_space<hbm>>
      %dma_start3A_48 = arith.constant 0 : i32
      %dma_start3A_49 = arith.constant 0 : i32
      %dma_start3A_50 = tpu.memref_slice %arg3[%arg1, %dma_start3A_48, %dma_start3A_49] : memref<16x79x128xi32, #tpu.memory_space<hbm>> -> memref<1x79x128xi32, #tpu.memory_space<hbm>>
      %dma_start3A_51 = tpu.memref_squeeze %dma_start3A_50 : memref<1x79x128xi32, #tpu.memory_space<hbm>> -> memref<79x128xi32, #tpu.memory_space<hbm>>
      tpu.enqueue_dma source(%dma_start3A_51 : memref<79x128xi32, #tpu.memory_space<hbm>>) target(%arg6 : memref<79x128xi32, #tpu.memory_space<vmem>>) target_semaphore(%run_scoped3A : memref<!tpu.dma_semaphore, #tpu.memory_space<semaphore_mem>>)
      %dma_wait3A = arith.constant 0 : i32
      %dma_wait3A_52 = arith.constant 0 : i32
      %dma_wait3A_53 = tpu.memref_slice %arg3[%arg1, %dma_wait3A, %dma_wait3A_52] : memref<16x79x128xi32, #tpu.memory_space<hbm>> -> memref<1x79x128xi32, #tpu.memory_space<hbm>>
      %dma_wait3A_54 = tpu.memref_squeeze %dma_wait3A_53 : memref<1x79x128xi32, #tpu.memory_space<hbm>> -> memref<79x128xi32, #tpu.memory_space<hbm>>
      %dma_wait3A_55 = arith.constant 0 : i32
      %dma_wait3A_56 = arith.constant 0 : i32
      %dma_wait3A_57 = tpu.memref_slice %arg3[%arg1, %dma_wait3A_55, %dma_wait3A_56] : memref<16x79x128xi32, #tpu.memory_space<hbm>> -> memref<1x79x128xi32, #tpu.memory_space<hbm>>
      %dma_wait3A_58 = tpu.memref_squeeze %dma_wait3A_57 : memref<1x79x128xi32, #tpu.memory_space<hbm>> -> memref<79x128xi32, #tpu.memory_space<hbm>>
      tpu.wait_dma2 semaphore(%run_scoped3A : memref<!tpu.dma_semaphore, #tpu.memory_space<semaphore_mem>>) src(%dma_wait3A_58 : memref<79x128xi32, #tpu.memory_space<hbm>>) dst(%arg6 : memref<79x128xi32, #tpu.memory_space<vmem>>)
      tpu.yield
    }) : () -> ()
    "tpu.region"() ({
      %run_scoped3A = tpu.sem_alloc : memref<!tpu.dma_semaphore, #tpu.memory_space<semaphore_mem>>
      %dma_start3A = arith.constant 0 : i32
      %dma_start3A_45 = arith.constant 0 : i32
      %dma_start3A_46 = tpu.memref_slice %arg4[%arg1, %dma_start3A, %dma_start3A_45] : memref<16x79x128xi32, #tpu.memory_space<hbm>> -> memref<1x79x128xi32, #tpu.memory_space<hbm>>
      %dma_start3A_47 = tpu.memref_squeeze %dma_start3A_46 : memref<1x79x128xi32, #tpu.memory_space<hbm>> -> memref<79x128xi32, #tpu.memory_space<hbm>>
      %dma_start3A_48 = arith.constant 0 : i32
      %dma_start3A_49 = arith.constant 0 : i32
      %dma_start3A_50 = tpu.memref_slice %arg4[%arg1, %dma_start3A_48, %dma_start3A_49] : memref<16x79x128xi32, #tpu.memory_space<hbm>> -> memref<1x79x128xi32, #tpu.memory_space<hbm>>
      %dma_start3A_51 = tpu.memref_squeeze %dma_start3A_50 : memref<1x79x128xi32, #tpu.memory_space<hbm>> -> memref<79x128xi32, #tpu.memory_space<hbm>>
      tpu.enqueue_dma source(%dma_start3A_51 : memref<79x128xi32, #tpu.memory_space<hbm>>) target(%arg7 : memref<79x128xi32, #tpu.memory_space<vmem>>) target_semaphore(%run_scoped3A : memref<!tpu.dma_semaphore, #tpu.memory_space<semaphore_mem>>)
      %dma_wait3A = arith.constant 0 : i32
      %dma_wait3A_52 = arith.constant 0 : i32
      %dma_wait3A_53 = tpu.memref_slice %arg4[%arg1, %dma_wait3A, %dma_wait3A_52] : memref<16x79x128xi32, #tpu.memory_space<hbm>> -> memref<1x79x128xi32, #tpu.memory_space<hbm>>
      %dma_wait3A_54 = tpu.memref_squeeze %dma_wait3A_53 : memref<1x79x128xi32, #tpu.memory_space<hbm>> -> memref<79x128xi32, #tpu.memory_space<hbm>>
      %dma_wait3A_55 = arith.constant 0 : i32
      %dma_wait3A_56 = arith.constant 0 : i32
      %dma_wait3A_57 = tpu.memref_slice %arg4[%arg1, %dma_wait3A_55, %dma_wait3A_56] : memref<16x79x128xi32, #tpu.memory_space<hbm>> -> memref<1x79x128xi32, #tpu.memory_space<hbm>>
      %dma_wait3A_58 = tpu.memref_squeeze %dma_wait3A_57 : memref<1x79x128xi32, #tpu.memory_space<hbm>> -> memref<79x128xi32, #tpu.memory_space<hbm>>
      tpu.wait_dma2 semaphore(%run_scoped3A : memref<!tpu.dma_semaphore, #tpu.memory_space<semaphore_mem>>) src(%dma_wait3A_58 : memref<79x128xi32, #tpu.memory_space<hbm>>) dst(%arg7 : memref<79x128xi32, #tpu.memory_space<vmem>>)
      tpu.yield
    }) : () -> ()
    %mul3A = arith.constant 10240 : i32
    %mul3A_0 = arith.muli %arg0, %mul3A : i32
    %scan3A = arith.constant 0 : i32
    %scan3A_1 = arith.constant 0 : i32
    %scan3A_2 = arith.constant 632 : i32
    %scan3A_3 = arith.addi %scan3A_1, %scan3A_2 : i32
    %scan3A_4 = arith.constant 1 : i32
    %scan3A_5 = scf.for %scan3A_45 = %scan3A_1 to %scan3A_3 step %scan3A_4 iter_args(%scan3A_46 = %scan3A) -> (i32)  : i32 {
      %jit3A = arith.constant 8 : i32
      %div3A = arith.divsi %scan3A_45, %jit3A : i32
      %sign3A = arith.constant 0 : i32
      %sign3A_47 = arith.cmpi sgt, %scan3A_45, %sign3A : i32
      %sign3A_48 = arith.extui %sign3A_47 : i1 to i32
      %sign3A_49 = arith.constant 0 : i32
      %sign3A_50 = arith.cmpi slt, %scan3A_45, %sign3A_49 : i32
      %sign3A_51 = arith.extui %sign3A_50 : i1 to i32
      %sign3A_52 = arith.subi %sign3A_48, %sign3A_51 : i32
      %sign3A_53 = arith.constant 0 : i32
      %sign3A_54 = arith.cmpi sgt, %jit3A, %sign3A_53 : i32
      %sign3A_55 = arith.extui %sign3A_54 : i1 to i32
      %sign3A_56 = arith.constant 0 : i32
      %sign3A_57 = arith.cmpi slt, %jit3A, %sign3A_56 : i32
      %sign3A_58 = arith.extui %sign3A_57 : i1 to i32
      %sign3A_59 = arith.subi %sign3A_55, %sign3A_58 : i32
      %ne3A = arith.cmpi ne, %sign3A_52, %sign3A_59 : i32
      %rem3A = arith.remsi %scan3A_45, %jit3A : i32
      %ne3A_60 = arith.constant 0 : i32
      %ne3A_61 = arith.cmpi ne, %rem3A, %ne3A_60 : i32
      %and3A = arith.andi %ne3A, %ne3A_61 : i1
      %sub3A = arith.constant 1 : i32
      %sub3A_62 = arith.subi %div3A, %sub3A : i32
      %select_n3A = arith.select %and3A, %sub3A_62, %div3A : i32
      %jit3A_63 = arith.constant 8 : i32
      %eq3A = arith.constant 0 : i32
      %eq3A_64 = arith.cmpi eq, %jit3A_63, %eq3A : i32
      %jit3A_65 = arith.constant 1 : i32
      %select_n3A_66 = arith.select %eq3A_64, %jit3A_65, %jit3A_63 : i32
      %rem3A_67 = arith.remsi %scan3A_45, %select_n3A_66 : i32
      %ne3A_68 = arith.constant 0 : i32
      %ne3A_69 = arith.cmpi ne, %rem3A_67, %ne3A_68 : i32
      %lt3A = arith.constant 0 : i32
      %lt3A_70 = arith.cmpi slt, %rem3A_67, %lt3A : i32
      %lt3A_71 = arith.constant 0 : i32
      %lt3A_72 = arith.cmpi slt, %select_n3A_66, %lt3A_71 : i32
      %ne3A_73 = arith.xori %lt3A_70, %lt3A_72 : i1
      %and3A_74 = arith.andi %ne3A_73, %ne3A_69 : i1
      %add3A_75 = arith.addi %rem3A_67, %select_n3A_66 : i32
      %select_n3A_76 = arith.select %and3A_74, %add3A_75, %rem3A_67 : i32
      %mul3A_77 = arith.constant 16 : i32
      %mul3A_78 = arith.muli %select_n3A_76, %mul3A_77 : i32
      %get3A = arith.index_cast %select_n3A : i32 to index
      %get3A_79 = arith.index_cast %mul3A_78 : i32 to index
      %get3A_80 = tpu.vector_load %arg6[%get3A, %get3A_79] {strides = array<i32>} : memref<79x128xi32, #tpu.memory_space<vmem>>, vector<16xi32>,
      %add3A_81 = vector.broadcast %mul3A_0 : i32 to vector<16xi32>
      %add3A_82 = arith.addi %get3A_80, %add3A_81 : vector<16xi32>
      %mul3A_83 = arith.constant 16 : i32
      %mul3A_84 = arith.muli %select_n3A_76, %mul3A_83 : i32
      %swap3A = arith.index_cast %select_n3A : i32 to index
      %swap3A_85 = arith.index_cast %mul3A_84 : i32 to index
      %swap3A_86 = tpu.vector_load %arg6[%swap3A, %swap3A_85] {strides = array<i32>} : memref<79x128xi32, #tpu.memory_space<vmem>>, vector<16xi32>,
      tpu.vector_store %arg6[%swap3A, %swap3A_85], %add3A_82 {strides = array<i32>} : memref<79x128xi32, #tpu.memory_space<vmem>>, vector<16xi32>,
      %scan3A_87 = arith.constant 0 : i32
      scf.yield %scan3A_87 : i32
    }
    %scan3A_6 = arith.constant 632 : i32
    %scan3A_7 = arith.constant 0 : i32
    %scan3A_8 = arith.constant 0 : i32
    %scan3A_9 = arith.constant 1024 : i32
    %scan3A_10 = arith.addi %scan3A_8, %scan3A_9 : i32
    %scan3A_11 = arith.constant 1 : i32
    %scan3A_12 = scf.for %scan3A_45 = %scan3A_8 to %scan3A_10 step %scan3A_11 iter_args(%scan3A_46 = %scan3A_7) -> (i32)  : i32 {
      %broadcast_in_dim3A = arith.constant 0.000000e+00 : f32
      %broadcast_in_dim3A_47 = vector.broadcast %broadcast_in_dim3A : f32 to vector<16xf32>
      %jit3A = arith.constant 8 : i32
      %div3A = arith.divsi %scan3A_45, %jit3A : i32
      %sign3A = arith.constant 0 : i32
      %sign3A_48 = arith.cmpi sgt, %scan3A_45, %sign3A : i32
      %sign3A_49 = arith.extui %sign3A_48 : i1 to i32
      %sign3A_50 = arith.constant 0 : i32
      %sign3A_51 = arith.cmpi slt, %scan3A_45, %sign3A_50 : i32
      %sign3A_52 = arith.extui %sign3A_51 : i1 to i32
      %sign3A_53 = arith.subi %sign3A_49, %sign3A_52 : i32
      %sign3A_54 = arith.constant 0 : i32
      %sign3A_55 = arith.cmpi sgt, %jit3A, %sign3A_54 : i32
      %sign3A_56 = arith.extui %sign3A_55 : i1 to i32
      %sign3A_57 = arith.constant 0 : i32
      %sign3A_58 = arith.cmpi slt, %jit3A, %sign3A_57 : i32
      %sign3A_59 = arith.extui %sign3A_58 : i1 to i32
      %sign3A_60 = arith.subi %sign3A_56, %sign3A_59 : i32
      %ne3A = arith.cmpi ne, %sign3A_53, %sign3A_60 : i32
      %rem3A = arith.remsi %scan3A_45, %jit3A : i32
      %ne3A_61 = arith.constant 0 : i32
      %ne3A_62 = arith.cmpi ne, %rem3A, %ne3A_61 : i32
      %and3A = arith.andi %ne3A, %ne3A_62 : i1
      %sub3A = arith.constant 1 : i32
      %sub3A_63 = arith.subi %div3A, %sub3A : i32
      %select_n3A = arith.select %and3A, %sub3A_63, %div3A : i32
      %jit3A_64 = arith.constant 8 : i32
      %eq3A = arith.constant 0 : i32
      %eq3A_65 = arith.cmpi eq, %jit3A_64, %eq3A : i32
      %jit3A_66 = arith.constant 1 : i32
      %select_n3A_67 = arith.select %eq3A_65, %jit3A_66, %jit3A_64 : i32
      %rem3A_68 = arith.remsi %scan3A_45, %select_n3A_67 : i32
      %ne3A_69 = arith.constant 0 : i32
      %ne3A_70 = arith.cmpi ne, %rem3A_68, %ne3A_69 : i32
      %lt3A = arith.constant 0 : i32
      %lt3A_71 = arith.cmpi slt, %rem3A_68, %lt3A : i32
      %lt3A_72 = arith.constant 0 : i32
      %lt3A_73 = arith.cmpi slt, %select_n3A_67, %lt3A_72 : i32
      %ne3A_74 = arith.xori %lt3A_71, %lt3A_73 : i1
      %and3A_75 = arith.andi %ne3A_74, %ne3A_70 : i1
      %add3A_76 = arith.addi %rem3A_68, %select_n3A_67 : i32
      %select_n3A_77 = arith.select %and3A_75, %add3A_76, %rem3A_68 : i32
      %mul3A_78 = arith.constant 16 : i32
      %mul3A_79 = arith.muli %select_n3A_77, %mul3A_78 : i32
      %swap3A = arith.index_cast %select_n3A : i32 to index
      %swap3A_80 = arith.index_cast %mul3A_79 : i32 to index
      %swap3A_81 = tpu.vector_load %arg8[%swap3A, %swap3A_80] {strides = array<i32>} : memref<128x128xf32, #tpu.memory_space<vmem>>, vector<16xf32>,
      tpu.vector_store %arg8[%swap3A, %swap3A_80], %broadcast_in_dim3A_47 {strides = array<i32>} : memref<128x128xf32, #tpu.memory_space<vmem>>, vector<16xf32>,
      %scan3A_82 = arith.constant 0 : i32
      scf.yield %scan3A_82 : i32
    }
    %scan3A_13 = arith.constant 1024 : i32
    %mul3A_14 = arith.constant 640 : i32
    %mul3A_15 = arith.muli %arg1, %mul3A_14 : i32
    %add3A = arith.constant 0 : i32
    %add3A_16 = arith.addi %mul3A_15, %add3A : i32
    "tpu.region"() ({
      %run_scoped3A = tpu.sem_alloc : memref<!tpu.dma_semaphore, #tpu.memory_space<semaphore_mem>>
      %dma_start3A = arith.constant 0 : i32
      %dma_start3A_45 = tpu.memref_slice %arg9[%add3A_16, %dma_start3A] : memref<10240x128xf32, #tpu.memory_space<vmem_shared>> -> memref<128x128xf32, #tpu.memory_space<vmem_shared>>
      %dma_start3A_46 = arith.constant 0 : i32
      %dma_start3A_47 = tpu.memref_slice %arg9[%add3A_16, %dma_start3A_46] : memref<10240x128xf32, #tpu.memory_space<vmem_shared>> -> memref<128x128xf32, #tpu.memory_space<vmem_shared>>
      tpu.enqueue_dma source(%arg8 : memref<128x128xf32, #tpu.memory_space<vmem>>) target(%dma_start3A_47 : memref<128x128xf32, #tpu.memory_space<vmem_shared>>) target_semaphore(%run_scoped3A : memref<!tpu.dma_semaphore, #tpu.memory_space<semaphore_mem>>)
      %dma_wait3A = arith.constant 0 : i32
      %dma_wait3A_48 = tpu.memref_slice %arg9[%add3A_16, %dma_wait3A] : memref<10240x128xf32, #tpu.memory_space<vmem_shared>> -> memref<128x128xf32, #tpu.memory_space<vmem_shared>>
      %dma_wait3A_49 = arith.constant 0 : i32
      %dma_wait3A_50 = tpu.memref_slice %arg9[%add3A_16, %dma_wait3A_49] : memref<10240x128xf32, #tpu.memory_space<vmem_shared>> -> memref<128x128xf32, #tpu.memory_space<vmem_shared>>
      tpu.wait_dma2 semaphore(%run_scoped3A : memref<!tpu.dma_semaphore, #tpu.memory_space<semaphore_mem>>) src(%arg8 : memref<128x128xf32, #tpu.memory_space<vmem>>) dst(%dma_wait3A_50 : memref<128x128xf32, #tpu.memory_space<vmem_shared>>)
      tpu.yield
    }) : () -> ()
    %mul3A_17 = arith.constant 640 : i32
    %mul3A_18 = arith.muli %arg1, %mul3A_17 : i32
    %add3A_19 = arith.constant 128 : i32
    %add3A_20 = arith.addi %mul3A_18, %add3A_19 : i32
    "tpu.region"() ({
      %run_scoped3A = tpu.sem_alloc : memref<!tpu.dma_semaphore, #tpu.memory_space<semaphore_mem>>
      %dma_start3A = arith.constant 0 : i32
      %dma_start3A_45 = tpu.memref_slice %arg9[%add3A_20, %dma_start3A] : memref<10240x128xf32, #tpu.memory_space<vmem_shared>> -> memref<128x128xf32, #tpu.memory_space<vmem_shared>>
      %dma_start3A_46 = arith.constant 0 : i32
      %dma_start3A_47 = tpu.memref_slice %arg9[%add3A_20, %dma_start3A_46] : memref<10240x128xf32, #tpu.memory_space<vmem_shared>> -> memref<128x128xf32, #tpu.memory_space<vmem_shared>>
      tpu.enqueue_dma source(%arg8 : memref<128x128xf32, #tpu.memory_space<vmem>>) target(%dma_start3A_47 : memref<128x128xf32, #tpu.memory_space<vmem_shared>>) target_semaphore(%run_scoped3A : memref<!tpu.dma_semaphore, #tpu.memory_space<semaphore_mem>>)
      %dma_wait3A = arith.constant 0 : i32
      %dma_wait3A_48 = tpu.memref_slice %arg9[%add3A_20, %dma_wait3A] : memref<10240x128xf32, #tpu.memory_space<vmem_shared>> -> memref<128x128xf32, #tpu.memory_space<vmem_shared>>
      %dma_wait3A_49 = arith.constant 0 : i32
      %dma_wait3A_50 = tpu.memref_slice %arg9[%add3A_20, %dma_wait3A_49] : memref<10240x128xf32, #tpu.memory_space<vmem_shared>> -> memref<128x128xf32, #tpu.memory_space<vmem_shared>>
      tpu.wait_dma2 semaphore(%run_scoped3A : memref<!tpu.dma_semaphore, #tpu.memory_space<semaphore_mem>>) src(%arg8 : memref<128x128xf32, #tpu.memory_space<vmem>>) dst(%dma_wait3A_50 : memref<128x128xf32, #tpu.memory_space<vmem_shared>>)
      tpu.yield
    }) : () -> ()
    %mul3A_21 = arith.constant 640 : i32
    %mul3A_22 = arith.muli %arg1, %mul3A_21 : i32
    %add3A_23 = arith.constant 256 : i32
    %add3A_24 = arith.addi %mul3A_22, %add3A_23 : i32
    "tpu.region"() ({
      %run_scoped3A = tpu.sem_alloc : memref<!tpu.dma_semaphore, #tpu.memory_space<semaphore_mem>>
      %dma_start3A = arith.constant 0 : i32
      %dma_start3A_45 = tpu.memref_slice %arg9[%add3A_24, %dma_start3A] : memref<10240x128xf32, #tpu.memory_space<vmem_shared>> -> memref<128x128xf32, #tpu.memory_space<vmem_shared>>
      %dma_start3A_46 = arith.constant 0 : i32
      %dma_start3A_47 = tpu.memref_slice %arg9[%add3A_24, %dma_start3A_46] : memref<10240x128xf32, #tpu.memory_space<vmem_shared>> -> memref<128x128xf32, #tpu.memory_space<vmem_shared>>
      tpu.enqueue_dma source(%arg8 : memref<128x128xf32, #tpu.memory_space<vmem>>) target(%dma_start3A_47 : memref<128x128xf32, #tpu.memory_space<vmem_shared>>) target_semaphore(%run_scoped3A : memref<!tpu.dma_semaphore, #tpu.memory_space<semaphore_mem>>)
      %dma_wait3A = arith.constant 0 : i32
      %dma_wait3A_48 = tpu.memref_slice %arg9[%add3A_24, %dma_wait3A] : memref<10240x128xf32, #tpu.memory_space<vmem_shared>> -> memref<128x128xf32, #tpu.memory_space<vmem_shared>>
      %dma_wait3A_49 = arith.constant 0 : i32
      %dma_wait3A_50 = tpu.memref_slice %arg9[%add3A_24, %dma_wait3A_49] : memref<10240x128xf32, #tpu.memory_space<vmem_shared>> -> memref<128x128xf32, #tpu.memory_space<vmem_shared>>
      tpu.wait_dma2 semaphore(%run_scoped3A : memref<!tpu.dma_semaphore, #tpu.memory_space<semaphore_mem>>) src(%arg8 : memref<128x128xf32, #tpu.memory_space<vmem>>) dst(%dma_wait3A_50 : memref<128x128xf32, #tpu.memory_space<vmem_shared>>)
      tpu.yield
    }) : () -> ()
    %mul3A_25 = arith.constant 640 : i32
    %mul3A_26 = arith.muli %arg1, %mul3A_25 : i32
    %add3A_27 = arith.constant 384 : i32
    %add3A_28 = arith.addi %mul3A_26, %add3A_27 : i32
    "tpu.region"() ({
      %run_scoped3A = tpu.sem_alloc : memref<!tpu.dma_semaphore, #tpu.memory_space<semaphore_mem>>
      %dma_start3A = arith.constant 0 : i32
      %dma_start3A_45 = tpu.memref_slice %arg9[%add3A_28, %dma_start3A] : memref<10240x128xf32, #tpu.memory_space<vmem_shared>> -> memref<128x128xf32, #tpu.memory_space<vmem_shared>>
      %dma_start3A_46 = arith.constant 0 : i32
      %dma_start3A_47 = tpu.memref_slice %arg9[%add3A_28, %dma_start3A_46] : memref<10240x128xf32, #tpu.memory_space<vmem_shared>> -> memref<128x128xf32, #tpu.memory_space<vmem_shared>>
      tpu.enqueue_dma source(%arg8 : memref<128x128xf32, #tpu.memory_space<vmem>>) target(%dma_start3A_47 : memref<128x128xf32, #tpu.memory_space<vmem_shared>>) target_semaphore(%run_scoped3A : memref<!tpu.dma_semaphore, #tpu.memory_space<semaphore_mem>>)
      %dma_wait3A = arith.constant 0 : i32
      %dma_wait3A_48 = tpu.memref_slice %arg9[%add3A_28, %dma_wait3A] : memref<10240x128xf32, #tpu.memory_space<vmem_shared>> -> memref<128x128xf32, #tpu.memory_space<vmem_shared>>
      %dma_wait3A_49 = arith.constant 0 : i32
      %dma_wait3A_50 = tpu.memref_slice %arg9[%add3A_28, %dma_wait3A_49] : memref<10240x128xf32, #tpu.memory_space<vmem_shared>> -> memref<128x128xf32, #tpu.memory_space<vmem_shared>>
      tpu.wait_dma2 semaphore(%run_scoped3A : memref<!tpu.dma_semaphore, #tpu.memory_space<semaphore_mem>>) src(%arg8 : memref<128x128xf32, #tpu.memory_space<vmem>>) dst(%dma_wait3A_50 : memref<128x128xf32, #tpu.memory_space<vmem_shared>>)
      tpu.yield
    }) : () -> ()
    %mul3A_29 = arith.constant 640 : i32
    %mul3A_30 = arith.muli %arg1, %mul3A_29 : i32
    %add3A_31 = arith.constant 512 : i32
    %add3A_32 = arith.addi %mul3A_30, %add3A_31 : i32
    "tpu.region"() ({
      %run_scoped3A = tpu.sem_alloc : memref<!tpu.dma_semaphore, #tpu.memory_space<semaphore_mem>>
      %dma_start3A = arith.constant 0 : i32
      %dma_start3A_45 = tpu.memref_slice %arg9[%add3A_32, %dma_start3A] : memref<10240x128xf32, #tpu.memory_space<vmem_shared>> -> memref<128x128xf32, #tpu.memory_space<vmem_shared>>
      %dma_start3A_46 = arith.constant 0 : i32
      %dma_start3A_47 = tpu.memref_slice %arg9[%add3A_32, %dma_start3A_46] : memref<10240x128xf32, #tpu.memory_space<vmem_shared>> -> memref<128x128xf32, #tpu.memory_space<vmem_shared>>
      tpu.enqueue_dma source(%arg8 : memref<128x128xf32, #tpu.memory_space<vmem>>) target(%dma_start3A_47 : memref<128x128xf32, #tpu.memory_space<vmem_shared>>) target_semaphore(%run_scoped3A : memref<!tpu.dma_semaphore, #tpu.memory_space<semaphore_mem>>)
      %dma_wait3A = arith.constant 0 : i32
      %dma_wait3A_48 = tpu.memref_slice %arg9[%add3A_32, %dma_wait3A] : memref<10240x128xf32, #tpu.memory_space<vmem_shared>> -> memref<128x128xf32, #tpu.memory_space<vmem_shared>>
      %dma_wait3A_49 = arith.constant 0 : i32
      %dma_wait3A_50 = tpu.memref_slice %arg9[%add3A_32, %dma_wait3A_49] : memref<10240x128xf32, #tpu.memory_space<vmem_shared>> -> memref<128x128xf32, #tpu.memory_space<vmem_shared>>
      tpu.wait_dma2 semaphore(%run_scoped3A : memref<!tpu.dma_semaphore, #tpu.memory_space<semaphore_mem>>) src(%arg8 : memref<128x128xf32, #tpu.memory_space<vmem>>) dst(%dma_wait3A_50 : memref<128x128xf32, #tpu.memory_space<vmem_shared>>)
      tpu.yield
    }) : () -> ()
    %barrier3A = arith.constant 0 : index
    tpu.barrier barrier_id(%barrier3A)
    %scan3A_33 = arith.constant 0 : i32
    %scan3A_34 = arith.constant 0 : i32
    %scan3A_35 = arith.constant 79 : i32
    %scan3A_36 = arith.addi %scan3A_34, %scan3A_35 : i32
    %scan3A_37 = arith.constant 1 : i32
    %scan3A_38 = scf.for %scan3A_45 = %scan3A_34 to %scan3A_36 step %scan3A_37 iter_args(%scan3A_46 = %scan3A_33) -> (i32)  : i32 {
      "tpu.region"() ({
        %run_scoped3A = tpu.sem_alloc : memref<!tpu.dma_semaphore, #tpu.memory_space<semaphore_mem>>
        %dma_start3A = arith.constant 0 : i32
        %dma_start3A_48 = tpu.memref_slice %arg6[%scan3A_45, %dma_start3A] : memref<79x128xi32, #tpu.memory_space<vmem>> -> memref<1x128xi32, #tpu.memory_space<vmem>>
        %dma_start3A_49 = tpu.memref_squeeze %dma_start3A_48 : memref<1x128xi32, #tpu.memory_space<vmem>> -> memref<128xi32, #tpu.memory_space<vmem>>
        %dma_start3A_50 = arith.constant 0 : i32
        %dma_start3A_51 = arith.constant 0 : i32
        %dma_start3A_52 = tpu.memref_slice %arg2[%dma_start3A_50, %dma_start3A_51] : memref<20480x128xf32, #tpu.memory_space<hbm>> -> memref<20480x128xf32, #tpu.memory_space<hbm>>
        tpu.enqueue_indirect_dma source(%dma_start3A_52 : memref<20480x128xf32, #tpu.memory_space<hbm>>) target(%arg8 : memref<128x128xf32, #tpu.memory_space<vmem>>) offsets(%dma_start3A_49 : memref<128xi32, #tpu.memory_space<vmem>>) semaphore(%run_scoped3A : memref<!tpu.dma_semaphore, #tpu.memory_space<semaphore_mem>>)
        %dma_wait3A = arith.constant 0 : i32
        %dma_wait3A_53 = tpu.memref_slice %arg6[%scan3A_45, %dma_wait3A] : memref<79x128xi32, #tpu.memory_space<vmem>> -> memref<1x128xi32, #tpu.memory_space<vmem>>
        %dma_wait3A_54 = tpu.memref_squeeze %dma_wait3A_53 : memref<1x128xi32, #tpu.memory_space<vmem>> -> memref<128xi32, #tpu.memory_space<vmem>>
        %dma_wait3A_55 = arith.constant 0 : i32
        %dma_wait3A_56 = arith.constant 0 : i32
        %dma_wait3A_57 = tpu.memref_slice %arg2[%dma_wait3A_55, %dma_wait3A_56] : memref<20480x128xf32, #tpu.memory_space<hbm>> -> memref<20480x128xf32, #tpu.memory_space<hbm>>
        tpu.wait_indirect_dma semaphore(%run_scoped3A : memref<!tpu.dma_semaphore, #tpu.memory_space<semaphore_mem>>) src(%dma_wait3A_57 : memref<20480x128xf32, #tpu.memory_space<hbm>>) dst(%arg8 : memref<128x128xf32, #tpu.memory_space<vmem>>)
        tpu.yield
      }) : () -> ()
      "tpu.region"() ({
        %run_scoped3A = tpu.sem_alloc : memref<!tpu.dma_semaphore, #tpu.memory_space<semaphore_mem>>
        %dma_start3A = arith.constant 0 : i32
        %dma_start3A_48 = tpu.memref_slice %arg7[%scan3A_45, %dma_start3A] : memref<79x128xi32, #tpu.memory_space<vmem>> -> memref<1x128xi32, #tpu.memory_space<vmem>>
        %dma_start3A_49 = tpu.memref_squeeze %dma_start3A_48 : memref<1x128xi32, #tpu.memory_space<vmem>> -> memref<128xi32, #tpu.memory_space<vmem>>
        %dma_start3A_50 = arith.constant 0 : i32
        %dma_start3A_51 = arith.constant 0 : i32
        %dma_start3A_52 = tpu.memref_slice %arg9[%dma_start3A_50, %dma_start3A_51] : memref<10240x128xf32, #tpu.memory_space<vmem_shared>> -> memref<10240x128xf32, #tpu.memory_space<vmem_shared>>
        tpu.enqueue_indirect_dma source(%arg8 : memref<128x128xf32, #tpu.memory_space<vmem>>) target(%dma_start3A_52 : memref<10240x128xf32, #tpu.memory_space<vmem_shared>>) offsets(%dma_start3A_49 : memref<128xi32, #tpu.memory_space<vmem>>) semaphore(%run_scoped3A : memref<!tpu.dma_semaphore, #tpu.memory_space<semaphore_mem>>) {add = true}
        %dma_wait3A = arith.constant 0 : i32
        %dma_wait3A_53 = tpu.memref_slice %arg7[%scan3A_45, %dma_wait3A] : memref<79x128xi32, #tpu.memory_space<vmem>> -> memref<1x128xi32, #tpu.memory_space<vmem>>
        %dma_wait3A_54 = tpu.memref_squeeze %dma_wait3A_53 : memref<1x128xi32, #tpu.memory_space<vmem>> -> memref<128xi32, #tpu.memory_space<vmem>>
        %dma_wait3A_55 = arith.constant 0 : i32
        %dma_wait3A_56 = arith.constant 0 : i32
        %dma_wait3A_57 = tpu.memref_slice %arg9[%dma_wait3A_55, %dma_wait3A_56] : memref<10240x128xf32, #tpu.memory_space<vmem_shared>> -> memref<10240x128xf32, #tpu.memory_space<vmem_shared>>
        tpu.wait_indirect_dma semaphore(%run_scoped3A : memref<!tpu.dma_semaphore, #tpu.memory_space<semaphore_mem>>) src(%arg8 : memref<128x128xf32, #tpu.memory_space<vmem>>) dst(%dma_wait3A_57 : memref<10240x128xf32, #tpu.memory_space<vmem_shared>>)
        tpu.yield
      }) : () -> ()
      %scan3A_47 = arith.constant 0 : i32
      scf.yield %scan3A_47 : i32
    }
    %scan3A_39 = arith.constant 79 : i32
    %barrier3A_40 = arith.constant 0 : index
    tpu.barrier barrier_id(%barrier3A_40)
    %mul3A_41 = arith.constant 640 : i32
    %mul3A_42 = arith.muli %arg1, %mul3A_41 : i32
    %mul3A_43 = arith.constant 640 : i32
    %mul3A_44 = arith.muli %arg1, %mul3A_43 : i32
    "tpu.region"() ({
      %run_scoped3A = tpu.sem_alloc : memref<!tpu.dma_semaphore, #tpu.memory_space<semaphore_mem>>
      %dma_start3A = arith.constant 0 : i32
      %dma_start3A_45 = tpu.memref_slice %arg5[%arg0, %mul3A_44, %dma_start3A] : memref<2x10240x128xf32, #tpu.memory_space<hbm>> -> memref<1x640x128xf32, #tpu.memory_space<hbm>>
      %dma_start3A_46 = tpu.memref_squeeze %dma_start3A_45 : memref<1x640x128xf32, #tpu.memory_space<hbm>> -> memref<640x128xf32, #tpu.memory_space<hbm>>
      %dma_start3A_47 = arith.constant 0 : i32
      %dma_start3A_48 = tpu.memref_slice %arg9[%mul3A_42, %dma_start3A_47] : memref<10240x128xf32, #tpu.memory_space<vmem_shared>> -> memref<640x128xf32, #tpu.memory_space<vmem_shared>>
      tpu.enqueue_dma source(%dma_start3A_48 : memref<640x128xf32, #tpu.memory_space<vmem_shared>>) target(%dma_start3A_46 : memref<640x128xf32, #tpu.memory_space<hbm>>) target_semaphore(%run_scoped3A : memref<!tpu.dma_semaphore, #tpu.memory_space<semaphore_mem>>)
      %dma_wait3A = arith.constant 0 : i32
      %dma_wait3A_49 = tpu.memref_slice %arg5[%arg0, %mul3A_44, %dma_wait3A] : memref<2x10240x128xf32, #tpu.memory_space<hbm>> -> memref<1x640x128xf32, #tpu.memory_space<hbm>>
      %dma_wait3A_50 = tpu.memref_squeeze %dma_wait3A_49 : memref<1x640x128xf32, #tpu.memory_space<hbm>> -> memref<640x128xf32, #tpu.memory_space<hbm>>
      %dma_wait3A_51 = arith.constant 0 : i32
      %dma_wait3A_52 = tpu.memref_slice %arg9[%mul3A_42, %dma_wait3A_51] : memref<10240x128xf32, #tpu.memory_space<vmem_shared>> -> memref<640x128xf32, #tpu.memory_space<vmem_shared>>
      tpu.wait_dma2 semaphore(%run_scoped3A : memref<!tpu.dma_semaphore, #tpu.memory_space<semaphore_mem>>) src(%dma_wait3A_52 : memref<640x128xf32, #tpu.memory_space<vmem_shared>>) dst(%dma_wait3A_50 : memref<640x128xf32, #tpu.memory_space<hbm>>)
      tpu.yield
    }) : () -> ()
    return
  }
}

#map = affine_map<(d0, d1) -> (0, 0)>
#map1 = affine_map<(d0, d1) -> (0, 0, 0)>
module attributes {stable_mosaic.version = 14 : i64} {
  func.func @_prop_body(%arg0: i32, %arg1: i32, %arg2: memref<20480x128xf32, #tpu.memory_space<hbm>>, %arg3: memref<16x79x128xi32, #tpu.memory_space<hbm>>, %arg4: memref<16x79x128xi32, #tpu.memory_space<hbm>>, %arg5: memref<2x10240x128xf32, #tpu.memory_space<hbm>>, %arg6: memref<79x128xi32, #tpu.memory_space<vmem>>, %arg7: memref<79x128xi32, #tpu.memory_space<vmem>>, %arg8: memref<128x128xf32, #tpu.memory_space<vmem>>, %arg9: memref<10240x128xf32, #tpu.memory_space<vmem_shared>>) attributes {dimension_semantics = [#tpu.dimension_semantics<core_parallel>, #tpu.dimension_semantics<subcore_parallel>], iteration_bounds = array<i64: 2, 16>, scalar_prefetch = 0 : i64, scratch_operands = 4 : i64, tpu.core_type = #tpu.core_type<sc_vector_subcore>, window_params = [{transform_indices = #map}, {transform_indices = #map1}, {transform_indices = #map1}, {transform_indices = #map1}]} {
    "tpu.region"() ({
      %run_scoped3A = tpu.sem_alloc : memref<!tpu.dma_semaphore, #tpu.memory_space<semaphore_mem>>
      %dma_start3A = arith.constant 0 : i32
      %dma_start3A_45 = arith.constant 0 : i32
      %dma_start3A_46 = tpu.memref_slice %arg3[%arg1, %dma_start3A, %dma_start3A_45] : memref<16x79x128xi32, #tpu.memory_space<hbm>> -> memref<1x79x128xi32, #tpu.memory_space<hbm>>
      %dma_start3A_47 = tpu.memref_squeeze %dma_start3A_46 : memref<1x79x128xi32, #tpu.memory_space<hbm>> -> memref<79x128xi32, #tpu.memory_space<hbm>>
      %dma_start3A_48 = arith.constant 0 : i32
      %dma_start3A_49 = arith.constant 0 : i32
      %dma_start3A_50 = tpu.memref_slice %arg3[%arg1, %dma_start3A_48, %dma_start3A_49] : memref<16x79x128xi32, #tpu.memory_space<hbm>> -> memref<1x79x128xi32, #tpu.memory_space<hbm>>
      %dma_start3A_51 = tpu.memref_squeeze %dma_start3A_50 : memref<1x79x128xi32, #tpu.memory_space<hbm>> -> memref<79x128xi32, #tpu.memory_space<hbm>>
      tpu.enqueue_dma source(%dma_start3A_51 : memref<79x128xi32, #tpu.memory_space<hbm>>) target(%arg6 : memref<79x128xi32, #tpu.memory_space<vmem>>) target_semaphore(%run_scoped3A : memref<!tpu.dma_semaphore, #tpu.memory_space<semaphore_mem>>)
      %dma_wait3A = arith.constant 0 : i32
      %dma_wait3A_52 = arith.constant 0 : i32
      %dma_wait3A_53 = tpu.memref_slice %arg3[%arg1, %dma_wait3A, %dma_wait3A_52] : memref<16x79x128xi32, #tpu.memory_space<hbm>> -> memref<1x79x128xi32, #tpu.memory_space<hbm>>
      %dma_wait3A_54 = tpu.memref_squeeze %dma_wait3A_53 : memref<1x79x128xi32, #tpu.memory_space<hbm>> -> memref<79x128xi32, #tpu.memory_space<hbm>>
      %dma_wait3A_55 = arith.constant 0 : i32
      %dma_wait3A_56 = arith.constant 0 : i32
      %dma_wait3A_57 = tpu.memref_slice %arg3[%arg1, %dma_wait3A_55, %dma_wait3A_56] : memref<16x79x128xi32, #tpu.memory_space<hbm>> -> memref<1x79x128xi32, #tpu.memory_space<hbm>>
      %dma_wait3A_58 = tpu.memref_squeeze %dma_wait3A_57 : memref<1x79x128xi32, #tpu.memory_space<hbm>> -> memref<79x128xi32, #tpu.memory_space<hbm>>
      tpu.wait_dma2 semaphore(%run_scoped3A : memref<!tpu.dma_semaphore, #tpu.memory_space<semaphore_mem>>) src(%dma_wait3A_58 : memref<79x128xi32, #tpu.memory_space<hbm>>) dst(%arg6 : memref<79x128xi32, #tpu.memory_space<vmem>>)
      tpu.yield
    }) : () -> ()
    "tpu.region"() ({
      %run_scoped3A = tpu.sem_alloc : memref<!tpu.dma_semaphore, #tpu.memory_space<semaphore_mem>>
      %dma_start3A = arith.constant 0 : i32
      %dma_start3A_45 = arith.constant 0 : i32
      %dma_start3A_46 = tpu.memref_slice %arg4[%arg1, %dma_start3A, %dma_start3A_45] : memref<16x79x128xi32, #tpu.memory_space<hbm>> -> memref<1x79x128xi32, #tpu.memory_space<hbm>>
      %dma_start3A_47 = tpu.memref_squeeze %dma_start3A_46 : memref<1x79x128xi32, #tpu.memory_space<hbm>> -> memref<79x128xi32, #tpu.memory_space<hbm>>
      %dma_start3A_48 = arith.constant 0 : i32
      %dma_start3A_49 = arith.constant 0 : i32
      %dma_start3A_50 = tpu.memref_slice %arg4[%arg1, %dma_start3A_48, %dma_start3A_49] : memref<16x79x128xi32, #tpu.memory_space<hbm>> -> memref<1x79x128xi32, #tpu.memory_space<hbm>>
      %dma_start3A_51 = tpu.memref_squeeze %dma_start3A_50 : memref<1x79x128xi32, #tpu.memory_space<hbm>> -> memref<79x128xi32, #tpu.memory_space<hbm>>
      tpu.enqueue_dma source(%dma_start3A_51 : memref<79x128xi32, #tpu.memory_space<hbm>>) target(%arg7 : memref<79x128xi32, #tpu.memory_space<vmem>>) target_semaphore(%run_scoped3A : memref<!tpu.dma_semaphore, #tpu.memory_space<semaphore_mem>>)
      %dma_wait3A = arith.constant 0 : i32
      %dma_wait3A_52 = arith.constant 0 : i32
      %dma_wait3A_53 = tpu.memref_slice %arg4[%arg1, %dma_wait3A, %dma_wait3A_52] : memref<16x79x128xi32, #tpu.memory_space<hbm>> -> memref<1x79x128xi32, #tpu.memory_space<hbm>>
      %dma_wait3A_54 = tpu.memref_squeeze %dma_wait3A_53 : memref<1x79x128xi32, #tpu.memory_space<hbm>> -> memref<79x128xi32, #tpu.memory_space<hbm>>
      %dma_wait3A_55 = arith.constant 0 : i32
      %dma_wait3A_56 = arith.constant 0 : i32
      %dma_wait3A_57 = tpu.memref_slice %arg4[%arg1, %dma_wait3A_55, %dma_wait3A_56] : memref<16x79x128xi32, #tpu.memory_space<hbm>> -> memref<1x79x128xi32, #tpu.memory_space<hbm>>
      %dma_wait3A_58 = tpu.memref_squeeze %dma_wait3A_57 : memref<1x79x128xi32, #tpu.memory_space<hbm>> -> memref<79x128xi32, #tpu.memory_space<hbm>>
      tpu.wait_dma2 semaphore(%run_scoped3A : memref<!tpu.dma_semaphore, #tpu.memory_space<semaphore_mem>>) src(%dma_wait3A_58 : memref<79x128xi32, #tpu.memory_space<hbm>>) dst(%arg7 : memref<79x128xi32, #tpu.memory_space<vmem>>)
      tpu.yield
    }) : () -> ()
    %mul3A = arith.constant 10240 : i32
    %mul3A_0 = arith.muli %arg0, %mul3A : i32
    %scan3A = arith.constant 0 : i32
    %scan3A_1 = arith.constant 0 : i32
    %scan3A_2 = arith.constant 632 : i32
    %scan3A_3 = arith.addi %scan3A_1, %scan3A_2 : i32
    %scan3A_4 = arith.constant 1 : i32
    %scan3A_5 = scf.for %scan3A_45 = %scan3A_1 to %scan3A_3 step %scan3A_4 iter_args(%scan3A_46 = %scan3A) -> (i32)  : i32 {
      %jit3A = arith.constant 8 : i32
      %div3A = arith.divsi %scan3A_45, %jit3A : i32
      %sign3A = arith.constant 0 : i32
      %sign3A_47 = arith.cmpi sgt, %scan3A_45, %sign3A : i32
      %sign3A_48 = arith.extui %sign3A_47 : i1 to i32
      %sign3A_49 = arith.constant 0 : i32
      %sign3A_50 = arith.cmpi slt, %scan3A_45, %sign3A_49 : i32
      %sign3A_51 = arith.extui %sign3A_50 : i1 to i32
      %sign3A_52 = arith.subi %sign3A_48, %sign3A_51 : i32
      %sign3A_53 = arith.constant 0 : i32
      %sign3A_54 = arith.cmpi sgt, %jit3A, %sign3A_53 : i32
      %sign3A_55 = arith.extui %sign3A_54 : i1 to i32
      %sign3A_56 = arith.constant 0 : i32
      %sign3A_57 = arith.cmpi slt, %jit3A, %sign3A_56 : i32
      %sign3A_58 = arith.extui %sign3A_57 : i1 to i32
      %sign3A_59 = arith.subi %sign3A_55, %sign3A_58 : i32
      %ne3A = arith.cmpi ne, %sign3A_52, %sign3A_59 : i32
      %rem3A = arith.remsi %scan3A_45, %jit3A : i32
      %ne3A_60 = arith.constant 0 : i32
      %ne3A_61 = arith.cmpi ne, %rem3A, %ne3A_60 : i32
      %and3A = arith.andi %ne3A, %ne3A_61 : i1
      %sub3A = arith.constant 1 : i32
      %sub3A_62 = arith.subi %div3A, %sub3A : i32
      %select_n3A = arith.select %and3A, %sub3A_62, %div3A : i32
      %jit3A_63 = arith.constant 8 : i32
      %eq3A = arith.constant 0 : i32
      %eq3A_64 = arith.cmpi eq, %jit3A_63, %eq3A : i32
      %jit3A_65 = arith.constant 1 : i32
      %select_n3A_66 = arith.select %eq3A_64, %jit3A_65, %jit3A_63 : i32
      %rem3A_67 = arith.remsi %scan3A_45, %select_n3A_66 : i32
      %ne3A_68 = arith.constant 0 : i32
      %ne3A_69 = arith.cmpi ne, %rem3A_67, %ne3A_68 : i32
      %lt3A = arith.constant 0 : i32
      %lt3A_70 = arith.cmpi slt, %rem3A_67, %lt3A : i32
      %lt3A_71 = arith.constant 0 : i32
      %lt3A_72 = arith.cmpi slt, %select_n3A_66, %lt3A_71 : i32
      %ne3A_73 = arith.xori %lt3A_70, %lt3A_72 : i1
      %and3A_74 = arith.andi %ne3A_73, %ne3A_69 : i1
      %add3A_75 = arith.addi %rem3A_67, %select_n3A_66 : i32
      %select_n3A_76 = arith.select %and3A_74, %add3A_75, %rem3A_67 : i32
      %mul3A_77 = arith.constant 16 : i32
      %mul3A_78 = arith.muli %select_n3A_76, %mul3A_77 : i32
      %get3A = arith.index_cast %select_n3A : i32 to index
      %get3A_79 = arith.index_cast %mul3A_78 : i32 to index
      %get3A_80 = tpu.vector_load %arg6[%get3A, %get3A_79] {strides = array<i32>} : memref<79x128xi32, #tpu.memory_space<vmem>>, vector<16xi32>,
      %add3A_81 = vector.broadcast %mul3A_0 : i32 to vector<16xi32>
      %add3A_82 = arith.addi %get3A_80, %add3A_81 : vector<16xi32>
      %mul3A_83 = arith.constant 16 : i32
      %mul3A_84 = arith.muli %select_n3A_76, %mul3A_83 : i32
      %swap3A = arith.index_cast %select_n3A : i32 to index
      %swap3A_85 = arith.index_cast %mul3A_84 : i32 to index
      %swap3A_86 = tpu.vector_load %arg6[%swap3A, %swap3A_85] {strides = array<i32>} : memref<79x128xi32, #tpu.memory_space<vmem>>, vector<16xi32>,
      tpu.vector_store %arg6[%swap3A, %swap3A_85], %add3A_82 {strides = array<i32>} : memref<79x128xi32, #tpu.memory_space<vmem>>, vector<16xi32>,
      %scan3A_87 = arith.constant 0 : i32
      scf.yield %scan3A_87 : i32
    }
    %scan3A_6 = arith.constant 632 : i32
    %scan3A_7 = arith.constant 0 : i32
    %scan3A_8 = arith.constant 0 : i32
    %scan3A_9 = arith.constant 1024 : i32
    %scan3A_10 = arith.addi %scan3A_8, %scan3A_9 : i32
    %scan3A_11 = arith.constant 1 : i32
    %scan3A_12 = scf.for %scan3A_45 = %scan3A_8 to %scan3A_10 step %scan3A_11 iter_args(%scan3A_46 = %scan3A_7) -> (i32)  : i32 {
      %broadcast_in_dim3A = arith.constant 0.000000e+00 : f32
      %broadcast_in_dim3A_47 = vector.broadcast %broadcast_in_dim3A : f32 to vector<16xf32>
      %jit3A = arith.constant 8 : i32
      %div3A = arith.divsi %scan3A_45, %jit3A : i32
      %sign3A = arith.constant 0 : i32
      %sign3A_48 = arith.cmpi sgt, %scan3A_45, %sign3A : i32
      %sign3A_49 = arith.extui %sign3A_48 : i1 to i32
      %sign3A_50 = arith.constant 0 : i32
      %sign3A_51 = arith.cmpi slt, %scan3A_45, %sign3A_50 : i32
      %sign3A_52 = arith.extui %sign3A_51 : i1 to i32
      %sign3A_53 = arith.subi %sign3A_49, %sign3A_52 : i32
      %sign3A_54 = arith.constant 0 : i32
      %sign3A_55 = arith.cmpi sgt, %jit3A, %sign3A_54 : i32
      %sign3A_56 = arith.extui %sign3A_55 : i1 to i32
      %sign3A_57 = arith.constant 0 : i32
      %sign3A_58 = arith.cmpi slt, %jit3A, %sign3A_57 : i32
      %sign3A_59 = arith.extui %sign3A_58 : i1 to i32
      %sign3A_60 = arith.subi %sign3A_56, %sign3A_59 : i32
      %ne3A = arith.cmpi ne, %sign3A_53, %sign3A_60 : i32
      %rem3A = arith.remsi %scan3A_45, %jit3A : i32
      %ne3A_61 = arith.constant 0 : i32
      %ne3A_62 = arith.cmpi ne, %rem3A, %ne3A_61 : i32
      %and3A = arith.andi %ne3A, %ne3A_62 : i1
      %sub3A = arith.constant 1 : i32
      %sub3A_63 = arith.subi %div3A, %sub3A : i32
      %select_n3A = arith.select %and3A, %sub3A_63, %div3A : i32
      %jit3A_64 = arith.constant 8 : i32
      %eq3A = arith.constant 0 : i32
      %eq3A_65 = arith.cmpi eq, %jit3A_64, %eq3A : i32
      %jit3A_66 = arith.constant 1 : i32
      %select_n3A_67 = arith.select %eq3A_65, %jit3A_66, %jit3A_64 : i32
      %rem3A_68 = arith.remsi %scan3A_45, %select_n3A_67 : i32
      %ne3A_69 = arith.constant 0 : i32
      %ne3A_70 = arith.cmpi ne, %rem3A_68, %ne3A_69 : i32
      %lt3A = arith.constant 0 : i32
      %lt3A_71 = arith.cmpi slt, %rem3A_68, %lt3A : i32
      %lt3A_72 = arith.constant 0 : i32
      %lt3A_73 = arith.cmpi slt, %select_n3A_67, %lt3A_72 : i32
      %ne3A_74 = arith.xori %lt3A_71, %lt3A_73 : i1
      %and3A_75 = arith.andi %ne3A_74, %ne3A_70 : i1
      %add3A_76 = arith.addi %rem3A_68, %select_n3A_67 : i32
      %select_n3A_77 = arith.select %and3A_75, %add3A_76, %rem3A_68 : i32
      %mul3A_78 = arith.constant 16 : i32
      %mul3A_79 = arith.muli %select_n3A_77, %mul3A_78 : i32
      %swap3A = arith.index_cast %select_n3A : i32 to index
      %swap3A_80 = arith.index_cast %mul3A_79 : i32 to index
      %swap3A_81 = tpu.vector_load %arg8[%swap3A, %swap3A_80] {strides = array<i32>} : memref<128x128xf32, #tpu.memory_space<vmem>>, vector<16xf32>,
      tpu.vector_store %arg8[%swap3A, %swap3A_80], %broadcast_in_dim3A_47 {strides = array<i32>} : memref<128x128xf32, #tpu.memory_space<vmem>>, vector<16xf32>,
      %scan3A_82 = arith.constant 0 : i32
      scf.yield %scan3A_82 : i32
    }
    %scan3A_13 = arith.constant 1024 : i32
    %mul3A_14 = arith.constant 640 : i32
    %mul3A_15 = arith.muli %arg1, %mul3A_14 : i32
    %add3A = arith.constant 0 : i32
    %add3A_16 = arith.addi %mul3A_15, %add3A : i32
    "tpu.region"() ({
      %run_scoped3A = tpu.sem_alloc : memref<!tpu.dma_semaphore, #tpu.memory_space<semaphore_mem>>
      %dma_start3A = arith.constant 0 : i32
      %dma_start3A_45 = tpu.memref_slice %arg9[%add3A_16, %dma_start3A] : memref<10240x128xf32, #tpu.memory_space<vmem_shared>> -> memref<128x128xf32, #tpu.memory_space<vmem_shared>>
      %dma_start3A_46 = arith.constant 0 : i32
      %dma_start3A_47 = tpu.memref_slice %arg9[%add3A_16, %dma_start3A_46] : memref<10240x128xf32, #tpu.memory_space<vmem_shared>> -> memref<128x128xf32, #tpu.memory_space<vmem_shared>>
      tpu.enqueue_dma source(%arg8 : memref<128x128xf32, #tpu.memory_space<vmem>>) target(%dma_start3A_47 : memref<128x128xf32, #tpu.memory_space<vmem_shared>>) target_semaphore(%run_scoped3A : memref<!tpu.dma_semaphore, #tpu.memory_space<semaphore_mem>>)
      %dma_wait3A = arith.constant 0 : i32
      %dma_wait3A_48 = tpu.memref_slice %arg9[%add3A_16, %dma_wait3A] : memref<10240x128xf32, #tpu.memory_space<vmem_shared>> -> memref<128x128xf32, #tpu.memory_space<vmem_shared>>
      %dma_wait3A_49 = arith.constant 0 : i32
      %dma_wait3A_50 = tpu.memref_slice %arg9[%add3A_16, %dma_wait3A_49] : memref<10240x128xf32, #tpu.memory_space<vmem_shared>> -> memref<128x128xf32, #tpu.memory_space<vmem_shared>>
      tpu.wait_dma2 semaphore(%run_scoped3A : memref<!tpu.dma_semaphore, #tpu.memory_space<semaphore_mem>>) src(%arg8 : memref<128x128xf32, #tpu.memory_space<vmem>>) dst(%dma_wait3A_50 : memref<128x128xf32, #tpu.memory_space<vmem_shared>>)
      tpu.yield
    }) : () -> ()
    %mul3A_17 = arith.constant 640 : i32
    %mul3A_18 = arith.muli %arg1, %mul3A_17 : i32
    %add3A_19 = arith.constant 128 : i32
    %add3A_20 = arith.addi %mul3A_18, %add3A_19 : i32
    "tpu.region"() ({
      %run_scoped3A = tpu.sem_alloc : memref<!tpu.dma_semaphore, #tpu.memory_space<semaphore_mem>>
      %dma_start3A = arith.constant 0 : i32
      %dma_start3A_45 = tpu.memref_slice %arg9[%add3A_20, %dma_start3A] : memref<10240x128xf32, #tpu.memory_space<vmem_shared>> -> memref<128x128xf32, #tpu.memory_space<vmem_shared>>
      %dma_start3A_46 = arith.constant 0 : i32
      %dma_start3A_47 = tpu.memref_slice %arg9[%add3A_20, %dma_start3A_46] : memref<10240x128xf32, #tpu.memory_space<vmem_shared>> -> memref<128x128xf32, #tpu.memory_space<vmem_shared>>
      tpu.enqueue_dma source(%arg8 : memref<128x128xf32, #tpu.memory_space<vmem>>) target(%dma_start3A_47 : memref<128x128xf32, #tpu.memory_space<vmem_shared>>) target_semaphore(%run_scoped3A : memref<!tpu.dma_semaphore, #tpu.memory_space<semaphore_mem>>)
      %dma_wait3A = arith.constant 0 : i32
      %dma_wait3A_48 = tpu.memref_slice %arg9[%add3A_20, %dma_wait3A] : memref<10240x128xf32, #tpu.memory_space<vmem_shared>> -> memref<128x128xf32, #tpu.memory_space<vmem_shared>>
      %dma_wait3A_49 = arith.constant 0 : i32
      %dma_wait3A_50 = tpu.memref_slice %arg9[%add3A_20, %dma_wait3A_49] : memref<10240x128xf32, #tpu.memory_space<vmem_shared>> -> memref<128x128xf32, #tpu.memory_space<vmem_shared>>
      tpu.wait_dma2 semaphore(%run_scoped3A : memref<!tpu.dma_semaphore, #tpu.memory_space<semaphore_mem>>) src(%arg8 : memref<128x128xf32, #tpu.memory_space<vmem>>) dst(%dma_wait3A_50 : memref<128x128xf32, #tpu.memory_space<vmem_shared>>)
      tpu.yield
    }) : () -> ()
    %mul3A_21 = arith.constant 640 : i32
    %mul3A_22 = arith.muli %arg1, %mul3A_21 : i32
    %add3A_23 = arith.constant 256 : i32
    %add3A_24 = arith.addi %mul3A_22, %add3A_23 : i32
    "tpu.region"() ({
      %run_scoped3A = tpu.sem_alloc : memref<!tpu.dma_semaphore, #tpu.memory_space<semaphore_mem>>
      %dma_start3A = arith.constant 0 : i32
      %dma_start3A_45 = tpu.memref_slice %arg9[%add3A_24, %dma_start3A] : memref<10240x128xf32, #tpu.memory_space<vmem_shared>> -> memref<128x128xf32, #tpu.memory_space<vmem_shared>>
      %dma_start3A_46 = arith.constant 0 : i32
      %dma_start3A_47 = tpu.memref_slice %arg9[%add3A_24, %dma_start3A_46] : memref<10240x128xf32, #tpu.memory_space<vmem_shared>> -> memref<128x128xf32, #tpu.memory_space<vmem_shared>>
      tpu.enqueue_dma source(%arg8 : memref<128x128xf32, #tpu.memory_space<vmem>>) target(%dma_start3A_47 : memref<128x128xf32, #tpu.memory_space<vmem_shared>>) target_semaphore(%run_scoped3A : memref<!tpu.dma_semaphore, #tpu.memory_space<semaphore_mem>>)
      %dma_wait3A = arith.constant 0 : i32
      %dma_wait3A_48 = tpu.memref_slice %arg9[%add3A_24, %dma_wait3A] : memref<10240x128xf32, #tpu.memory_space<vmem_shared>> -> memref<128x128xf32, #tpu.memory_space<vmem_shared>>
      %dma_wait3A_49 = arith.constant 0 : i32
      %dma_wait3A_50 = tpu.memref_slice %arg9[%add3A_24, %dma_wait3A_49] : memref<10240x128xf32, #tpu.memory_space<vmem_shared>> -> memref<128x128xf32, #tpu.memory_space<vmem_shared>>
      tpu.wait_dma2 semaphore(%run_scoped3A : memref<!tpu.dma_semaphore, #tpu.memory_space<semaphore_mem>>) src(%arg8 : memref<128x128xf32, #tpu.memory_space<vmem>>) dst(%dma_wait3A_50 : memref<128x128xf32, #tpu.memory_space<vmem_shared>>)
      tpu.yield
    }) : () -> ()
    %mul3A_25 = arith.constant 640 : i32
    %mul3A_26 = arith.muli %arg1, %mul3A_25 : i32
    %add3A_27 = arith.constant 384 : i32
    %add3A_28 = arith.addi %mul3A_26, %add3A_27 : i32
    "tpu.region"() ({
      %run_scoped3A = tpu.sem_alloc : memref<!tpu.dma_semaphore, #tpu.memory_space<semaphore_mem>>
      %dma_start3A = arith.constant 0 : i32
      %dma_start3A_45 = tpu.memref_slice %arg9[%add3A_28, %dma_start3A] : memref<10240x128xf32, #tpu.memory_space<vmem_shared>> -> memref<128x128xf32, #tpu.memory_space<vmem_shared>>
      %dma_start3A_46 = arith.constant 0 : i32
      %dma_start3A_47 = tpu.memref_slice %arg9[%add3A_28, %dma_start3A_46] : memref<10240x128xf32, #tpu.memory_space<vmem_shared>> -> memref<128x128xf32, #tpu.memory_space<vmem_shared>>
      tpu.enqueue_dma source(%arg8 : memref<128x128xf32, #tpu.memory_space<vmem>>) target(%dma_start3A_47 : memref<128x128xf32, #tpu.memory_space<vmem_shared>>) target_semaphore(%run_scoped3A : memref<!tpu.dma_semaphore, #tpu.memory_space<semaphore_mem>>)
      %dma_wait3A = arith.constant 0 : i32
      %dma_wait3A_48 = tpu.memref_slice %arg9[%add3A_28, %dma_wait3A] : memref<10240x128xf32, #tpu.memory_space<vmem_shared>> -> memref<128x128xf32, #tpu.memory_space<vmem_shared>>
      %dma_wait3A_49 = arith.constant 0 : i32
      %dma_wait3A_50 = tpu.memref_slice %arg9[%add3A_28, %dma_wait3A_49] : memref<10240x128xf32, #tpu.memory_space<vmem_shared>> -> memref<128x128xf32, #tpu.memory_space<vmem_shared>>
      tpu.wait_dma2 semaphore(%run_scoped3A : memref<!tpu.dma_semaphore, #tpu.memory_space<semaphore_mem>>) src(%arg8 : memref<128x128xf32, #tpu.memory_space<vmem>>) dst(%dma_wait3A_50 : memref<128x128xf32, #tpu.memory_space<vmem_shared>>)
      tpu.yield
    }) : () -> ()
    %mul3A_29 = arith.constant 640 : i32
    %mul3A_30 = arith.muli %arg1, %mul3A_29 : i32
    %add3A_31 = arith.constant 512 : i32
    %add3A_32 = arith.addi %mul3A_30, %add3A_31 : i32
    "tpu.region"() ({
      %run_scoped3A = tpu.sem_alloc : memref<!tpu.dma_semaphore, #tpu.memory_space<semaphore_mem>>
      %dma_start3A = arith.constant 0 : i32
      %dma_start3A_45 = tpu.memref_slice %arg9[%add3A_32, %dma_start3A] : memref<10240x128xf32, #tpu.memory_space<vmem_shared>> -> memref<128x128xf32, #tpu.memory_space<vmem_shared>>
      %dma_start3A_46 = arith.constant 0 : i32
      %dma_start3A_47 = tpu.memref_slice %arg9[%add3A_32, %dma_start3A_46] : memref<10240x128xf32, #tpu.memory_space<vmem_shared>> -> memref<128x128xf32, #tpu.memory_space<vmem_shared>>
      tpu.enqueue_dma source(%arg8 : memref<128x128xf32, #tpu.memory_space<vmem>>) target(%dma_start3A_47 : memref<128x128xf32, #tpu.memory_space<vmem_shared>>) target_semaphore(%run_scoped3A : memref<!tpu.dma_semaphore, #tpu.memory_space<semaphore_mem>>)
      %dma_wait3A = arith.constant 0 : i32
      %dma_wait3A_48 = tpu.memref_slice %arg9[%add3A_32, %dma_wait3A] : memref<10240x128xf32, #tpu.memory_space<vmem_shared>> -> memref<128x128xf32, #tpu.memory_space<vmem_shared>>
      %dma_wait3A_49 = arith.constant 0 : i32
      %dma_wait3A_50 = tpu.memref_slice %arg9[%add3A_32, %dma_wait3A_49] : memref<10240x128xf32, #tpu.memory_space<vmem_shared>> -> memref<128x128xf32, #tpu.memory_space<vmem_shared>>
      tpu.wait_dma2 semaphore(%run_scoped3A : memref<!tpu.dma_semaphore, #tpu.memory_space<semaphore_mem>>) src(%arg8 : memref<128x128xf32, #tpu.memory_space<vmem>>) dst(%dma_wait3A_50 : memref<128x128xf32, #tpu.memory_space<vmem_shared>>)
      tpu.yield
    }) : () -> ()
    %barrier3A = arith.constant 0 : index
    tpu.barrier barrier_id(%barrier3A)
    %scan3A_33 = arith.constant 0 : i32
    %scan3A_34 = arith.constant 0 : i32
    %scan3A_35 = arith.constant 79 : i32
    %scan3A_36 = arith.addi %scan3A_34, %scan3A_35 : i32
    %scan3A_37 = arith.constant 1 : i32
    %scan3A_38 = scf.for %scan3A_45 = %scan3A_34 to %scan3A_36 step %scan3A_37 iter_args(%scan3A_46 = %scan3A_33) -> (i32)  : i32 {
      "tpu.region"() ({
        %run_scoped3A = tpu.sem_alloc : memref<!tpu.dma_semaphore, #tpu.memory_space<semaphore_mem>>
        %dma_start3A = arith.constant 0 : i32
        %dma_start3A_48 = tpu.memref_slice %arg6[%scan3A_45, %dma_start3A] : memref<79x128xi32, #tpu.memory_space<vmem>> -> memref<1x128xi32, #tpu.memory_space<vmem>>
        %dma_start3A_49 = tpu.memref_squeeze %dma_start3A_48 : memref<1x128xi32, #tpu.memory_space<vmem>> -> memref<128xi32, #tpu.memory_space<vmem>>
        %dma_start3A_50 = arith.constant 0 : i32
        %dma_start3A_51 = arith.constant 0 : i32
        %dma_start3A_52 = tpu.memref_slice %arg2[%dma_start3A_50, %dma_start3A_51] : memref<20480x128xf32, #tpu.memory_space<hbm>> -> memref<20480x128xf32, #tpu.memory_space<hbm>>
        tpu.enqueue_indirect_dma source(%dma_start3A_52 : memref<20480x128xf32, #tpu.memory_space<hbm>>) target(%arg8 : memref<128x128xf32, #tpu.memory_space<vmem>>) offsets(%dma_start3A_49 : memref<128xi32, #tpu.memory_space<vmem>>) semaphore(%run_scoped3A : memref<!tpu.dma_semaphore, #tpu.memory_space<semaphore_mem>>)
        %dma_wait3A = arith.constant 0 : i32
        %dma_wait3A_53 = tpu.memref_slice %arg6[%scan3A_45, %dma_wait3A] : memref<79x128xi32, #tpu.memory_space<vmem>> -> memref<1x128xi32, #tpu.memory_space<vmem>>
        %dma_wait3A_54 = tpu.memref_squeeze %dma_wait3A_53 : memref<1x128xi32, #tpu.memory_space<vmem>> -> memref<128xi32, #tpu.memory_space<vmem>>
        %dma_wait3A_55 = arith.constant 0 : i32
        %dma_wait3A_56 = arith.constant 0 : i32
        %dma_wait3A_57 = tpu.memref_slice %arg2[%dma_wait3A_55, %dma_wait3A_56] : memref<20480x128xf32, #tpu.memory_space<hbm>> -> memref<20480x128xf32, #tpu.memory_space<hbm>>
        tpu.wait_indirect_dma semaphore(%run_scoped3A : memref<!tpu.dma_semaphore, #tpu.memory_space<semaphore_mem>>) src(%dma_wait3A_57 : memref<20480x128xf32, #tpu.memory_space<hbm>>) dst(%arg8 : memref<128x128xf32, #tpu.memory_space<vmem>>)
        tpu.yield
      }) : () -> ()
      "tpu.region"() ({
        %run_scoped3A = tpu.sem_alloc : memref<!tpu.dma_semaphore, #tpu.memory_space<semaphore_mem>>
        %dma_start3A = arith.constant 0 : i32
        %dma_start3A_48 = tpu.memref_slice %arg7[%scan3A_45, %dma_start3A] : memref<79x128xi32, #tpu.memory_space<vmem>> -> memref<1x128xi32, #tpu.memory_space<vmem>>
        %dma_start3A_49 = tpu.memref_squeeze %dma_start3A_48 : memref<1x128xi32, #tpu.memory_space<vmem>> -> memref<128xi32, #tpu.memory_space<vmem>>
        %dma_start3A_50 = arith.constant 0 : i32
        %dma_start3A_51 = arith.constant 0 : i32
        %dma_start3A_52 = tpu.memref_slice %arg9[%dma_start3A_50, %dma_start3A_51] : memref<10240x128xf32, #tpu.memory_space<vmem_shared>> -> memref<10240x128xf32, #tpu.memory_space<vmem_shared>>
        tpu.enqueue_indirect_dma source(%arg8 : memref<128x128xf32, #tpu.memory_space<vmem>>) target(%dma_start3A_52 : memref<10240x128xf32, #tpu.memory_space<vmem_shared>>) offsets(%dma_start3A_49 : memref<128xi32, #tpu.memory_space<vmem>>) semaphore(%run_scoped3A : memref<!tpu.dma_semaphore, #tpu.memory_space<semaphore_mem>>) {add = true}
        %dma_wait3A = arith.constant 0 : i32
        %dma_wait3A_53 = tpu.memref_slice %arg7[%scan3A_45, %dma_wait3A] : memref<79x128xi32, #tpu.memory_space<vmem>> -> memref<1x128xi32, #tpu.memory_space<vmem>>
        %dma_wait3A_54 = tpu.memref_squeeze %dma_wait3A_53 : memref<1x128xi32, #tpu.memory_space<vmem>> -> memref<128xi32, #tpu.memory_space<vmem>>
        %dma_wait3A_55 = arith.constant 0 : i32
        %dma_wait3A_56 = arith.constant 0 : i32
        %dma_wait3A_57 = tpu.memref_slice %arg9[%dma_wait3A_55, %dma_wait3A_56] : memref<10240x128xf32, #tpu.memory_space<vmem_shared>> -> memref<10240x128xf32, #tpu.memory_space<vmem_shared>>
        tpu.wait_indirect_dma semaphore(%run_scoped3A : memref<!tpu.dma_semaphore, #tpu.memory_space<semaphore_mem>>) src(%arg8 : memref<128x128xf32, #tpu.memory_space<vmem>>) dst(%dma_wait3A_57 : memref<10240x128xf32, #tpu.memory_space<vmem_shared>>)
        tpu.yield
      }) : () -> ()
      %scan3A_47 = arith.constant 0 : i32
      scf.yield %scan3A_47 : i32
    }
    %scan3A_39 = arith.constant 79 : i32
    %barrier3A_40 = arith.constant 0 : index
    tpu.barrier barrier_id(%barrier3A_40)
    %mul3A_41 = arith.constant 640 : i32
    %mul3A_42 = arith.muli %arg1, %mul3A_41 : i32
    %mul3A_43 = arith.constant 640 : i32
    %mul3A_44 = arith.muli %arg1, %mul3A_43 : i32
    "tpu.region"() ({
      %run_scoped3A = tpu.sem_alloc : memref<!tpu.dma_semaphore, #tpu.memory_space<semaphore_mem>>
      %dma_start3A = arith.constant 0 : i32
      %dma_start3A_45 = tpu.memref_slice %arg5[%arg0, %mul3A_44, %dma_start3A] : memref<2x10240x128xf32, #tpu.memory_space<hbm>> -> memref<1x640x128xf32, #tpu.memory_space<hbm>>
      %dma_start3A_46 = tpu.memref_squeeze %dma_start3A_45 : memref<1x640x128xf32, #tpu.memory_space<hbm>> -> memref<640x128xf32, #tpu.memory_space<hbm>>
      %dma_start3A_47 = arith.constant 0 : i32
      %dma_start3A_48 = tpu.memref_slice %arg9[%mul3A_42, %dma_start3A_47] : memref<10240x128xf32, #tpu.memory_space<vmem_shared>> -> memref<640x128xf32, #tpu.memory_space<vmem_shared>>
      tpu.enqueue_dma source(%dma_start3A_48 : memref<640x128xf32, #tpu.memory_space<vmem_shared>>) target(%dma_start3A_46 : memref<640x128xf32, #tpu.memory_space<hbm>>) target_semaphore(%run_scoped3A : memref<!tpu.dma_semaphore, #tpu.memory_space<semaphore_mem>>)
      %dma_wait3A = arith.constant 0 : i32
      %dma_wait3A_49 = tpu.memref_slice %arg5[%arg0, %mul3A_44, %dma_wait3A] : memref<2x10240x128xf32, #tpu.memory_space<hbm>> -> memref<1x640x128xf32, #tpu.memory_space<hbm>>
      %dma_wait3A_50 = tpu.memref_squeeze %dma_wait3A_49 : memref<1x640x128xf32, #tpu.memory_space<hbm>> -> memref<640x128xf32, #tpu.memory_space<hbm>>
      %dma_wait3A_51 = arith.constant 0 : i32
      %dma_wait3A_52 = tpu.memref_slice %arg9[%mul3A_42, %dma_wait3A_51] : memref<10240x128xf32, #tpu.memory_space<vmem_shared>> -> memref<640x128xf32, #tpu.memory_space<vmem_shared>>
      tpu.wait_dma2 semaphore(%run_scoped3A : memref<!tpu.dma_semaphore, #tpu.memory_space<semaphore_mem>>) src(%dma_wait3A_52 : memref<640x128xf32, #tpu.memory_space<vmem_shared>>) dst(%dma_wait3A_50 : memref<640x128xf32, #tpu.memory_space<hbm>>)
      tpu.yield
    }) : () -> ()
    return
  }
}

#map = affine_map<(d0, d1) -> (0, 0)>
#map1 = affine_map<(d0, d1) -> (0, 0, 0)>
module attributes {stable_mosaic.version = 14 : i64} {
  func.func @_prop_body(%arg0: i32, %arg1: i32, %arg2: memref<20480x128xf32, #tpu.memory_space<hbm>>, %arg3: memref<16x79x128xi32, #tpu.memory_space<hbm>>, %arg4: memref<16x79x128xi32, #tpu.memory_space<hbm>>, %arg5: memref<2x10240x128xf32, #tpu.memory_space<hbm>>, %arg6: memref<79x128xi32, #tpu.memory_space<vmem>>, %arg7: memref<79x128xi32, #tpu.memory_space<vmem>>, %arg8: memref<128x128xf32, #tpu.memory_space<vmem>>, %arg9: memref<10240x128xf32, #tpu.memory_space<vmem_shared>>) attributes {dimension_semantics = [#tpu.dimension_semantics<core_parallel>, #tpu.dimension_semantics<subcore_parallel>], iteration_bounds = array<i64: 2, 16>, scalar_prefetch = 0 : i64, scratch_operands = 4 : i64, tpu.core_type = #tpu.core_type<sc_vector_subcore>, window_params = [{transform_indices = #map}, {transform_indices = #map1}, {transform_indices = #map1}, {transform_indices = #map1}]} {
    "tpu.region"() ({
      %run_scoped3A = tpu.sem_alloc : memref<!tpu.dma_semaphore, #tpu.memory_space<semaphore_mem>>
      %dma_start3A = arith.constant 0 : i32
      %dma_start3A_45 = arith.constant 0 : i32
      %dma_start3A_46 = tpu.memref_slice %arg3[%arg1, %dma_start3A, %dma_start3A_45] : memref<16x79x128xi32, #tpu.memory_space<hbm>> -> memref<1x79x128xi32, #tpu.memory_space<hbm>>
      %dma_start3A_47 = tpu.memref_squeeze %dma_start3A_46 : memref<1x79x128xi32, #tpu.memory_space<hbm>> -> memref<79x128xi32, #tpu.memory_space<hbm>>
      %dma_start3A_48 = arith.constant 0 : i32
      %dma_start3A_49 = arith.constant 0 : i32
      %dma_start3A_50 = tpu.memref_slice %arg3[%arg1, %dma_start3A_48, %dma_start3A_49] : memref<16x79x128xi32, #tpu.memory_space<hbm>> -> memref<1x79x128xi32, #tpu.memory_space<hbm>>
      %dma_start3A_51 = tpu.memref_squeeze %dma_start3A_50 : memref<1x79x128xi32, #tpu.memory_space<hbm>> -> memref<79x128xi32, #tpu.memory_space<hbm>>
      tpu.enqueue_dma source(%dma_start3A_51 : memref<79x128xi32, #tpu.memory_space<hbm>>) target(%arg6 : memref<79x128xi32, #tpu.memory_space<vmem>>) target_semaphore(%run_scoped3A : memref<!tpu.dma_semaphore, #tpu.memory_space<semaphore_mem>>)
      %dma_wait3A = arith.constant 0 : i32
      %dma_wait3A_52 = arith.constant 0 : i32
      %dma_wait3A_53 = tpu.memref_slice %arg3[%arg1, %dma_wait3A, %dma_wait3A_52] : memref<16x79x128xi32, #tpu.memory_space<hbm>> -> memref<1x79x128xi32, #tpu.memory_space<hbm>>
      %dma_wait3A_54 = tpu.memref_squeeze %dma_wait3A_53 : memref<1x79x128xi32, #tpu.memory_space<hbm>> -> memref<79x128xi32, #tpu.memory_space<hbm>>
      %dma_wait3A_55 = arith.constant 0 : i32
      %dma_wait3A_56 = arith.constant 0 : i32
      %dma_wait3A_57 = tpu.memref_slice %arg3[%arg1, %dma_wait3A_55, %dma_wait3A_56] : memref<16x79x128xi32, #tpu.memory_space<hbm>> -> memref<1x79x128xi32, #tpu.memory_space<hbm>>
      %dma_wait3A_58 = tpu.memref_squeeze %dma_wait3A_57 : memref<1x79x128xi32, #tpu.memory_space<hbm>> -> memref<79x128xi32, #tpu.memory_space<hbm>>
      tpu.wait_dma2 semaphore(%run_scoped3A : memref<!tpu.dma_semaphore, #tpu.memory_space<semaphore_mem>>) src(%dma_wait3A_58 : memref<79x128xi32, #tpu.memory_space<hbm>>) dst(%arg6 : memref<79x128xi32, #tpu.memory_space<vmem>>)
      tpu.yield
    }) : () -> ()
    "tpu.region"() ({
      %run_scoped3A = tpu.sem_alloc : memref<!tpu.dma_semaphore, #tpu.memory_space<semaphore_mem>>
      %dma_start3A = arith.constant 0 : i32
      %dma_start3A_45 = arith.constant 0 : i32
      %dma_start3A_46 = tpu.memref_slice %arg4[%arg1, %dma_start3A, %dma_start3A_45] : memref<16x79x128xi32, #tpu.memory_space<hbm>> -> memref<1x79x128xi32, #tpu.memory_space<hbm>>
      %dma_start3A_47 = tpu.memref_squeeze %dma_start3A_46 : memref<1x79x128xi32, #tpu.memory_space<hbm>> -> memref<79x128xi32, #tpu.memory_space<hbm>>
      %dma_start3A_48 = arith.constant 0 : i32
      %dma_start3A_49 = arith.constant 0 : i32
      %dma_start3A_50 = tpu.memref_slice %arg4[%arg1, %dma_start3A_48, %dma_start3A_49] : memref<16x79x128xi32, #tpu.memory_space<hbm>> -> memref<1x79x128xi32, #tpu.memory_space<hbm>>
      %dma_start3A_51 = tpu.memref_squeeze %dma_start3A_50 : memref<1x79x128xi32, #tpu.memory_space<hbm>> -> memref<79x128xi32, #tpu.memory_space<hbm>>
      tpu.enqueue_dma source(%dma_start3A_51 : memref<79x128xi32, #tpu.memory_space<hbm>>) target(%arg7 : memref<79x128xi32, #tpu.memory_space<vmem>>) target_semaphore(%run_scoped3A : memref<!tpu.dma_semaphore, #tpu.memory_space<semaphore_mem>>)
      %dma_wait3A = arith.constant 0 : i32
      %dma_wait3A_52 = arith.constant 0 : i32
      %dma_wait3A_53 = tpu.memref_slice %arg4[%arg1, %dma_wait3A, %dma_wait3A_52] : memref<16x79x128xi32, #tpu.memory_space<hbm>> -> memref<1x79x128xi32, #tpu.memory_space<hbm>>
      %dma_wait3A_54 = tpu.memref_squeeze %dma_wait3A_53 : memref<1x79x128xi32, #tpu.memory_space<hbm>> -> memref<79x128xi32, #tpu.memory_space<hbm>>
      %dma_wait3A_55 = arith.constant 0 : i32
      %dma_wait3A_56 = arith.constant 0 : i32
      %dma_wait3A_57 = tpu.memref_slice %arg4[%arg1, %dma_wait3A_55, %dma_wait3A_56] : memref<16x79x128xi32, #tpu.memory_space<hbm>> -> memref<1x79x128xi32, #tpu.memory_space<hbm>>
      %dma_wait3A_58 = tpu.memref_squeeze %dma_wait3A_57 : memref<1x79x128xi32, #tpu.memory_space<hbm>> -> memref<79x128xi32, #tpu.memory_space<hbm>>
      tpu.wait_dma2 semaphore(%run_scoped3A : memref<!tpu.dma_semaphore, #tpu.memory_space<semaphore_mem>>) src(%dma_wait3A_58 : memref<79x128xi32, #tpu.memory_space<hbm>>) dst(%arg7 : memref<79x128xi32, #tpu.memory_space<vmem>>)
      tpu.yield
    }) : () -> ()
    %mul3A = arith.constant 10240 : i32
    %mul3A_0 = arith.muli %arg0, %mul3A : i32
    %scan3A = arith.constant 0 : i32
    %scan3A_1 = arith.constant 0 : i32
    %scan3A_2 = arith.constant 632 : i32
    %scan3A_3 = arith.addi %scan3A_1, %scan3A_2 : i32
    %scan3A_4 = arith.constant 1 : i32
    %scan3A_5 = scf.for %scan3A_45 = %scan3A_1 to %scan3A_3 step %scan3A_4 iter_args(%scan3A_46 = %scan3A) -> (i32)  : i32 {
      %jit3A = arith.constant 8 : i32
      %div3A = arith.divsi %scan3A_45, %jit3A : i32
      %sign3A = arith.constant 0 : i32
      %sign3A_47 = arith.cmpi sgt, %scan3A_45, %sign3A : i32
      %sign3A_48 = arith.extui %sign3A_47 : i1 to i32
      %sign3A_49 = arith.constant 0 : i32
      %sign3A_50 = arith.cmpi slt, %scan3A_45, %sign3A_49 : i32
      %sign3A_51 = arith.extui %sign3A_50 : i1 to i32
      %sign3A_52 = arith.subi %sign3A_48, %sign3A_51 : i32
      %sign3A_53 = arith.constant 0 : i32
      %sign3A_54 = arith.cmpi sgt, %jit3A, %sign3A_53 : i32
      %sign3A_55 = arith.extui %sign3A_54 : i1 to i32
      %sign3A_56 = arith.constant 0 : i32
      %sign3A_57 = arith.cmpi slt, %jit3A, %sign3A_56 : i32
      %sign3A_58 = arith.extui %sign3A_57 : i1 to i32
      %sign3A_59 = arith.subi %sign3A_55, %sign3A_58 : i32
      %ne3A = arith.cmpi ne, %sign3A_52, %sign3A_59 : i32
      %rem3A = arith.remsi %scan3A_45, %jit3A : i32
      %ne3A_60 = arith.constant 0 : i32
      %ne3A_61 = arith.cmpi ne, %rem3A, %ne3A_60 : i32
      %and3A = arith.andi %ne3A, %ne3A_61 : i1
      %sub3A = arith.constant 1 : i32
      %sub3A_62 = arith.subi %div3A, %sub3A : i32
      %select_n3A = arith.select %and3A, %sub3A_62, %div3A : i32
      %jit3A_63 = arith.constant 8 : i32
      %eq3A = arith.constant 0 : i32
      %eq3A_64 = arith.cmpi eq, %jit3A_63, %eq3A : i32
      %jit3A_65 = arith.constant 1 : i32
      %select_n3A_66 = arith.select %eq3A_64, %jit3A_65, %jit3A_63 : i32
      %rem3A_67 = arith.remsi %scan3A_45, %select_n3A_66 : i32
      %ne3A_68 = arith.constant 0 : i32
      %ne3A_69 = arith.cmpi ne, %rem3A_67, %ne3A_68 : i32
      %lt3A = arith.constant 0 : i32
      %lt3A_70 = arith.cmpi slt, %rem3A_67, %lt3A : i32
      %lt3A_71 = arith.constant 0 : i32
      %lt3A_72 = arith.cmpi slt, %select_n3A_66, %lt3A_71 : i32
      %ne3A_73 = arith.xori %lt3A_70, %lt3A_72 : i1
      %and3A_74 = arith.andi %ne3A_73, %ne3A_69 : i1
      %add3A_75 = arith.addi %rem3A_67, %select_n3A_66 : i32
      %select_n3A_76 = arith.select %and3A_74, %add3A_75, %rem3A_67 : i32
      %mul3A_77 = arith.constant 16 : i32
      %mul3A_78 = arith.muli %select_n3A_76, %mul3A_77 : i32
      %get3A = arith.index_cast %select_n3A : i32 to index
      %get3A_79 = arith.index_cast %mul3A_78 : i32 to index
      %get3A_80 = tpu.vector_load %arg6[%get3A, %get3A_79] {strides = array<i32>} : memref<79x128xi32, #tpu.memory_space<vmem>>, vector<16xi32>,
      %add3A_81 = vector.broadcast %mul3A_0 : i32 to vector<16xi32>
      %add3A_82 = arith.addi %get3A_80, %add3A_81 : vector<16xi32>
      %mul3A_83 = arith.constant 16 : i32
      %mul3A_84 = arith.muli %select_n3A_76, %mul3A_83 : i32
      %swap3A = arith.index_cast %select_n3A : i32 to index
      %swap3A_85 = arith.index_cast %mul3A_84 : i32 to index
      %swap3A_86 = tpu.vector_load %arg6[%swap3A, %swap3A_85] {strides = array<i32>} : memref<79x128xi32, #tpu.memory_space<vmem>>, vector<16xi32>,
      tpu.vector_store %arg6[%swap3A, %swap3A_85], %add3A_82 {strides = array<i32>} : memref<79x128xi32, #tpu.memory_space<vmem>>, vector<16xi32>,
      %scan3A_87 = arith.constant 0 : i32
      scf.yield %scan3A_87 : i32
    }
    %scan3A_6 = arith.constant 632 : i32
    %scan3A_7 = arith.constant 0 : i32
    %scan3A_8 = arith.constant 0 : i32
    %scan3A_9 = arith.constant 1024 : i32
    %scan3A_10 = arith.addi %scan3A_8, %scan3A_9 : i32
    %scan3A_11 = arith.constant 1 : i32
    %scan3A_12 = scf.for %scan3A_45 = %scan3A_8 to %scan3A_10 step %scan3A_11 iter_args(%scan3A_46 = %scan3A_7) -> (i32)  : i32 {
      %broadcast_in_dim3A = arith.constant 0.000000e+00 : f32
      %broadcast_in_dim3A_47 = vector.broadcast %broadcast_in_dim3A : f32 to vector<16xf32>
      %jit3A = arith.constant 8 : i32
      %div3A = arith.divsi %scan3A_45, %jit3A : i32
      %sign3A = arith.constant 0 : i32
      %sign3A_48 = arith.cmpi sgt, %scan3A_45, %sign3A : i32
      %sign3A_49 = arith.extui %sign3A_48 : i1 to i32
      %sign3A_50 = arith.constant 0 : i32
      %sign3A_51 = arith.cmpi slt, %scan3A_45, %sign3A_50 : i32
      %sign3A_52 = arith.extui %sign3A_51 : i1 to i32
      %sign3A_53 = arith.subi %sign3A_49, %sign3A_52 : i32
      %sign3A_54 = arith.constant 0 : i32
      %sign3A_55 = arith.cmpi sgt, %jit3A, %sign3A_54 : i32
      %sign3A_56 = arith.extui %sign3A_55 : i1 to i32
      %sign3A_57 = arith.constant 0 : i32
      %sign3A_58 = arith.cmpi slt, %jit3A, %sign3A_57 : i32
      %sign3A_59 = arith.extui %sign3A_58 : i1 to i32
      %sign3A_60 = arith.subi %sign3A_56, %sign3A_59 : i32
      %ne3A = arith.cmpi ne, %sign3A_53, %sign3A_60 : i32
      %rem3A = arith.remsi %scan3A_45, %jit3A : i32
      %ne3A_61 = arith.constant 0 : i32
      %ne3A_62 = arith.cmpi ne, %rem3A, %ne3A_61 : i32
      %and3A = arith.andi %ne3A, %ne3A_62 : i1
      %sub3A = arith.constant 1 : i32
      %sub3A_63 = arith.subi %div3A, %sub3A : i32
      %select_n3A = arith.select %and3A, %sub3A_63, %div3A : i32
      %jit3A_64 = arith.constant 8 : i32
      %eq3A = arith.constant 0 : i32
      %eq3A_65 = arith.cmpi eq, %jit3A_64, %eq3A : i32
      %jit3A_66 = arith.constant 1 : i32
      %select_n3A_67 = arith.select %eq3A_65, %jit3A_66, %jit3A_64 : i32
      %rem3A_68 = arith.remsi %scan3A_45, %select_n3A_67 : i32
      %ne3A_69 = arith.constant 0 : i32
      %ne3A_70 = arith.cmpi ne, %rem3A_68, %ne3A_69 : i32
      %lt3A = arith.constant 0 : i32
      %lt3A_71 = arith.cmpi slt, %rem3A_68, %lt3A : i32
      %lt3A_72 = arith.constant 0 : i32
      %lt3A_73 = arith.cmpi slt, %select_n3A_67, %lt3A_72 : i32
      %ne3A_74 = arith.xori %lt3A_71, %lt3A_73 : i1
      %and3A_75 = arith.andi %ne3A_74, %ne3A_70 : i1
      %add3A_76 = arith.addi %rem3A_68, %select_n3A_67 : i32
      %select_n3A_77 = arith.select %and3A_75, %add3A_76, %rem3A_68 : i32
      %mul3A_78 = arith.constant 16 : i32
      %mul3A_79 = arith.muli %select_n3A_77, %mul3A_78 : i32
      %swap3A = arith.index_cast %select_n3A : i32 to index
      %swap3A_80 = arith.index_cast %mul3A_79 : i32 to index
      %swap3A_81 = tpu.vector_load %arg8[%swap3A, %swap3A_80] {strides = array<i32>} : memref<128x128xf32, #tpu.memory_space<vmem>>, vector<16xf32>,
      tpu.vector_store %arg8[%swap3A, %swap3A_80], %broadcast_in_dim3A_47 {strides = array<i32>} : memref<128x128xf32, #tpu.memory_space<vmem>>, vector<16xf32>,
      %scan3A_82 = arith.constant 0 : i32
      scf.yield %scan3A_82 : i32
    }
    %scan3A_13 = arith.constant 1024 : i32
    %mul3A_14 = arith.constant 640 : i32
    %mul3A_15 = arith.muli %arg1, %mul3A_14 : i32
    %add3A = arith.constant 0 : i32
    %add3A_16 = arith.addi %mul3A_15, %add3A : i32
    "tpu.region"() ({
      %run_scoped3A = tpu.sem_alloc : memref<!tpu.dma_semaphore, #tpu.memory_space<semaphore_mem>>
      %dma_start3A = arith.constant 0 : i32
      %dma_start3A_45 = tpu.memref_slice %arg9[%add3A_16, %dma_start3A] : memref<10240x128xf32, #tpu.memory_space<vmem_shared>> -> memref<128x128xf32, #tpu.memory_space<vmem_shared>>
      %dma_start3A_46 = arith.constant 0 : i32
      %dma_start3A_47 = tpu.memref_slice %arg9[%add3A_16, %dma_start3A_46] : memref<10240x128xf32, #tpu.memory_space<vmem_shared>> -> memref<128x128xf32, #tpu.memory_space<vmem_shared>>
      tpu.enqueue_dma source(%arg8 : memref<128x128xf32, #tpu.memory_space<vmem>>) target(%dma_start3A_47 : memref<128x128xf32, #tpu.memory_space<vmem_shared>>) target_semaphore(%run_scoped3A : memref<!tpu.dma_semaphore, #tpu.memory_space<semaphore_mem>>)
      %dma_wait3A = arith.constant 0 : i32
      %dma_wait3A_48 = tpu.memref_slice %arg9[%add3A_16, %dma_wait3A] : memref<10240x128xf32, #tpu.memory_space<vmem_shared>> -> memref<128x128xf32, #tpu.memory_space<vmem_shared>>
      %dma_wait3A_49 = arith.constant 0 : i32
      %dma_wait3A_50 = tpu.memref_slice %arg9[%add3A_16, %dma_wait3A_49] : memref<10240x128xf32, #tpu.memory_space<vmem_shared>> -> memref<128x128xf32, #tpu.memory_space<vmem_shared>>
      tpu.wait_dma2 semaphore(%run_scoped3A : memref<!tpu.dma_semaphore, #tpu.memory_space<semaphore_mem>>) src(%arg8 : memref<128x128xf32, #tpu.memory_space<vmem>>) dst(%dma_wait3A_50 : memref<128x128xf32, #tpu.memory_space<vmem_shared>>)
      tpu.yield
    }) : () -> ()
    %mul3A_17 = arith.constant 640 : i32
    %mul3A_18 = arith.muli %arg1, %mul3A_17 : i32
    %add3A_19 = arith.constant 128 : i32
    %add3A_20 = arith.addi %mul3A_18, %add3A_19 : i32
    "tpu.region"() ({
      %run_scoped3A = tpu.sem_alloc : memref<!tpu.dma_semaphore, #tpu.memory_space<semaphore_mem>>
      %dma_start3A = arith.constant 0 : i32
      %dma_start3A_45 = tpu.memref_slice %arg9[%add3A_20, %dma_start3A] : memref<10240x128xf32, #tpu.memory_space<vmem_shared>> -> memref<128x128xf32, #tpu.memory_space<vmem_shared>>
      %dma_start3A_46 = arith.constant 0 : i32
      %dma_start3A_47 = tpu.memref_slice %arg9[%add3A_20, %dma_start3A_46] : memref<10240x128xf32, #tpu.memory_space<vmem_shared>> -> memref<128x128xf32, #tpu.memory_space<vmem_shared>>
      tpu.enqueue_dma source(%arg8 : memref<128x128xf32, #tpu.memory_space<vmem>>) target(%dma_start3A_47 : memref<128x128xf32, #tpu.memory_space<vmem_shared>>) target_semaphore(%run_scoped3A : memref<!tpu.dma_semaphore, #tpu.memory_space<semaphore_mem>>)
      %dma_wait3A = arith.constant 0 : i32
      %dma_wait3A_48 = tpu.memref_slice %arg9[%add3A_20, %dma_wait3A] : memref<10240x128xf32, #tpu.memory_space<vmem_shared>> -> memref<128x128xf32, #tpu.memory_space<vmem_shared>>
      %dma_wait3A_49 = arith.constant 0 : i32
      %dma_wait3A_50 = tpu.memref_slice %arg9[%add3A_20, %dma_wait3A_49] : memref<10240x128xf32, #tpu.memory_space<vmem_shared>> -> memref<128x128xf32, #tpu.memory_space<vmem_shared>>
      tpu.wait_dma2 semaphore(%run_scoped3A : memref<!tpu.dma_semaphore, #tpu.memory_space<semaphore_mem>>) src(%arg8 : memref<128x128xf32, #tpu.memory_space<vmem>>) dst(%dma_wait3A_50 : memref<128x128xf32, #tpu.memory_space<vmem_shared>>)
      tpu.yield
    }) : () -> ()
    %mul3A_21 = arith.constant 640 : i32
    %mul3A_22 = arith.muli %arg1, %mul3A_21 : i32
    %add3A_23 = arith.constant 256 : i32
    %add3A_24 = arith.addi %mul3A_22, %add3A_23 : i32
    "tpu.region"() ({
      %run_scoped3A = tpu.sem_alloc : memref<!tpu.dma_semaphore, #tpu.memory_space<semaphore_mem>>
      %dma_start3A = arith.constant 0 : i32
      %dma_start3A_45 = tpu.memref_slice %arg9[%add3A_24, %dma_start3A] : memref<10240x128xf32, #tpu.memory_space<vmem_shared>> -> memref<128x128xf32, #tpu.memory_space<vmem_shared>>
      %dma_start3A_46 = arith.constant 0 : i32
      %dma_start3A_47 = tpu.memref_slice %arg9[%add3A_24, %dma_start3A_46] : memref<10240x128xf32, #tpu.memory_space<vmem_shared>> -> memref<128x128xf32, #tpu.memory_space<vmem_shared>>
      tpu.enqueue_dma source(%arg8 : memref<128x128xf32, #tpu.memory_space<vmem>>) target(%dma_start3A_47 : memref<128x128xf32, #tpu.memory_space<vmem_shared>>) target_semaphore(%run_scoped3A : memref<!tpu.dma_semaphore, #tpu.memory_space<semaphore_mem>>)
      %dma_wait3A = arith.constant 0 : i32
      %dma_wait3A_48 = tpu.memref_slice %arg9[%add3A_24, %dma_wait3A] : memref<10240x128xf32, #tpu.memory_space<vmem_shared>> -> memref<128x128xf32, #tpu.memory_space<vmem_shared>>
      %dma_wait3A_49 = arith.constant 0 : i32
      %dma_wait3A_50 = tpu.memref_slice %arg9[%add3A_24, %dma_wait3A_49] : memref<10240x128xf32, #tpu.memory_space<vmem_shared>> -> memref<128x128xf32, #tpu.memory_space<vmem_shared>>
      tpu.wait_dma2 semaphore(%run_scoped3A : memref<!tpu.dma_semaphore, #tpu.memory_space<semaphore_mem>>) src(%arg8 : memref<128x128xf32, #tpu.memory_space<vmem>>) dst(%dma_wait3A_50 : memref<128x128xf32, #tpu.memory_space<vmem_shared>>)
      tpu.yield
    }) : () -> ()
    %mul3A_25 = arith.constant 640 : i32
    %mul3A_26 = arith.muli %arg1, %mul3A_25 : i32
    %add3A_27 = arith.constant 384 : i32
    %add3A_28 = arith.addi %mul3A_26, %add3A_27 : i32
    "tpu.region"() ({
      %run_scoped3A = tpu.sem_alloc : memref<!tpu.dma_semaphore, #tpu.memory_space<semaphore_mem>>
      %dma_start3A = arith.constant 0 : i32
      %dma_start3A_45 = tpu.memref_slice %arg9[%add3A_28, %dma_start3A] : memref<10240x128xf32, #tpu.memory_space<vmem_shared>> -> memref<128x128xf32, #tpu.memory_space<vmem_shared>>
      %dma_start3A_46 = arith.constant 0 : i32
      %dma_start3A_47 = tpu.memref_slice %arg9[%add3A_28, %dma_start3A_46] : memref<10240x128xf32, #tpu.memory_space<vmem_shared>> -> memref<128x128xf32, #tpu.memory_space<vmem_shared>>
      tpu.enqueue_dma source(%arg8 : memref<128x128xf32, #tpu.memory_space<vmem>>) target(%dma_start3A_47 : memref<128x128xf32, #tpu.memory_space<vmem_shared>>) target_semaphore(%run_scoped3A : memref<!tpu.dma_semaphore, #tpu.memory_space<semaphore_mem>>)
      %dma_wait3A = arith.constant 0 : i32
      %dma_wait3A_48 = tpu.memref_slice %arg9[%add3A_28, %dma_wait3A] : memref<10240x128xf32, #tpu.memory_space<vmem_shared>> -> memref<128x128xf32, #tpu.memory_space<vmem_shared>>
      %dma_wait3A_49 = arith.constant 0 : i32
      %dma_wait3A_50 = tpu.memref_slice %arg9[%add3A_28, %dma_wait3A_49] : memref<10240x128xf32, #tpu.memory_space<vmem_shared>> -> memref<128x128xf32, #tpu.memory_space<vmem_shared>>
      tpu.wait_dma2 semaphore(%run_scoped3A : memref<!tpu.dma_semaphore, #tpu.memory_space<semaphore_mem>>) src(%arg8 : memref<128x128xf32, #tpu.memory_space<vmem>>) dst(%dma_wait3A_50 : memref<128x128xf32, #tpu.memory_space<vmem_shared>>)
      tpu.yield
    }) : () -> ()
    %mul3A_29 = arith.constant 640 : i32
    %mul3A_30 = arith.muli %arg1, %mul3A_29 : i32
    %add3A_31 = arith.constant 512 : i32
    %add3A_32 = arith.addi %mul3A_30, %add3A_31 : i32
    "tpu.region"() ({
      %run_scoped3A = tpu.sem_alloc : memref<!tpu.dma_semaphore, #tpu.memory_space<semaphore_mem>>
      %dma_start3A = arith.constant 0 : i32
      %dma_start3A_45 = tpu.memref_slice %arg9[%add3A_32, %dma_start3A] : memref<10240x128xf32, #tpu.memory_space<vmem_shared>> -> memref<128x128xf32, #tpu.memory_space<vmem_shared>>
      %dma_start3A_46 = arith.constant 0 : i32
      %dma_start3A_47 = tpu.memref_slice %arg9[%add3A_32, %dma_start3A_46] : memref<10240x128xf32, #tpu.memory_space<vmem_shared>> -> memref<128x128xf32, #tpu.memory_space<vmem_shared>>
      tpu.enqueue_dma source(%arg8 : memref<128x128xf32, #tpu.memory_space<vmem>>) target(%dma_start3A_47 : memref<128x128xf32, #tpu.memory_space<vmem_shared>>) target_semaphore(%run_scoped3A : memref<!tpu.dma_semaphore, #tpu.memory_space<semaphore_mem>>)
      %dma_wait3A = arith.constant 0 : i32
      %dma_wait3A_48 = tpu.memref_slice %arg9[%add3A_32, %dma_wait3A] : memref<10240x128xf32, #tpu.memory_space<vmem_shared>> -> memref<128x128xf32, #tpu.memory_space<vmem_shared>>
      %dma_wait3A_49 = arith.constant 0 : i32
      %dma_wait3A_50 = tpu.memref_slice %arg9[%add3A_32, %dma_wait3A_49] : memref<10240x128xf32, #tpu.memory_space<vmem_shared>> -> memref<128x128xf32, #tpu.memory_space<vmem_shared>>
      tpu.wait_dma2 semaphore(%run_scoped3A : memref<!tpu.dma_semaphore, #tpu.memory_space<semaphore_mem>>) src(%arg8 : memref<128x128xf32, #tpu.memory_space<vmem>>) dst(%dma_wait3A_50 : memref<128x128xf32, #tpu.memory_space<vmem_shared>>)
      tpu.yield
    }) : () -> ()
    %barrier3A = arith.constant 0 : index
    tpu.barrier barrier_id(%barrier3A)
    %scan3A_33 = arith.constant 0 : i32
    %scan3A_34 = arith.constant 0 : i32
    %scan3A_35 = arith.constant 79 : i32
    %scan3A_36 = arith.addi %scan3A_34, %scan3A_35 : i32
    %scan3A_37 = arith.constant 1 : i32
    %scan3A_38 = scf.for %scan3A_45 = %scan3A_34 to %scan3A_36 step %scan3A_37 iter_args(%scan3A_46 = %scan3A_33) -> (i32)  : i32 {
      "tpu.region"() ({
        %run_scoped3A = tpu.sem_alloc : memref<!tpu.dma_semaphore, #tpu.memory_space<semaphore_mem>>
        %dma_start3A = arith.constant 0 : i32
        %dma_start3A_48 = tpu.memref_slice %arg6[%scan3A_45, %dma_start3A] : memref<79x128xi32, #tpu.memory_space<vmem>> -> memref<1x128xi32, #tpu.memory_space<vmem>>
        %dma_start3A_49 = tpu.memref_squeeze %dma_start3A_48 : memref<1x128xi32, #tpu.memory_space<vmem>> -> memref<128xi32, #tpu.memory_space<vmem>>
        %dma_start3A_50 = arith.constant 0 : i32
        %dma_start3A_51 = arith.constant 0 : i32
        %dma_start3A_52 = tpu.memref_slice %arg2[%dma_start3A_50, %dma_start3A_51] : memref<20480x128xf32, #tpu.memory_space<hbm>> -> memref<20480x128xf32, #tpu.memory_space<hbm>>
        tpu.enqueue_indirect_dma source(%dma_start3A_52 : memref<20480x128xf32, #tpu.memory_space<hbm>>) target(%arg8 : memref<128x128xf32, #tpu.memory_space<vmem>>) offsets(%dma_start3A_49 : memref<128xi32, #tpu.memory_space<vmem>>) semaphore(%run_scoped3A : memref<!tpu.dma_semaphore, #tpu.memory_space<semaphore_mem>>)
        %dma_wait3A = arith.constant 0 : i32
        %dma_wait3A_53 = tpu.memref_slice %arg6[%scan3A_45, %dma_wait3A] : memref<79x128xi32, #tpu.memory_space<vmem>> -> memref<1x128xi32, #tpu.memory_space<vmem>>
        %dma_wait3A_54 = tpu.memref_squeeze %dma_wait3A_53 : memref<1x128xi32, #tpu.memory_space<vmem>> -> memref<128xi32, #tpu.memory_space<vmem>>
        %dma_wait3A_55 = arith.constant 0 : i32
        %dma_wait3A_56 = arith.constant 0 : i32
        %dma_wait3A_57 = tpu.memref_slice %arg2[%dma_wait3A_55, %dma_wait3A_56] : memref<20480x128xf32, #tpu.memory_space<hbm>> -> memref<20480x128xf32, #tpu.memory_space<hbm>>
        tpu.wait_indirect_dma semaphore(%run_scoped3A : memref<!tpu.dma_semaphore, #tpu.memory_space<semaphore_mem>>) src(%dma_wait3A_57 : memref<20480x128xf32, #tpu.memory_space<hbm>>) dst(%arg8 : memref<128x128xf32, #tpu.memory_space<vmem>>)
        tpu.yield
      }) : () -> ()
      "tpu.region"() ({
        %run_scoped3A = tpu.sem_alloc : memref<!tpu.dma_semaphore, #tpu.memory_space<semaphore_mem>>
        %dma_start3A = arith.constant 0 : i32
        %dma_start3A_48 = tpu.memref_slice %arg7[%scan3A_45, %dma_start3A] : memref<79x128xi32, #tpu.memory_space<vmem>> -> memref<1x128xi32, #tpu.memory_space<vmem>>
        %dma_start3A_49 = tpu.memref_squeeze %dma_start3A_48 : memref<1x128xi32, #tpu.memory_space<vmem>> -> memref<128xi32, #tpu.memory_space<vmem>>
        %dma_start3A_50 = arith.constant 0 : i32
        %dma_start3A_51 = arith.constant 0 : i32
        %dma_start3A_52 = tpu.memref_slice %arg9[%dma_start3A_50, %dma_start3A_51] : memref<10240x128xf32, #tpu.memory_space<vmem_shared>> -> memref<10240x128xf32, #tpu.memory_space<vmem_shared>>
        tpu.enqueue_indirect_dma source(%arg8 : memref<128x128xf32, #tpu.memory_space<vmem>>) target(%dma_start3A_52 : memref<10240x128xf32, #tpu.memory_space<vmem_shared>>) offsets(%dma_start3A_49 : memref<128xi32, #tpu.memory_space<vmem>>) semaphore(%run_scoped3A : memref<!tpu.dma_semaphore, #tpu.memory_space<semaphore_mem>>) {add = true}
        %dma_wait3A = arith.constant 0 : i32
        %dma_wait3A_53 = tpu.memref_slice %arg7[%scan3A_45, %dma_wait3A] : memref<79x128xi32, #tpu.memory_space<vmem>> -> memref<1x128xi32, #tpu.memory_space<vmem>>
        %dma_wait3A_54 = tpu.memref_squeeze %dma_wait3A_53 : memref<1x128xi32, #tpu.memory_space<vmem>> -> memref<128xi32, #tpu.memory_space<vmem>>
        %dma_wait3A_55 = arith.constant 0 : i32
        %dma_wait3A_56 = arith.constant 0 : i32
        %dma_wait3A_57 = tpu.memref_slice %arg9[%dma_wait3A_55, %dma_wait3A_56] : memref<10240x128xf32, #tpu.memory_space<vmem_shared>> -> memref<10240x128xf32, #tpu.memory_space<vmem_shared>>
        tpu.wait_indirect_dma semaphore(%run_scoped3A : memref<!tpu.dma_semaphore, #tpu.memory_space<semaphore_mem>>) src(%arg8 : memref<128x128xf32, #tpu.memory_space<vmem>>) dst(%dma_wait3A_57 : memref<10240x128xf32, #tpu.memory_space<vmem_shared>>)
        tpu.yield
      }) : () -> ()
      %scan3A_47 = arith.constant 0 : i32
      scf.yield %scan3A_47 : i32
    }
    %scan3A_39 = arith.constant 79 : i32
    %barrier3A_40 = arith.constant 0 : index
    tpu.barrier barrier_id(%barrier3A_40)
    %mul3A_41 = arith.constant 640 : i32
    %mul3A_42 = arith.muli %arg1, %mul3A_41 : i32
    %mul3A_43 = arith.constant 640 : i32
    %mul3A_44 = arith.muli %arg1, %mul3A_43 : i32
    "tpu.region"() ({
      %run_scoped3A = tpu.sem_alloc : memref<!tpu.dma_semaphore, #tpu.memory_space<semaphore_mem>>
      %dma_start3A = arith.constant 0 : i32
      %dma_start3A_45 = tpu.memref_slice %arg5[%arg0, %mul3A_44, %dma_start3A] : memref<2x10240x128xf32, #tpu.memory_space<hbm>> -> memref<1x640x128xf32, #tpu.memory_space<hbm>>
      %dma_start3A_46 = tpu.memref_squeeze %dma_start3A_45 : memref<1x640x128xf32, #tpu.memory_space<hbm>> -> memref<640x128xf32, #tpu.memory_space<hbm>>
      %dma_start3A_47 = arith.constant 0 : i32
      %dma_start3A_48 = tpu.memref_slice %arg9[%mul3A_42, %dma_start3A_47] : memref<10240x128xf32, #tpu.memory_space<vmem_shared>> -> memref<640x128xf32, #tpu.memory_space<vmem_shared>>
      tpu.enqueue_dma source(%dma_start3A_48 : memref<640x128xf32, #tpu.memory_space<vmem_shared>>) target(%dma_start3A_46 : memref<640x128xf32, #tpu.memory_space<hbm>>) target_semaphore(%run_scoped3A : memref<!tpu.dma_semaphore, #tpu.memory_space<semaphore_mem>>)
      %dma_wait3A = arith.constant 0 : i32
      %dma_wait3A_49 = tpu.memref_slice %arg5[%arg0, %mul3A_44, %dma_wait3A] : memref<2x10240x128xf32, #tpu.memory_space<hbm>> -> memref<1x640x128xf32, #tpu.memory_space<hbm>>
      %dma_wait3A_50 = tpu.memref_squeeze %dma_wait3A_49 : memref<1x640x128xf32, #tpu.memory_space<hbm>> -> memref<640x128xf32, #tpu.memory_space<hbm>>
      %dma_wait3A_51 = arith.constant 0 : i32
      %dma_wait3A_52 = tpu.memref_slice %arg9[%mul3A_42, %dma_wait3A_51] : memref<10240x128xf32, #tpu.memory_space<vmem_shared>> -> memref<640x128xf32, #tpu.memory_space<vmem_shared>>
      tpu.wait_dma2 semaphore(%run_scoped3A : memref<!tpu.dma_semaphore, #tpu.memory_space<semaphore_mem>>) src(%dma_wait3A_52 : memref<640x128xf32, #tpu.memory_space<vmem_shared>>) dst(%dma_wait3A_50 : memref<640x128xf32, #tpu.memory_space<hbm>>)
      tpu.yield
    }) : () -> ()
    return
  }
}

#map = affine_map<(d0, d1) -> (0, 0)>
#map1 = affine_map<(d0, d1) -> (0, 0, 0)>
module attributes {stable_mosaic.version = 14 : i64} {
  func.func @_prop_body(%arg0: i32, %arg1: i32, %arg2: memref<20480x128xf32, #tpu.memory_space<hbm>>, %arg3: memref<16x79x128xi32, #tpu.memory_space<hbm>>, %arg4: memref<16x79x128xi32, #tpu.memory_space<hbm>>, %arg5: memref<2x10240x128xf32, #tpu.memory_space<hbm>>, %arg6: memref<79x128xi32, #tpu.memory_space<vmem>>, %arg7: memref<79x128xi32, #tpu.memory_space<vmem>>, %arg8: memref<128x128xf32, #tpu.memory_space<vmem>>, %arg9: memref<10240x128xf32, #tpu.memory_space<vmem_shared>>) attributes {dimension_semantics = [#tpu.dimension_semantics<core_parallel>, #tpu.dimension_semantics<subcore_parallel>], iteration_bounds = array<i64: 2, 16>, scalar_prefetch = 0 : i64, scratch_operands = 4 : i64, tpu.core_type = #tpu.core_type<sc_vector_subcore>, window_params = [{transform_indices = #map}, {transform_indices = #map1}, {transform_indices = #map1}, {transform_indices = #map1}]} {
    "tpu.region"() ({
      %run_scoped3A = tpu.sem_alloc : memref<!tpu.dma_semaphore, #tpu.memory_space<semaphore_mem>>
      %dma_start3A = arith.constant 0 : i32
      %dma_start3A_45 = arith.constant 0 : i32
      %dma_start3A_46 = tpu.memref_slice %arg3[%arg1, %dma_start3A, %dma_start3A_45] : memref<16x79x128xi32, #tpu.memory_space<hbm>> -> memref<1x79x128xi32, #tpu.memory_space<hbm>>
      %dma_start3A_47 = tpu.memref_squeeze %dma_start3A_46 : memref<1x79x128xi32, #tpu.memory_space<hbm>> -> memref<79x128xi32, #tpu.memory_space<hbm>>
      %dma_start3A_48 = arith.constant 0 : i32
      %dma_start3A_49 = arith.constant 0 : i32
      %dma_start3A_50 = tpu.memref_slice %arg3[%arg1, %dma_start3A_48, %dma_start3A_49] : memref<16x79x128xi32, #tpu.memory_space<hbm>> -> memref<1x79x128xi32, #tpu.memory_space<hbm>>
      %dma_start3A_51 = tpu.memref_squeeze %dma_start3A_50 : memref<1x79x128xi32, #tpu.memory_space<hbm>> -> memref<79x128xi32, #tpu.memory_space<hbm>>
      tpu.enqueue_dma source(%dma_start3A_51 : memref<79x128xi32, #tpu.memory_space<hbm>>) target(%arg6 : memref<79x128xi32, #tpu.memory_space<vmem>>) target_semaphore(%run_scoped3A : memref<!tpu.dma_semaphore, #tpu.memory_space<semaphore_mem>>)
      %dma_wait3A = arith.constant 0 : i32
      %dma_wait3A_52 = arith.constant 0 : i32
      %dma_wait3A_53 = tpu.memref_slice %arg3[%arg1, %dma_wait3A, %dma_wait3A_52] : memref<16x79x128xi32, #tpu.memory_space<hbm>> -> memref<1x79x128xi32, #tpu.memory_space<hbm>>
      %dma_wait3A_54 = tpu.memref_squeeze %dma_wait3A_53 : memref<1x79x128xi32, #tpu.memory_space<hbm>> -> memref<79x128xi32, #tpu.memory_space<hbm>>
      %dma_wait3A_55 = arith.constant 0 : i32
      %dma_wait3A_56 = arith.constant 0 : i32
      %dma_wait3A_57 = tpu.memref_slice %arg3[%arg1, %dma_wait3A_55, %dma_wait3A_56] : memref<16x79x128xi32, #tpu.memory_space<hbm>> -> memref<1x79x128xi32, #tpu.memory_space<hbm>>
      %dma_wait3A_58 = tpu.memref_squeeze %dma_wait3A_57 : memref<1x79x128xi32, #tpu.memory_space<hbm>> -> memref<79x128xi32, #tpu.memory_space<hbm>>
      tpu.wait_dma2 semaphore(%run_scoped3A : memref<!tpu.dma_semaphore, #tpu.memory_space<semaphore_mem>>) src(%dma_wait3A_58 : memref<79x128xi32, #tpu.memory_space<hbm>>) dst(%arg6 : memref<79x128xi32, #tpu.memory_space<vmem>>)
      tpu.yield
    }) : () -> ()
    "tpu.region"() ({
      %run_scoped3A = tpu.sem_alloc : memref<!tpu.dma_semaphore, #tpu.memory_space<semaphore_mem>>
      %dma_start3A = arith.constant 0 : i32
      %dma_start3A_45 = arith.constant 0 : i32
      %dma_start3A_46 = tpu.memref_slice %arg4[%arg1, %dma_start3A, %dma_start3A_45] : memref<16x79x128xi32, #tpu.memory_space<hbm>> -> memref<1x79x128xi32, #tpu.memory_space<hbm>>
      %dma_start3A_47 = tpu.memref_squeeze %dma_start3A_46 : memref<1x79x128xi32, #tpu.memory_space<hbm>> -> memref<79x128xi32, #tpu.memory_space<hbm>>
      %dma_start3A_48 = arith.constant 0 : i32
      %dma_start3A_49 = arith.constant 0 : i32
      %dma_start3A_50 = tpu.memref_slice %arg4[%arg1, %dma_start3A_48, %dma_start3A_49] : memref<16x79x128xi32, #tpu.memory_space<hbm>> -> memref<1x79x128xi32, #tpu.memory_space<hbm>>
      %dma_start3A_51 = tpu.memref_squeeze %dma_start3A_50 : memref<1x79x128xi32, #tpu.memory_space<hbm>> -> memref<79x128xi32, #tpu.memory_space<hbm>>
      tpu.enqueue_dma source(%dma_start3A_51 : memref<79x128xi32, #tpu.memory_space<hbm>>) target(%arg7 : memref<79x128xi32, #tpu.memory_space<vmem>>) target_semaphore(%run_scoped3A : memref<!tpu.dma_semaphore, #tpu.memory_space<semaphore_mem>>)
      %dma_wait3A = arith.constant 0 : i32
      %dma_wait3A_52 = arith.constant 0 : i32
      %dma_wait3A_53 = tpu.memref_slice %arg4[%arg1, %dma_wait3A, %dma_wait3A_52] : memref<16x79x128xi32, #tpu.memory_space<hbm>> -> memref<1x79x128xi32, #tpu.memory_space<hbm>>
      %dma_wait3A_54 = tpu.memref_squeeze %dma_wait3A_53 : memref<1x79x128xi32, #tpu.memory_space<hbm>> -> memref<79x128xi32, #tpu.memory_space<hbm>>
      %dma_wait3A_55 = arith.constant 0 : i32
      %dma_wait3A_56 = arith.constant 0 : i32
      %dma_wait3A_57 = tpu.memref_slice %arg4[%arg1, %dma_wait3A_55, %dma_wait3A_56] : memref<16x79x128xi32, #tpu.memory_space<hbm>> -> memref<1x79x128xi32, #tpu.memory_space<hbm>>
      %dma_wait3A_58 = tpu.memref_squeeze %dma_wait3A_57 : memref<1x79x128xi32, #tpu.memory_space<hbm>> -> memref<79x128xi32, #tpu.memory_space<hbm>>
      tpu.wait_dma2 semaphore(%run_scoped3A : memref<!tpu.dma_semaphore, #tpu.memory_space<semaphore_mem>>) src(%dma_wait3A_58 : memref<79x128xi32, #tpu.memory_space<hbm>>) dst(%arg7 : memref<79x128xi32, #tpu.memory_space<vmem>>)
      tpu.yield
    }) : () -> ()
    %mul3A = arith.constant 10240 : i32
    %mul3A_0 = arith.muli %arg0, %mul3A : i32
    %scan3A = arith.constant 0 : i32
    %scan3A_1 = arith.constant 0 : i32
    %scan3A_2 = arith.constant 632 : i32
    %scan3A_3 = arith.addi %scan3A_1, %scan3A_2 : i32
    %scan3A_4 = arith.constant 1 : i32
    %scan3A_5 = scf.for %scan3A_45 = %scan3A_1 to %scan3A_3 step %scan3A_4 iter_args(%scan3A_46 = %scan3A) -> (i32)  : i32 {
      %jit3A = arith.constant 8 : i32
      %div3A = arith.divsi %scan3A_45, %jit3A : i32
      %sign3A = arith.constant 0 : i32
      %sign3A_47 = arith.cmpi sgt, %scan3A_45, %sign3A : i32
      %sign3A_48 = arith.extui %sign3A_47 : i1 to i32
      %sign3A_49 = arith.constant 0 : i32
      %sign3A_50 = arith.cmpi slt, %scan3A_45, %sign3A_49 : i32
      %sign3A_51 = arith.extui %sign3A_50 : i1 to i32
      %sign3A_52 = arith.subi %sign3A_48, %sign3A_51 : i32
      %sign3A_53 = arith.constant 0 : i32
      %sign3A_54 = arith.cmpi sgt, %jit3A, %sign3A_53 : i32
      %sign3A_55 = arith.extui %sign3A_54 : i1 to i32
      %sign3A_56 = arith.constant 0 : i32
      %sign3A_57 = arith.cmpi slt, %jit3A, %sign3A_56 : i32
      %sign3A_58 = arith.extui %sign3A_57 : i1 to i32
      %sign3A_59 = arith.subi %sign3A_55, %sign3A_58 : i32
      %ne3A = arith.cmpi ne, %sign3A_52, %sign3A_59 : i32
      %rem3A = arith.remsi %scan3A_45, %jit3A : i32
      %ne3A_60 = arith.constant 0 : i32
      %ne3A_61 = arith.cmpi ne, %rem3A, %ne3A_60 : i32
      %and3A = arith.andi %ne3A, %ne3A_61 : i1
      %sub3A = arith.constant 1 : i32
      %sub3A_62 = arith.subi %div3A, %sub3A : i32
      %select_n3A = arith.select %and3A, %sub3A_62, %div3A : i32
      %jit3A_63 = arith.constant 8 : i32
      %eq3A = arith.constant 0 : i32
      %eq3A_64 = arith.cmpi eq, %jit3A_63, %eq3A : i32
      %jit3A_65 = arith.constant 1 : i32
      %select_n3A_66 = arith.select %eq3A_64, %jit3A_65, %jit3A_63 : i32
      %rem3A_67 = arith.remsi %scan3A_45, %select_n3A_66 : i32
      %ne3A_68 = arith.constant 0 : i32
      %ne3A_69 = arith.cmpi ne, %rem3A_67, %ne3A_68 : i32
      %lt3A = arith.constant 0 : i32
      %lt3A_70 = arith.cmpi slt, %rem3A_67, %lt3A : i32
      %lt3A_71 = arith.constant 0 : i32
      %lt3A_72 = arith.cmpi slt, %select_n3A_66, %lt3A_71 : i32
      %ne3A_73 = arith.xori %lt3A_70, %lt3A_72 : i1
      %and3A_74 = arith.andi %ne3A_73, %ne3A_69 : i1
      %add3A_75 = arith.addi %rem3A_67, %select_n3A_66 : i32
      %select_n3A_76 = arith.select %and3A_74, %add3A_75, %rem3A_67 : i32
      %mul3A_77 = arith.constant 16 : i32
      %mul3A_78 = arith.muli %select_n3A_76, %mul3A_77 : i32
      %get3A = arith.index_cast %select_n3A : i32 to index
      %get3A_79 = arith.index_cast %mul3A_78 : i32 to index
      %get3A_80 = tpu.vector_load %arg6[%get3A, %get3A_79] {strides = array<i32>} : memref<79x128xi32, #tpu.memory_space<vmem>>, vector<16xi32>,
      %add3A_81 = vector.broadcast %mul3A_0 : i32 to vector<16xi32>
      %add3A_82 = arith.addi %get3A_80, %add3A_81 : vector<16xi32>
      %mul3A_83 = arith.constant 16 : i32
      %mul3A_84 = arith.muli %select_n3A_76, %mul3A_83 : i32
      %swap3A = arith.index_cast %select_n3A : i32 to index
      %swap3A_85 = arith.index_cast %mul3A_84 : i32 to index
      %swap3A_86 = tpu.vector_load %arg6[%swap3A, %swap3A_85] {strides = array<i32>} : memref<79x128xi32, #tpu.memory_space<vmem>>, vector<16xi32>,
      tpu.vector_store %arg6[%swap3A, %swap3A_85], %add3A_82 {strides = array<i32>} : memref<79x128xi32, #tpu.memory_space<vmem>>, vector<16xi32>,
      %scan3A_87 = arith.constant 0 : i32
      scf.yield %scan3A_87 : i32
    }
    %scan3A_6 = arith.constant 632 : i32
    %scan3A_7 = arith.constant 0 : i32
    %scan3A_8 = arith.constant 0 : i32
    %scan3A_9 = arith.constant 1024 : i32
    %scan3A_10 = arith.addi %scan3A_8, %scan3A_9 : i32
    %scan3A_11 = arith.constant 1 : i32
    %scan3A_12 = scf.for %scan3A_45 = %scan3A_8 to %scan3A_10 step %scan3A_11 iter_args(%scan3A_46 = %scan3A_7) -> (i32)  : i32 {
      %broadcast_in_dim3A = arith.constant 0.000000e+00 : f32
      %broadcast_in_dim3A_47 = vector.broadcast %broadcast_in_dim3A : f32 to vector<16xf32>
      %jit3A = arith.constant 8 : i32
      %div3A = arith.divsi %scan3A_45, %jit3A : i32
      %sign3A = arith.constant 0 : i32
      %sign3A_48 = arith.cmpi sgt, %scan3A_45, %sign3A : i32
      %sign3A_49 = arith.extui %sign3A_48 : i1 to i32
      %sign3A_50 = arith.constant 0 : i32
      %sign3A_51 = arith.cmpi slt, %scan3A_45, %sign3A_50 : i32
      %sign3A_52 = arith.extui %sign3A_51 : i1 to i32
      %sign3A_53 = arith.subi %sign3A_49, %sign3A_52 : i32
      %sign3A_54 = arith.constant 0 : i32
      %sign3A_55 = arith.cmpi sgt, %jit3A, %sign3A_54 : i32
      %sign3A_56 = arith.extui %sign3A_55 : i1 to i32
      %sign3A_57 = arith.constant 0 : i32
      %sign3A_58 = arith.cmpi slt, %jit3A, %sign3A_57 : i32
      %sign3A_59 = arith.extui %sign3A_58 : i1 to i32
      %sign3A_60 = arith.subi %sign3A_56, %sign3A_59 : i32
      %ne3A = arith.cmpi ne, %sign3A_53, %sign3A_60 : i32
      %rem3A = arith.remsi %scan3A_45, %jit3A : i32
      %ne3A_61 = arith.constant 0 : i32
      %ne3A_62 = arith.cmpi ne, %rem3A, %ne3A_61 : i32
      %and3A = arith.andi %ne3A, %ne3A_62 : i1
      %sub3A = arith.constant 1 : i32
      %sub3A_63 = arith.subi %div3A, %sub3A : i32
      %select_n3A = arith.select %and3A, %sub3A_63, %div3A : i32
      %jit3A_64 = arith.constant 8 : i32
      %eq3A = arith.constant 0 : i32
      %eq3A_65 = arith.cmpi eq, %jit3A_64, %eq3A : i32
      %jit3A_66 = arith.constant 1 : i32
      %select_n3A_67 = arith.select %eq3A_65, %jit3A_66, %jit3A_64 : i32
      %rem3A_68 = arith.remsi %scan3A_45, %select_n3A_67 : i32
      %ne3A_69 = arith.constant 0 : i32
      %ne3A_70 = arith.cmpi ne, %rem3A_68, %ne3A_69 : i32
      %lt3A = arith.constant 0 : i32
      %lt3A_71 = arith.cmpi slt, %rem3A_68, %lt3A : i32
      %lt3A_72 = arith.constant 0 : i32
      %lt3A_73 = arith.cmpi slt, %select_n3A_67, %lt3A_72 : i32
      %ne3A_74 = arith.xori %lt3A_71, %lt3A_73 : i1
      %and3A_75 = arith.andi %ne3A_74, %ne3A_70 : i1
      %add3A_76 = arith.addi %rem3A_68, %select_n3A_67 : i32
      %select_n3A_77 = arith.select %and3A_75, %add3A_76, %rem3A_68 : i32
      %mul3A_78 = arith.constant 16 : i32
      %mul3A_79 = arith.muli %select_n3A_77, %mul3A_78 : i32
      %swap3A = arith.index_cast %select_n3A : i32 to index
      %swap3A_80 = arith.index_cast %mul3A_79 : i32 to index
      %swap3A_81 = tpu.vector_load %arg8[%swap3A, %swap3A_80] {strides = array<i32>} : memref<128x128xf32, #tpu.memory_space<vmem>>, vector<16xf32>,
      tpu.vector_store %arg8[%swap3A, %swap3A_80], %broadcast_in_dim3A_47 {strides = array<i32>} : memref<128x128xf32, #tpu.memory_space<vmem>>, vector<16xf32>,
      %scan3A_82 = arith.constant 0 : i32
      scf.yield %scan3A_82 : i32
    }
    %scan3A_13 = arith.constant 1024 : i32
    %mul3A_14 = arith.constant 640 : i32
    %mul3A_15 = arith.muli %arg1, %mul3A_14 : i32
    %add3A = arith.constant 0 : i32
    %add3A_16 = arith.addi %mul3A_15, %add3A : i32
    "tpu.region"() ({
      %run_scoped3A = tpu.sem_alloc : memref<!tpu.dma_semaphore, #tpu.memory_space<semaphore_mem>>
      %dma_start3A = arith.constant 0 : i32
      %dma_start3A_45 = tpu.memref_slice %arg9[%add3A_16, %dma_start3A] : memref<10240x128xf32, #tpu.memory_space<vmem_shared>> -> memref<128x128xf32, #tpu.memory_space<vmem_shared>>
      %dma_start3A_46 = arith.constant 0 : i32
      %dma_start3A_47 = tpu.memref_slice %arg9[%add3A_16, %dma_start3A_46] : memref<10240x128xf32, #tpu.memory_space<vmem_shared>> -> memref<128x128xf32, #tpu.memory_space<vmem_shared>>
      tpu.enqueue_dma source(%arg8 : memref<128x128xf32, #tpu.memory_space<vmem>>) target(%dma_start3A_47 : memref<128x128xf32, #tpu.memory_space<vmem_shared>>) target_semaphore(%run_scoped3A : memref<!tpu.dma_semaphore, #tpu.memory_space<semaphore_mem>>)
      %dma_wait3A = arith.constant 0 : i32
      %dma_wait3A_48 = tpu.memref_slice %arg9[%add3A_16, %dma_wait3A] : memref<10240x128xf32, #tpu.memory_space<vmem_shared>> -> memref<128x128xf32, #tpu.memory_space<vmem_shared>>
      %dma_wait3A_49 = arith.constant 0 : i32
      %dma_wait3A_50 = tpu.memref_slice %arg9[%add3A_16, %dma_wait3A_49] : memref<10240x128xf32, #tpu.memory_space<vmem_shared>> -> memref<128x128xf32, #tpu.memory_space<vmem_shared>>
      tpu.wait_dma2 semaphore(%run_scoped3A : memref<!tpu.dma_semaphore, #tpu.memory_space<semaphore_mem>>) src(%arg8 : memref<128x128xf32, #tpu.memory_space<vmem>>) dst(%dma_wait3A_50 : memref<128x128xf32, #tpu.memory_space<vmem_shared>>)
      tpu.yield
    }) : () -> ()
    %mul3A_17 = arith.constant 640 : i32
    %mul3A_18 = arith.muli %arg1, %mul3A_17 : i32
    %add3A_19 = arith.constant 128 : i32
    %add3A_20 = arith.addi %mul3A_18, %add3A_19 : i32
    "tpu.region"() ({
      %run_scoped3A = tpu.sem_alloc : memref<!tpu.dma_semaphore, #tpu.memory_space<semaphore_mem>>
      %dma_start3A = arith.constant 0 : i32
      %dma_start3A_45 = tpu.memref_slice %arg9[%add3A_20, %dma_start3A] : memref<10240x128xf32, #tpu.memory_space<vmem_shared>> -> memref<128x128xf32, #tpu.memory_space<vmem_shared>>
      %dma_start3A_46 = arith.constant 0 : i32
      %dma_start3A_47 = tpu.memref_slice %arg9[%add3A_20, %dma_start3A_46] : memref<10240x128xf32, #tpu.memory_space<vmem_shared>> -> memref<128x128xf32, #tpu.memory_space<vmem_shared>>
      tpu.enqueue_dma source(%arg8 : memref<128x128xf32, #tpu.memory_space<vmem>>) target(%dma_start3A_47 : memref<128x128xf32, #tpu.memory_space<vmem_shared>>) target_semaphore(%run_scoped3A : memref<!tpu.dma_semaphore, #tpu.memory_space<semaphore_mem>>)
      %dma_wait3A = arith.constant 0 : i32
      %dma_wait3A_48 = tpu.memref_slice %arg9[%add3A_20, %dma_wait3A] : memref<10240x128xf32, #tpu.memory_space<vmem_shared>> -> memref<128x128xf32, #tpu.memory_space<vmem_shared>>
      %dma_wait3A_49 = arith.constant 0 : i32
      %dma_wait3A_50 = tpu.memref_slice %arg9[%add3A_20, %dma_wait3A_49] : memref<10240x128xf32, #tpu.memory_space<vmem_shared>> -> memref<128x128xf32, #tpu.memory_space<vmem_shared>>
      tpu.wait_dma2 semaphore(%run_scoped3A : memref<!tpu.dma_semaphore, #tpu.memory_space<semaphore_mem>>) src(%arg8 : memref<128x128xf32, #tpu.memory_space<vmem>>) dst(%dma_wait3A_50 : memref<128x128xf32, #tpu.memory_space<vmem_shared>>)
      tpu.yield
    }) : () -> ()
    %mul3A_21 = arith.constant 640 : i32
    %mul3A_22 = arith.muli %arg1, %mul3A_21 : i32
    %add3A_23 = arith.constant 256 : i32
    %add3A_24 = arith.addi %mul3A_22, %add3A_23 : i32
    "tpu.region"() ({
      %run_scoped3A = tpu.sem_alloc : memref<!tpu.dma_semaphore, #tpu.memory_space<semaphore_mem>>
      %dma_start3A = arith.constant 0 : i32
      %dma_start3A_45 = tpu.memref_slice %arg9[%add3A_24, %dma_start3A] : memref<10240x128xf32, #tpu.memory_space<vmem_shared>> -> memref<128x128xf32, #tpu.memory_space<vmem_shared>>
      %dma_start3A_46 = arith.constant 0 : i32
      %dma_start3A_47 = tpu.memref_slice %arg9[%add3A_24, %dma_start3A_46] : memref<10240x128xf32, #tpu.memory_space<vmem_shared>> -> memref<128x128xf32, #tpu.memory_space<vmem_shared>>
      tpu.enqueue_dma source(%arg8 : memref<128x128xf32, #tpu.memory_space<vmem>>) target(%dma_start3A_47 : memref<128x128xf32, #tpu.memory_space<vmem_shared>>) target_semaphore(%run_scoped3A : memref<!tpu.dma_semaphore, #tpu.memory_space<semaphore_mem>>)
      %dma_wait3A = arith.constant 0 : i32
      %dma_wait3A_48 = tpu.memref_slice %arg9[%add3A_24, %dma_wait3A] : memref<10240x128xf32, #tpu.memory_space<vmem_shared>> -> memref<128x128xf32, #tpu.memory_space<vmem_shared>>
      %dma_wait3A_49 = arith.constant 0 : i32
      %dma_wait3A_50 = tpu.memref_slice %arg9[%add3A_24, %dma_wait3A_49] : memref<10240x128xf32, #tpu.memory_space<vmem_shared>> -> memref<128x128xf32, #tpu.memory_space<vmem_shared>>
      tpu.wait_dma2 semaphore(%run_scoped3A : memref<!tpu.dma_semaphore, #tpu.memory_space<semaphore_mem>>) src(%arg8 : memref<128x128xf32, #tpu.memory_space<vmem>>) dst(%dma_wait3A_50 : memref<128x128xf32, #tpu.memory_space<vmem_shared>>)
      tpu.yield
    }) : () -> ()
    %mul3A_25 = arith.constant 640 : i32
    %mul3A_26 = arith.muli %arg1, %mul3A_25 : i32
    %add3A_27 = arith.constant 384 : i32
    %add3A_28 = arith.addi %mul3A_26, %add3A_27 : i32
    "tpu.region"() ({
      %run_scoped3A = tpu.sem_alloc : memref<!tpu.dma_semaphore, #tpu.memory_space<semaphore_mem>>
      %dma_start3A = arith.constant 0 : i32
      %dma_start3A_45 = tpu.memref_slice %arg9[%add3A_28, %dma_start3A] : memref<10240x128xf32, #tpu.memory_space<vmem_shared>> -> memref<128x128xf32, #tpu.memory_space<vmem_shared>>
      %dma_start3A_46 = arith.constant 0 : i32
      %dma_start3A_47 = tpu.memref_slice %arg9[%add3A_28, %dma_start3A_46] : memref<10240x128xf32, #tpu.memory_space<vmem_shared>> -> memref<128x128xf32, #tpu.memory_space<vmem_shared>>
      tpu.enqueue_dma source(%arg8 : memref<128x128xf32, #tpu.memory_space<vmem>>) target(%dma_start3A_47 : memref<128x128xf32, #tpu.memory_space<vmem_shared>>) target_semaphore(%run_scoped3A : memref<!tpu.dma_semaphore, #tpu.memory_space<semaphore_mem>>)
      %dma_wait3A = arith.constant 0 : i32
      %dma_wait3A_48 = tpu.memref_slice %arg9[%add3A_28, %dma_wait3A] : memref<10240x128xf32, #tpu.memory_space<vmem_shared>> -> memref<128x128xf32, #tpu.memory_space<vmem_shared>>
      %dma_wait3A_49 = arith.constant 0 : i32
      %dma_wait3A_50 = tpu.memref_slice %arg9[%add3A_28, %dma_wait3A_49] : memref<10240x128xf32, #tpu.memory_space<vmem_shared>> -> memref<128x128xf32, #tpu.memory_space<vmem_shared>>
      tpu.wait_dma2 semaphore(%run_scoped3A : memref<!tpu.dma_semaphore, #tpu.memory_space<semaphore_mem>>) src(%arg8 : memref<128x128xf32, #tpu.memory_space<vmem>>) dst(%dma_wait3A_50 : memref<128x128xf32, #tpu.memory_space<vmem_shared>>)
      tpu.yield
    }) : () -> ()
    %mul3A_29 = arith.constant 640 : i32
    %mul3A_30 = arith.muli %arg1, %mul3A_29 : i32
    %add3A_31 = arith.constant 512 : i32
    %add3A_32 = arith.addi %mul3A_30, %add3A_31 : i32
    "tpu.region"() ({
      %run_scoped3A = tpu.sem_alloc : memref<!tpu.dma_semaphore, #tpu.memory_space<semaphore_mem>>
      %dma_start3A = arith.constant 0 : i32
      %dma_start3A_45 = tpu.memref_slice %arg9[%add3A_32, %dma_start3A] : memref<10240x128xf32, #tpu.memory_space<vmem_shared>> -> memref<128x128xf32, #tpu.memory_space<vmem_shared>>
      %dma_start3A_46 = arith.constant 0 : i32
      %dma_start3A_47 = tpu.memref_slice %arg9[%add3A_32, %dma_start3A_46] : memref<10240x128xf32, #tpu.memory_space<vmem_shared>> -> memref<128x128xf32, #tpu.memory_space<vmem_shared>>
      tpu.enqueue_dma source(%arg8 : memref<128x128xf32, #tpu.memory_space<vmem>>) target(%dma_start3A_47 : memref<128x128xf32, #tpu.memory_space<vmem_shared>>) target_semaphore(%run_scoped3A : memref<!tpu.dma_semaphore, #tpu.memory_space<semaphore_mem>>)
      %dma_wait3A = arith.constant 0 : i32
      %dma_wait3A_48 = tpu.memref_slice %arg9[%add3A_32, %dma_wait3A] : memref<10240x128xf32, #tpu.memory_space<vmem_shared>> -> memref<128x128xf32, #tpu.memory_space<vmem_shared>>
      %dma_wait3A_49 = arith.constant 0 : i32
      %dma_wait3A_50 = tpu.memref_slice %arg9[%add3A_32, %dma_wait3A_49] : memref<10240x128xf32, #tpu.memory_space<vmem_shared>> -> memref<128x128xf32, #tpu.memory_space<vmem_shared>>
      tpu.wait_dma2 semaphore(%run_scoped3A : memref<!tpu.dma_semaphore, #tpu.memory_space<semaphore_mem>>) src(%arg8 : memref<128x128xf32, #tpu.memory_space<vmem>>) dst(%dma_wait3A_50 : memref<128x128xf32, #tpu.memory_space<vmem_shared>>)
      tpu.yield
    }) : () -> ()
    %barrier3A = arith.constant 0 : index
    tpu.barrier barrier_id(%barrier3A)
    %scan3A_33 = arith.constant 0 : i32
    %scan3A_34 = arith.constant 0 : i32
    %scan3A_35 = arith.constant 79 : i32
    %scan3A_36 = arith.addi %scan3A_34, %scan3A_35 : i32
    %scan3A_37 = arith.constant 1 : i32
    %scan3A_38 = scf.for %scan3A_45 = %scan3A_34 to %scan3A_36 step %scan3A_37 iter_args(%scan3A_46 = %scan3A_33) -> (i32)  : i32 {
      "tpu.region"() ({
        %run_scoped3A = tpu.sem_alloc : memref<!tpu.dma_semaphore, #tpu.memory_space<semaphore_mem>>
        %dma_start3A = arith.constant 0 : i32
        %dma_start3A_48 = tpu.memref_slice %arg6[%scan3A_45, %dma_start3A] : memref<79x128xi32, #tpu.memory_space<vmem>> -> memref<1x128xi32, #tpu.memory_space<vmem>>
        %dma_start3A_49 = tpu.memref_squeeze %dma_start3A_48 : memref<1x128xi32, #tpu.memory_space<vmem>> -> memref<128xi32, #tpu.memory_space<vmem>>
        %dma_start3A_50 = arith.constant 0 : i32
        %dma_start3A_51 = arith.constant 0 : i32
        %dma_start3A_52 = tpu.memref_slice %arg2[%dma_start3A_50, %dma_start3A_51] : memref<20480x128xf32, #tpu.memory_space<hbm>> -> memref<20480x128xf32, #tpu.memory_space<hbm>>
        tpu.enqueue_indirect_dma source(%dma_start3A_52 : memref<20480x128xf32, #tpu.memory_space<hbm>>) target(%arg8 : memref<128x128xf32, #tpu.memory_space<vmem>>) offsets(%dma_start3A_49 : memref<128xi32, #tpu.memory_space<vmem>>) semaphore(%run_scoped3A : memref<!tpu.dma_semaphore, #tpu.memory_space<semaphore_mem>>)
        %dma_wait3A = arith.constant 0 : i32
        %dma_wait3A_53 = tpu.memref_slice %arg6[%scan3A_45, %dma_wait3A] : memref<79x128xi32, #tpu.memory_space<vmem>> -> memref<1x128xi32, #tpu.memory_space<vmem>>
        %dma_wait3A_54 = tpu.memref_squeeze %dma_wait3A_53 : memref<1x128xi32, #tpu.memory_space<vmem>> -> memref<128xi32, #tpu.memory_space<vmem>>
        %dma_wait3A_55 = arith.constant 0 : i32
        %dma_wait3A_56 = arith.constant 0 : i32
        %dma_wait3A_57 = tpu.memref_slice %arg2[%dma_wait3A_55, %dma_wait3A_56] : memref<20480x128xf32, #tpu.memory_space<hbm>> -> memref<20480x128xf32, #tpu.memory_space<hbm>>
        tpu.wait_indirect_dma semaphore(%run_scoped3A : memref<!tpu.dma_semaphore, #tpu.memory_space<semaphore_mem>>) src(%dma_wait3A_57 : memref<20480x128xf32, #tpu.memory_space<hbm>>) dst(%arg8 : memref<128x128xf32, #tpu.memory_space<vmem>>)
        tpu.yield
      }) : () -> ()
      "tpu.region"() ({
        %run_scoped3A = tpu.sem_alloc : memref<!tpu.dma_semaphore, #tpu.memory_space<semaphore_mem>>
        %dma_start3A = arith.constant 0 : i32
        %dma_start3A_48 = tpu.memref_slice %arg7[%scan3A_45, %dma_start3A] : memref<79x128xi32, #tpu.memory_space<vmem>> -> memref<1x128xi32, #tpu.memory_space<vmem>>
        %dma_start3A_49 = tpu.memref_squeeze %dma_start3A_48 : memref<1x128xi32, #tpu.memory_space<vmem>> -> memref<128xi32, #tpu.memory_space<vmem>>
        %dma_start3A_50 = arith.constant 0 : i32
        %dma_start3A_51 = arith.constant 0 : i32
        %dma_start3A_52 = tpu.memref_slice %arg9[%dma_start3A_50, %dma_start3A_51] : memref<10240x128xf32, #tpu.memory_space<vmem_shared>> -> memref<10240x128xf32, #tpu.memory_space<vmem_shared>>
        tpu.enqueue_indirect_dma source(%arg8 : memref<128x128xf32, #tpu.memory_space<vmem>>) target(%dma_start3A_52 : memref<10240x128xf32, #tpu.memory_space<vmem_shared>>) offsets(%dma_start3A_49 : memref<128xi32, #tpu.memory_space<vmem>>) semaphore(%run_scoped3A : memref<!tpu.dma_semaphore, #tpu.memory_space<semaphore_mem>>) {add = true}
        %dma_wait3A = arith.constant 0 : i32
        %dma_wait3A_53 = tpu.memref_slice %arg7[%scan3A_45, %dma_wait3A] : memref<79x128xi32, #tpu.memory_space<vmem>> -> memref<1x128xi32, #tpu.memory_space<vmem>>
        %dma_wait3A_54 = tpu.memref_squeeze %dma_wait3A_53 : memref<1x128xi32, #tpu.memory_space<vmem>> -> memref<128xi32, #tpu.memory_space<vmem>>
        %dma_wait3A_55 = arith.constant 0 : i32
        %dma_wait3A_56 = arith.constant 0 : i32
        %dma_wait3A_57 = tpu.memref_slice %arg9[%dma_wait3A_55, %dma_wait3A_56] : memref<10240x128xf32, #tpu.memory_space<vmem_shared>> -> memref<10240x128xf32, #tpu.memory_space<vmem_shared>>
        tpu.wait_indirect_dma semaphore(%run_scoped3A : memref<!tpu.dma_semaphore, #tpu.memory_space<semaphore_mem>>) src(%arg8 : memref<128x128xf32, #tpu.memory_space<vmem>>) dst(%dma_wait3A_57 : memref<10240x128xf32, #tpu.memory_space<vmem_shared>>)
        tpu.yield
      }) : () -> ()
      %scan3A_47 = arith.constant 0 : i32
      scf.yield %scan3A_47 : i32
    }
    %scan3A_39 = arith.constant 79 : i32
    %barrier3A_40 = arith.constant 0 : index
    tpu.barrier barrier_id(%barrier3A_40)
    %mul3A_41 = arith.constant 640 : i32
    %mul3A_42 = arith.muli %arg1, %mul3A_41 : i32
    %mul3A_43 = arith.constant 640 : i32
    %mul3A_44 = arith.muli %arg1, %mul3A_43 : i32
    "tpu.region"() ({
      %run_scoped3A = tpu.sem_alloc : memref<!tpu.dma_semaphore, #tpu.memory_space<semaphore_mem>>
      %dma_start3A = arith.constant 0 : i32
      %dma_start3A_45 = tpu.memref_slice %arg5[%arg0, %mul3A_44, %dma_start3A] : memref<2x10240x128xf32, #tpu.memory_space<hbm>> -> memref<1x640x128xf32, #tpu.memory_space<hbm>>
      %dma_start3A_46 = tpu.memref_squeeze %dma_start3A_45 : memref<1x640x128xf32, #tpu.memory_space<hbm>> -> memref<640x128xf32, #tpu.memory_space<hbm>>
      %dma_start3A_47 = arith.constant 0 : i32
      %dma_start3A_48 = tpu.memref_slice %arg9[%mul3A_42, %dma_start3A_47] : memref<10240x128xf32, #tpu.memory_space<vmem_shared>> -> memref<640x128xf32, #tpu.memory_space<vmem_shared>>
      tpu.enqueue_dma source(%dma_start3A_48 : memref<640x128xf32, #tpu.memory_space<vmem_shared>>) target(%dma_start3A_46 : memref<640x128xf32, #tpu.memory_space<hbm>>) target_semaphore(%run_scoped3A : memref<!tpu.dma_semaphore, #tpu.memory_space<semaphore_mem>>)
      %dma_wait3A = arith.constant 0 : i32
      %dma_wait3A_49 = tpu.memref_slice %arg5[%arg0, %mul3A_44, %dma_wait3A] : memref<2x10240x128xf32, #tpu.memory_space<hbm>> -> memref<1x640x128xf32, #tpu.memory_space<hbm>>
      %dma_wait3A_50 = tpu.memref_squeeze %dma_wait3A_49 : memref<1x640x128xf32, #tpu.memory_space<hbm>> -> memref<640x128xf32, #tpu.memory_space<hbm>>
      %dma_wait3A_51 = arith.constant 0 : i32
      %dma_wait3A_52 = tpu.memref_slice %arg9[%mul3A_42, %dma_wait3A_51] : memref<10240x128xf32, #tpu.memory_space<vmem_shared>> -> memref<640x128xf32, #tpu.memory_space<vmem_shared>>
      tpu.wait_dma2 semaphore(%run_scoped3A : memref<!tpu.dma_semaphore, #tpu.memory_space<semaphore_mem>>) src(%dma_wait3A_52 : memref<640x128xf32, #tpu.memory_space<vmem_shared>>) dst(%dma_wait3A_50 : memref<640x128xf32, #tpu.memory_space<hbm>>)
      tpu.yield
    }) : () -> ()
    return
  }
}

#map = affine_map<(d0, d1) -> (0, 0)>
#map1 = affine_map<(d0, d1) -> (0, 0, 0)>
module attributes {stable_mosaic.version = 14 : i64} {
  func.func @_prop_body(%arg0: i32, %arg1: i32, %arg2: memref<20480x128xf32, #tpu.memory_space<hbm>>, %arg3: memref<16x79x128xi32, #tpu.memory_space<hbm>>, %arg4: memref<16x79x128xi32, #tpu.memory_space<hbm>>, %arg5: memref<2x10240x128xf32, #tpu.memory_space<hbm>>, %arg6: memref<79x128xi32, #tpu.memory_space<vmem>>, %arg7: memref<79x128xi32, #tpu.memory_space<vmem>>, %arg8: memref<128x128xf32, #tpu.memory_space<vmem>>, %arg9: memref<10240x128xf32, #tpu.memory_space<vmem_shared>>) attributes {dimension_semantics = [#tpu.dimension_semantics<core_parallel>, #tpu.dimension_semantics<subcore_parallel>], iteration_bounds = array<i64: 2, 16>, scalar_prefetch = 0 : i64, scratch_operands = 4 : i64, tpu.core_type = #tpu.core_type<sc_vector_subcore>, window_params = [{transform_indices = #map}, {transform_indices = #map1}, {transform_indices = #map1}, {transform_indices = #map1}]} {
    "tpu.region"() ({
      %run_scoped3A = tpu.sem_alloc : memref<!tpu.dma_semaphore, #tpu.memory_space<semaphore_mem>>
      %dma_start3A = arith.constant 0 : i32
      %dma_start3A_45 = arith.constant 0 : i32
      %dma_start3A_46 = tpu.memref_slice %arg3[%arg1, %dma_start3A, %dma_start3A_45] : memref<16x79x128xi32, #tpu.memory_space<hbm>> -> memref<1x79x128xi32, #tpu.memory_space<hbm>>
      %dma_start3A_47 = tpu.memref_squeeze %dma_start3A_46 : memref<1x79x128xi32, #tpu.memory_space<hbm>> -> memref<79x128xi32, #tpu.memory_space<hbm>>
      %dma_start3A_48 = arith.constant 0 : i32
      %dma_start3A_49 = arith.constant 0 : i32
      %dma_start3A_50 = tpu.memref_slice %arg3[%arg1, %dma_start3A_48, %dma_start3A_49] : memref<16x79x128xi32, #tpu.memory_space<hbm>> -> memref<1x79x128xi32, #tpu.memory_space<hbm>>
      %dma_start3A_51 = tpu.memref_squeeze %dma_start3A_50 : memref<1x79x128xi32, #tpu.memory_space<hbm>> -> memref<79x128xi32, #tpu.memory_space<hbm>>
      tpu.enqueue_dma source(%dma_start3A_51 : memref<79x128xi32, #tpu.memory_space<hbm>>) target(%arg6 : memref<79x128xi32, #tpu.memory_space<vmem>>) target_semaphore(%run_scoped3A : memref<!tpu.dma_semaphore, #tpu.memory_space<semaphore_mem>>)
      %dma_wait3A = arith.constant 0 : i32
      %dma_wait3A_52 = arith.constant 0 : i32
      %dma_wait3A_53 = tpu.memref_slice %arg3[%arg1, %dma_wait3A, %dma_wait3A_52] : memref<16x79x128xi32, #tpu.memory_space<hbm>> -> memref<1x79x128xi32, #tpu.memory_space<hbm>>
      %dma_wait3A_54 = tpu.memref_squeeze %dma_wait3A_53 : memref<1x79x128xi32, #tpu.memory_space<hbm>> -> memref<79x128xi32, #tpu.memory_space<hbm>>
      %dma_wait3A_55 = arith.constant 0 : i32
      %dma_wait3A_56 = arith.constant 0 : i32
      %dma_wait3A_57 = tpu.memref_slice %arg3[%arg1, %dma_wait3A_55, %dma_wait3A_56] : memref<16x79x128xi32, #tpu.memory_space<hbm>> -> memref<1x79x128xi32, #tpu.memory_space<hbm>>
      %dma_wait3A_58 = tpu.memref_squeeze %dma_wait3A_57 : memref<1x79x128xi32, #tpu.memory_space<hbm>> -> memref<79x128xi32, #tpu.memory_space<hbm>>
      tpu.wait_dma2 semaphore(%run_scoped3A : memref<!tpu.dma_semaphore, #tpu.memory_space<semaphore_mem>>) src(%dma_wait3A_58 : memref<79x128xi32, #tpu.memory_space<hbm>>) dst(%arg6 : memref<79x128xi32, #tpu.memory_space<vmem>>)
      tpu.yield
    }) : () -> ()
    "tpu.region"() ({
      %run_scoped3A = tpu.sem_alloc : memref<!tpu.dma_semaphore, #tpu.memory_space<semaphore_mem>>
      %dma_start3A = arith.constant 0 : i32
      %dma_start3A_45 = arith.constant 0 : i32
      %dma_start3A_46 = tpu.memref_slice %arg4[%arg1, %dma_start3A, %dma_start3A_45] : memref<16x79x128xi32, #tpu.memory_space<hbm>> -> memref<1x79x128xi32, #tpu.memory_space<hbm>>
      %dma_start3A_47 = tpu.memref_squeeze %dma_start3A_46 : memref<1x79x128xi32, #tpu.memory_space<hbm>> -> memref<79x128xi32, #tpu.memory_space<hbm>>
      %dma_start3A_48 = arith.constant 0 : i32
      %dma_start3A_49 = arith.constant 0 : i32
      %dma_start3A_50 = tpu.memref_slice %arg4[%arg1, %dma_start3A_48, %dma_start3A_49] : memref<16x79x128xi32, #tpu.memory_space<hbm>> -> memref<1x79x128xi32, #tpu.memory_space<hbm>>
      %dma_start3A_51 = tpu.memref_squeeze %dma_start3A_50 : memref<1x79x128xi32, #tpu.memory_space<hbm>> -> memref<79x128xi32, #tpu.memory_space<hbm>>
      tpu.enqueue_dma source(%dma_start3A_51 : memref<79x128xi32, #tpu.memory_space<hbm>>) target(%arg7 : memref<79x128xi32, #tpu.memory_space<vmem>>) target_semaphore(%run_scoped3A : memref<!tpu.dma_semaphore, #tpu.memory_space<semaphore_mem>>)
      %dma_wait3A = arith.constant 0 : i32
      %dma_wait3A_52 = arith.constant 0 : i32
      %dma_wait3A_53 = tpu.memref_slice %arg4[%arg1, %dma_wait3A, %dma_wait3A_52] : memref<16x79x128xi32, #tpu.memory_space<hbm>> -> memref<1x79x128xi32, #tpu.memory_space<hbm>>
      %dma_wait3A_54 = tpu.memref_squeeze %dma_wait3A_53 : memref<1x79x128xi32, #tpu.memory_space<hbm>> -> memref<79x128xi32, #tpu.memory_space<hbm>>
      %dma_wait3A_55 = arith.constant 0 : i32
      %dma_wait3A_56 = arith.constant 0 : i32
      %dma_wait3A_57 = tpu.memref_slice %arg4[%arg1, %dma_wait3A_55, %dma_wait3A_56] : memref<16x79x128xi32, #tpu.memory_space<hbm>> -> memref<1x79x128xi32, #tpu.memory_space<hbm>>
      %dma_wait3A_58 = tpu.memref_squeeze %dma_wait3A_57 : memref<1x79x128xi32, #tpu.memory_space<hbm>> -> memref<79x128xi32, #tpu.memory_space<hbm>>
      tpu.wait_dma2 semaphore(%run_scoped3A : memref<!tpu.dma_semaphore, #tpu.memory_space<semaphore_mem>>) src(%dma_wait3A_58 : memref<79x128xi32, #tpu.memory_space<hbm>>) dst(%arg7 : memref<79x128xi32, #tpu.memory_space<vmem>>)
      tpu.yield
    }) : () -> ()
    %mul3A = arith.constant 10240 : i32
    %mul3A_0 = arith.muli %arg0, %mul3A : i32
    %scan3A = arith.constant 0 : i32
    %scan3A_1 = arith.constant 0 : i32
    %scan3A_2 = arith.constant 632 : i32
    %scan3A_3 = arith.addi %scan3A_1, %scan3A_2 : i32
    %scan3A_4 = arith.constant 1 : i32
    %scan3A_5 = scf.for %scan3A_45 = %scan3A_1 to %scan3A_3 step %scan3A_4 iter_args(%scan3A_46 = %scan3A) -> (i32)  : i32 {
      %jit3A = arith.constant 8 : i32
      %div3A = arith.divsi %scan3A_45, %jit3A : i32
      %sign3A = arith.constant 0 : i32
      %sign3A_47 = arith.cmpi sgt, %scan3A_45, %sign3A : i32
      %sign3A_48 = arith.extui %sign3A_47 : i1 to i32
      %sign3A_49 = arith.constant 0 : i32
      %sign3A_50 = arith.cmpi slt, %scan3A_45, %sign3A_49 : i32
      %sign3A_51 = arith.extui %sign3A_50 : i1 to i32
      %sign3A_52 = arith.subi %sign3A_48, %sign3A_51 : i32
      %sign3A_53 = arith.constant 0 : i32
      %sign3A_54 = arith.cmpi sgt, %jit3A, %sign3A_53 : i32
      %sign3A_55 = arith.extui %sign3A_54 : i1 to i32
      %sign3A_56 = arith.constant 0 : i32
      %sign3A_57 = arith.cmpi slt, %jit3A, %sign3A_56 : i32
      %sign3A_58 = arith.extui %sign3A_57 : i1 to i32
      %sign3A_59 = arith.subi %sign3A_55, %sign3A_58 : i32
      %ne3A = arith.cmpi ne, %sign3A_52, %sign3A_59 : i32
      %rem3A = arith.remsi %scan3A_45, %jit3A : i32
      %ne3A_60 = arith.constant 0 : i32
      %ne3A_61 = arith.cmpi ne, %rem3A, %ne3A_60 : i32
      %and3A = arith.andi %ne3A, %ne3A_61 : i1
      %sub3A = arith.constant 1 : i32
      %sub3A_62 = arith.subi %div3A, %sub3A : i32
      %select_n3A = arith.select %and3A, %sub3A_62, %div3A : i32
      %jit3A_63 = arith.constant 8 : i32
      %eq3A = arith.constant 0 : i32
      %eq3A_64 = arith.cmpi eq, %jit3A_63, %eq3A : i32
      %jit3A_65 = arith.constant 1 : i32
      %select_n3A_66 = arith.select %eq3A_64, %jit3A_65, %jit3A_63 : i32
      %rem3A_67 = arith.remsi %scan3A_45, %select_n3A_66 : i32
      %ne3A_68 = arith.constant 0 : i32
      %ne3A_69 = arith.cmpi ne, %rem3A_67, %ne3A_68 : i32
      %lt3A = arith.constant 0 : i32
      %lt3A_70 = arith.cmpi slt, %rem3A_67, %lt3A : i32
      %lt3A_71 = arith.constant 0 : i32
      %lt3A_72 = arith.cmpi slt, %select_n3A_66, %lt3A_71 : i32
      %ne3A_73 = arith.xori %lt3A_70, %lt3A_72 : i1
      %and3A_74 = arith.andi %ne3A_73, %ne3A_69 : i1
      %add3A_75 = arith.addi %rem3A_67, %select_n3A_66 : i32
      %select_n3A_76 = arith.select %and3A_74, %add3A_75, %rem3A_67 : i32
      %mul3A_77 = arith.constant 16 : i32
      %mul3A_78 = arith.muli %select_n3A_76, %mul3A_77 : i32
      %get3A = arith.index_cast %select_n3A : i32 to index
      %get3A_79 = arith.index_cast %mul3A_78 : i32 to index
      %get3A_80 = tpu.vector_load %arg6[%get3A, %get3A_79] {strides = array<i32>} : memref<79x128xi32, #tpu.memory_space<vmem>>, vector<16xi32>,
      %add3A_81 = vector.broadcast %mul3A_0 : i32 to vector<16xi32>
      %add3A_82 = arith.addi %get3A_80, %add3A_81 : vector<16xi32>
      %mul3A_83 = arith.constant 16 : i32
      %mul3A_84 = arith.muli %select_n3A_76, %mul3A_83 : i32
      %swap3A = arith.index_cast %select_n3A : i32 to index
      %swap3A_85 = arith.index_cast %mul3A_84 : i32 to index
      %swap3A_86 = tpu.vector_load %arg6[%swap3A, %swap3A_85] {strides = array<i32>} : memref<79x128xi32, #tpu.memory_space<vmem>>, vector<16xi32>,
      tpu.vector_store %arg6[%swap3A, %swap3A_85], %add3A_82 {strides = array<i32>} : memref<79x128xi32, #tpu.memory_space<vmem>>, vector<16xi32>,
      %scan3A_87 = arith.constant 0 : i32
      scf.yield %scan3A_87 : i32
    }
    %scan3A_6 = arith.constant 632 : i32
    %scan3A_7 = arith.constant 0 : i32
    %scan3A_8 = arith.constant 0 : i32
    %scan3A_9 = arith.constant 1024 : i32
    %scan3A_10 = arith.addi %scan3A_8, %scan3A_9 : i32
    %scan3A_11 = arith.constant 1 : i32
    %scan3A_12 = scf.for %scan3A_45 = %scan3A_8 to %scan3A_10 step %scan3A_11 iter_args(%scan3A_46 = %scan3A_7) -> (i32)  : i32 {
      %broadcast_in_dim3A = arith.constant 0.000000e+00 : f32
      %broadcast_in_dim3A_47 = vector.broadcast %broadcast_in_dim3A : f32 to vector<16xf32>
      %jit3A = arith.constant 8 : i32
      %div3A = arith.divsi %scan3A_45, %jit3A : i32
      %sign3A = arith.constant 0 : i32
      %sign3A_48 = arith.cmpi sgt, %scan3A_45, %sign3A : i32
      %sign3A_49 = arith.extui %sign3A_48 : i1 to i32
      %sign3A_50 = arith.constant 0 : i32
      %sign3A_51 = arith.cmpi slt, %scan3A_45, %sign3A_50 : i32
      %sign3A_52 = arith.extui %sign3A_51 : i1 to i32
      %sign3A_53 = arith.subi %sign3A_49, %sign3A_52 : i32
      %sign3A_54 = arith.constant 0 : i32
      %sign3A_55 = arith.cmpi sgt, %jit3A, %sign3A_54 : i32
      %sign3A_56 = arith.extui %sign3A_55 : i1 to i32
      %sign3A_57 = arith.constant 0 : i32
      %sign3A_58 = arith.cmpi slt, %jit3A, %sign3A_57 : i32
      %sign3A_59 = arith.extui %sign3A_58 : i1 to i32
      %sign3A_60 = arith.subi %sign3A_56, %sign3A_59 : i32
      %ne3A = arith.cmpi ne, %sign3A_53, %sign3A_60 : i32
      %rem3A = arith.remsi %scan3A_45, %jit3A : i32
      %ne3A_61 = arith.constant 0 : i32
      %ne3A_62 = arith.cmpi ne, %rem3A, %ne3A_61 : i32
      %and3A = arith.andi %ne3A, %ne3A_62 : i1
      %sub3A = arith.constant 1 : i32
      %sub3A_63 = arith.subi %div3A, %sub3A : i32
      %select_n3A = arith.select %and3A, %sub3A_63, %div3A : i32
      %jit3A_64 = arith.constant 8 : i32
      %eq3A = arith.constant 0 : i32
      %eq3A_65 = arith.cmpi eq, %jit3A_64, %eq3A : i32
      %jit3A_66 = arith.constant 1 : i32
      %select_n3A_67 = arith.select %eq3A_65, %jit3A_66, %jit3A_64 : i32
      %rem3A_68 = arith.remsi %scan3A_45, %select_n3A_67 : i32
      %ne3A_69 = arith.constant 0 : i32
      %ne3A_70 = arith.cmpi ne, %rem3A_68, %ne3A_69 : i32
      %lt3A = arith.constant 0 : i32
      %lt3A_71 = arith.cmpi slt, %rem3A_68, %lt3A : i32
      %lt3A_72 = arith.constant 0 : i32
      %lt3A_73 = arith.cmpi slt, %select_n3A_67, %lt3A_72 : i32
      %ne3A_74 = arith.xori %lt3A_71, %lt3A_73 : i1
      %and3A_75 = arith.andi %ne3A_74, %ne3A_70 : i1
      %add3A_76 = arith.addi %rem3A_68, %select_n3A_67 : i32
      %select_n3A_77 = arith.select %and3A_75, %add3A_76, %rem3A_68 : i32
      %mul3A_78 = arith.constant 16 : i32
      %mul3A_79 = arith.muli %select_n3A_77, %mul3A_78 : i32
      %swap3A = arith.index_cast %select_n3A : i32 to index
      %swap3A_80 = arith.index_cast %mul3A_79 : i32 to index
      %swap3A_81 = tpu.vector_load %arg8[%swap3A, %swap3A_80] {strides = array<i32>} : memref<128x128xf32, #tpu.memory_space<vmem>>, vector<16xf32>,
      tpu.vector_store %arg8[%swap3A, %swap3A_80], %broadcast_in_dim3A_47 {strides = array<i32>} : memref<128x128xf32, #tpu.memory_space<vmem>>, vector<16xf32>,
      %scan3A_82 = arith.constant 0 : i32
      scf.yield %scan3A_82 : i32
    }
    %scan3A_13 = arith.constant 1024 : i32
    %mul3A_14 = arith.constant 640 : i32
    %mul3A_15 = arith.muli %arg1, %mul3A_14 : i32
    %add3A = arith.constant 0 : i32
    %add3A_16 = arith.addi %mul3A_15, %add3A : i32
    "tpu.region"() ({
      %run_scoped3A = tpu.sem_alloc : memref<!tpu.dma_semaphore, #tpu.memory_space<semaphore_mem>>
      %dma_start3A = arith.constant 0 : i32
      %dma_start3A_45 = tpu.memref_slice %arg9[%add3A_16, %dma_start3A] : memref<10240x128xf32, #tpu.memory_space<vmem_shared>> -> memref<128x128xf32, #tpu.memory_space<vmem_shared>>
      %dma_start3A_46 = arith.constant 0 : i32
      %dma_start3A_47 = tpu.memref_slice %arg9[%add3A_16, %dma_start3A_46] : memref<10240x128xf32, #tpu.memory_space<vmem_shared>> -> memref<128x128xf32, #tpu.memory_space<vmem_shared>>
      tpu.enqueue_dma source(%arg8 : memref<128x128xf32, #tpu.memory_space<vmem>>) target(%dma_start3A_47 : memref<128x128xf32, #tpu.memory_space<vmem_shared>>) target_semaphore(%run_scoped3A : memref<!tpu.dma_semaphore, #tpu.memory_space<semaphore_mem>>)
      %dma_wait3A = arith.constant 0 : i32
      %dma_wait3A_48 = tpu.memref_slice %arg9[%add3A_16, %dma_wait3A] : memref<10240x128xf32, #tpu.memory_space<vmem_shared>> -> memref<128x128xf32, #tpu.memory_space<vmem_shared>>
      %dma_wait3A_49 = arith.constant 0 : i32
      %dma_wait3A_50 = tpu.memref_slice %arg9[%add3A_16, %dma_wait3A_49] : memref<10240x128xf32, #tpu.memory_space<vmem_shared>> -> memref<128x128xf32, #tpu.memory_space<vmem_shared>>
      tpu.wait_dma2 semaphore(%run_scoped3A : memref<!tpu.dma_semaphore, #tpu.memory_space<semaphore_mem>>) src(%arg8 : memref<128x128xf32, #tpu.memory_space<vmem>>) dst(%dma_wait3A_50 : memref<128x128xf32, #tpu.memory_space<vmem_shared>>)
      tpu.yield
    }) : () -> ()
    %mul3A_17 = arith.constant 640 : i32
    %mul3A_18 = arith.muli %arg1, %mul3A_17 : i32
    %add3A_19 = arith.constant 128 : i32
    %add3A_20 = arith.addi %mul3A_18, %add3A_19 : i32
    "tpu.region"() ({
      %run_scoped3A = tpu.sem_alloc : memref<!tpu.dma_semaphore, #tpu.memory_space<semaphore_mem>>
      %dma_start3A = arith.constant 0 : i32
      %dma_start3A_45 = tpu.memref_slice %arg9[%add3A_20, %dma_start3A] : memref<10240x128xf32, #tpu.memory_space<vmem_shared>> -> memref<128x128xf32, #tpu.memory_space<vmem_shared>>
      %dma_start3A_46 = arith.constant 0 : i32
      %dma_start3A_47 = tpu.memref_slice %arg9[%add3A_20, %dma_start3A_46] : memref<10240x128xf32, #tpu.memory_space<vmem_shared>> -> memref<128x128xf32, #tpu.memory_space<vmem_shared>>
      tpu.enqueue_dma source(%arg8 : memref<128x128xf32, #tpu.memory_space<vmem>>) target(%dma_start3A_47 : memref<128x128xf32, #tpu.memory_space<vmem_shared>>) target_semaphore(%run_scoped3A : memref<!tpu.dma_semaphore, #tpu.memory_space<semaphore_mem>>)
      %dma_wait3A = arith.constant 0 : i32
      %dma_wait3A_48 = tpu.memref_slice %arg9[%add3A_20, %dma_wait3A] : memref<10240x128xf32, #tpu.memory_space<vmem_shared>> -> memref<128x128xf32, #tpu.memory_space<vmem_shared>>
      %dma_wait3A_49 = arith.constant 0 : i32
      %dma_wait3A_50 = tpu.memref_slice %arg9[%add3A_20, %dma_wait3A_49] : memref<10240x128xf32, #tpu.memory_space<vmem_shared>> -> memref<128x128xf32, #tpu.memory_space<vmem_shared>>
      tpu.wait_dma2 semaphore(%run_scoped3A : memref<!tpu.dma_semaphore, #tpu.memory_space<semaphore_mem>>) src(%arg8 : memref<128x128xf32, #tpu.memory_space<vmem>>) dst(%dma_wait3A_50 : memref<128x128xf32, #tpu.memory_space<vmem_shared>>)
      tpu.yield
    }) : () -> ()
    %mul3A_21 = arith.constant 640 : i32
    %mul3A_22 = arith.muli %arg1, %mul3A_21 : i32
    %add3A_23 = arith.constant 256 : i32
    %add3A_24 = arith.addi %mul3A_22, %add3A_23 : i32
    "tpu.region"() ({
      %run_scoped3A = tpu.sem_alloc : memref<!tpu.dma_semaphore, #tpu.memory_space<semaphore_mem>>
      %dma_start3A = arith.constant 0 : i32
      %dma_start3A_45 = tpu.memref_slice %arg9[%add3A_24, %dma_start3A] : memref<10240x128xf32, #tpu.memory_space<vmem_shared>> -> memref<128x128xf32, #tpu.memory_space<vmem_shared>>
      %dma_start3A_46 = arith.constant 0 : i32
      %dma_start3A_47 = tpu.memref_slice %arg9[%add3A_24, %dma_start3A_46] : memref<10240x128xf32, #tpu.memory_space<vmem_shared>> -> memref<128x128xf32, #tpu.memory_space<vmem_shared>>
      tpu.enqueue_dma source(%arg8 : memref<128x128xf32, #tpu.memory_space<vmem>>) target(%dma_start3A_47 : memref<128x128xf32, #tpu.memory_space<vmem_shared>>) target_semaphore(%run_scoped3A : memref<!tpu.dma_semaphore, #tpu.memory_space<semaphore_mem>>)
      %dma_wait3A = arith.constant 0 : i32
      %dma_wait3A_48 = tpu.memref_slice %arg9[%add3A_24, %dma_wait3A] : memref<10240x128xf32, #tpu.memory_space<vmem_shared>> -> memref<128x128xf32, #tpu.memory_space<vmem_shared>>
      %dma_wait3A_49 = arith.constant 0 : i32
      %dma_wait3A_50 = tpu.memref_slice %arg9[%add3A_24, %dma_wait3A_49] : memref<10240x128xf32, #tpu.memory_space<vmem_shared>> -> memref<128x128xf32, #tpu.memory_space<vmem_shared>>
      tpu.wait_dma2 semaphore(%run_scoped3A : memref<!tpu.dma_semaphore, #tpu.memory_space<semaphore_mem>>) src(%arg8 : memref<128x128xf32, #tpu.memory_space<vmem>>) dst(%dma_wait3A_50 : memref<128x128xf32, #tpu.memory_space<vmem_shared>>)
      tpu.yield
    }) : () -> ()
    %mul3A_25 = arith.constant 640 : i32
    %mul3A_26 = arith.muli %arg1, %mul3A_25 : i32
    %add3A_27 = arith.constant 384 : i32
    %add3A_28 = arith.addi %mul3A_26, %add3A_27 : i32
    "tpu.region"() ({
      %run_scoped3A = tpu.sem_alloc : memref<!tpu.dma_semaphore, #tpu.memory_space<semaphore_mem>>
      %dma_start3A = arith.constant 0 : i32
      %dma_start3A_45 = tpu.memref_slice %arg9[%add3A_28, %dma_start3A] : memref<10240x128xf32, #tpu.memory_space<vmem_shared>> -> memref<128x128xf32, #tpu.memory_space<vmem_shared>>
      %dma_start3A_46 = arith.constant 0 : i32
      %dma_start3A_47 = tpu.memref_slice %arg9[%add3A_28, %dma_start3A_46] : memref<10240x128xf32, #tpu.memory_space<vmem_shared>> -> memref<128x128xf32, #tpu.memory_space<vmem_shared>>
      tpu.enqueue_dma source(%arg8 : memref<128x128xf32, #tpu.memory_space<vmem>>) target(%dma_start3A_47 : memref<128x128xf32, #tpu.memory_space<vmem_shared>>) target_semaphore(%run_scoped3A : memref<!tpu.dma_semaphore, #tpu.memory_space<semaphore_mem>>)
      %dma_wait3A = arith.constant 0 : i32
      %dma_wait3A_48 = tpu.memref_slice %arg9[%add3A_28, %dma_wait3A] : memref<10240x128xf32, #tpu.memory_space<vmem_shared>> -> memref<128x128xf32, #tpu.memory_space<vmem_shared>>
      %dma_wait3A_49 = arith.constant 0 : i32
      %dma_wait3A_50 = tpu.memref_slice %arg9[%add3A_28, %dma_wait3A_49] : memref<10240x128xf32, #tpu.memory_space<vmem_shared>> -> memref<128x128xf32, #tpu.memory_space<vmem_shared>>
      tpu.wait_dma2 semaphore(%run_scoped3A : memref<!tpu.dma_semaphore, #tpu.memory_space<semaphore_mem>>) src(%arg8 : memref<128x128xf32, #tpu.memory_space<vmem>>) dst(%dma_wait3A_50 : memref<128x128xf32, #tpu.memory_space<vmem_shared>>)
      tpu.yield
    }) : () -> ()
    %mul3A_29 = arith.constant 640 : i32
    %mul3A_30 = arith.muli %arg1, %mul3A_29 : i32
    %add3A_31 = arith.constant 512 : i32
    %add3A_32 = arith.addi %mul3A_30, %add3A_31 : i32
    "tpu.region"() ({
      %run_scoped3A = tpu.sem_alloc : memref<!tpu.dma_semaphore, #tpu.memory_space<semaphore_mem>>
      %dma_start3A = arith.constant 0 : i32
      %dma_start3A_45 = tpu.memref_slice %arg9[%add3A_32, %dma_start3A] : memref<10240x128xf32, #tpu.memory_space<vmem_shared>> -> memref<128x128xf32, #tpu.memory_space<vmem_shared>>
      %dma_start3A_46 = arith.constant 0 : i32
      %dma_start3A_47 = tpu.memref_slice %arg9[%add3A_32, %dma_start3A_46] : memref<10240x128xf32, #tpu.memory_space<vmem_shared>> -> memref<128x128xf32, #tpu.memory_space<vmem_shared>>
      tpu.enqueue_dma source(%arg8 : memref<128x128xf32, #tpu.memory_space<vmem>>) target(%dma_start3A_47 : memref<128x128xf32, #tpu.memory_space<vmem_shared>>) target_semaphore(%run_scoped3A : memref<!tpu.dma_semaphore, #tpu.memory_space<semaphore_mem>>)
      %dma_wait3A = arith.constant 0 : i32
      %dma_wait3A_48 = tpu.memref_slice %arg9[%add3A_32, %dma_wait3A] : memref<10240x128xf32, #tpu.memory_space<vmem_shared>> -> memref<128x128xf32, #tpu.memory_space<vmem_shared>>
      %dma_wait3A_49 = arith.constant 0 : i32
      %dma_wait3A_50 = tpu.memref_slice %arg9[%add3A_32, %dma_wait3A_49] : memref<10240x128xf32, #tpu.memory_space<vmem_shared>> -> memref<128x128xf32, #tpu.memory_space<vmem_shared>>
      tpu.wait_dma2 semaphore(%run_scoped3A : memref<!tpu.dma_semaphore, #tpu.memory_space<semaphore_mem>>) src(%arg8 : memref<128x128xf32, #tpu.memory_space<vmem>>) dst(%dma_wait3A_50 : memref<128x128xf32, #tpu.memory_space<vmem_shared>>)
      tpu.yield
    }) : () -> ()
    %barrier3A = arith.constant 0 : index
    tpu.barrier barrier_id(%barrier3A)
    %scan3A_33 = arith.constant 0 : i32
    %scan3A_34 = arith.constant 0 : i32
    %scan3A_35 = arith.constant 79 : i32
    %scan3A_36 = arith.addi %scan3A_34, %scan3A_35 : i32
    %scan3A_37 = arith.constant 1 : i32
    %scan3A_38 = scf.for %scan3A_45 = %scan3A_34 to %scan3A_36 step %scan3A_37 iter_args(%scan3A_46 = %scan3A_33) -> (i32)  : i32 {
      "tpu.region"() ({
        %run_scoped3A = tpu.sem_alloc : memref<!tpu.dma_semaphore, #tpu.memory_space<semaphore_mem>>
        %dma_start3A = arith.constant 0 : i32
        %dma_start3A_48 = tpu.memref_slice %arg6[%scan3A_45, %dma_start3A] : memref<79x128xi32, #tpu.memory_space<vmem>> -> memref<1x128xi32, #tpu.memory_space<vmem>>
        %dma_start3A_49 = tpu.memref_squeeze %dma_start3A_48 : memref<1x128xi32, #tpu.memory_space<vmem>> -> memref<128xi32, #tpu.memory_space<vmem>>
        %dma_start3A_50 = arith.constant 0 : i32
        %dma_start3A_51 = arith.constant 0 : i32
        %dma_start3A_52 = tpu.memref_slice %arg2[%dma_start3A_50, %dma_start3A_51] : memref<20480x128xf32, #tpu.memory_space<hbm>> -> memref<20480x128xf32, #tpu.memory_space<hbm>>
        tpu.enqueue_indirect_dma source(%dma_start3A_52 : memref<20480x128xf32, #tpu.memory_space<hbm>>) target(%arg8 : memref<128x128xf32, #tpu.memory_space<vmem>>) offsets(%dma_start3A_49 : memref<128xi32, #tpu.memory_space<vmem>>) semaphore(%run_scoped3A : memref<!tpu.dma_semaphore, #tpu.memory_space<semaphore_mem>>)
        %dma_wait3A = arith.constant 0 : i32
        %dma_wait3A_53 = tpu.memref_slice %arg6[%scan3A_45, %dma_wait3A] : memref<79x128xi32, #tpu.memory_space<vmem>> -> memref<1x128xi32, #tpu.memory_space<vmem>>
        %dma_wait3A_54 = tpu.memref_squeeze %dma_wait3A_53 : memref<1x128xi32, #tpu.memory_space<vmem>> -> memref<128xi32, #tpu.memory_space<vmem>>
        %dma_wait3A_55 = arith.constant 0 : i32
        %dma_wait3A_56 = arith.constant 0 : i32
        %dma_wait3A_57 = tpu.memref_slice %arg2[%dma_wait3A_55, %dma_wait3A_56] : memref<20480x128xf32, #tpu.memory_space<hbm>> -> memref<20480x128xf32, #tpu.memory_space<hbm>>
        tpu.wait_indirect_dma semaphore(%run_scoped3A : memref<!tpu.dma_semaphore, #tpu.memory_space<semaphore_mem>>) src(%dma_wait3A_57 : memref<20480x128xf32, #tpu.memory_space<hbm>>) dst(%arg8 : memref<128x128xf32, #tpu.memory_space<vmem>>)
        tpu.yield
      }) : () -> ()
      "tpu.region"() ({
        %run_scoped3A = tpu.sem_alloc : memref<!tpu.dma_semaphore, #tpu.memory_space<semaphore_mem>>
        %dma_start3A = arith.constant 0 : i32
        %dma_start3A_48 = tpu.memref_slice %arg7[%scan3A_45, %dma_start3A] : memref<79x128xi32, #tpu.memory_space<vmem>> -> memref<1x128xi32, #tpu.memory_space<vmem>>
        %dma_start3A_49 = tpu.memref_squeeze %dma_start3A_48 : memref<1x128xi32, #tpu.memory_space<vmem>> -> memref<128xi32, #tpu.memory_space<vmem>>
        %dma_start3A_50 = arith.constant 0 : i32
        %dma_start3A_51 = arith.constant 0 : i32
        %dma_start3A_52 = tpu.memref_slice %arg9[%dma_start3A_50, %dma_start3A_51] : memref<10240x128xf32, #tpu.memory_space<vmem_shared>> -> memref<10240x128xf32, #tpu.memory_space<vmem_shared>>
        tpu.enqueue_indirect_dma source(%arg8 : memref<128x128xf32, #tpu.memory_space<vmem>>) target(%dma_start3A_52 : memref<10240x128xf32, #tpu.memory_space<vmem_shared>>) offsets(%dma_start3A_49 : memref<128xi32, #tpu.memory_space<vmem>>) semaphore(%run_scoped3A : memref<!tpu.dma_semaphore, #tpu.memory_space<semaphore_mem>>) {add = true}
        %dma_wait3A = arith.constant 0 : i32
        %dma_wait3A_53 = tpu.memref_slice %arg7[%scan3A_45, %dma_wait3A] : memref<79x128xi32, #tpu.memory_space<vmem>> -> memref<1x128xi32, #tpu.memory_space<vmem>>
        %dma_wait3A_54 = tpu.memref_squeeze %dma_wait3A_53 : memref<1x128xi32, #tpu.memory_space<vmem>> -> memref<128xi32, #tpu.memory_space<vmem>>
        %dma_wait3A_55 = arith.constant 0 : i32
        %dma_wait3A_56 = arith.constant 0 : i32
        %dma_wait3A_57 = tpu.memref_slice %arg9[%dma_wait3A_55, %dma_wait3A_56] : memref<10240x128xf32, #tpu.memory_space<vmem_shared>> -> memref<10240x128xf32, #tpu.memory_space<vmem_shared>>
        tpu.wait_indirect_dma semaphore(%run_scoped3A : memref<!tpu.dma_semaphore, #tpu.memory_space<semaphore_mem>>) src(%arg8 : memref<128x128xf32, #tpu.memory_space<vmem>>) dst(%dma_wait3A_57 : memref<10240x128xf32, #tpu.memory_space<vmem_shared>>)
        tpu.yield
      }) : () -> ()
      %scan3A_47 = arith.constant 0 : i32
      scf.yield %scan3A_47 : i32
    }
    %scan3A_39 = arith.constant 79 : i32
    %barrier3A_40 = arith.constant 0 : index
    tpu.barrier barrier_id(%barrier3A_40)
    %mul3A_41 = arith.constant 640 : i32
    %mul3A_42 = arith.muli %arg1, %mul3A_41 : i32
    %mul3A_43 = arith.constant 640 : i32
    %mul3A_44 = arith.muli %arg1, %mul3A_43 : i32
    "tpu.region"() ({
      %run_scoped3A = tpu.sem_alloc : memref<!tpu.dma_semaphore, #tpu.memory_space<semaphore_mem>>
      %dma_start3A = arith.constant 0 : i32
      %dma_start3A_45 = tpu.memref_slice %arg5[%arg0, %mul3A_44, %dma_start3A] : memref<2x10240x128xf32, #tpu.memory_space<hbm>> -> memref<1x640x128xf32, #tpu.memory_space<hbm>>
      %dma_start3A_46 = tpu.memref_squeeze %dma_start3A_45 : memref<1x640x128xf32, #tpu.memory_space<hbm>> -> memref<640x128xf32, #tpu.memory_space<hbm>>
      %dma_start3A_47 = arith.constant 0 : i32
      %dma_start3A_48 = tpu.memref_slice %arg9[%mul3A_42, %dma_start3A_47] : memref<10240x128xf32, #tpu.memory_space<vmem_shared>> -> memref<640x128xf32, #tpu.memory_space<vmem_shared>>
      tpu.enqueue_dma source(%dma_start3A_48 : memref<640x128xf32, #tpu.memory_space<vmem_shared>>) target(%dma_start3A_46 : memref<640x128xf32, #tpu.memory_space<hbm>>) target_semaphore(%run_scoped3A : memref<!tpu.dma_semaphore, #tpu.memory_space<semaphore_mem>>)
      %dma_wait3A = arith.constant 0 : i32
      %dma_wait3A_49 = tpu.memref_slice %arg5[%arg0, %mul3A_44, %dma_wait3A] : memref<2x10240x128xf32, #tpu.memory_space<hbm>> -> memref<1x640x128xf32, #tpu.memory_space<hbm>>
      %dma_wait3A_50 = tpu.memref_squeeze %dma_wait3A_49 : memref<1x640x128xf32, #tpu.memory_space<hbm>> -> memref<640x128xf32, #tpu.memory_space<hbm>>
      %dma_wait3A_51 = arith.constant 0 : i32
      %dma_wait3A_52 = tpu.memref_slice %arg9[%mul3A_42, %dma_wait3A_51] : memref<10240x128xf32, #tpu.memory_space<vmem_shared>> -> memref<640x128xf32, #tpu.memory_space<vmem_shared>>
      tpu.wait_dma2 semaphore(%run_scoped3A : memref<!tpu.dma_semaphore, #tpu.memory_space<semaphore_mem>>) src(%dma_wait3A_52 : memref<640x128xf32, #tpu.memory_space<vmem_shared>>) dst(%dma_wait3A_50 : memref<640x128xf32, #tpu.memory_space<hbm>>)
      tpu.yield
    }) : () -> ()
    return
  }
}

module attributes {stable_mosaic.version = 14 : i64} {
  func.func @_norm_body(%arg0: i32, %arg1: memref<256x1xf32, #tpu.memory_space<vmem>>, %arg2: memref<256x1xf32, #tpu.memory_space<vmem>>, %arg3: memref<2x256x128xf32, #tpu.memory_space<vmem>>, %arg4: memref<2x256x128xf32, #tpu.memory_space<vmem>>, %arg5: memref<256x1xf32, #tpu.memory_space<vmem>>, %arg6: memref<256x1xf32, #tpu.memory_space<vmem>>) attributes {dimension_semantics = [#tpu.dimension_semantics<arbitrary>], iteration_bounds = array<i64: 40>, scalar_prefetch = 0 : i64, scratch_operands = 0 : i64, tpu.core_type = #tpu.core_type<tc>, window_params = [{transform_indices = @transform_0, window_bounds = array<i64: 256, 1>}, {transform_indices = @transform_1, window_bounds = array<i64: 256, 1>}, {transform_indices = @transform_2, window_bounds = array<i64: 2, 256, 128>}, {transform_indices = @transform_3, window_bounds = array<i64: 2, 256, 128>}, {transform_indices = @transform_4, window_bounds = array<i64: 256, 1>}, {transform_indices = @transform_5, window_bounds = array<i64: 256, 1>}]} {
    %get3A = arith.constant 0 : index
    %get3A_0 = arith.constant 0 : index
    %get3A_1 = vector.load %arg1[%get3A, %get3A_0] : memref<256x1xf32, #tpu.memory_space<vmem>>, vector<256x1xf32>
    %max3A = arith.constant 1.000000e+00 : f32
    %max3A_2 = vector.broadcast %max3A : f32 to vector<256x1xf32>
    %max3A_3 = arith.maximumf %get3A_1, %max3A_2 : vector<256x1xf32>
    %sqrt3A = math.sqrt %max3A_3 : vector<256x1xf32>
    %div3A = arith.constant 1.000000e+00 : f32
    %div3A_4 = vector.broadcast %div3A : f32 to vector<256x1xf32>
    %div3A_5 = arith.divf %div3A_4, %sqrt3A : vector<256x1xf32>
    %get3A_6 = arith.constant 0 : index
    %get3A_7 = arith.constant 0 : index
    %get3A_8 = vector.load %arg2[%get3A_6, %get3A_7] : memref<256x1xf32, #tpu.memory_space<vmem>>, vector<256x1xf32>
    %max3A_9 = arith.constant 1.000000e+00 : f32
    %max3A_10 = vector.broadcast %max3A_9 : f32 to vector<256x1xf32>
    %max3A_11 = arith.maximumf %get3A_8, %max3A_10 : vector<256x1xf32>
    %sqrt3A_12 = math.sqrt %max3A_11 : vector<256x1xf32>
    %div3A_13 = arith.constant 1.000000e+00 : f32
    %div3A_14 = vector.broadcast %div3A_13 : f32 to vector<256x1xf32>
    %div3A_15 = arith.divf %div3A_14, %sqrt3A_12 : vector<256x1xf32>
    %swap3A = arith.constant 0 : index
    %swap3A_16 = arith.constant 0 : index
    %swap3A_17 = vector.load %arg5[%swap3A, %swap3A_16] : memref<256x1xf32, #tpu.memory_space<vmem>>, vector<256x1xf32>
    tpu.vector_store %arg5[%swap3A, %swap3A_16], %div3A_5 {strides = array<i32>} : memref<256x1xf32, #tpu.memory_space<vmem>>, vector<256x1xf32>,
    %swap3A_18 = arith.constant 0 : index
    %swap3A_19 = arith.constant 0 : index
    %swap3A_20 = vector.load %arg6[%swap3A_18, %swap3A_19] : memref<256x1xf32, #tpu.memory_space<vmem>>, vector<256x1xf32>
    tpu.vector_store %arg6[%swap3A_18, %swap3A_19], %div3A_15 {strides = array<i32>} : memref<256x1xf32, #tpu.memory_space<vmem>>, vector<256x1xf32>,
    %get3A_21 = arith.constant 0 : index
    %get3A_22 = arith.constant 0 : index
    %get3A_23 = arith.constant 0 : index
    %get3A_24 = vector.load %arg3[%get3A_21, %get3A_22, %get3A_23] : memref<2x256x128xf32, #tpu.memory_space<vmem>>, vector<1x256x128xf32>
    %get3A_25 = vector.shape_cast %get3A_24 : vector<1x256x128xf32> to vector<256x128xf32>
    %mul3A = vector.broadcast %div3A_5 : vector<256x1xf32> to vector<256x128xf32>
    %mul3A_26 = arith.mulf %get3A_25, %mul3A : vector<256x128xf32>
    %swap3A_27 = arith.constant 0 : index
    %swap3A_28 = arith.constant 0 : index
    %swap3A_29 = arith.constant 0 : index
    %swap3A_30 = vector.load %arg4[%swap3A_27, %swap3A_28, %swap3A_29] : memref<2x256x128xf32, #tpu.memory_space<vmem>>, vector<1x256x128xf32>
    %swap3A_31 = vector.shape_cast %swap3A_30 : vector<1x256x128xf32> to vector<256x128xf32>
    %swap3A_32 = vector.shape_cast %mul3A_26 : vector<256x128xf32> to vector<1x256x128xf32>
    tpu.vector_store %arg4[%swap3A_27, %swap3A_28, %swap3A_29], %swap3A_32 {strides = array<i32>} : memref<2x256x128xf32, #tpu.memory_space<vmem>>, vector<1x256x128xf32>,
    %get3A_33 = arith.constant 1 : index
    %get3A_34 = arith.constant 0 : index
    %get3A_35 = arith.constant 0 : index
    %get3A_36 = vector.load %arg3[%get3A_33, %get3A_34, %get3A_35] : memref<2x256x128xf32, #tpu.memory_space<vmem>>, vector<1x256x128xf32>
    %get3A_37 = vector.shape_cast %get3A_36 : vector<1x256x128xf32> to vector<256x128xf32>
    %mul3A_38 = vector.broadcast %div3A_5 : vector<256x1xf32> to vector<256x128xf32>
    %mul3A_39 = arith.mulf %get3A_37, %mul3A_38 : vector<256x128xf32>
    %swap3A_40 = arith.constant 1 : index
    %swap3A_41 = arith.constant 0 : index
    %swap3A_42 = arith.constant 0 : index
    %swap3A_43 = vector.load %arg4[%swap3A_40, %swap3A_41, %swap3A_42] : memref<2x256x128xf32, #tpu.memory_space<vmem>>, vector<1x256x128xf32>
    %swap3A_44 = vector.shape_cast %swap3A_43 : vector<1x256x128xf32> to vector<256x128xf32>
    %swap3A_45 = vector.shape_cast %mul3A_39 : vector<256x128xf32> to vector<1x256x128xf32>
    tpu.vector_store %arg4[%swap3A_40, %swap3A_41, %swap3A_42], %swap3A_45 {strides = array<i32>} : memref<2x256x128xf32, #tpu.memory_space<vmem>>, vector<1x256x128xf32>,
    return
  }
  func.func @transform_0(%arg0: i32) -> (i32, i32) {
    %c0_i32 = arith.constant 0 : i32
    %c0_i32_0 = arith.constant 0 : i32
    return %arg0, %c0_i32 : i32, i32
  }
  func.func @transform_1(%arg0: i32) -> (i32, i32) {
    %c0_i32 = arith.constant 0 : i32
    %c0_i32_0 = arith.constant 0 : i32
    return %arg0, %c0_i32 : i32, i32
  }
  func.func @transform_2(%arg0: i32) -> (i32, i32, i32) {
    %c0_i32 = arith.constant 0 : i32
    %c0_i32_0 = arith.constant 0 : i32
    %c0_i32_1 = arith.constant 0 : i32
    return %c0_i32, %arg0, %c0_i32_0 : i32, i32, i32
  }
  func.func @transform_3(%arg0: i32) -> (i32, i32, i32) {
    %c0_i32 = arith.constant 0 : i32
    %c0_i32_0 = arith.constant 0 : i32
    %c0_i32_1 = arith.constant 0 : i32
    return %c0_i32, %arg0, %c0_i32_0 : i32, i32, i32
  }
  func.func @transform_4(%arg0: i32) -> (i32, i32) {
    %c0_i32 = arith.constant 0 : i32
    %c0_i32_0 = arith.constant 0 : i32
    return %arg0, %c0_i32 : i32, i32
  }
  func.func @transform_5(%arg0: i32) -> (i32, i32) {
    %c0_i32 = arith.constant 0 : i32
    %c0_i32_0 = arith.constant 0 : i32
    return %arg0, %c0_i32 : i32, i32
  }
}

module attributes {stable_mosaic.version = 14 : i64} {
  func.func @_gin_body(%arg0: i32, %arg1: memref<2x256x128xf32, #tpu.memory_space<vmem>>, %arg2: memref<2x256x128xf32, #tpu.memory_space<vmem>>, %arg3: memref<1x1xf32, #tpu.memory_space<vmem>>, %arg4: memref<256x256xf32, #tpu.memory_space<vmem>>, %arg5: memref<1x256xf32, #tpu.memory_space<vmem>>, %arg6: memref<256x256xf32, #tpu.memory_space<vmem>>, %arg7: memref<1x256xf32, #tpu.memory_space<vmem>>, %arg8: memref<2x256x128xf32, #tpu.memory_space<vmem>>) attributes {dimension_semantics = [#tpu.dimension_semantics<arbitrary>], iteration_bounds = array<i64: 40>, scalar_prefetch = 0 : i64, scratch_operands = 0 : i64, tpu.core_type = #tpu.core_type<tc>, window_params = [{transform_indices = @transform_0, window_bounds = array<i64: 2, 256, 128>}, {transform_indices = @transform_1, window_bounds = array<i64: 2, 256, 128>}, {pipeline_mode = #tpu.pipeline_mode<synchronous>, transform_indices = @transform_2, window_bounds = array<i64: 1, 1>}, {pipeline_mode = #tpu.pipeline_mode<synchronous>, transform_indices = @transform_3, window_bounds = array<i64: 256, 256>}, {pipeline_mode = #tpu.pipeline_mode<synchronous>, transform_indices = @transform_4, window_bounds = array<i64: 1, 256>}, {pipeline_mode = #tpu.pipeline_mode<synchronous>, transform_indices = @transform_5, window_bounds = array<i64: 256, 256>}, {pipeline_mode = #tpu.pipeline_mode<synchronous>, transform_indices = @transform_6, window_bounds = array<i64: 1, 256>}, {transform_indices = @transform_7, window_bounds = array<i64: 2, 256, 128>}]} {
    %get3A = arith.constant 0 : index
    %get3A_0 = arith.constant 0 : index
    %get3A_1 = vector.load %arg3[%get3A, %get3A_0] : memref<1x1xf32, #tpu.memory_space<vmem>>, vector<1x1xf32>
    %get3A_2 = vector.extract %get3A_1[0, 0] : f32 from vector<1x1xf32>
    %add3A = arith.constant 1.000000e+00 : f32
    %add3A_3 = arith.addf %add3A, %get3A_2 : f32
    %get3A_4 = arith.constant 0 : index
    %get3A_5 = arith.constant 0 : index
    %get3A_6 = arith.constant 0 : index
    %get3A_7 = vector.load %arg1[%get3A_4, %get3A_5, %get3A_6] : memref<2x256x128xf32, #tpu.memory_space<vmem>>, vector<1x256x128xf32>
    %get3A_8 = vector.shape_cast %get3A_7 : vector<1x256x128xf32> to vector<256x128xf32>
    %get3A_9 = arith.constant 1 : index
    %get3A_10 = arith.constant 0 : index
    %get3A_11 = arith.constant 0 : index
    %get3A_12 = vector.load %arg1[%get3A_9, %get3A_10, %get3A_11] : memref<2x256x128xf32, #tpu.memory_space<vmem>>, vector<1x256x128xf32>
    %get3A_13 = vector.shape_cast %get3A_12 : vector<1x256x128xf32> to vector<256x128xf32>
    %concatenate3A = tpu.concatenate %get3A_8, %get3A_13 in 1 : vector<256x128xf32>, vector<256x128xf32> -> vector<256x256xf32>
    %mul3A = vector.broadcast %add3A_3 : f32 to vector<256x256xf32>
    %mul3A_14 = arith.mulf %concatenate3A, %mul3A : vector<256x256xf32>
    %get3A_15 = arith.constant 0 : index
    %get3A_16 = arith.constant 0 : index
    %get3A_17 = arith.constant 0 : index
    %get3A_18 = vector.load %arg2[%get3A_15, %get3A_16, %get3A_17] : memref<2x256x128xf32, #tpu.memory_space<vmem>>, vector<1x256x128xf32>
    %get3A_19 = vector.shape_cast %get3A_18 : vector<1x256x128xf32> to vector<256x128xf32>
    %get3A_20 = arith.constant 1 : index
    %get3A_21 = arith.constant 0 : index
    %get3A_22 = arith.constant 0 : index
    %get3A_23 = vector.load %arg2[%get3A_20, %get3A_21, %get3A_22] : memref<2x256x128xf32, #tpu.memory_space<vmem>>, vector<1x256x128xf32>
    %get3A_24 = vector.shape_cast %get3A_23 : vector<1x256x128xf32> to vector<256x128xf32>
    %concatenate3A_25 = tpu.concatenate %get3A_19, %get3A_24 in 1 : vector<256x128xf32>, vector<256x128xf32> -> vector<256x256xf32>
    %add3A_26 = arith.addf %mul3A_14, %concatenate3A_25 : vector<256x256xf32>
    %get3A_27 = arith.constant 0 : index
    %get3A_28 = arith.constant 0 : index
    %get3A_29 = vector.load %arg4[%get3A_27, %get3A_28] : memref<256x256xf32, #tpu.memory_space<vmem>>, vector<256x256xf32>
    %dot_general3A = arith.constant dense<0.000000e+00> : vector<256x256xf32>
    %dot_general3A_30 = tpu.matmul %add3A_26, %get3A_29, %dot_general3A {dimension_numbers = #tpu.dot_dimension_numbers<[1], [0], [0], [1], [0, 0, 1, 1], [], []>, transpose_lhs_hint = false} : vector<256x256xf32>, vector<256x256xf32>, vector<256x256xf32> -> vector<256x256xf32>
    %get3A_31 = arith.constant 0 : index
    %get3A_32 = arith.constant 0 : index
    %get3A_33 = vector.load %arg5[%get3A_31, %get3A_32] : memref<1x256xf32, #tpu.memory_space<vmem>>, vector<1x256xf32>
    %add3A_34 = vector.broadcast %get3A_33 : vector<1x256xf32> to vector<256x256xf32>
    %add3A_35 = arith.addf %dot_general3A_30, %add3A_34 : vector<256x256xf32>
    %max3A = arith.constant 0.000000e+00 : f32
    %max3A_36 = vector.broadcast %max3A : f32 to vector<256x256xf32>
    %max3A_37 = arith.maximumf %add3A_35, %max3A_36 : vector<256x256xf32>
    %get3A_38 = arith.constant 0 : index
    %get3A_39 = arith.constant 0 : index
    %get3A_40 = vector.load %arg6[%get3A_38, %get3A_39] : memref<256x256xf32, #tpu.memory_space<vmem>>, vector<256x256xf32>
    %dot_general3A_41 = arith.constant dense<0.000000e+00> : vector<256x256xf32>
    %dot_general3A_42 = tpu.matmul %max3A_37, %get3A_40, %dot_general3A_41 {dimension_numbers = #tpu.dot_dimension_numbers<[1], [0], [0], [1], [0, 0, 1, 1], [], []>, transpose_lhs_hint = false} : vector<256x256xf32>, vector<256x256xf32>, vector<256x256xf32> -> vector<256x256xf32>
    %get3A_43 = arith.constant 0 : index
    %get3A_44 = arith.constant 0 : index
    %get3A_45 = vector.load %arg7[%get3A_43, %get3A_44] : memref<1x256xf32, #tpu.memory_space<vmem>>, vector<1x256xf32>
    %add3A_46 = vector.broadcast %get3A_45 : vector<1x256xf32> to vector<256x256xf32>
    %add3A_47 = arith.addf %dot_general3A_42, %add3A_46 : vector<256x256xf32>
    %slice3A = vector.extract_strided_slice %add3A_47 {offsets = [0, 0], sizes = [256, 128], strides = [1, 1]} : vector<256x256xf32> to vector<256x128xf32>
    %swap3A = arith.constant 0 : index
    %swap3A_48 = arith.constant 0 : index
    %swap3A_49 = arith.constant 0 : index
    %swap3A_50 = vector.load %arg8[%swap3A, %swap3A_48, %swap3A_49] : memref<2x256x128xf32, #tpu.memory_space<vmem>>, vector<1x256x128xf32>
    %swap3A_51 = vector.shape_cast %swap3A_50 : vector<1x256x128xf32> to vector<256x128xf32>
    %swap3A_52 = vector.shape_cast %slice3A : vector<256x128xf32> to vector<1x256x128xf32>
    tpu.vector_store %arg8[%swap3A, %swap3A_48, %swap3A_49], %swap3A_52 {strides = array<i32>} : memref<2x256x128xf32, #tpu.memory_space<vmem>>, vector<1x256x128xf32>,
    %slice3A_53 = vector.extract_strided_slice %add3A_47 {offsets = [0, 128], sizes = [256, 128], strides = [1, 1]} : vector<256x256xf32> to vector<256x128xf32>
    %swap3A_54 = arith.constant 1 : index
    %swap3A_55 = arith.constant 0 : index
    %swap3A_56 = arith.constant 0 : index
    %swap3A_57 = vector.load %arg8[%swap3A_54, %swap3A_55, %swap3A_56] : memref<2x256x128xf32, #tpu.memory_space<vmem>>, vector<1x256x128xf32>
    %swap3A_58 = vector.shape_cast %swap3A_57 : vector<1x256x128xf32> to vector<256x128xf32>
    %swap3A_59 = vector.shape_cast %slice3A_53 : vector<256x128xf32> to vector<1x256x128xf32>
    tpu.vector_store %arg8[%swap3A_54, %swap3A_55, %swap3A_56], %swap3A_59 {strides = array<i32>} : memref<2x256x128xf32, #tpu.memory_space<vmem>>, vector<1x256x128xf32>,
    return
  }
  func.func @transform_0(%arg0: i32) -> (i32, i32, i32) {
    %c0_i32 = arith.constant 0 : i32
    %c0_i32_0 = arith.constant 0 : i32
    %c0_i32_1 = arith.constant 0 : i32
    return %c0_i32, %arg0, %c0_i32_0 : i32, i32, i32
  }
  func.func @transform_1(%arg0: i32) -> (i32, i32, i32) {
    %c0_i32 = arith.constant 0 : i32
    %c0_i32_0 = arith.constant 0 : i32
    %c0_i32_1 = arith.constant 0 : i32
    return %c0_i32, %arg0, %c0_i32_0 : i32, i32, i32
  }
  func.func @transform_2(%arg0: i32) -> (i32, i32) {
    %c0_i32 = arith.constant 0 : i32
    %c0_i32_0 = arith.constant 0 : i32
    %c0_i32_1 = arith.constant 0 : i32
    return %c0_i32, %c0_i32_0 : i32, i32
  }
  func.func @transform_3(%arg0: i32) -> (i32, i32) {
    %c0_i32 = arith.constant 0 : i32
    %c0_i32_0 = arith.constant 0 : i32
    %c0_i32_1 = arith.constant 0 : i32
    return %c0_i32, %c0_i32_0 : i32, i32
  }
  func.func @transform_4(%arg0: i32) -> (i32, i32) {
    %c0_i32 = arith.constant 0 : i32
    %c0_i32_0 = arith.constant 0 : i32
    %c0_i32_1 = arith.constant 0 : i32
    return %c0_i32, %c0_i32_0 : i32, i32
  }
  func.func @transform_5(%arg0: i32) -> (i32, i32) {
    %c0_i32 = arith.constant 0 : i32
    %c0_i32_0 = arith.constant 0 : i32
    %c0_i32_1 = arith.constant 0 : i32
    return %c0_i32, %c0_i32_0 : i32, i32
  }
  func.func @transform_6(%arg0: i32) -> (i32, i32) {
    %c0_i32 = arith.constant 0 : i32
    %c0_i32_0 = arith.constant 0 : i32
    %c0_i32_1 = arith.constant 0 : i32
    return %c0_i32, %c0_i32_0 : i32, i32
  }
  func.func @transform_7(%arg0: i32) -> (i32, i32, i32) {
    %c0_i32 = arith.constant 0 : i32
    %c0_i32_0 = arith.constant 0 : i32
    %c0_i32_1 = arith.constant 0 : i32
    return %c0_i32, %arg0, %c0_i32_0 : i32, i32, i32
  }
}

module attributes {stable_mosaic.version = 14 : i64} {
  func.func @_gcn_body(%arg0: i32, %arg1: memref<2x256x128xf32, #tpu.memory_space<vmem>>, %arg2: memref<256x1xf32, #tpu.memory_space<vmem>>, %arg3: memref<256x1xf32, #tpu.memory_space<vmem>>, %arg4: memref<256x256xf32, #tpu.memory_space<vmem>>, %arg5: memref<1x256xf32, #tpu.memory_space<vmem>>, %arg6: memref<2x256x128xf32, #tpu.memory_space<vmem>>) attributes {dimension_semantics = [#tpu.dimension_semantics<arbitrary>], iteration_bounds = array<i64: 40>, scalar_prefetch = 0 : i64, scratch_operands = 0 : i64, tpu.core_type = #tpu.core_type<tc>, window_params = [{transform_indices = @transform_0, window_bounds = array<i64: 2, 256, 128>}, {transform_indices = @transform_1, window_bounds = array<i64: 256, 1>}, {transform_indices = @transform_2, window_bounds = array<i64: 256, 1>}, {pipeline_mode = #tpu.pipeline_mode<synchronous>, transform_indices = @transform_3, window_bounds = array<i64: 256, 256>}, {pipeline_mode = #tpu.pipeline_mode<synchronous>, transform_indices = @transform_4, window_bounds = array<i64: 1, 256>}, {transform_indices = @transform_5, window_bounds = array<i64: 2, 256, 128>}]} {
    %get3A = arith.constant 0 : index
    %get3A_0 = arith.constant 0 : index
    %get3A_1 = vector.load %arg2[%get3A, %get3A_0] : memref<256x1xf32, #tpu.memory_space<vmem>>, vector<256x1xf32>
    %get3A_2 = arith.constant 0 : index
    %get3A_3 = arith.constant 0 : index
    %get3A_4 = arith.constant 0 : index
    %get3A_5 = vector.load %arg1[%get3A_2, %get3A_3, %get3A_4] : memref<2x256x128xf32, #tpu.memory_space<vmem>>, vector<1x256x128xf32>
    %get3A_6 = vector.shape_cast %get3A_5 : vector<1x256x128xf32> to vector<256x128xf32>
    %get3A_7 = arith.constant 1 : index
    %get3A_8 = arith.constant 0 : index
    %get3A_9 = arith.constant 0 : index
    %get3A_10 = vector.load %arg1[%get3A_7, %get3A_8, %get3A_9] : memref<2x256x128xf32, #tpu.memory_space<vmem>>, vector<1x256x128xf32>
    %get3A_11 = vector.shape_cast %get3A_10 : vector<1x256x128xf32> to vector<256x128xf32>
    %concatenate3A = tpu.concatenate %get3A_6, %get3A_11 in 1 : vector<256x128xf32>, vector<256x128xf32> -> vector<256x256xf32>
    %mul3A = vector.broadcast %get3A_1 : vector<256x1xf32> to vector<256x256xf32>
    %mul3A_12 = arith.mulf %concatenate3A, %mul3A : vector<256x256xf32>
    %get3A_13 = arith.constant 0 : index
    %get3A_14 = arith.constant 0 : index
    %get3A_15 = vector.load %arg4[%get3A_13, %get3A_14] : memref<256x256xf32, #tpu.memory_space<vmem>>, vector<256x256xf32>
    %dot_general3A = arith.constant dense<0.000000e+00> : vector<256x256xf32>
    %dot_general3A_16 = tpu.matmul %mul3A_12, %get3A_15, %dot_general3A {dimension_numbers = #tpu.dot_dimension_numbers<[1], [0], [0], [1], [0, 0, 1, 1], [], []>, transpose_lhs_hint = false} : vector<256x256xf32>, vector<256x256xf32>, vector<256x256xf32> -> vector<256x256xf32>
    %get3A_17 = arith.constant 0 : index
    %get3A_18 = arith.constant 0 : index
    %get3A_19 = vector.load %arg5[%get3A_17, %get3A_18] : memref<1x256xf32, #tpu.memory_space<vmem>>, vector<1x256xf32>
    %add3A = vector.broadcast %get3A_19 : vector<1x256xf32> to vector<256x256xf32>
    %add3A_20 = arith.addf %dot_general3A_16, %add3A : vector<256x256xf32>
    %max3A = arith.constant 0.000000e+00 : f32
    %max3A_21 = vector.broadcast %max3A : f32 to vector<256x256xf32>
    %max3A_22 = arith.maximumf %add3A_20, %max3A_21 : vector<256x256xf32>
    %get3A_23 = arith.constant 0 : index
    %get3A_24 = arith.constant 0 : index
    %get3A_25 = vector.load %arg3[%get3A_23, %get3A_24] : memref<256x1xf32, #tpu.memory_space<vmem>>, vector<256x1xf32>
    %mul3A_26 = vector.broadcast %get3A_25 : vector<256x1xf32> to vector<256x256xf32>
    %mul3A_27 = arith.mulf %max3A_22, %mul3A_26 : vector<256x256xf32>
    %slice3A = vector.extract_strided_slice %mul3A_27 {offsets = [0, 0], sizes = [256, 128], strides = [1, 1]} : vector<256x256xf32> to vector<256x128xf32>
    %swap3A = arith.constant 0 : index
    %swap3A_28 = arith.constant 0 : index
    %swap3A_29 = arith.constant 0 : index
    %swap3A_30 = vector.load %arg6[%swap3A, %swap3A_28, %swap3A_29] : memref<2x256x128xf32, #tpu.memory_space<vmem>>, vector<1x256x128xf32>
    %swap3A_31 = vector.shape_cast %swap3A_30 : vector<1x256x128xf32> to vector<256x128xf32>
    %swap3A_32 = vector.shape_cast %slice3A : vector<256x128xf32> to vector<1x256x128xf32>
    tpu.vector_store %arg6[%swap3A, %swap3A_28, %swap3A_29], %swap3A_32 {strides = array<i32>} : memref<2x256x128xf32, #tpu.memory_space<vmem>>, vector<1x256x128xf32>,
    %slice3A_33 = vector.extract_strided_slice %mul3A_27 {offsets = [0, 128], sizes = [256, 128], strides = [1, 1]} : vector<256x256xf32> to vector<256x128xf32>
    %swap3A_34 = arith.constant 1 : index
    %swap3A_35 = arith.constant 0 : index
    %swap3A_36 = arith.constant 0 : index
    %swap3A_37 = vector.load %arg6[%swap3A_34, %swap3A_35, %swap3A_36] : memref<2x256x128xf32, #tpu.memory_space<vmem>>, vector<1x256x128xf32>
    %swap3A_38 = vector.shape_cast %swap3A_37 : vector<1x256x128xf32> to vector<256x128xf32>
    %swap3A_39 = vector.shape_cast %slice3A_33 : vector<256x128xf32> to vector<1x256x128xf32>
    tpu.vector_store %arg6[%swap3A_34, %swap3A_35, %swap3A_36], %swap3A_39 {strides = array<i32>} : memref<2x256x128xf32, #tpu.memory_space<vmem>>, vector<1x256x128xf32>,
    return
  }
  func.func @transform_0(%arg0: i32) -> (i32, i32, i32) {
    %c0_i32 = arith.constant 0 : i32
    %c0_i32_0 = arith.constant 0 : i32
    %c0_i32_1 = arith.constant 0 : i32
    return %c0_i32, %arg0, %c0_i32_0 : i32, i32, i32
  }
  func.func @transform_1(%arg0: i32) -> (i32, i32) {
    %c0_i32 = arith.constant 0 : i32
    %c0_i32_0 = arith.constant 0 : i32
    return %arg0, %c0_i32 : i32, i32
  }
  func.func @transform_2(%arg0: i32) -> (i32, i32) {
    %c0_i32 = arith.constant 0 : i32
    %c0_i32_0 = arith.constant 0 : i32
    return %arg0, %c0_i32 : i32, i32
  }
  func.func @transform_3(%arg0: i32) -> (i32, i32) {
    %c0_i32 = arith.constant 0 : i32
    %c0_i32_0 = arith.constant 0 : i32
    %c0_i32_1 = arith.constant 0 : i32
    return %c0_i32, %c0_i32_0 : i32, i32
  }
  func.func @transform_4(%arg0: i32) -> (i32, i32) {
    %c0_i32 = arith.constant 0 : i32
    %c0_i32_0 = arith.constant 0 : i32
    %c0_i32_1 = arith.constant 0 : i32
    return %c0_i32, %c0_i32_0 : i32, i32
  }
  func.func @transform_5(%arg0: i32) -> (i32, i32, i32) {
    %c0_i32 = arith.constant 0 : i32
    %c0_i32_0 = arith.constant 0 : i32
    %c0_i32_1 = arith.constant 0 : i32
    return %c0_i32, %arg0, %c0_i32_0 : i32, i32, i32
  }
}

module attributes {stable_mosaic.version = 14 : i64} {
  func.func @_gcn_body(%arg0: i32, %arg1: memref<2x256x128xf32, #tpu.memory_space<vmem>>, %arg2: memref<256x1xf32, #tpu.memory_space<vmem>>, %arg3: memref<256x1xf32, #tpu.memory_space<vmem>>, %arg4: memref<256x256xf32, #tpu.memory_space<vmem>>, %arg5: memref<1x256xf32, #tpu.memory_space<vmem>>, %arg6: memref<2x256x128xf32, #tpu.memory_space<vmem>>) attributes {dimension_semantics = [#tpu.dimension_semantics<arbitrary>], iteration_bounds = array<i64: 40>, scalar_prefetch = 0 : i64, scratch_operands = 0 : i64, tpu.core_type = #tpu.core_type<tc>, window_params = [{transform_indices = @transform_0, window_bounds = array<i64: 2, 256, 128>}, {transform_indices = @transform_1, window_bounds = array<i64: 256, 1>}, {transform_indices = @transform_2, window_bounds = array<i64: 256, 1>}, {pipeline_mode = #tpu.pipeline_mode<synchronous>, transform_indices = @transform_3, window_bounds = array<i64: 256, 256>}, {pipeline_mode = #tpu.pipeline_mode<synchronous>, transform_indices = @transform_4, window_bounds = array<i64: 1, 256>}, {transform_indices = @transform_5, window_bounds = array<i64: 2, 256, 128>}]} {
    %get3A = arith.constant 0 : index
    %get3A_0 = arith.constant 0 : index
    %get3A_1 = vector.load %arg2[%get3A, %get3A_0] : memref<256x1xf32, #tpu.memory_space<vmem>>, vector<256x1xf32>
    %get3A_2 = arith.constant 0 : index
    %get3A_3 = arith.constant 0 : index
    %get3A_4 = arith.constant 0 : index
    %get3A_5 = vector.load %arg1[%get3A_2, %get3A_3, %get3A_4] : memref<2x256x128xf32, #tpu.memory_space<vmem>>, vector<1x256x128xf32>
    %get3A_6 = vector.shape_cast %get3A_5 : vector<1x256x128xf32> to vector<256x128xf32>
    %get3A_7 = arith.constant 1 : index
    %get3A_8 = arith.constant 0 : index
    %get3A_9 = arith.constant 0 : index
    %get3A_10 = vector.load %arg1[%get3A_7, %get3A_8, %get3A_9] : memref<2x256x128xf32, #tpu.memory_space<vmem>>, vector<1x256x128xf32>
    %get3A_11 = vector.shape_cast %get3A_10 : vector<1x256x128xf32> to vector<256x128xf32>
    %concatenate3A = tpu.concatenate %get3A_6, %get3A_11 in 1 : vector<256x128xf32>, vector<256x128xf32> -> vector<256x256xf32>
    %mul3A = vector.broadcast %get3A_1 : vector<256x1xf32> to vector<256x256xf32>
    %mul3A_12 = arith.mulf %concatenate3A, %mul3A : vector<256x256xf32>
    %get3A_13 = arith.constant 0 : index
    %get3A_14 = arith.constant 0 : index
    %get3A_15 = vector.load %arg4[%get3A_13, %get3A_14] : memref<256x256xf32, #tpu.memory_space<vmem>>, vector<256x256xf32>
    %dot_general3A = arith.constant dense<0.000000e+00> : vector<256x256xf32>
    %dot_general3A_16 = tpu.matmul %mul3A_12, %get3A_15, %dot_general3A {dimension_numbers = #tpu.dot_dimension_numbers<[1], [0], [0], [1], [0, 0, 1, 1], [], []>, transpose_lhs_hint = false} : vector<256x256xf32>, vector<256x256xf32>, vector<256x256xf32> -> vector<256x256xf32>
    %get3A_17 = arith.constant 0 : index
    %get3A_18 = arith.constant 0 : index
    %get3A_19 = vector.load %arg5[%get3A_17, %get3A_18] : memref<1x256xf32, #tpu.memory_space<vmem>>, vector<1x256xf32>
    %add3A = vector.broadcast %get3A_19 : vector<1x256xf32> to vector<256x256xf32>
    %add3A_20 = arith.addf %dot_general3A_16, %add3A : vector<256x256xf32>
    %max3A = arith.constant 0.000000e+00 : f32
    %max3A_21 = vector.broadcast %max3A : f32 to vector<256x256xf32>
    %max3A_22 = arith.maximumf %add3A_20, %max3A_21 : vector<256x256xf32>
    %slice3A = vector.extract_strided_slice %max3A_22 {offsets = [0, 0], sizes = [256, 128], strides = [1, 1]} : vector<256x256xf32> to vector<256x128xf32>
    %swap3A = arith.constant 0 : index
    %swap3A_23 = arith.constant 0 : index
    %swap3A_24 = arith.constant 0 : index
    %swap3A_25 = vector.load %arg6[%swap3A, %swap3A_23, %swap3A_24] : memref<2x256x128xf32, #tpu.memory_space<vmem>>, vector<1x256x128xf32>
    %swap3A_26 = vector.shape_cast %swap3A_25 : vector<1x256x128xf32> to vector<256x128xf32>
    %swap3A_27 = vector.shape_cast %slice3A : vector<256x128xf32> to vector<1x256x128xf32>
    tpu.vector_store %arg6[%swap3A, %swap3A_23, %swap3A_24], %swap3A_27 {strides = array<i32>} : memref<2x256x128xf32, #tpu.memory_space<vmem>>, vector<1x256x128xf32>,
    %slice3A_28 = vector.extract_strided_slice %max3A_22 {offsets = [0, 128], sizes = [256, 128], strides = [1, 1]} : vector<256x256xf32> to vector<256x128xf32>
    %swap3A_29 = arith.constant 1 : index
    %swap3A_30 = arith.constant 0 : index
    %swap3A_31 = arith.constant 0 : index
    %swap3A_32 = vector.load %arg6[%swap3A_29, %swap3A_30, %swap3A_31] : memref<2x256x128xf32, #tpu.memory_space<vmem>>, vector<1x256x128xf32>
    %swap3A_33 = vector.shape_cast %swap3A_32 : vector<1x256x128xf32> to vector<256x128xf32>
    %swap3A_34 = vector.shape_cast %slice3A_28 : vector<256x128xf32> to vector<1x256x128xf32>
    tpu.vector_store %arg6[%swap3A_29, %swap3A_30, %swap3A_31], %swap3A_34 {strides = array<i32>} : memref<2x256x128xf32, #tpu.memory_space<vmem>>, vector<1x256x128xf32>,
    return
  }
  func.func @transform_0(%arg0: i32) -> (i32, i32, i32) {
    %c0_i32 = arith.constant 0 : i32
    %c0_i32_0 = arith.constant 0 : i32
    %c0_i32_1 = arith.constant 0 : i32
    return %c0_i32, %arg0, %c0_i32_0 : i32, i32, i32
  }
  func.func @transform_1(%arg0: i32) -> (i32, i32) {
    %c0_i32 = arith.constant 0 : i32
    %c0_i32_0 = arith.constant 0 : i32
    return %arg0, %c0_i32 : i32, i32
  }
  func.func @transform_2(%arg0: i32) -> (i32, i32) {
    %c0_i32 = arith.constant 0 : i32
    %c0_i32_0 = arith.constant 0 : i32
    return %arg0, %c0_i32 : i32, i32
  }
  func.func @transform_3(%arg0: i32) -> (i32, i32) {
    %c0_i32 = arith.constant 0 : i32
    %c0_i32_0 = arith.constant 0 : i32
    %c0_i32_1 = arith.constant 0 : i32
    return %c0_i32, %c0_i32_0 : i32, i32
  }
  func.func @transform_4(%arg0: i32) -> (i32, i32) {
    %c0_i32 = arith.constant 0 : i32
    %c0_i32_0 = arith.constant 0 : i32
    %c0_i32_1 = arith.constant 0 : i32
    return %c0_i32, %c0_i32_0 : i32, i32
  }
  func.func @transform_5(%arg0: i32) -> (i32, i32, i32) {
    %c0_i32 = arith.constant 0 : i32
    %c0_i32_0 = arith.constant 0 : i32
    %c0_i32_1 = arith.constant 0 : i32
    return %c0_i32, %arg0, %c0_i32_0 : i32, i32, i32
  }
}

module attributes {stable_mosaic.version = 14 : i64} {
  func.func @_pool_body(%arg0: i32, %arg1: memref<2x256x128xf32, #tpu.memory_space<vmem>>, %arg2: memref<2x256x128xf32, #tpu.memory_space<vmem>>, %arg3: memref<256x1xi32, #tpu.memory_space<vmem>>, %arg4: memref<16x512xf32, #tpu.memory_space<vmem>>, %arg5: memref<16x1xf32, #tpu.memory_space<vmem>>) attributes {dimension_semantics = [#tpu.dimension_semantics<arbitrary>], iteration_bounds = array<i64: 40>, scalar_prefetch = 0 : i64, scratch_operands = 0 : i64, tpu.core_type = #tpu.core_type<tc>, window_params = [{transform_indices = @transform_0, window_bounds = array<i64: 2, 256, 128>}, {transform_indices = @transform_1, window_bounds = array<i64: 2, 256, 128>}, {transform_indices = @transform_2, window_bounds = array<i64: 256, 1>}, {pipeline_mode = #tpu.pipeline_mode<synchronous>, transform_indices = @transform_3, window_bounds = array<i64: 16, 512>}, {pipeline_mode = #tpu.pipeline_mode<synchronous>, transform_indices = @transform_4, window_bounds = array<i64: 16, 1>}]} {
    %get3A = arith.constant 0 : index
    %get3A_0 = arith.constant 0 : index
    %get3A_1 = vector.load %arg3[%get3A, %get3A_0] : memref<256x1xi32, #tpu.memory_space<vmem>>, vector<256x1xi32>
    %iota3A = tpu.iota {dimensions = array<i32: 1>} : vector<1x16xi32>
    %eq3A = vector.broadcast %get3A_1 : vector<256x1xi32> to vector<256x16xi32>
    %eq3A_2 = vector.broadcast %iota3A : vector<1x16xi32> to vector<256x16xi32>
    %eq3A_3 = arith.cmpi eq, %eq3A, %eq3A_2 : vector<256x16xi32>
    %convert_element_type3A = arith.extui %eq3A_3 : vector<256x16xi1> to vector<256x16xi32>
    %convert_element_type3A_4 = arith.sitofp %convert_element_type3A : vector<256x16xi32> to vector<256x16xf32>
    %eq3A_5 = arith.constant 0 : i32
    %eq3A_6 = arith.cmpi eq, %arg0, %eq3A_5 : i32
    %convert_element_type3A_7 = arith.extui %eq3A_6 : i1 to i32
    %cond3A = arith.constant 0 : i32
    %cond3A_8 = arith.cmpi ne, %convert_element_type3A_7, %cond3A : i32
    scf.if %cond3A_8 {
      %broadcast_in_dim3A_72 = arith.constant 0.000000e+00 : f32
      %broadcast_in_dim3A_73 = vector.broadcast %broadcast_in_dim3A_72 : f32 to vector<16x512xf32>
      %swap3A_74 = arith.constant 0 : index
      %swap3A_75 = arith.constant 0 : index
      %swap3A_76 = vector.load %arg4[%swap3A_74, %swap3A_75] : memref<16x512xf32, #tpu.memory_space<vmem>>, vector<16x512xf32>
      tpu.vector_store %arg4[%swap3A_74, %swap3A_75], %broadcast_in_dim3A_73 {strides = array<i32>} : memref<16x512xf32, #tpu.memory_space<vmem>>, vector<16x512xf32>,
      %broadcast_in_dim3A_77 = arith.constant 0.000000e+00 : f32
      %broadcast_in_dim3A_78 = vector.broadcast %broadcast_in_dim3A_77 : f32 to vector<16x1xf32>
      %swap3A_79 = arith.constant 0 : index
      %swap3A_80 = arith.constant 0 : index
      %swap3A_81 = vector.load %arg5[%swap3A_79, %swap3A_80] : memref<16x1xf32, #tpu.memory_space<vmem>>, vector<16x1xf32>
      tpu.vector_store %arg5[%swap3A_79, %swap3A_80], %broadcast_in_dim3A_78 {strides = array<i32>} : memref<16x1xf32, #tpu.memory_space<vmem>>, vector<16x1xf32>,
    } else {
    }
    %get3A_9 = arith.constant 0 : index
    %get3A_10 = arith.constant 0 : index
    %get3A_11 = vector.load %arg4[%get3A_9, %get3A_10] : memref<16x512xf32, #tpu.memory_space<vmem>>, vector<16x128xf32>
    %get3A_12 = arith.constant 0 : index
    %get3A_13 = arith.constant 0 : index
    %get3A_14 = arith.constant 0 : index
    %get3A_15 = vector.load %arg1[%get3A_12, %get3A_13, %get3A_14] : memref<2x256x128xf32, #tpu.memory_space<vmem>>, vector<1x256x128xf32>
    %get3A_16 = vector.shape_cast %get3A_15 : vector<1x256x128xf32> to vector<256x128xf32>
    %dot_general3A = arith.constant dense<0.000000e+00> : vector<16x128xf32>
    %dot_general3A_17 = tpu.matmul %convert_element_type3A_4, %get3A_16, %dot_general3A {dimension_numbers = #tpu.dot_dimension_numbers<[0], [0], [1], [1], [0, 1, 1, 1], [], []>, precision = #tpu.contract_precision<fp32>, transpose_lhs_hint = false} : vector<256x16xf32>, vector<256x128xf32>, vector<16x128xf32> -> vector<16x128xf32>
    %add3A = arith.addf %get3A_11, %dot_general3A_17 : vector<16x128xf32>
    %swap3A = arith.constant 0 : index
    %swap3A_18 = arith.constant 0 : index
    %swap3A_19 = vector.load %arg4[%swap3A, %swap3A_18] : memref<16x512xf32, #tpu.memory_space<vmem>>, vector<16x128xf32>
    tpu.vector_store %arg4[%swap3A, %swap3A_18], %add3A {strides = array<i32>} : memref<16x512xf32, #tpu.memory_space<vmem>>, vector<16x128xf32>,
    %get3A_20 = arith.constant 0 : index
    %get3A_21 = arith.constant 128 : index
    %get3A_22 = vector.load %arg4[%get3A_20, %get3A_21] : memref<16x512xf32, #tpu.memory_space<vmem>>, vector<16x128xf32>
    %get3A_23 = arith.constant 1 : index
    %get3A_24 = arith.constant 0 : index
    %get3A_25 = arith.constant 0 : index
    %get3A_26 = vector.load %arg1[%get3A_23, %get3A_24, %get3A_25] : memref<2x256x128xf32, #tpu.memory_space<vmem>>, vector<1x256x128xf32>
    %get3A_27 = vector.shape_cast %get3A_26 : vector<1x256x128xf32> to vector<256x128xf32>
    %dot_general3A_28 = arith.constant dense<0.000000e+00> : vector<16x128xf32>
    %dot_general3A_29 = tpu.matmul %convert_element_type3A_4, %get3A_27, %dot_general3A_28 {dimension_numbers = #tpu.dot_dimension_numbers<[0], [0], [1], [1], [0, 1, 1, 1], [], []>, precision = #tpu.contract_precision<fp32>, transpose_lhs_hint = false} : vector<256x16xf32>, vector<256x128xf32>, vector<16x128xf32> -> vector<16x128xf32>
    %add3A_30 = arith.addf %get3A_22, %dot_general3A_29 : vector<16x128xf32>
    %swap3A_31 = arith.constant 0 : index
    %swap3A_32 = arith.constant 128 : index
    %swap3A_33 = vector.load %arg4[%swap3A_31, %swap3A_32] : memref<16x512xf32, #tpu.memory_space<vmem>>, vector<16x128xf32>
    tpu.vector_store %arg4[%swap3A_31, %swap3A_32], %add3A_30 {strides = array<i32>} : memref<16x512xf32, #tpu.memory_space<vmem>>, vector<16x128xf32>,
    %get3A_34 = arith.constant 0 : index
    %get3A_35 = arith.constant 256 : index
    %get3A_36 = vector.load %arg4[%get3A_34, %get3A_35] : memref<16x512xf32, #tpu.memory_space<vmem>>, vector<16x128xf32>
    %get3A_37 = arith.constant 0 : index
    %get3A_38 = arith.constant 0 : index
    %get3A_39 = arith.constant 0 : index
    %get3A_40 = vector.load %arg2[%get3A_37, %get3A_38, %get3A_39] : memref<2x256x128xf32, #tpu.memory_space<vmem>>, vector<1x256x128xf32>
    %get3A_41 = vector.shape_cast %get3A_40 : vector<1x256x128xf32> to vector<256x128xf32>
    %dot_general3A_42 = arith.constant dense<0.000000e+00> : vector<16x128xf32>
    %dot_general3A_43 = tpu.matmul %convert_element_type3A_4, %get3A_41, %dot_general3A_42 {dimension_numbers = #tpu.dot_dimension_numbers<[0], [0], [1], [1], [0, 1, 1, 1], [], []>, precision = #tpu.contract_precision<fp32>, transpose_lhs_hint = false} : vector<256x16xf32>, vector<256x128xf32>, vector<16x128xf32> -> vector<16x128xf32>
    %add3A_44 = arith.addf %get3A_36, %dot_general3A_43 : vector<16x128xf32>
    %swap3A_45 = arith.constant 0 : index
    %swap3A_46 = arith.constant 256 : index
    %swap3A_47 = vector.load %arg4[%swap3A_45, %swap3A_46] : memref<16x512xf32, #tpu.memory_space<vmem>>, vector<16x128xf32>
    tpu.vector_store %arg4[%swap3A_45, %swap3A_46], %add3A_44 {strides = array<i32>} : memref<16x512xf32, #tpu.memory_space<vmem>>, vector<16x128xf32>,
    %get3A_48 = arith.constant 0 : index
    %get3A_49 = arith.constant 384 : index
    %get3A_50 = vector.load %arg4[%get3A_48, %get3A_49] : memref<16x512xf32, #tpu.memory_space<vmem>>, vector<16x128xf32>
    %get3A_51 = arith.constant 1 : index
    %get3A_52 = arith.constant 0 : index
    %get3A_53 = arith.constant 0 : index
    %get3A_54 = vector.load %arg2[%get3A_51, %get3A_52, %get3A_53] : memref<2x256x128xf32, #tpu.memory_space<vmem>>, vector<1x256x128xf32>
    %get3A_55 = vector.shape_cast %get3A_54 : vector<1x256x128xf32> to vector<256x128xf32>
    %dot_general3A_56 = arith.constant dense<0.000000e+00> : vector<16x128xf32>
    %dot_general3A_57 = tpu.matmul %convert_element_type3A_4, %get3A_55, %dot_general3A_56 {dimension_numbers = #tpu.dot_dimension_numbers<[0], [0], [1], [1], [0, 1, 1, 1], [], []>, precision = #tpu.contract_precision<fp32>, transpose_lhs_hint = false} : vector<256x16xf32>, vector<256x128xf32>, vector<16x128xf32> -> vector<16x128xf32>
    %add3A_58 = arith.addf %get3A_50, %dot_general3A_57 : vector<16x128xf32>
    %swap3A_59 = arith.constant 0 : index
    %swap3A_60 = arith.constant 384 : index
    %swap3A_61 = vector.load %arg4[%swap3A_59, %swap3A_60] : memref<16x512xf32, #tpu.memory_space<vmem>>, vector<16x128xf32>
    tpu.vector_store %arg4[%swap3A_59, %swap3A_60], %add3A_58 {strides = array<i32>} : memref<16x512xf32, #tpu.memory_space<vmem>>, vector<16x128xf32>,
    %get3A_62 = arith.constant 0 : index
    %get3A_63 = arith.constant 0 : index
    %get3A_64 = vector.load %arg5[%get3A_62, %get3A_63] : memref<16x1xf32, #tpu.memory_space<vmem>>, vector<16x1xf32>
    %broadcast_in_dim3A = arith.constant 1.000000e+00 : f32
    %broadcast_in_dim3A_65 = vector.broadcast %broadcast_in_dim3A : f32 to vector<256x1xf32>
    %dot_general3A_66 = arith.constant dense<0.000000e+00> : vector<16x1xf32>
    %dot_general3A_67 = tpu.matmul %convert_element_type3A_4, %broadcast_in_dim3A_65, %dot_general3A_66 {dimension_numbers = #tpu.dot_dimension_numbers<[0], [0], [1], [1], [0, 1, 1, 1], [], []>, precision = #tpu.contract_precision<fp32>, transpose_lhs_hint = false} : vector<256x16xf32>, vector<256x1xf32>, vector<16x1xf32> -> vector<16x1xf32>
    %add3A_68 = arith.addf %get3A_64, %dot_general3A_67 : vector<16x1xf32>
    %swap3A_69 = arith.constant 0 : index
    %swap3A_70 = arith.constant 0 : index
    %swap3A_71 = vector.load %arg5[%swap3A_69, %swap3A_70] : memref<16x1xf32, #tpu.memory_space<vmem>>, vector<16x1xf32>
    tpu.vector_store %arg5[%swap3A_69, %swap3A_70], %add3A_68 {strides = array<i32>} : memref<16x1xf32, #tpu.memory_space<vmem>>, vector<16x1xf32>,
    return
  }
  func.func @transform_0(%arg0: i32) -> (i32, i32, i32) {
    %c0_i32 = arith.constant 0 : i32
    %c0_i32_0 = arith.constant 0 : i32
    %c0_i32_1 = arith.constant 0 : i32
    return %c0_i32, %arg0, %c0_i32_0 : i32, i32, i32
  }
  func.func @transform_1(%arg0: i32) -> (i32, i32, i32) {
    %c0_i32 = arith.constant 0 : i32
    %c0_i32_0 = arith.constant 0 : i32
    %c0_i32_1 = arith.constant 0 : i32
    return %c0_i32, %arg0, %c0_i32_0 : i32, i32, i32
  }
  func.func @transform_2(%arg0: i32) -> (i32, i32) {
    %c0_i32 = arith.constant 0 : i32
    %c0_i32_0 = arith.constant 0 : i32
    return %arg0, %c0_i32 : i32, i32
  }
  func.func @transform_3(%arg0: i32) -> (i32, i32) {
    %c0_i32 = arith.constant 0 : i32
    %c0_i32_0 = arith.constant 0 : i32
    %c0_i32_1 = arith.constant 0 : i32
    return %c0_i32, %c0_i32_0 : i32, i32
  }
  func.func @transform_4(%arg0: i32) -> (i32, i32) {
    %c0_i32 = arith.constant 0 : i32
    %c0_i32_0 = arith.constant 0 : i32
    %c0_i32_1 = arith.constant 0 : i32
    return %c0_i32, %c0_i32_0 : i32, i32
  }
}

module attributes {stable_mosaic.version = 14 : i64} {
  func.func @_head_body(%arg0: memref<16x512xf32, #tpu.memory_space<vmem>>, %arg1: memref<16x1xf32, #tpu.memory_space<vmem>>, %arg2: memref<512x512xf32, #tpu.memory_space<vmem>>, %arg3: memref<1x512xf32, #tpu.memory_space<vmem>>, %arg4: memref<512x512xf32, #tpu.memory_space<vmem>>, %arg5: memref<1x512xf32, #tpu.memory_space<vmem>>, %arg6: memref<512x1xf32, #tpu.memory_space<vmem>>, %arg7: memref<1x1xf32, #tpu.memory_space<vmem>>, %arg8: memref<16x1xf32, #tpu.memory_space<vmem>>) attributes {dimension_semantics = [], scalar_prefetch = 0 : i64, scratch_operands = 0 : i64, tpu.core_type = #tpu.core_type<tc>} {
    %get3A = arith.constant 0 : index
    %get3A_0 = arith.constant 0 : index
    %get3A_1 = vector.load %arg1[%get3A, %get3A_0] : memref<16x1xf32, #tpu.memory_space<vmem>>, vector<16x1xf32>
    %max3A = arith.constant 1.000000e+00 : f32
    %max3A_2 = vector.broadcast %max3A : f32 to vector<16x1xf32>
    %max3A_3 = arith.maximumf %get3A_1, %max3A_2 : vector<16x1xf32>
    %get3A_4 = arith.constant 0 : index
    %get3A_5 = arith.constant 0 : index
    %get3A_6 = vector.load %arg0[%get3A_4, %get3A_5] : memref<16x512xf32, #tpu.memory_space<vmem>>, vector<16x512xf32>
    %div3A = vector.broadcast %max3A_3 : vector<16x1xf32> to vector<16x512xf32>
    %div3A_7 = arith.divf %get3A_6, %div3A : vector<16x512xf32>
    %get3A_8 = arith.constant 0 : index
    %get3A_9 = arith.constant 0 : index
    %get3A_10 = vector.load %arg2[%get3A_8, %get3A_9] : memref<512x512xf32, #tpu.memory_space<vmem>>, vector<512x512xf32>
    %dot_general3A = arith.constant dense<0.000000e+00> : vector<16x512xf32>
    %dot_general3A_11 = tpu.matmul %div3A_7, %get3A_10, %dot_general3A {dimension_numbers = #tpu.dot_dimension_numbers<[1], [0], [0], [1], [0, 0, 1, 1], [], []>, transpose_lhs_hint = false} : vector<16x512xf32>, vector<512x512xf32>, vector<16x512xf32> -> vector<16x512xf32>
    %get3A_12 = arith.constant 0 : index
    %get3A_13 = arith.constant 0 : index
    %get3A_14 = vector.load %arg3[%get3A_12, %get3A_13] : memref<1x512xf32, #tpu.memory_space<vmem>>, vector<1x512xf32>
    %add3A = vector.broadcast %get3A_14 : vector<1x512xf32> to vector<16x512xf32>
    %add3A_15 = arith.addf %dot_general3A_11, %add3A : vector<16x512xf32>
    %max3A_16 = arith.constant 0.000000e+00 : f32
    %max3A_17 = vector.broadcast %max3A_16 : f32 to vector<16x512xf32>
    %max3A_18 = arith.maximumf %add3A_15, %max3A_17 : vector<16x512xf32>
    %get3A_19 = arith.constant 0 : index
    %get3A_20 = arith.constant 0 : index
    %get3A_21 = vector.load %arg4[%get3A_19, %get3A_20] : memref<512x512xf32, #tpu.memory_space<vmem>>, vector<512x512xf32>
    %dot_general3A_22 = arith.constant dense<0.000000e+00> : vector<16x512xf32>
    %dot_general3A_23 = tpu.matmul %max3A_18, %get3A_21, %dot_general3A_22 {dimension_numbers = #tpu.dot_dimension_numbers<[1], [0], [0], [1], [0, 0, 1, 1], [], []>, transpose_lhs_hint = false} : vector<16x512xf32>, vector<512x512xf32>, vector<16x512xf32> -> vector<16x512xf32>
    %get3A_24 = arith.constant 0 : index
    %get3A_25 = arith.constant 0 : index
    %get3A_26 = vector.load %arg5[%get3A_24, %get3A_25] : memref<1x512xf32, #tpu.memory_space<vmem>>, vector<1x512xf32>
    %add3A_27 = vector.broadcast %get3A_26 : vector<1x512xf32> to vector<16x512xf32>
    %add3A_28 = arith.addf %dot_general3A_23, %add3A_27 : vector<16x512xf32>
    %max3A_29 = arith.constant 0.000000e+00 : f32
    %max3A_30 = vector.broadcast %max3A_29 : f32 to vector<16x512xf32>
    %max3A_31 = arith.maximumf %add3A_28, %max3A_30 : vector<16x512xf32>
    %get3A_32 = arith.constant 0 : index
    %get3A_33 = arith.constant 0 : index
    %get3A_34 = vector.load %arg6[%get3A_32, %get3A_33] : memref<512x1xf32, #tpu.memory_space<vmem>>, vector<512x1xf32>
    %dot_general3A_35 = arith.constant dense<0.000000e+00> : vector<16x1xf32>
    %dot_general3A_36 = tpu.matmul %max3A_31, %get3A_34, %dot_general3A_35 {dimension_numbers = #tpu.dot_dimension_numbers<[1], [0], [0], [1], [0, 0, 1, 1], [], []>, transpose_lhs_hint = false} : vector<16x512xf32>, vector<512x1xf32>, vector<16x1xf32> -> vector<16x1xf32>
    %get3A_37 = arith.constant 0 : index
    %get3A_38 = arith.constant 0 : index
    %get3A_39 = vector.load %arg7[%get3A_37, %get3A_38] : memref<1x1xf32, #tpu.memory_space<vmem>>, vector<1x1xf32>
    %add3A_40 = vector.broadcast %get3A_39 : vector<1x1xf32> to vector<16x1xf32>
    %add3A_41 = arith.addf %dot_general3A_36, %add3A_40 : vector<16x1xf32>
    %logistic3A = arith.negf %add3A_41 : vector<16x1xf32>
    %logistic3A_42 = math.exp %logistic3A : vector<16x1xf32>
    %logistic3A_43 = arith.constant 1.000000e+00 : f32
    %logistic3A_44 = vector.broadcast %logistic3A_43 : f32 to vector<16x1xf32>
    %logistic3A_45 = arith.addf %logistic3A_44, %logistic3A_42 : vector<16x1xf32>
    %logistic3A_46 = arith.divf %logistic3A_44, %logistic3A_45 : vector<16x1xf32>
    %swap3A = arith.constant 0 : index
    %swap3A_47 = arith.constant 0 : index
    %swap3A_48 = vector.load %arg8[%swap3A, %swap3A_47] : memref<16x1xf32, #tpu.memory_space<vmem>>, vector<16x1xf32>
    tpu.vector_store %arg8[%swap3A, %swap3A_47], %logistic3A_46 {strides = array<i32>} : memref<16x1xf32, #tpu.memory_space<vmem>>, vector<16x1xf32>,
    return
  }
}

</mosaic_0001>

<sc_bundles>
// kernel: gather_offload_async_start.1
scs
__scs_entry_jumppad:
0x0: {  	(pc) =	sbr.rel $0x88, $3  }
0x1: {  	(tag) =	ssettag $0x0;
	lr =	simm.s32 $0x1  }
0x2: {  	[smem:$0x3F8F] =	sst lr;
	_ =	strace $0xD0000000  }
0x3: {  	_ = 	snop  }
0x4: {  	_ = 	snop  }
0x5: {  	_ = 	snop  }
0x6: {  	_ = 	snop  }
0x7: {  	_ = 	snop  }
__scs_overlays_trampoline_lowered:
0x8: {  	[smem:$0x3F9E] =	sst s0  }
0x9: {  	[smem:$0x3F9F] =	sst s1  }
0xa: {  	[smem:$0x3FA0] =	sst s2  }
0xb: {  	[smem:$0x3FA1] =	sst s3  }
0xc: {  	[smem:$0x3FA2] =	sst s4  }
0xd: {  	[smem:$0x3FA3] =	sst s5  }
0xe: {  	[smem:$0x3FA4] =	sst s6  }
0xf: {  	[smem:$0x3FA5] =	sst s7  }
0x10: {  	[smem:$0x3FA6] =	sst s8  }
0x11: {  	[smem:$0x3FA7] =	sst s9;
	s0 =	simm.s32 @!p0 $0x0  }
0x12: {  	s1 =	sld [smem:$0x3F8D];
	s0 =	simm.s32 @p0 $0x1  }
0x13: {  	[smem:$0x3FA8] =	sst s0;
	s0 =	simm.s32 @!p1 $0x0  }
0x14: {  	s2 =	sld [smem:$0x3F8C];
	s0 =	simm.s32 @p1 $0x1  }
0x15: {  	[smem:$0x3FA9] =	sst s0;
	s0 =	simm.s32 @!p2 $0x0  }
0x16: {  	s3 =	sld [smem:$0x3FDB];
	s0 =	simm.s32 @p2 $0x1  }
0x17: {  	s4 =	simm.s32 $0x1BF5;
	[smem:$0x3FAB] =	sst s0  }
0x18: {  	s0 =	sld [smem:$0x3F8E];
	_ =	swait.ge [sflag:s4], $0x0  }
0x19: {  	s7 =	sld [smem:$0x3F8F]  }
0x1a: {  	s8 =	sadd.s32 $0xFFFFE003, lr  }
0x1b: {  	s9 =	sadd.s32 $0xFFFFFEF7, lr;
	s5 =	simm.s32 $0xFFFFFFFF;
	p2 =	slt.u32 s8, $0xFFFFF086  }
0x1c: {  	p1 =	slt.u32 s9, $0xF7A;
	s5 =	simm.s32 @!p2 $0x0  }
0x1d: {  	s5 =	simm.s32 @p1 $0x1;
	p0 =	seq.s32 s7, s2  }
0x1e: {  	s7 =	smul.u32 @!p0 $0xF7A, s2;
	p2 =	seq.s32 @!p0 s5, $0x0  }
0x1f: {  	s9 =	smul.u32 $0xF7A, s1;
	s8 =	simm.s32 @!p0 $0x1BF5;
	p2 =	por !p2, p0  }
0x20: {  	[sflag:s8] =	ssyncset.s32 @!p0 $0xFFFFF086;
	s6 =	sadd.s32 @!p0 s3, s7;
	s7 =	simm.s32 @!p0 $0x108  }
0x21: {  	s3 =	sadd.s32 s3, s9;
	s6 =	sadd.s32 @!p0 $0x88, s6;
	s7 =	simm.s32 @p2 $0x1082  }
0x22: {  	[simem:s7], [sflag:s8] =	dma.local @!p0 [hbm:s6], $0xF7A  }
0x23: {  	s9 =	sor.u32 $0xD0000000, s2;
	s6 =	simm.s32 $0x108;
	_ =	swait.ge @!p0 [sflag:s8], $0x0  }
0x24: {  	s3 =	sadd.s32 $0x88, s3;
	s6 =	simm.s32 @!p1 $0x1082;
	[sflag:s4] =	ssyncset.s32 $0xFFFFF086  }
0x25: {  	[simem:s6], [sflag:s4] =	dma.local [hbm:s3], $0xF7A  }
0x26: {  	[smem:$0x3F8F] =	sst s1;
	(tag) =	ssettag s2;
	_ =	strace s9  }
0x27: {  	s1 =	sld [smem:$0x3F9F]  }
0x28: {  	s2 =	sld [smem:$0x3FA0]  }
0x29: {  	s4 =	sld [smem:$0x3FA2]  }
0x2a: {  	p0 =	seq.s32 s5, $0x0;
	s5 =	sld [smem:$0x3FA3]  }
0x2b: {  	s6 =	sld [smem:$0x3FA4]  }
0x2c: {  	s7 =	sld [smem:$0x3FA5]  }
0x2d: {  	s3 =	simm.s32 $0x108;
	s8 =	sld [smem:$0x3FA6]  }
0x2e: {  	s3 =	simm.s32 @!p0 $0x1082;
	s9 =	sld [smem:$0x3FA7]  }
0x2f: {  	lr =	sadd.s32 s0, s3;
	s0 =	sld [smem:$0x3F9E]  }
0x30: {  	s3 =	sld [smem:$0x3FA1]  }
0x31: {  	[smem:$0x3FAA] =	sst s10  }
0x32: {  	s10 =	sld [smem:$0x3FA8];
	_ =	sdelay $0x3  }
0x33: {  	p0 =	seq.s32 s10, $0x1;
	s10 =	sld [smem:$0x3FAA];
	_ =	sdelay $0x3  }
0x34: {  	[smem:$0x3FAA] =	sst s10  }
0x35: {  	s10 =	sld [smem:$0x3FA9];
	_ =	sdelay $0x3  }
0x36: {  	p1 =	seq.s32 s10, $0x1;
	s10 =	sld [smem:$0x3FAA];
	_ =	sdelay $0x3  }
0x37: {  	[smem:$0x3FAA] =	sst s10  }
0x38: {  	s10 =	sld [smem:$0x3FAB]  }
0x39: {  	_ = 	snop;
	(pc) =	sbr.ind lr, $3  }
0x3a: {  	_ = 	snop  }
0x3b: {  	_ = 	snop  }
0x3c: {  	p2 =	seq.s32 s10, $0x1;
	s10 =	sld [smem:$0x3FAA]  }
0x3d: {  	_ =	shalt  }
0x3e: {  	_ =	shalt  }
0x3f: {  	_ =	shalt  }
0x40: {  	_ =	shalt  }
0x41: {  	_ =	shalt  }
0x42: {  	_ =	shalt  }
0x43: {  	_ =	shalt  }
0x44: {  	_ =	shalt  }
0x45: {  	_ =	shalt  }
0x46: {  	_ =	shalt  }
0x47: {  	_ =	shalt  }
0x48: {  	_ =	shalt  }
0x49: {  	_ =	shalt  }
0x4a: {  	_ =	shalt  }
0x4b: {  	_ =	shalt  }
0x4c: {  	_ =	shalt  }
0x4d: {  	_ =	shalt  }
0x4e: {  	_ =	shalt  }
0x4f: {  	_ =	shalt  }
0x50: {  	_ =	shalt  }
0x51: {  	_ =	shalt  }
0x52: {  	_ =	shalt  }
0x53: {  	_ =	shalt  }
0x54: {  	_ =	shalt  }
0x55: {  	_ =	shalt  }
0x56: {  	_ =	shalt  }
0x57: {  	_ =	shalt  }
0x58: {  	_ =	shalt  }
0x59: {  	_ =	shalt  }
0x5a: {  	_ =	shalt  }
0x5b: {  	_ =	shalt  }
0x5c: {  	_ =	shalt  }
0x5d: {  	_ =	shalt  }
0x5e: {  	_ =	shalt  }
0x5f: {  	_ =	shalt  }
0x60: {  	_ =	shalt  }
0x61: {  	_ =	shalt  }
0x62: {  	_ =	shalt  }
0x63: {  	_ =	shalt  }
0x64: {  	_ =	shalt  }
0x65: {  	_ =	shalt  }
0x66: {  	_ =	shalt  }
0x67: {  	_ =	shalt  }
0x68: {  	_ =	shalt  }
0x69: {  	_ =	shalt  }
0x6a: {  	_ =	shalt  }
0x6b: {  	_ =	shalt  }
0x6c: {  	_ =	shalt  }
0x6d: {  	_ =	shalt  }
0x6e: {  	_ =	shalt  }
0x6f: {  	_ =	shalt  }
0x70: {  	_ =	shalt  }
0x71: {  	_ =	shalt  }
0x72: {  	_ =	shalt  }
0x73: {  	_ =	shalt  }
0x74: {  	_ =	shalt  }
0x75: {  	_ =	shalt  }
0x76: {  	_ =	shalt  }
0x77: {  	_ =	shalt  }
0x78: {  	_ =	shalt  }
0x79: {  	_ =	shalt  }
0x7a: {  	_ =	shalt  }
0x7b: {  	_ =	shalt  }
0x7c: {  	_ =	shalt  }
0x7d: {  	_ =	shalt  }
0x7e: {  	_ =	shalt  }
0x7f: {  	_ =	shalt  }
0x80: {  	_ =	shalt  }
0x81: {  	_ =	shalt  }
0x82: {  	_ =	shalt  }
0x83: {  	_ =	shalt  }
0x84: {  	_ =	shalt  }
0x85: {  	_ =	shalt  }
0x86: {  	_ =	shalt  }
0x87: {  	_ =	shalt  }
.Lfunc_end0:
.L_simem_size_0:
called_computation.1_lowered:
.L_overlay_start_0:
0x88: {  	s2 =	sld [smem:$0x3FD9]  }
0x89: {  	s3 =	sld [smem:$0x3FFE];
	_ =	sdelay $0x1  }
0x8a: {  	s1 =	srdreg.scid  }
0x8b: {  	s0 =	sand.u32 $0x1, s1  }
0x8c: {  	s17 =	sshll.u32 s0, $0xA;
	s2 =	sadd.s32 s3, s2  }
0x8d: {  	s2 =	sadd.s32 s2, s17  }
0x8e: {  	[smem:$0x3FB6] =	sst s2  }
0x8f: {  	_ = 	snop  }
0x90: {  	(tm) =	ssettm $0x1  }
0x91: {  	s18 =	sld [smem:$0x3FFB];
	_ =	sdelay $0x3  }
0x92: {  	_ =	strace s18  }
0x93: {  	s2 =	sld [smem:$0x3FFC];
	_ =	sdelay $0x3  }
0x94: {  	_ =	strace s2  }
0x95: {  	s2 =	sld [smem:$0x3FFD];
	_ =	sdelay $0x3  }
0x96: {  	_ =	strace s2  }
0x97: {  	_ =	strace $0x8FFFFFFF  }
0x98: {  	s19 =	sld [smem:$0x3FDB];
	_ =	sdelay $0x1  }
0x99: {  	s20 =	simm.s32 $_scs_section_size  }
0x9a: {  	s4 =	simm.s32 $_size__tile_overlayer_lowered;
	s5 =	simm.s32 $_tile_overlayer_lowered  }
0x9b: {  	s6 =	simm.s32 $0x1BFF;
	s21 =	sshll.u32 s5, $0x1;
	s3 =	sadd.s32 s20, s19  }
0x9c: {  	s22 =	simm.s32 $0x0;
	s4 =	sshll.u32 s4, $0x1;
	s5 =	sadd.s32 s21, s3  }
0x9d: {  	[timem:s22], [sflag:s6] =	dma.local [hbm:s5], s4  }
0x9e: {  	_ =	swait.ge [sflag:s6], s4  }
0x9f: {  	s4 =	ssub.s32 $0x0, s4;
	[sflag:s6] =	ssyncset.done $0x0  }
0xa0: {  	[sflag:s6] =	ssyncadd.s32 s4;
	_ =	sdelay $0x1  }
0xa1: {  	s23 =	simm.s32 $0x1B8B  }
0xa2: {  	_ =	swait.ge [sflag:s23], $0x1  }
0xa3: {  	[sflag:s23] =	ssyncset.done $0x0  }
0xa4: {  	[sflag:s23] =	ssyncadd.s32 $0xFFFFFFFF  }
0xa5: {  	s4 =	sld [smem:$0x0]  }
0xa6: {  	s5 =	sand.u32 $0xFFFFFFFE, s1  }
0xa7: {  	p0 =	sne.s32 s1, s5  }
0xa8: {  	s5 =	sshll.u32 @p0 s5, $0xE  }
0xa9: {  	s5 =	sadd.s32 @p0 $0x11B8D, s5;
	s6 =	sshll.u32 @p0 s4, $0x11  }
0xaa: {  	s5 =	sor.u32 @p0 s6, s5  }
0xab: {  	[sflag:s5] =	ssyncadd.remote.s32 @p0 $0x1;
	_ =	sdelay $0x1  }
0xac: {  	s5 =	simm.s32 @p0 $0x1B8D  }
0xad: {  	_ =	swait.eq @p0 [sflag:s5], $0x1  }
0xae: {  	[sflag:s5] =	ssyncadd.s32 @p0 $0xFFFFFFFF  }
0xaf: {  	s6 =	sshll.u32 @!p0 s1, $0xE  }
0xb0: {  	s6 =	sor.u32 @!p0 $0x4000, s6;
	s5 =	simm.s32 @!p0 $0x1B8D  }
0xb1: {  	s4 =	sshll.u32 @!p0 s4, $0x11;
	s6 =	sadd.s32 @!p0 $0x11B8D, s6;
	_ =	swait.eq @!p0 [sflag:s5], $0x1  }
0xb2: {  	s4 =	sor.u32 @!p0 s4, s6;
	[sflag:s5] =	ssyncadd.s32 @!p0 $0xFFFFFFFF  }
0xb3: {  	s25 =	simm.s32 $0x1B8E;
	s24 =	sld [smem:$0x3FFE];
	[sflag:s4] =	ssyncadd.remote.s32 @!p0 $0x1  }
0xb4: {  	s26 =	simm.s32 $execute0_lowered;
	[smem:$0x3FD2] =	sst s25  }
0xb5: {  	s5 =	sshll.u32 s26, $0x1;
	_ =	strace $0x80000049;
	[dreg:$0x1] =	wrdreg $0xFFFFFFFF  }
0xb6: {  	s28 =	simm.s32 $_size_execute0_lowered;
	s3 =	sadd.s32 s3, s5;
	[dreg:$0x0] =	wrdreg $0x0  }
0xb7: {  	s5 =	sshll.u32 s28, $0x1;
	[dreg:$0x2] =	wrdreg s3  }
0xb8: {  	[dreg:$0x3] =	wrdreg s5  }
0xb9: {  	[dreg:$0x4] =	wrdreg $0xC0  }
0xba: {  	_ =	task [dreg:s22], $0x5FFFF  }
0xbb: {  	[dreg:$0x1] =	wrdreg $0xFFFFFFFF  }
0xbc: {  	[dreg:$0x0] =	wrdreg $0x60  }
0xbd: {  	[dreg:$0x2] =	wrdreg s24  }
0xbe: {  	[dreg:$0x3] =	wrdreg $0xB  }
0xbf: {  	_ =	task.clear_ibuf [dreg:s22], $0x4FFFF;
	_ =	strace $0x90000049  }
0xc0: {  	s29 =	simm.s32 $0xB;
	_ =	strace $0x8000004B  }
0xc1: {  	_ =	swait.ge [sflag:s29], $0x1  }
0xc2: {  	[sflag:s29] =	ssyncadd.s32 $0xFFFFFFFF  }
0xc3: {  	_ =	strace $0x9000004B  }
0xc4: {  	_ =	sfence  }
0xc5: {  	s30 =	sld [smem:$0x0];
	_ =	sdelay $0x2  }
0xc6: {  	s31 =	sshll.u32 s1, $0xD;
	s1 =	sshrl.u32 s1, $0x2  }
0xc7: {  	s4 =	sand.u32 $0x4000, s31;
	s1 =	sadd.s32 s1, s30  }
0xc8: {  	s0 =	sor.u32 s4, s0;
	s1 =	sshll.u32 s1, $0x11  }
0xc9: {  	s0 =	sor.u32 s1, s0  }
0xca: {  	s0 =	sadd.s32 $0x8F2B, s0  }
0xcb: {  	[sflag:s0] =	ssyncadd.remote.s32 $0x1  }
0xcc: {  	_ =	sfence.sel $0xFFFF  }
0xcd: {  	[dreg:$0x0] =	wrdreg $0xFFFFFFFF;
	(pc) =	sbr.abs _section_cstart, $3  }
0xce: {  	[dreg:$0x1] =	wrdreg $0xFFFFFFFF  }
0xcf: {  	_ =	task.clear_ibuf [dreg:s22], $0x2FFFF;
	_ =	strace $0x9FFFFFFF  }
0xd0: {  	(tm) =	ssettm $0x7FFFFFFF  }
0xd1: {  	_ =	shalt  }
tec
execute0_lowered:
.L_overlay_start_1:
0x0: {  	(tag) =	ssettag $0x1  }
0x1: {  	s8 =	rddreg [dreg:$0x0]  }
0x2: {  	s0 =	rddreg [dreg:$0x1];
	_ =	strace $0x8000004A;
	s1 =	stileid.u32  }
0x3: {  	s3 =	srdreg.scid;
	s4 =	simm.s32 $0x1;
	s7 =	simm.s32 $0x1  }
0x4: {  	s9 =	simm.s32 $0x1;
	s10 =	simm.s32 $0x3;
	s13 =	simm.s32 $0x0  }
0x5: {  	s12 =	simm.s32 $0x0;
	s5 =	sand.u32 $0x1, s3;
	s6 =	sshll.u32 s1, $0x1  }
0x6: {  	s2 =	sadd.s32 $0xF800, s8;
	s3 =	sadd.s32 $0x14800, s8;
	s5 =	sor.u32 s6, s5  }
.Ltmp0:
0x7: {  	[sflag:s4] =	ssyncpa.u1 $0x0;
	p0 =	slt.u32 s5, $0x9;
	(pc) =	sbr.rel .LBB2_1-.Ltmp0, $4  }
0x8: {  	s6 =	simm.s32 $0x2;
	s7 =	simm.s32 @!p0 $0x0;
	p0 =	sne.s32 s5, $0x8  }
0x9: {  	[sflag:s6] =	ssyncpa.u1 $0x0;
	s5 =	smul.u32 $0xFA0, s5;
	s9 =	simm.s32 @!p0 $0x0  }
0xa: {  	s8 =	sadd.s32 $0x20800, s8;
	[sflag:s10] =	ssyncpa.u1 $0x0;
	s7 =	sadd.s32 s9, s7  }
0xb: {  	vm0 =	vmmov $0xffff;
	s10 =	simm.s32 $0x0;
	s11 =	smov.u32 s5;
	s9 =	sadd.s32 $0x1, s7  }
.LBB2_4:
0xc: {  	v2 =	vnsel vm1, $0x0, v2  }
0xd: {  	vm1 =	vgt.s32 v0, $0x0;
	v2 =	vmin.u32 v2, $0x270FF  }
0xe: {  	v0 =	vnsel vm1, $0x0, v0  }
0xf: {  	v0 =	vmin.u32 v0, $0x270FF  }
0x10: {  	[tilespmem:s18], [sflag:$0x1] =	stream.indirect_vreg.gather [hbm4b:s2+s10], $0x1, v1, vm0, $0x4038;
	[tilespmem:$0x3E80] =	vst v63  }
0x11: {  	(ifvalue) =	ssetifvalue $0x7FFFFFFF  }
0x12: {  	[tilespmem:s15], [sflag:$0x1] =	stream.indirect_vreg.gather [hbm4b:s2+s10], $0x1, v2, vm0, $0x4038;
	[tilespmem:$0x3E80] =	vst v63  }
0x13: {  	s29 =	sadd.s32 $0x10, s15;
	(ifvalue) =	ssetifvalue $0x7FFFFFFF  }
0x14: {  	[tilespmem:s29], [sflag:$0x1] =	stream.indirect_vreg.gather [hbm4b:s2+s10], $0x1, v0, vm0, $0x4038;
	[tilespmem:$0x3E80] =	vst v63  }
0x15: {  	_ =	swait.ge [sflag:s4], $0xFA0  }
0x16: {  	s30 =	sshrl.u32 s13, $0x3;
	[sflag:s4] =	ssyncset.done $0x0  }
0x17: {  	s31 =	sand.u32 $0x7, s13;
	s15 =	sadd.s32 s8, s30;
	[sflag:s4] =	ssyncadd.s32 $0xFFFFF060  }
0x18: {  	[hbm4b:s15+s31] =	stream.linear.scatter [tilespmem:s14], [sflag:$0x3], $0xFA0, $0x38;
	[tilespmem:$0x3E80] =	vst v63  }
.LBB2_5:
0x19: {  	s15 =	sadd.s32 $0x1F400, s11  }
0x1a: {  	p1 =	sgt.s32 s15, $0x270FF  }
0x1b: {  	s15 =	smov.u32 @p1 s5;
	p1 =	sne.s32 s12, s9  }
.Ltmp1:
0x1c: {  	p0 =	slt.u32 s12, $0x2;
	(pc) =	sbr.rel @!p1 .LBB2_6-.Ltmp1, $4  }
0x1d: {  	s14 =	simm.s32 @!p0 $0x3  }
0x1e: {  	_ =	swait.ge @!p0 [sflag:s14], $0xFA0  }
0x1f: {  	s16 =	sadd.s32 $0x1, s12;
	s13 =	smov.u32 s11;
	[sflag:s14] =	ssyncset.done @!p0 $0x0  }
0x20: {  	s12 =	smov.u32 s16;
	s11 =	smov.u32 s15;
	[sflag:s14] =	ssyncadd.s32 @!p0 $0xFFFFF060  }
.LBB2_1:
0x21: {  	p0 =	sge.u32 s12, s7  }
0x22: {  	s14 =	sxor.u32 @!p0 $0x1, s12  }
0x23: {  	s14 =	smul.u32 @!p0 $0x3E80, s14  }
0x24: {  	s31 =	sadd.s32 $0xFFFFFFFF, s12;
	s15 =	sshrl.u32 @!p0 s11, $0x3  }
0x25: {  	s16 =	sand.u32 @!p0 $0x7, s11;
	s15 =	sadd.s32 @!p0 s3, s15;
	s14 =	sshra.s32 @!p0 s14, $0x2  }
0x26: {  	[tilespmem:s14], [sflag:$0x2] =	stream.linear.gather @!p0 [hbm4b:s15+s16], $0xFA0, $0x38;
	[tilespmem:$0x3E80] =	vst v63  }
0x27: {  	p0 =	sge.u32 s31, s7  }
.Ltmp2:
0x28: {  	_ = 	snop;
	(pc) =	sbr.rel @p0 .LBB2_5-.Ltmp2, $1  }
0x29: {  	_ =	sdelay $0x3  }
0x2a: {  	s14 =	sand.u32 $0x1, s12  }
0x2b: {  	_ =	swait.ge [sflag:s6], $0xFA0;
	p0 =	seq.s32 s14, $0x1;
	s14 =	simm.s32 $0xFA0  }
0x2c: {  	[sflag:s6] =	ssyncset.done $0x0;
	s14 =	simm.s32 @!p0 $0x0  }
0x2d: {  	[sflag:s6] =	ssyncadd.s32 $0xFFFFF060;
	(ifvalue) =	ssetifvalue $0x7FFFFFFF;
	v0 =	vld.msk [tilespmem:s14+$0x0 ss:$0x1], $0xffff;
	_ =	sdelay $0x4  }
0x2e: {  	s15 =	sadd.s32 $0x10, s14;
	vm1 =	vgt.s32 v0, $0x0  }
0x2f: {  	v2 =	vld.msk [tilespmem:s15+$0x0 ss:$0x1], $0xffff;
	v1 =	vnsel vm1, $0x0, v0  }
0x30: {  	v1 =	vmin.u32 v1, $0x270FF;
	_ =	sdelay $0x2  }
0x31: {  	s17 =	simm.s32 $0x20;
	s14 =	sadd.s32 $0x1F40, s14;
	s16 =	sadd.s32 $0x10, s15  }
0x32: {  	s15 =	sadd.s32 $0x10, s14;
	s18 =	smov.u32 s14;
	v0 =	vld.msk [tilespmem:s16+$0x0 ss:$0x1], $0xffff;
	vm1 =	vgt.s32 v2, $0x0;
	(ifvalue) =	ssetifvalue $0x7FFFFFFF  }
.LBB2_3:
0x33: {  	[tilespmem:s18], [sflag:$0x1] =	stream.indirect_vreg.gather [hbm4b:s2+s10], $0x1, v1, vm0, $0x4038;
	[tilespmem:$0x3E80] =	vst v63  }
0x34: {  	s17 =	sadd.s32 $0x10, s17  }
0x35: {  	v2 =	vnsel vm1, $0x0, v2;
	p0 =	slt.u32 s17, $0xF90  }
.Ltmp3:
0x36: {  	s18 =	smov.u32 s15;
	v1 =	vmin.u32 v2, $0x270FF;
	(pc) =	sbr.rel @p0 .LBB2_3-.Ltmp3, $3  }
0x37: {  	_ =	sdelay $0x1  }
0x38: {  	s16 =	sadd.s32 $0x10, s16  }
0x39: {  	vm1 =	vgt.s32 v0, $0x0;
	s15 =	sadd.s32 $0x10, s15;
	v2 =	vmov v0;
	(ifvalue) =	ssetifvalue $0x7FFFFFFF;
	v0 =	vld.msk [tilespmem:s16+$0x0 ss:$0x1], $0xffff  }
.Ltmp4:
0x3a: {  	_ = 	snop;
	(pc) =	sbr.rel .LBB2_4-.Ltmp4, $1  }
0x3b: {  	_ =	sdelay $0x3  }
.LBB2_6:
0x3c: {  	_ =	sfence.sel $0x180000  }
0x3d: {  	s2 =	simm.s32 $0x2;
	[bflag:$0x0] =	sbarrier.arrive $0xFFFF  }
0x3e: {  	s30 =	simm.s32 $0x3;
	[sflag:s2] =	ssyncpa.u1 $0x1  }
0x3f: {  	s31 =	simm.s32 $0x1;
	[sflag:s30] =	ssyncpa.u1 $0x1  }
0x40: {  	[sflag:s31] =	ssyncpa.u1 $0x1  }
0x41: {  	p0 =	sne.s32 s1, $0x0;
	_ =	strace $0x9000004A  }
0x42: {  	s0 =	sadd.s32 @!p0 $0x100000, s0;
	[bflag:$0x2] =	sbarrier.arrive $0xFFFF  }
0x43: {  	[sflag:s0] =	ssyncadd.tile.s32 @!p0 $0x1;
	_ =	shalt  }
.Lfunc_end2:
_tile_overlayer_lowered:
.L_overlay_start_2:
0x44: {  	(tag) =	ssettag $0x2  }
0x45: {  	s0 =	rddreg [dreg:$0x0];
	s2 =	stileid.u32  }
0x46: {  	s1 =	rddreg [dreg:$0x1];
	p0 =	sne.s32 s2, $0x0  }
0x47: {  	s3 =	rddreg [dreg:$0x2];
	[bflag:$0x3] =	sbarrier.arrive $0xFFFF;
	s2 =	simm.s32 @!p0 $0x1C01  }
0x48: {  	[timem:s3], [sflag:s2] =	dma.local @!p0 [hbm:s0], s1  }
0x49: {  	s0 =	simm.s32 @!p0 $0x1  }
0x4a: {  	_ =	swait.ge @!p0 [sflag:s0], s1  }
0x4b: {  	s1 =	ssub.s32 @!p0 $0x0, s1;
	[sflag:s0] =	ssyncset.done @!p0 $0x0  }
0x4c: {  	[sflag:s0] =	ssyncadd.s32 @!p0 s1  }
0x4d: {  	[bflag:$0x3] =	sbarrier.arrive $0xFFFF  }
0x4e: {  	_ =	shalt  }

// kernel: gather_offload_async_start
scs
__scs_entry_jumppad:
0x0: {  	(pc) =	sbr.rel $0x88, $3  }
0x1: {  	(tag) =	ssettag $0x0;
	lr =	simm.s32 $0x1  }
0x2: {  	[smem:$0x3F8F] =	sst lr;
	_ =	strace $0xD0000000  }
0x3: {  	_ = 	snop  }
0x4: {  	_ = 	snop  }
0x5: {  	_ = 	snop  }
0x6: {  	_ = 	snop  }
0x7: {  	_ = 	snop  }
__scs_overlays_trampoline_lowered:
0x8: {  	[smem:$0x3F9E] =	sst s0  }
0x9: {  	[smem:$0x3F9F] =	sst s1  }
0xa: {  	[smem:$0x3FA0] =	sst s2  }
0xb: {  	[smem:$0x3FA1] =	sst s3  }
0xc: {  	[smem:$0x3FA2] =	sst s4  }
0xd: {  	[smem:$0x3FA3] =	sst s5  }
0xe: {  	[smem:$0x3FA4] =	sst s6  }
0xf: {  	[smem:$0x3FA5] =	sst s7  }
0x10: {  	[smem:$0x3FA6] =	sst s8  }
0x11: {  	[smem:$0x3FA7] =	sst s9;
	s0 =	simm.s32 @!p0 $0x0  }
0x12: {  	s1 =	sld [smem:$0x3F8D];
	s0 =	simm.s32 @p0 $0x1  }
0x13: {  	[smem:$0x3FA8] =	sst s0;
	s0 =	simm.s32 @!p1 $0x0  }
0x14: {  	s2 =	sld [smem:$0x3F8C];
	s0 =	simm.s32 @p1 $0x1  }
0x15: {  	[smem:$0x3FA9] =	sst s0;
	s0 =	simm.s32 @!p2 $0x0  }
0x16: {  	s3 =	sld [smem:$0x3FDB];
	s0 =	simm.s32 @p2 $0x1  }
0x17: {  	s4 =	simm.s32 $0x1BF5;
	[smem:$0x3FAB] =	sst s0  }
0x18: {  	s0 =	sld [smem:$0x3F8E];
	_ =	swait.ge [sflag:s4], $0x0  }
0x19: {  	s7 =	sld [smem:$0x3F8F]  }
0x1a: {  	s8 =	sadd.s32 $0xFFFFE003, lr  }
0x1b: {  	s9 =	sadd.s32 $0xFFFFFEF7, lr;
	s5 =	simm.s32 $0xFFFFFFFF;
	p2 =	slt.u32 s8, $0xFFFFF086  }
0x1c: {  	p1 =	slt.u32 s9, $0xF7A;
	s5 =	simm.s32 @!p2 $0x0  }
0x1d: {  	s5 =	simm.s32 @p1 $0x1;
	p0 =	seq.s32 s7, s2  }
0x1e: {  	s7 =	smul.u32 @!p0 $0xF7A, s2;
	p2 =	seq.s32 @!p0 s5, $0x0  }
0x1f: {  	s9 =	smul.u32 $0xF7A, s1;
	s8 =	simm.s32 @!p0 $0x1BF5;
	p2 =	por !p2, p0  }
0x20: {  	[sflag:s8] =	ssyncset.s32 @!p0 $0xFFFFF086;
	s6 =	sadd.s32 @!p0 s3, s7;
	s7 =	simm.s32 @!p0 $0x108  }
0x21: {  	s3 =	sadd.s32 s3, s9;
	s6 =	sadd.s32 @!p0 $0x88, s6;
	s7 =	simm.s32 @p2 $0x1082  }
0x22: {  	[simem:s7], [sflag:s8] =	dma.local @!p0 [hbm:s6], $0xF7A  }
0x23: {  	s9 =	sor.u32 $0xD0000000, s2;
	s6 =	simm.s32 $0x108;
	_ =	swait.ge @!p0 [sflag:s8], $0x0  }
0x24: {  	s3 =	sadd.s32 $0x88, s3;
	s6 =	simm.s32 @!p1 $0x1082;
	[sflag:s4] =	ssyncset.s32 $0xFFFFF086  }
0x25: {  	[simem:s6], [sflag:s4] =	dma.local [hbm:s3], $0xF7A  }
0x26: {  	[smem:$0x3F8F] =	sst s1;
	(tag) =	ssettag s2;
	_ =	strace s9  }
0x27: {  	s1 =	sld [smem:$0x3F9F]  }
0x28: {  	s2 =	sld [smem:$0x3FA0]  }
0x29: {  	s4 =	sld [smem:$0x3FA2]  }
0x2a: {  	p0 =	seq.s32 s5, $0x0;
	s5 =	sld [smem:$0x3FA3]  }
0x2b: {  	s6 =	sld [smem:$0x3FA4]  }
0x2c: {  	s7 =	sld [smem:$0x3FA5]  }
0x2d: {  	s3 =	simm.s32 $0x108;
	s8 =	sld [smem:$0x3FA6]  }
0x2e: {  	s3 =	simm.s32 @!p0 $0x1082;
	s9 =	sld [smem:$0x3FA7]  }
0x2f: {  	lr =	sadd.s32 s0, s3;
	s0 =	sld [smem:$0x3F9E]  }
0x30: {  	s3 =	sld [smem:$0x3FA1]  }
0x31: {  	[smem:$0x3FAA] =	sst s10  }
0x32: {  	s10 =	sld [smem:$0x3FA8];
	_ =	sdelay $0x3  }
0x33: {  	p0 =	seq.s32 s10, $0x1;
	s10 =	sld [smem:$0x3FAA];
	_ =	sdelay $0x3  }
0x34: {  	[smem:$0x3FAA] =	sst s10  }
0x35: {  	s10 =	sld [smem:$0x3FA9];
	_ =	sdelay $0x3  }
0x36: {  	p1 =	seq.s32 s10, $0x1;
	s10 =	sld [smem:$0x3FAA];
	_ =	sdelay $0x3  }
0x37: {  	[smem:$0x3FAA] =	sst s10  }
0x38: {  	s10 =	sld [smem:$0x3FAB]  }
0x39: {  	_ = 	snop;
	(pc) =	sbr.ind lr, $3  }
0x3a: {  	_ = 	snop  }
0x3b: {  	_ = 	snop  }
0x3c: {  	p2 =	seq.s32 s10, $0x1;
	s10 =	sld [smem:$0x3FAA]  }
0x3d: {  	_ =	shalt  }
0x3e: {  	_ =	shalt  }
0x3f: {  	_ =	shalt  }
0x40: {  	_ =	shalt  }
0x41: {  	_ =	shalt  }
0x42: {  	_ =	shalt  }
0x43: {  	_ =	shalt  }
0x44: {  	_ =	shalt  }
0x45: {  	_ =	shalt  }
0x46: {  	_ =	shalt  }
0x47: {  	_ =	shalt  }
0x48: {  	_ =	shalt  }
0x49: {  	_ =	shalt  }
0x4a: {  	_ =	shalt  }
0x4b: {  	_ =	shalt  }
0x4c: {  	_ =	shalt  }
0x4d: {  	_ =	shalt  }
0x4e: {  	_ =	shalt  }
0x4f: {  	_ =	shalt  }
0x50: {  	_ =	shalt  }
0x51: {  	_ =	shalt  }
0x52: {  	_ =	shalt  }
0x53: {  	_ =	shalt  }
0x54: {  	_ =	shalt  }
0x55: {  	_ =	shalt  }
0x56: {  	_ =	shalt  }
0x57: {  	_ =	shalt  }
0x58: {  	_ =	shalt  }
0x59: {  	_ =	shalt  }
0x5a: {  	_ =	shalt  }
0x5b: {  	_ =	shalt  }
0x5c: {  	_ =	shalt  }
0x5d: {  	_ =	shalt  }
0x5e: {  	_ =	shalt  }
0x5f: {  	_ =	shalt  }
0x60: {  	_ =	shalt  }
0x61: {  	_ =	shalt  }
0x62: {  	_ =	shalt  }
0x63: {  	_ =	shalt  }
0x64: {  	_ =	shalt  }
0x65: {  	_ =	shalt  }
0x66: {  	_ =	shalt  }
0x67: {  	_ =	shalt  }
0x68: {  	_ =	shalt  }
0x69: {  	_ =	shalt  }
0x6a: {  	_ =	shalt  }
0x6b: {  	_ =	shalt  }
0x6c: {  	_ =	shalt  }
0x6d: {  	_ =	shalt  }
0x6e: {  	_ =	shalt  }
0x6f: {  	_ =	shalt  }
0x70: {  	_ =	shalt  }
0x71: {  	_ =	shalt  }
0x72: {  	_ =	shalt  }
0x73: {  	_ =	shalt  }
0x74: {  	_ =	shalt  }
0x75: {  	_ =	shalt  }
0x76: {  	_ =	shalt  }
0x77: {  	_ =	shalt  }
0x78: {  	_ =	shalt  }
0x79: {  	_ =	shalt  }
0x7a: {  	_ =	shalt  }
0x7b: {  	_ =	shalt  }
0x7c: {  	_ =	shalt  }
0x7d: {  	_ =	shalt  }
0x7e: {  	_ =	shalt  }
0x7f: {  	_ =	shalt  }
0x80: {  	_ =	shalt  }
0x81: {  	_ =	shalt  }
0x82: {  	_ =	shalt  }
0x83: {  	_ =	shalt  }
0x84: {  	_ =	shalt  }
0x85: {  	_ =	shalt  }
0x86: {  	_ =	shalt  }
0x87: {  	_ =	shalt  }
.Lfunc_end0:
.L_simem_size_0:
called_computation_lowered:
.L_overlay_start_0:
0x88: {  	s2 =	sld [smem:$0x3FD9]  }
0x89: {  	s3 =	sld [smem:$0x3FFE];
	_ =	sdelay $0x1  }
0x8a: {  	s1 =	srdreg.scid  }
0x8b: {  	s0 =	sand.u32 $0x1, s1  }
0x8c: {  	s16 =	sshll.u32 s0, $0xA;
	s2 =	sadd.s32 s3, s2  }
0x8d: {  	s2 =	sadd.s32 s2, s16  }
0x8e: {  	[smem:$0x3FB6] =	sst s2  }
0x8f: {  	_ = 	snop  }
0x90: {  	(tm) =	ssettm $0x1  }
0x91: {  	s17 =	sld [smem:$0x3FFB];
	_ =	sdelay $0x3  }
0x92: {  	_ =	strace s17  }
0x93: {  	s2 =	sld [smem:$0x3FFC];
	_ =	sdelay $0x3  }
0x94: {  	_ =	strace s2  }
0x95: {  	s2 =	sld [smem:$0x3FFD];
	_ =	sdelay $0x3  }
0x96: {  	_ =	strace s2  }
0x97: {  	_ =	strace $0x8FFFFFFF  }
0x98: {  	s18 =	sld [smem:$0x3FDB];
	_ =	sdelay $0x1  }
0x99: {  	s19 =	simm.s32 $_scs_section_size  }
0x9a: {  	s4 =	simm.s32 $_size__tile_overlayer_lowered;
	s5 =	simm.s32 $_tile_overlayer_lowered  }
0x9b: {  	s22 =	simm.s32 $0x1BFF;
	s21 =	sshll.u32 s5, $0x1;
	s2 =	sadd.s32 s19, s18  }
0x9c: {  	s6 =	simm.s32 $0x0;
	s20 =	sshll.u32 s4, $0x1;
	s4 =	sadd.s32 s21, s2  }
0x9d: {  	[timem:s6], [sflag:s22] =	dma.local [hbm:s4], s20  }
0x9e: {  	_ =	swait.ge [sflag:s22], s20  }
0x9f: {  	s3 =	ssub.s32 $0x0, s20;
	[sflag:s22] =	ssyncset.done $0x0  }
0xa0: {  	[sflag:s22] =	ssyncadd.s32 s3;
	_ =	sdelay $0x1  }
0xa1: {  	s23 =	simm.s32 $0x1B8B  }
0xa2: {  	_ =	swait.ge [sflag:s23], $0x1  }
0xa3: {  	[sflag:s23] =	ssyncset.done $0x0  }
0xa4: {  	s25 =	simm.s32 $0x1B8E;
	s24 =	sld [smem:$0x3FFE];
	[sflag:s23] =	ssyncadd.s32 $0xFFFFFFFF  }
0xa5: {  	s26 =	simm.s32 $execute0_lowered;
	[smem:$0x3FD2] =	sst s25  }
0xa6: {  	s4 =	sshll.u32 s26, $0x1;
	_ =	strace $0x80000046;
	[dreg:$0x1] =	wrdreg $0xFFFFFFFF  }
0xa7: {  	s28 =	simm.s32 $_size_execute0_lowered;
	s2 =	sadd.s32 s2, s4;
	[dreg:$0x0] =	wrdreg $0x0  }
0xa8: {  	s4 =	sshll.u32 s28, $0x1;
	[dreg:$0x2] =	wrdreg s2  }
0xa9: {  	[dreg:$0x3] =	wrdreg s4  }
0xaa: {  	[dreg:$0x4] =	wrdreg $0xC0  }
0xab: {  	_ =	task [dreg:s6], $0x5FFFF  }
0xac: {  	[dreg:$0x1] =	wrdreg $0xFFFFFFFF  }
0xad: {  	[dreg:$0x0] =	wrdreg $0x60  }
0xae: {  	[dreg:$0x2] =	wrdreg s24  }
0xaf: {  	[dreg:$0x3] =	wrdreg $0xA  }
0xb0: {  	_ =	task.clear_ibuf [dreg:s6], $0x4FFFF;
	_ =	strace $0x90000046  }
0xb1: {  	s29 =	simm.s32 $0xA;
	_ =	strace $0x80000048  }
0xb2: {  	_ =	swait.ge [sflag:s29], $0x1  }
0xb3: {  	[sflag:s29] =	ssyncadd.s32 $0xFFFFFFFF  }
0xb4: {  	_ =	strace $0x90000048  }
0xb5: {  	_ =	sfence  }
0xb6: {  	s30 =	sld [smem:$0x0];
	_ =	sdelay $0x2  }
0xb7: {  	s31 =	sshll.u32 s1, $0xD;
	s1 =	sshrl.u32 s1, $0x2  }
0xb8: {  	s3 =	sand.u32 $0x4000, s31;
	s1 =	sadd.s32 s1, s30  }
0xb9: {  	s0 =	sor.u32 s3, s0;
	s1 =	sshll.u32 s1, $0x11  }
0xba: {  	s0 =	sor.u32 s1, s0  }
0xbb: {  	s0 =	sadd.s32 $0x8F2B, s0  }
0xbc: {  	[sflag:s0] =	ssyncadd.remote.s32 $0x1  }
0xbd: {  	_ =	sfence.sel $0xFFFF  }
0xbe: {  	[dreg:$0x0] =	wrdreg $0xFFFFFFFF;
	(pc) =	sbr.abs _section_cstart, $3  }
0xbf: {  	[dreg:$0x1] =	wrdreg $0xFFFFFFFF  }
0xc0: {  	_ =	task.clear_ibuf [dreg:s6], $0x2FFFF;
	_ =	strace $0x9FFFFFFF  }
0xc1: {  	(tm) =	ssettm $0x7FFFFFFF  }
tec
execute0_lowered:
.L_overlay_start_1:
0x0: {  	(tag) =	ssettag $0x1  }
0x1: {  	s8 =	rddreg [dreg:$0x0]  }
0x2: {  	s0 =	rddreg [dreg:$0x1];
	_ =	strace $0x80000047;
	s1 =	stileid.u32  }
0x3: {  	s3 =	srdreg.scid;
	s4 =	simm.s32 $0x1;
	s7 =	simm.s32 $0x1  }
0x4: {  	s9 =	simm.s32 $0x1;
	s10 =	simm.s32 $0x3;
	s13 =	simm.s32 $0x0  }
0x5: {  	s12 =	simm.s32 $0x0;
	s5 =	sand.u32 $0x1, s3;
	s6 =	sshll.u32 s1, $0x1  }
0x6: {  	s2 =	sadd.s32 $0xA800, s8;
	s3 =	sadd.s32 $0x14800, s8;
	s5 =	sor.u32 s6, s5  }
.Ltmp0:
0x7: {  	[sflag:s4] =	ssyncpa.u1 $0x0;
	p0 =	slt.u32 s5, $0x9;
	(pc) =	sbr.rel .LBB2_1-.Ltmp0, $4  }
0x8: {  	s6 =	simm.s32 $0x2;
	s7 =	simm.s32 @!p0 $0x0;
	p0 =	sne.s32 s5, $0x8  }
0x9: {  	[sflag:s6] =	ssyncpa.u1 $0x0;
	s5 =	smul.u32 $0xFA0, s5;
	s9 =	simm.s32 @!p0 $0x0  }
0xa: {  	s8 =	sadd.s32 $0x19800, s8;
	[sflag:s10] =	ssyncpa.u1 $0x0;
	s7 =	sadd.s32 s9, s7  }
0xb: {  	vm0 =	vmmov $0xffff;
	s10 =	simm.s32 $0x0;
	s11 =	smov.u32 s5;
	s9 =	sadd.s32 $0x1, s7  }
.LBB2_4:
0xc: {  	v2 =	vnsel vm1, $0x0, v2  }
0xd: {  	vm1 =	vgt.s32 v0, $0x0;
	v2 =	vmin.u32 v2, $0x270FF  }
0xe: {  	v0 =	vnsel vm1, $0x0, v0  }
0xf: {  	v0 =	vmin.u32 v0, $0x270FF  }
0x10: {  	[tilespmem:s18], [sflag:$0x1] =	stream.indirect_vreg.gather [hbm4b:s2+s10], $0x1, v1, vm0, $0x4038;
	[tilespmem:$0x3E80] =	vst v63  }
0x11: {  	(ifvalue) =	ssetifvalue $0x7FFFFFFF  }
0x12: {  	[tilespmem:s15], [sflag:$0x1] =	stream.indirect_vreg.gather [hbm4b:s2+s10], $0x1, v2, vm0, $0x4038;
	[tilespmem:$0x3E80] =	vst v63  }
0x13: {  	s29 =	sadd.s32 $0x10, s15;
	(ifvalue) =	ssetifvalue $0x7FFFFFFF  }
0x14: {  	[tilespmem:s29], [sflag:$0x1] =	stream.indirect_vreg.gather [hbm4b:s2+s10], $0x1, v0, vm0, $0x4038;
	[tilespmem:$0x3E80] =	vst v63  }
0x15: {  	_ =	swait.ge [sflag:s4], $0xFA0  }
0x16: {  	s30 =	sshrl.u32 s13, $0x3;
	[sflag:s4] =	ssyncset.done $0x0  }
0x17: {  	s31 =	sand.u32 $0x7, s13;
	s15 =	sadd.s32 s8, s30;
	[sflag:s4] =	ssyncadd.s32 $0xFFFFF060  }
0x18: {  	[hbm4b:s15+s31] =	stream.linear.scatter [tilespmem:s14], [sflag:$0x3], $0xFA0, $0x38;
	[tilespmem:$0x3E80] =	vst v63  }
.LBB2_5:
0x19: {  	s15 =	sadd.s32 $0x1F400, s11  }
0x1a: {  	p1 =	sgt.s32 s15, $0x270FF  }
0x1b: {  	s15 =	smov.u32 @p1 s5;
	p1 =	sne.s32 s12, s9  }
.Ltmp1:
0x1c: {  	p0 =	slt.u32 s12, $0x2;
	(pc) =	sbr.rel @!p1 .LBB2_6-.Ltmp1, $4  }
0x1d: {  	s14 =	simm.s32 @!p0 $0x3  }
0x1e: {  	_ =	swait.ge @!p0 [sflag:s14], $0xFA0  }
0x1f: {  	s16 =	sadd.s32 $0x1, s12;
	s13 =	smov.u32 s11;
	[sflag:s14] =	ssyncset.done @!p0 $0x0  }
0x20: {  	s12 =	smov.u32 s16;
	s11 =	smov.u32 s15;
	[sflag:s14] =	ssyncadd.s32 @!p0 $0xFFFFF060  }
.LBB2_1:
0x21: {  	p0 =	sge.u32 s12, s7  }
0x22: {  	s14 =	sxor.u32 @!p0 $0x1, s12  }
0x23: {  	s14 =	smul.u32 @!p0 $0x3E80, s14  }
0x24: {  	s31 =	sadd.s32 $0xFFFFFFFF, s12;
	s15 =	sshrl.u32 @!p0 s11, $0x3  }
0x25: {  	s16 =	sand.u32 @!p0 $0x7, s11;
	s15 =	sadd.s32 @!p0 s3, s15;
	s14 =	sshra.s32 @!p0 s14, $0x2  }
0x26: {  	[tilespmem:s14], [sflag:$0x2] =	stream.linear.gather @!p0 [hbm4b:s15+s16], $0xFA0, $0x38;
	[tilespmem:$0x3E80] =	vst v63  }
0x27: {  	p0 =	sge.u32 s31, s7  }
.Ltmp2:
0x28: {  	_ = 	snop;
	(pc) =	sbr.rel @p0 .LBB2_5-.Ltmp2, $1  }
0x29: {  	_ =	sdelay $0x3  }
0x2a: {  	s14 =	sand.u32 $0x1, s12  }
0x2b: {  	_ =	swait.ge [sflag:s6], $0xFA0;
	p0 =	seq.s32 s14, $0x1;
	s14 =	simm.s32 $0xFA0  }
0x2c: {  	[sflag:s6] =	ssyncset.done $0x0;
	s14 =	simm.s32 @!p0 $0x0  }
0x2d: {  	[sflag:s6] =	ssyncadd.s32 $0xFFFFF060;
	(ifvalue) =	ssetifvalue $0x7FFFFFFF;
	v0 =	vld.msk [tilespmem:s14+$0x0 ss:$0x1], $0xffff;
	_ =	sdelay $0x4  }
0x2e: {  	s15 =	sadd.s32 $0x10, s14;
	vm1 =	vgt.s32 v0, $0x0  }
0x2f: {  	v2 =	vld.msk [tilespmem:s15+$0x0 ss:$0x1], $0xffff;
	v1 =	vnsel vm1, $0x0, v0  }
0x30: {  	v1 =	vmin.u32 v1, $0x270FF;
	_ =	sdelay $0x2  }
0x31: {  	s17 =	simm.s32 $0x20;
	s14 =	sadd.s32 $0x1F40, s14;
	s16 =	sadd.s32 $0x10, s15  }
0x32: {  	s15 =	sadd.s32 $0x10, s14;
	s18 =	smov.u32 s14;
	v0 =	vld.msk [tilespmem:s16+$0x0 ss:$0x1], $0xffff;
	vm1 =	vgt.s32 v2, $0x0;
	(ifvalue) =	ssetifvalue $0x7FFFFFFF  }
.LBB2_3:
0x33: {  	[tilespmem:s18], [sflag:$0x1] =	stream.indirect_vreg.gather [hbm4b:s2+s10], $0x1, v1, vm0, $0x4038;
	[tilespmem:$0x3E80] =	vst v63  }
0x34: {  	s17 =	sadd.s32 $0x10, s17  }
0x35: {  	v2 =	vnsel vm1, $0x0, v2;
	p0 =	slt.u32 s17, $0xF90  }
.Ltmp3:
0x36: {  	s18 =	smov.u32 s15;
	v1 =	vmin.u32 v2, $0x270FF;
	(pc) =	sbr.rel @p0 .LBB2_3-.Ltmp3, $3  }
0x37: {  	_ =	sdelay $0x1  }
0x38: {  	s16 =	sadd.s32 $0x10, s16  }
0x39: {  	vm1 =	vgt.s32 v0, $0x0;
	s15 =	sadd.s32 $0x10, s15;
	v2 =	vmov v0;
	(ifvalue) =	ssetifvalue $0x7FFFFFFF;
	v0 =	vld.msk [tilespmem:s16+$0x0 ss:$0x1], $0xffff  }
.Ltmp4:
0x3a: {  	_ = 	snop;
	(pc) =	sbr.rel .LBB2_4-.Ltmp4, $1  }
0x3b: {  	_ =	sdelay $0x3  }
.LBB2_6:
0x3c: {  	_ =	sfence.sel $0x180000  }
0x3d: {  	s2 =	simm.s32 $0x2;
	[bflag:$0x0] =	sbarrier.arrive $0xFFFF  }
0x3e: {  	s30 =	simm.s32 $0x3;
	[sflag:s2] =	ssyncpa.u1 $0x1  }
0x3f: {  	s31 =	simm.s32 $0x1;
	[sflag:s30] =	ssyncpa.u1 $0x1  }
0x40: {  	[sflag:s31] =	ssyncpa.u1 $0x1  }
0x41: {  	p0 =	sne.s32 s1, $0x0;
	_ =	strace $0x90000047  }
0x42: {  	s0 =	sadd.s32 @!p0 $0x100000, s0;
	[bflag:$0x2] =	sbarrier.arrive $0xFFFF  }
0x43: {  	[sflag:s0] =	ssyncadd.tile.s32 @!p0 $0x1;
	_ =	shalt  }
.Lfunc_end2:
_tile_overlayer_lowered:
.L_overlay_start_2:
0x44: {  	(tag) =	ssettag $0x2  }
0x45: {  	s0 =	rddreg [dreg:$0x0];
	s2 =	stileid.u32  }
0x46: {  	s1 =	rddreg [dreg:$0x1];
	p0 =	sne.s32 s2, $0x0  }
0x47: {  	s3 =	rddreg [dreg:$0x2];
	[bflag:$0x3] =	sbarrier.arrive $0xFFFF;
	s2 =	simm.s32 @!p0 $0x1C01  }
0x48: {  	[timem:s3], [sflag:s2] =	dma.local @!p0 [hbm:s0], s1  }
0x49: {  	s0 =	simm.s32 @!p0 $0x1  }
0x4a: {  	_ =	swait.ge @!p0 [sflag:s0], s1  }
0x4b: {  	s1 =	ssub.s32 @!p0 $0x0, s1;
	[sflag:s0] =	ssyncset.done @!p0 $0x0  }
0x4c: {  	[sflag:s0] =	ssyncadd.s32 @!p0 s1  }
0x4d: {  	[bflag:$0x3] =	sbarrier.arrive $0xFFFF  }
0x4e: {  	_ =	shalt  }

// kernel: kernel.19.cloned.1.call-start
scs
__scs_entry_jumppad:
0x0: {  	(pc) =	sbr.rel $0x88, $3  }
0x1: {  	(tag) =	ssettag $0x0;
	lr =	simm.s32 $0x1  }
0x2: {  	[smem:$0x3F8F] =	sst lr;
	_ =	strace $0xD0000000  }
0x3: {  	_ = 	snop  }
0x4: {  	_ = 	snop  }
0x5: {  	_ = 	snop  }
0x6: {  	_ = 	snop  }
0x7: {  	_ = 	snop  }
__scs_overlays_trampoline_lowered:
0x8: {  	[smem:$0x3F9E] =	sst s0  }
0x9: {  	[smem:$0x3F9F] =	sst s1  }
0xa: {  	[smem:$0x3FA0] =	sst s2  }
0xb: {  	[smem:$0x3FA1] =	sst s3  }
0xc: {  	[smem:$0x3FA2] =	sst s4  }
0xd: {  	[smem:$0x3FA3] =	sst s5  }
0xe: {  	[smem:$0x3FA4] =	sst s6  }
0xf: {  	[smem:$0x3FA5] =	sst s7  }
0x10: {  	[smem:$0x3FA6] =	sst s8  }
0x11: {  	[smem:$0x3FA7] =	sst s9;
	s0 =	simm.s32 @!p0 $0x0  }
0x12: {  	s1 =	sld [smem:$0x3F8D];
	s0 =	simm.s32 @p0 $0x1  }
0x13: {  	[smem:$0x3FA8] =	sst s0;
	s0 =	simm.s32 @!p1 $0x0  }
0x14: {  	s2 =	sld [smem:$0x3F8C];
	s0 =	simm.s32 @p1 $0x1  }
0x15: {  	[smem:$0x3FA9] =	sst s0;
	s0 =	simm.s32 @!p2 $0x0  }
0x16: {  	s3 =	sld [smem:$0x3FDB];
	s0 =	simm.s32 @p2 $0x1  }
0x17: {  	s4 =	simm.s32 $0x1BF5;
	[smem:$0x3FAB] =	sst s0  }
0x18: {  	s0 =	sld [smem:$0x3F8E];
	_ =	swait.ge [sflag:s4], $0x0  }
0x19: {  	s7 =	sld [smem:$0x3F8F]  }
0x1a: {  	s8 =	sadd.s32 $0xFFFFE003, lr  }
0x1b: {  	s9 =	sadd.s32 $0xFFFFFEF7, lr;
	s5 =	simm.s32 $0xFFFFFFFF;
	p2 =	slt.u32 s8, $0xFFFFF086  }
0x1c: {  	p1 =	slt.u32 s9, $0xF7A;
	s5 =	simm.s32 @!p2 $0x0  }
0x1d: {  	s5 =	simm.s32 @p1 $0x1;
	p0 =	seq.s32 s7, s2  }
0x1e: {  	s7 =	smul.u32 @!p0 $0xF7A, s2;
	p2 =	seq.s32 @!p0 s5, $0x0  }
0x1f: {  	s9 =	smul.u32 $0xF7A, s1;
	s8 =	simm.s32 @!p0 $0x1BF5;
	p2 =	por !p2, p0  }
0x20: {  	[sflag:s8] =	ssyncset.s32 @!p0 $0xFFFFF086;
	s6 =	sadd.s32 @!p0 s3, s7;
	s7 =	simm.s32 @!p0 $0x108  }
0x21: {  	s3 =	sadd.s32 s3, s9;
	s6 =	sadd.s32 @!p0 $0x88, s6;
	s7 =	simm.s32 @p2 $0x1082  }
0x22: {  	[simem:s7], [sflag:s8] =	dma.local @!p0 [hbm:s6], $0xF7A  }
0x23: {  	s9 =	sor.u32 $0xD0000000, s2;
	s6 =	simm.s32 $0x108;
	_ =	swait.ge @!p0 [sflag:s8], $0x0  }
0x24: {  	s3 =	sadd.s32 $0x88, s3;
	s6 =	simm.s32 @!p1 $0x1082;
	[sflag:s4] =	ssyncset.s32 $0xFFFFF086  }
0x25: {  	[simem:s6], [sflag:s4] =	dma.local [hbm:s3], $0xF7A  }
0x26: {  	[smem:$0x3F8F] =	sst s1;
	(tag) =	ssettag s2;
	_ =	strace s9  }
0x27: {  	s1 =	sld [smem:$0x3F9F]  }
0x28: {  	s2 =	sld [smem:$0x3FA0]  }
0x29: {  	s4 =	sld [smem:$0x3FA2]  }
0x2a: {  	p0 =	seq.s32 s5, $0x0;
	s5 =	sld [smem:$0x3FA3]  }
0x2b: {  	s6 =	sld [smem:$0x3FA4]  }
0x2c: {  	s7 =	sld [smem:$0x3FA5]  }
0x2d: {  	s3 =	simm.s32 $0x108;
	s8 =	sld [smem:$0x3FA6]  }
0x2e: {  	s3 =	simm.s32 @!p0 $0x1082;
	s9 =	sld [smem:$0x3FA7]  }
0x2f: {  	lr =	sadd.s32 s0, s3;
	s0 =	sld [smem:$0x3F9E]  }
0x30: {  	s3 =	sld [smem:$0x3FA1]  }
0x31: {  	[smem:$0x3FAA] =	sst s10  }
0x32: {  	s10 =	sld [smem:$0x3FA8];
	_ =	sdelay $0x3  }
0x33: {  	p0 =	seq.s32 s10, $0x1;
	s10 =	sld [smem:$0x3FAA];
	_ =	sdelay $0x3  }
0x34: {  	[smem:$0x3FAA] =	sst s10  }
0x35: {  	s10 =	sld [smem:$0x3FA9];
	_ =	sdelay $0x3  }
0x36: {  	p1 =	seq.s32 s10, $0x1;
	s10 =	sld [smem:$0x3FAA];
	_ =	sdelay $0x3  }
0x37: {  	[smem:$0x3FAA] =	sst s10  }
0x38: {  	s10 =	sld [smem:$0x3FAB]  }
0x39: {  	_ = 	snop;
	(pc) =	sbr.ind lr, $3  }
0x3a: {  	_ = 	snop  }
0x3b: {  	_ = 	snop  }
0x3c: {  	p2 =	seq.s32 s10, $0x1;
	s10 =	sld [smem:$0x3FAA]  }
0x3d: {  	_ =	shalt  }
0x3e: {  	_ =	shalt  }
0x3f: {  	_ =	shalt  }
0x40: {  	_ =	shalt  }
0x41: {  	_ =	shalt  }
0x42: {  	_ =	shalt  }
0x43: {  	_ =	shalt  }
0x44: {  	_ =	shalt  }
0x45: {  	_ =	shalt  }
0x46: {  	_ =	shalt  }
0x47: {  	_ =	shalt  }
0x48: {  	_ =	shalt  }
0x49: {  	_ =	shalt  }
0x4a: {  	_ =	shalt  }
0x4b: {  	_ =	shalt  }
0x4c: {  	_ =	shalt  }
0x4d: {  	_ =	shalt  }
0x4e: {  	_ =	shalt  }
0x4f: {  	_ =	shalt  }
0x50: {  	_ =	shalt  }
0x51: {  	_ =	shalt  }
0x52: {  	_ =	shalt  }
0x53: {  	_ =	shalt  }
0x54: {  	_ =	shalt  }
0x55: {  	_ =	shalt  }
0x56: {  	_ =	shalt  }
0x57: {  	_ =	shalt  }
0x58: {  	_ =	shalt  }
0x59: {  	_ =	shalt  }
0x5a: {  	_ =	shalt  }
0x5b: {  	_ =	shalt  }
0x5c: {  	_ =	shalt  }
0x5d: {  	_ =	shalt  }
0x5e: {  	_ =	shalt  }
0x5f: {  	_ =	shalt  }
0x60: {  	_ =	shalt  }
0x61: {  	_ =	shalt  }
0x62: {  	_ =	shalt  }
0x63: {  	_ =	shalt  }
0x64: {  	_ =	shalt  }
0x65: {  	_ =	shalt  }
0x66: {  	_ =	shalt  }
0x67: {  	_ =	shalt  }
0x68: {  	_ =	shalt  }
0x69: {  	_ =	shalt  }
0x6a: {  	_ =	shalt  }
0x6b: {  	_ =	shalt  }
0x6c: {  	_ =	shalt  }
0x6d: {  	_ =	shalt  }
0x6e: {  	_ =	shalt  }
0x6f: {  	_ =	shalt  }
0x70: {  	_ =	shalt  }
0x71: {  	_ =	shalt  }
0x72: {  	_ =	shalt  }
0x73: {  	_ =	shalt  }
0x74: {  	_ =	shalt  }
0x75: {  	_ =	shalt  }
0x76: {  	_ =	shalt  }
0x77: {  	_ =	shalt  }
0x78: {  	_ =	shalt  }
0x79: {  	_ =	shalt  }
0x7a: {  	_ =	shalt  }
0x7b: {  	_ =	shalt  }
0x7c: {  	_ =	shalt  }
0x7d: {  	_ =	shalt  }
0x7e: {  	_ =	shalt  }
0x7f: {  	_ =	shalt  }
0x80: {  	_ =	shalt  }
0x81: {  	_ =	shalt  }
0x82: {  	_ =	shalt  }
0x83: {  	_ =	shalt  }
0x84: {  	_ =	shalt  }
0x85: {  	_ =	shalt  }
0x86: {  	_ =	shalt  }
0x87: {  	_ =	shalt  }
.Lfunc_end0:
.L_simem_size_0:
called_computation.2_lowered:
.L_overlay_start_0:
0x88: {  	s2 =	sld [smem:$0x3FD9]  }
0x89: {  	s3 =	sld [smem:$0x3FFE];
	_ =	sdelay $0x1  }
0x8a: {  	s1 =	srdreg.scid  }
0x8b: {  	s0 =	sand.u32 $0x1, s1  }
0x8c: {  	s17 =	sshll.u32 s0, $0xA;
	s2 =	sadd.s32 s3, s2  }
0x8d: {  	s2 =	sadd.s32 s2, s17  }
0x8e: {  	[smem:$0x3FB6] =	sst s2  }
0x8f: {  	_ = 	snop  }
0x90: {  	(tm) =	ssettm $0x1  }
0x91: {  	s18 =	sld [smem:$0x3FFB];
	_ =	sdelay $0x3  }
0x92: {  	_ =	strace s18  }
0x93: {  	s2 =	sld [smem:$0x3FFC];
	_ =	sdelay $0x3  }
0x94: {  	_ =	strace s2  }
0x95: {  	s2 =	sld [smem:$0x3FFD];
	_ =	sdelay $0x3  }
0x96: {  	_ =	strace s2  }
0x97: {  	_ =	strace $0x8FFFFFFF  }
0x98: {  	s19 =	sld [smem:$0x3FDB];
	_ =	sdelay $0x1  }
0x99: {  	s20 =	simm.s32 $_scs_section_size  }
0x9a: {  	s4 =	simm.s32 $_size__tile_overlayer_lowered;
	s5 =	simm.s32 $_tile_overlayer_lowered  }
0x9b: {  	s6 =	simm.s32 $0x1BFF;
	s21 =	sshll.u32 s5, $0x1;
	s3 =	sadd.s32 s20, s19  }
0x9c: {  	s22 =	simm.s32 $0x0;
	s4 =	sshll.u32 s4, $0x1;
	s5 =	sadd.s32 s21, s3  }
0x9d: {  	[timem:s22], [sflag:s6] =	dma.local [hbm:s5], s4  }
0x9e: {  	_ =	swait.ge [sflag:s6], s4  }
0x9f: {  	s4 =	ssub.s32 $0x0, s4;
	[sflag:s6] =	ssyncset.done $0x0  }
0xa0: {  	[sflag:s6] =	ssyncadd.s32 s4;
	_ =	sdelay $0x1  }
0xa1: {  	s23 =	simm.s32 $0x1B8B  }
0xa2: {  	_ =	swait.ge [sflag:s23], $0x1  }
0xa3: {  	[sflag:s23] =	ssyncset.done $0x0  }
0xa4: {  	[sflag:s23] =	ssyncadd.s32 $0xFFFFFFFF  }
0xa5: {  	s4 =	sld [smem:$0x0]  }
0xa6: {  	s5 =	sand.u32 $0xFFFFFFFE, s1  }
0xa7: {  	p0 =	sne.s32 s1, s5  }
0xa8: {  	s5 =	sshll.u32 @p0 s5, $0xE  }
0xa9: {  	s5 =	sadd.s32 @p0 $0x11B8D, s5;
	s6 =	sshll.u32 @p0 s4, $0x11  }
0xaa: {  	s5 =	sor.u32 @p0 s6, s5  }
0xab: {  	[sflag:s5] =	ssyncadd.remote.s32 @p0 $0x1;
	_ =	sdelay $0x1  }
0xac: {  	s5 =	simm.s32 @p0 $0x1B8D  }
0xad: {  	_ =	swait.eq @p0 [sflag:s5], $0x1  }
0xae: {  	[sflag:s5] =	ssyncadd.s32 @p0 $0xFFFFFFFF  }
0xaf: {  	s6 =	sshll.u32 @!p0 s1, $0xE  }
0xb0: {  	s6 =	sor.u32 @!p0 $0x4000, s6;
	s5 =	simm.s32 @!p0 $0x1B8D  }
0xb1: {  	s4 =	sshll.u32 @!p0 s4, $0x11;
	s6 =	sadd.s32 @!p0 $0x11B8D, s6;
	_ =	swait.eq @!p0 [sflag:s5], $0x1  }
0xb2: {  	s4 =	sor.u32 @!p0 s4, s6;
	[sflag:s5] =	ssyncadd.s32 @!p0 $0xFFFFFFFF  }
0xb3: {  	s25 =	simm.s32 $0x1B8E;
	s24 =	sld [smem:$0x3FFE];
	[sflag:s4] =	ssyncadd.remote.s32 @!p0 $0x1  }
0xb4: {  	s26 =	simm.s32 $execute0_lowered;
	[smem:$0x3FD2] =	sst s25  }
0xb5: {  	s5 =	sshll.u32 s26, $0x1;
	_ =	strace $0x8000004F;
	[dreg:$0x1] =	wrdreg $0xFFFFFFFF  }
0xb6: {  	s28 =	simm.s32 $_size_execute0_lowered;
	s3 =	sadd.s32 s3, s5;
	[dreg:$0x0] =	wrdreg $0x0  }
0xb7: {  	s5 =	sshll.u32 s28, $0x1;
	[dreg:$0x2] =	wrdreg s3  }
0xb8: {  	[dreg:$0x3] =	wrdreg s5  }
0xb9: {  	[dreg:$0x4] =	wrdreg $0xC0  }
0xba: {  	_ =	task [dreg:s22], $0x5FFFF  }
0xbb: {  	[dreg:$0x1] =	wrdreg $0xFFFFFFFF  }
0xbc: {  	[dreg:$0x0] =	wrdreg $0x60  }
0xbd: {  	[dreg:$0x2] =	wrdreg s24  }
0xbe: {  	[dreg:$0x3] =	wrdreg $0x7A000  }
0xbf: {  	[dreg:$0x4] =	wrdreg $0x9  }
0xc0: {  	_ =	task.clear_ibuf [dreg:s22], $0x5FFFF;
	_ =	strace $0x9000004F  }
0xc1: {  	s29 =	simm.s32 $0x9;
	_ =	strace $0x80000051  }
0xc2: {  	_ =	swait.ge [sflag:s29], $0x1  }
0xc3: {  	[sflag:s29] =	ssyncadd.s32 $0xFFFFFFFF  }
0xc4: {  	_ =	strace $0x90000051  }
0xc5: {  	_ =	sfence  }
0xc6: {  	s30 =	sld [smem:$0x0];
	_ =	sdelay $0x2  }
0xc7: {  	s31 =	sshll.u32 s1, $0xD;
	s1 =	sshrl.u32 s1, $0x2  }
0xc8: {  	s4 =	sand.u32 $0x4000, s31;
	s1 =	sadd.s32 s1, s30  }
0xc9: {  	s0 =	sor.u32 s4, s0;
	s1 =	sshll.u32 s1, $0x11  }
0xca: {  	s0 =	sor.u32 s1, s0  }
0xcb: {  	s0 =	sadd.s32 $0x8F2B, s0  }
0xcc: {  	[sflag:s0] =	ssyncadd.remote.s32 $0x1  }
0xcd: {  	_ =	sfence.sel $0xFFFF  }
0xce: {  	[dreg:$0x0] =	wrdreg $0xFFFFFFFF;
	(pc) =	sbr.abs _section_cstart, $3  }
0xcf: {  	[dreg:$0x1] =	wrdreg $0xFFFFFFFF  }
0xd0: {  	_ =	task.clear_ibuf [dreg:s22], $0x2FFFF;
	_ =	strace $0x9FFFFFFF  }
0xd1: {  	(tm) =	ssettm $0x7FFFFFFF  }
tec
execute0_lowered:
.L_overlay_start_1:
0x0: {  	(tag) =	ssettag $0x1  }
0x1: {  	s3 =	rddreg [dreg:$0x0]  }
0x2: {  	s0 =	srdreg.scid;
	s6 =	rddreg [dreg:$0x1]  }
0x3: {  	s1 =	rddreg [dreg:$0x2];
	s4 =	sand.u32 $0x1, s0  }
0x4: {  	s2 =	simm.s32 $0x0;
	s0 =	stileid.u32;
	s5 =	smul.u32 $0x27100, s4  }
0x5: {  	s12 =	simm.s32 $0x1400;
	s13 =	simm.s32 $0x14000;
	s7 =	smul.u32 $0x2710, s0  }
0x6: {  	s14 =	simm.s32 $0x4F80;
	s15 =	simm.s32 $0x7780;
	s8 =	smul.u32 $0x280, s0  }
0x7: {  	s16 =	simm.s32 $0x0;
	[smem:$0x7FF] =	sst s2;
	s9 =	smul.u32 $0x2800, s4  }
0x8: {  	_ =	strace $0x80000050;
	s26 =	sshrl.u32 s0, $0x3;
	s4 =	ssub.s32 $0x2, s4  }
0x9: {  	s29 =	sshll.u32 s0, $0x7;
	s10 =	smul.u32 $0x5000, s0;
	s28 =	sshrl.u32 s4, $0x1  }
0xa: {  	s30 =	sand.u32 $0x380, s29;
	s5 =	sadd.s32 s7, s5;
	s25 =	sadd.s32 s8, s9  }
0xb: {  	s8 =	smul.u32 $0x50000, s26;
	s11 =	ssub.s32 s4, s28;
	s31 =	sshrl.u32 s10, $0x2  }
0xc: {  	s9 =	simm.s32 $0x2780;
	s10 =	simm.s32 $0x80;
	s5 =	sshrl.u32 s5, $0x3  }
0xd: {  	s7 =	sshrl.u32 s25, $0x3;
	s5 =	sadd.s32 s5, s3;
	s8 =	sshrl.u32 s8, $0x2  }
0xe: {  	s7 =	sadd.s32 s7, s3;
	s8 =	sadd.s32 s8, s6;
	s3 =	sadd.s32 $0xC5800, s5  }
0xf: {  	s5 =	sadd.s32 s31, s6;
	s6 =	sadd.s32 $0xCF600, s7;
	s7 =	smax.u32 s11, $0x1  }
0x10: {  	v0 =	vimm.f32 $0.0e+00;
	v1 =	vimm.f32 $1.000000000e+00;
	s11 =	simm.s32 $0x400;
	s4 =	sadd.s32 s30, s8;
	s8 =	simm.s32 $0x1  }
.LBB2_1:
0x11: {  	s17 =	simm.s32 $0x40;
	s18 =	simm.s32 $0x0  }
.LBB2_2:
0x12: {  	p0 =	sne.s32 s17, $0x9FC0;
	[tilespmem:s18+$0x2780] =	vst v0;
	s18 =	smov.u32 s17;
	s17 =	sadd.s32 $0x40, s17  }
.Ltmp0:
0x13: {  	(pc) =	sbr.rel @p0 .LBB2_2-.Ltmp0, $2  }
0x14: {  	_ =	sdelay $0x2  }
0x15: {  	s18 =	sshra.s32 s18, $0x2  }
0x16: {  	[tilespmem:s18+$0x2780] =	vst v0;
	s17 =	simm.s32 $0x0  }
0x17: {  	[tilespmem:s17], [sflag:$0x1] =	stream.linear.gather [hbm4b:s3+s17], $0x2710, $0x38;
	[tilespmem:$0xA200] =	vst v63  }
0x18: {  	_ =	swait.ge [sflag:s8], $0x2710  }
0x19: {  	[sflag:s8] =	ssyncset.done $0x0  }
0x1a: {  	s18 =	simm.s32 $0x0;
	s17 =	simm.s32 $0x40;
	[sflag:s8] =	ssyncadd.s32 $0xFFFFD8F0  }
.LBB2_4:
0x1b: {  	p0 =	sne.s32 s17, $0x9C00;
	v2 =	vld [tilespmem:s18+$0x0];
	_ =	sdelay $0x3  }
.Ltmp1:
0x1c: {  	(pc) =	sbr.rel @p0 .LBB2_4-.Ltmp1, $2  }
0x1d: {  	_ =	sdelay $0x2  }
0x1e: {  	s18 =	sshra.s32 s17, $0x2;
	s17 =	sadd.s32 $0x40, s17;
	[tilespmem:v2+s9+$0x0] =	vst.idx.add.f32.msk $0xffff, v1  }
0x1f: {  	v2 =	vld [tilespmem:s18+$0x0];
	_ =	sdelay $0x7  }
0x20: {  	[tilespmem:v2+s9+$0x0] =	vst.idx.add.f32.msk $0xffff, v1  }
0x21: {  	[spmem:s4] =	stream.strided.scatter [tilespmem:s9], [sflag:$0x1], $0x2800, s11, s10, $0x38;
	[tilespmem:$0xA200] =	vst v63  }
0x22: {  	_ =	swait.ge [sflag:s8], $0x2800  }
0x23: {  	[sflag:s8] =	ssyncset.done $0x0  }
0x24: {  	[sflag:s8] =	ssyncadd.s32 $0xFFFFD800  }
0x25: {  	[bflag:$0x0] =	sbarrier.arrive $0xFFFF  }
0x26: {  	[tilespmem:s14], [sflag:$0x1] =	stream.strided.gather [spmem:s5], $0x2800, s13, s12, $0x38;
	[tilespmem:$0xA200] =	vst v63  }
0x27: {  	s17 =	simm.s32 $0x0;
	_ =	swait.ge [sflag:s8], $0x2800  }
0x28: {  	s30 =	sand.u32 $0x70, s17;
	s17 =	sand.u32 $0x1C00, s17;
	[sflag:s8] =	ssyncset.done $0x0  }
0x29: {  	s17 =	sor.u32 s30, s17;
	[sflag:s8] =	ssyncadd.s32 $0xFFFFD800  }
0x2a: {  	v2 =	vld [tilespmem:s17+$0x5000]  }
0x2b: {  	v3 =	vld [tilespmem:s17+$0x4F80];
	_ =	sdelay $0x1  }
0x2c: {  	v4 =	vld [tilespmem:s17+$0x5080];
	_ =	sdelay $0x1  }
0x2d: {  	v5 =	vld [tilespmem:s17+$0x5100]  }
0x2e: {  	v2 =	vadd.f32 v2, v3  }
0x2f: {  	v3 =	vld [tilespmem:s17+$0x5180]  }
0x30: {  	v2 =	vadd.f32 v4, v2  }
0x31: {  	v56 =	vld [tilespmem:s17+$0x5200]  }
0x32: {  	v2 =	vadd.f32 v5, v2  }
0x33: {  	v57 =	vld [tilespmem:s17+$0x5280]  }
0x34: {  	v2 =	vadd.f32 v3, v2  }
0x35: {  	v3 =	vld [tilespmem:s17+$0x5300]  }
0x36: {  	v2 =	vadd.f32 v56, v2  }
0x37: {  	v58 =	vld [tilespmem:s17+$0x6380]  }
0x38: {  	v2 =	vadd.f32 v57, v2  }
0x39: {  	v59 =	vld [tilespmem:s17+$0x6400]  }
0x3a: {  	v2 =	vadd.f32 v3, v2  }
0x3b: {  	v3 =	vld [tilespmem:s17+$0x6480]  }
0x3c: {  	v2 =	vadd.f32 v58, v2  }
0x3d: {  	v60 =	vld [tilespmem:s17+$0x6500]  }
0x3e: {  	v2 =	vadd.f32 v59, v2  }
0x3f: {  	v61 =	vld [tilespmem:s17+$0x6580]  }
0x40: {  	v2 =	vadd.f32 v3, v2  }
0x41: {  	v3 =	vld [tilespmem:s17+$0x6600]  }
0x42: {  	v2 =	vadd.f32 v60, v2  }
0x43: {  	v62 =	vld [tilespmem:s17+$0x6680]  }
0x44: {  	v2 =	vadd.f32 v61, v2  }
0x45: {  	v63 =	vld [tilespmem:s17+$0x6700]  }
0x46: {  	v2 =	vadd.f32 v3, v2;
	_ =	sdelay $0x1  }
0x47: {  	v2 =	vadd.f32 v62, v2;
	_ =	sdelay $0x1  }
0x48: {  	s31 =	simm.s32 $0x10;
	s19 =	simm.s32 $0x80;
	v2 =	vadd.f32 v63, v2  }
0x49: {  	s18 =	sand.u32 $0x70, s31;
	s20 =	sand.u32 $0x1C00, s19;
	s17 =	simm.s32 $0x7780  }
0x4a: {  	s18 =	sor.u32 s18, s20;
	s20 =	simm.s32 $0x20;
	[tilespmem:s17+$0x0] =	vst v2  }
.LBB2_6:
0x4b: {  	p0 =	sne.s32 s20, $0x270;
	v2 =	vld [tilespmem:s18+$0x5000]  }
0x4c: {  	v3 =	vld [tilespmem:s18+$0x4F80];
	_ =	sdelay $0x1  }
0x4d: {  	v4 =	vld [tilespmem:s18+$0x5080];
	_ =	sdelay $0x1  }
0x4e: {  	v5 =	vld [tilespmem:s18+$0x5100]  }
0x4f: {  	v2 =	vadd.f32 v2, v3  }
0x50: {  	v3 =	vld [tilespmem:s18+$0x5180]  }
0x51: {  	v2 =	vadd.f32 v4, v2  }
0x52: {  	v4 =	vld [tilespmem:s18+$0x5200]  }
0x53: {  	v2 =	vadd.f32 v5, v2  }
0x54: {  	v5 =	vld [tilespmem:s18+$0x5280]  }
0x55: {  	v2 =	vadd.f32 v3, v2  }
0x56: {  	v3 =	vld [tilespmem:s18+$0x5300]  }
0x57: {  	v2 =	vadd.f32 v4, v2  }
0x58: {  	v4 =	vld [tilespmem:s18+$0x6380]  }
0x59: {  	v2 =	vadd.f32 v5, v2  }
0x5a: {  	v5 =	vld [tilespmem:s18+$0x6400]  }
0x5b: {  	v2 =	vadd.f32 v3, v2  }
0x5c: {  	v3 =	vld [tilespmem:s18+$0x6480]  }
0x5d: {  	v2 =	vadd.f32 v4, v2  }
0x5e: {  	v4 =	vld [tilespmem:s18+$0x6500]  }
0x5f: {  	v2 =	vadd.f32 v5, v2  }
0x60: {  	v5 =	vld [tilespmem:s18+$0x6580]  }
0x61: {  	v2 =	vadd.f32 v3, v2  }
0x62: {  	v3 =	vld [tilespmem:s18+$0x6600]  }
0x63: {  	v2 =	vadd.f32 v4, v2  }
0x64: {  	v4 =	vld [tilespmem:s18+$0x6680]  }
0x65: {  	v2 =	vadd.f32 v5, v2  }
0x66: {  	v5 =	vld [tilespmem:s18+$0x6700]  }
0x67: {  	v2 =	vadd.f32 v3, v2;
	_ =	sdelay $0x1  }
.Ltmp2:
0x68: {  	v2 =	vadd.f32 v4, v2;
	(pc) =	sbr.rel @p0 .LBB2_6-.Ltmp2, $4  }
0x69: {  	_ = 	snop  }
0x6a: {  	s19 =	sadd.s32 $0x80, s19;
	v2 =	vadd.f32 v5, v2  }
0x6b: {  	s17 =	sadd.s32 $0x10, s17;
	s21 =	sand.u32 $0x1C00, s19;
	s18 =	sand.u32 $0x70, s20  }
0x6c: {  	s20 =	sadd.s32 $0x10, s20;
	s18 =	sor.u32 s18, s21;
	[tilespmem:s17+$0x0] =	vst v2  }
0x6d: {  	v2 =	vld [tilespmem:s18+$0x5000]  }
0x6e: {  	v3 =	vld [tilespmem:s18+$0x4F80];
	_ =	sdelay $0x1  }
0x6f: {  	v4 =	vld [tilespmem:s18+$0x5080];
	_ =	sdelay $0x1  }
0x70: {  	v5 =	vld [tilespmem:s18+$0x5100]  }
0x71: {  	v2 =	vadd.f32 v2, v3  }
0x72: {  	v3 =	vld [tilespmem:s18+$0x5180]  }
0x73: {  	v2 =	vadd.f32 v4, v2  }
0x74: {  	v56 =	vld [tilespmem:s18+$0x5200]  }
0x75: {  	v2 =	vadd.f32 v5, v2  }
0x76: {  	v57 =	vld [tilespmem:s18+$0x5280]  }
0x77: {  	v2 =	vadd.f32 v3, v2  }
0x78: {  	v3 =	vld [tilespmem:s18+$0x5300]  }
0x79: {  	v2 =	vadd.f32 v56, v2  }
0x7a: {  	v58 =	vld [tilespmem:s18+$0x6380]  }
0x7b: {  	v2 =	vadd.f32 v57, v2  }
0x7c: {  	v59 =	vld [tilespmem:s18+$0x6400]  }
0x7d: {  	v2 =	vadd.f32 v3, v2  }
0x7e: {  	v3 =	vld [tilespmem:s18+$0x6480]  }
0x7f: {  	v2 =	vadd.f32 v58, v2  }
0x80: {  	v60 =	vld [tilespmem:s18+$0x6500]  }
0x81: {  	v2 =	vadd.f32 v59, v2  }
0x82: {  	v61 =	vld [tilespmem:s18+$0x6580]  }
0x83: {  	v2 =	vadd.f32 v3, v2  }
0x84: {  	v3 =	vld [tilespmem:s18+$0x6600]  }
0x85: {  	v2 =	vadd.f32 v60, v2  }
0x86: {  	v62 =	vld [tilespmem:s18+$0x6680]  }
0x87: {  	v2 =	vadd.f32 v61, v2  }
0x88: {  	v63 =	vld [tilespmem:s18+$0x6700]  }
0x89: {  	v2 =	vadd.f32 v3, v2;
	_ =	sdelay $0x1  }
0x8a: {  	v2 =	vadd.f32 v62, v2;
	_ =	sdelay $0x1  }
0x8b: {  	s16 =	sadd.s32 $0x1, s16;
	v2 =	vadd.f32 v63, v2  }
0x8c: {  	s17 =	sadd.s32 $0x10, s17;
	p0 =	sne.s32 s16, s7  }
.Ltmp3:
0x8d: {  	[tilespmem:s17+$0x0] =	vst v2;
	(pc) =	sbr.rel @p0 .LBB2_1-.Ltmp3, $4  }
0x8e: {  	[hbm4b:s6+s2] =	stream.linear.scatter [tilespmem:s15], [sflag:$0x1], $0x280, $0x38;
	[tilespmem:$0xA200] =	vst v63  }
0x8f: {  	_ =	swait.ge [sflag:s8], $0x280  }
0x90: {  	[sflag:s8] =	ssyncset.done $0x0  }
0x91: {  	[sflag:s8] =	ssyncadd.s32 $0xFFFFFD80  }
0x92: {  	_ =	sfence.sel $0x180000  }
0x93: {  	[bflag:$0x0] =	sbarrier.arrive $0xFFFF  }
0x94: {  	p0 =	sne.s32 s0, $0x0;
	_ =	strace $0x90000050  }
0x95: {  	s0 =	sadd.s32 @!p0 $0x100000, s1;
	[bflag:$0x2] =	sbarrier.arrive $0xFFFF  }
0x96: {  	[sflag:s0] =	ssyncadd.tile.s32 @!p0 $0x1;
	_ =	shalt  }
.Lfunc_end2:
_tile_overlayer_lowered:
.L_overlay_start_2:
0x97: {  	(tag) =	ssettag $0x2  }
0x98: {  	s0 =	rddreg [dreg:$0x0];
	s2 =	stileid.u32  }
0x99: {  	s1 =	rddreg [dreg:$0x1];
	p0 =	sne.s32 s2, $0x0  }
0x9a: {  	s3 =	rddreg [dreg:$0x2];
	[bflag:$0x3] =	sbarrier.arrive $0xFFFF;
	s2 =	simm.s32 @!p0 $0x1C01  }
0x9b: {  	[timem:s3], [sflag:s2] =	dma.local @!p0 [hbm:s0], s1  }
0x9c: {  	s0 =	simm.s32 @!p0 $0x1  }
0x9d: {  	_ =	swait.ge @!p0 [sflag:s0], s1  }
0x9e: {  	s1 =	ssub.s32 @!p0 $0x0, s1;
	[sflag:s0] =	ssyncset.done @!p0 $0x0  }
0x9f: {  	[sflag:s0] =	ssyncadd.s32 @!p0 s1  }
0xa0: {  	[bflag:$0x3] =	sbarrier.arrive $0xFFFF  }
0xa1: {  	_ =	shalt  }

// kernel: kernel.22.cloned.1.call-start
scs
__scs_entry_jumppad:
0x0: {  	(pc) =	sbr.rel $0x88, $3  }
0x1: {  	(tag) =	ssettag $0x0;
	lr =	simm.s32 $0x1  }
0x2: {  	[smem:$0x3F8F] =	sst lr;
	_ =	strace $0xD0000000  }
0x3: {  	_ = 	snop  }
0x4: {  	_ = 	snop  }
0x5: {  	_ = 	snop  }
0x6: {  	_ = 	snop  }
0x7: {  	_ = 	snop  }
__scs_overlays_trampoline_lowered:
0x8: {  	[smem:$0x3F9E] =	sst s0  }
0x9: {  	[smem:$0x3F9F] =	sst s1  }
0xa: {  	[smem:$0x3FA0] =	sst s2  }
0xb: {  	[smem:$0x3FA1] =	sst s3  }
0xc: {  	[smem:$0x3FA2] =	sst s4  }
0xd: {  	[smem:$0x3FA3] =	sst s5  }
0xe: {  	[smem:$0x3FA4] =	sst s6  }
0xf: {  	[smem:$0x3FA5] =	sst s7  }
0x10: {  	[smem:$0x3FA6] =	sst s8  }
0x11: {  	[smem:$0x3FA7] =	sst s9;
	s0 =	simm.s32 @!p0 $0x0  }
0x12: {  	s1 =	sld [smem:$0x3F8D];
	s0 =	simm.s32 @p0 $0x1  }
0x13: {  	[smem:$0x3FA8] =	sst s0;
	s0 =	simm.s32 @!p1 $0x0  }
0x14: {  	s2 =	sld [smem:$0x3F8C];
	s0 =	simm.s32 @p1 $0x1  }
0x15: {  	[smem:$0x3FA9] =	sst s0;
	s0 =	simm.s32 @!p2 $0x0  }
0x16: {  	s3 =	sld [smem:$0x3FDB];
	s0 =	simm.s32 @p2 $0x1  }
0x17: {  	s4 =	simm.s32 $0x1BF5;
	[smem:$0x3FAB] =	sst s0  }
0x18: {  	s0 =	sld [smem:$0x3F8E];
	_ =	swait.ge [sflag:s4], $0x0  }
0x19: {  	s7 =	sld [smem:$0x3F8F]  }
0x1a: {  	s8 =	sadd.s32 $0xFFFFE003, lr  }
0x1b: {  	s9 =	sadd.s32 $0xFFFFFEF7, lr;
	s5 =	simm.s32 $0xFFFFFFFF;
	p2 =	slt.u32 s8, $0xFFFFF086  }
0x1c: {  	p1 =	slt.u32 s9, $0xF7A;
	s5 =	simm.s32 @!p2 $0x0  }
0x1d: {  	s5 =	simm.s32 @p1 $0x1;
	p0 =	seq.s32 s7, s2  }
0x1e: {  	s7 =	smul.u32 @!p0 $0xF7A, s2;
	p2 =	seq.s32 @!p0 s5, $0x0  }
0x1f: {  	s9 =	smul.u32 $0xF7A, s1;
	s8 =	simm.s32 @!p0 $0x1BF5;
	p2 =	por !p2, p0  }
0x20: {  	[sflag:s8] =	ssyncset.s32 @!p0 $0xFFFFF086;
	s6 =	sadd.s32 @!p0 s3, s7;
	s7 =	simm.s32 @!p0 $0x108  }
0x21: {  	s3 =	sadd.s32 s3, s9;
	s6 =	sadd.s32 @!p0 $0x88, s6;
	s7 =	simm.s32 @p2 $0x1082  }
0x22: {  	[simem:s7], [sflag:s8] =	dma.local @!p0 [hbm:s6], $0xF7A  }
0x23: {  	s9 =	sor.u32 $0xD0000000, s2;
	s6 =	simm.s32 $0x108;
	_ =	swait.ge @!p0 [sflag:s8], $0x0  }
0x24: {  	s3 =	sadd.s32 $0x88, s3;
	s6 =	simm.s32 @!p1 $0x1082;
	[sflag:s4] =	ssyncset.s32 $0xFFFFF086  }
0x25: {  	[simem:s6], [sflag:s4] =	dma.local [hbm:s3], $0xF7A  }
0x26: {  	[smem:$0x3F8F] =	sst s1;
	(tag) =	ssettag s2;
	_ =	strace s9  }
0x27: {  	s1 =	sld [smem:$0x3F9F]  }
0x28: {  	s2 =	sld [smem:$0x3FA0]  }
0x29: {  	s4 =	sld [smem:$0x3FA2]  }
0x2a: {  	p0 =	seq.s32 s5, $0x0;
	s5 =	sld [smem:$0x3FA3]  }
0x2b: {  	s6 =	sld [smem:$0x3FA4]  }
0x2c: {  	s7 =	sld [smem:$0x3FA5]  }
0x2d: {  	s3 =	simm.s32 $0x108;
	s8 =	sld [smem:$0x3FA6]  }
0x2e: {  	s3 =	simm.s32 @!p0 $0x1082;
	s9 =	sld [smem:$0x3FA7]  }
0x2f: {  	lr =	sadd.s32 s0, s3;
	s0 =	sld [smem:$0x3F9E]  }
0x30: {  	s3 =	sld [smem:$0x3FA1]  }
0x31: {  	[smem:$0x3FAA] =	sst s10  }
0x32: {  	s10 =	sld [smem:$0x3FA8];
	_ =	sdelay $0x3  }
0x33: {  	p0 =	seq.s32 s10, $0x1;
	s10 =	sld [smem:$0x3FAA];
	_ =	sdelay $0x3  }
0x34: {  	[smem:$0x3FAA] =	sst s10  }
0x35: {  	s10 =	sld [smem:$0x3FA9];
	_ =	sdelay $0x3  }
0x36: {  	p1 =	seq.s32 s10, $0x1;
	s10 =	sld [smem:$0x3FAA];
	_ =	sdelay $0x3  }
0x37: {  	[smem:$0x3FAA] =	sst s10  }
0x38: {  	s10 =	sld [smem:$0x3FAB]  }
0x39: {  	_ = 	snop;
	(pc) =	sbr.ind lr, $3  }
0x3a: {  	_ = 	snop  }
0x3b: {  	_ = 	snop  }
0x3c: {  	p2 =	seq.s32 s10, $0x1;
	s10 =	sld [smem:$0x3FAA]  }
0x3d: {  	_ =	shalt  }
0x3e: {  	_ =	shalt  }
0x3f: {  	_ =	shalt  }
0x40: {  	_ =	shalt  }
0x41: {  	_ =	shalt  }
0x42: {  	_ =	shalt  }
0x43: {  	_ =	shalt  }
0x44: {  	_ =	shalt  }
0x45: {  	_ =	shalt  }
0x46: {  	_ =	shalt  }
0x47: {  	_ =	shalt  }
0x48: {  	_ =	shalt  }
0x49: {  	_ =	shalt  }
0x4a: {  	_ =	shalt  }
0x4b: {  	_ =	shalt  }
0x4c: {  	_ =	shalt  }
0x4d: {  	_ =	shalt  }
0x4e: {  	_ =	shalt  }
0x4f: {  	_ =	shalt  }
0x50: {  	_ =	shalt  }
0x51: {  	_ =	shalt  }
0x52: {  	_ =	shalt  }
0x53: {  	_ =	shalt  }
0x54: {  	_ =	shalt  }
0x55: {  	_ =	shalt  }
0x56: {  	_ =	shalt  }
0x57: {  	_ =	shalt  }
0x58: {  	_ =	shalt  }
0x59: {  	_ =	shalt  }
0x5a: {  	_ =	shalt  }
0x5b: {  	_ =	shalt  }
0x5c: {  	_ =	shalt  }
0x5d: {  	_ =	shalt  }
0x5e: {  	_ =	shalt  }
0x5f: {  	_ =	shalt  }
0x60: {  	_ =	shalt  }
0x61: {  	_ =	shalt  }
0x62: {  	_ =	shalt  }
0x63: {  	_ =	shalt  }
0x64: {  	_ =	shalt  }
0x65: {  	_ =	shalt  }
0x66: {  	_ =	shalt  }
0x67: {  	_ =	shalt  }
0x68: {  	_ =	shalt  }
0x69: {  	_ =	shalt  }
0x6a: {  	_ =	shalt  }
0x6b: {  	_ =	shalt  }
0x6c: {  	_ =	shalt  }
0x6d: {  	_ =	shalt  }
0x6e: {  	_ =	shalt  }
0x6f: {  	_ =	shalt  }
0x70: {  	_ =	shalt  }
0x71: {  	_ =	shalt  }
0x72: {  	_ =	shalt  }
0x73: {  	_ =	shalt  }
0x74: {  	_ =	shalt  }
0x75: {  	_ =	shalt  }
0x76: {  	_ =	shalt  }
0x77: {  	_ =	shalt  }
0x78: {  	_ =	shalt  }
0x79: {  	_ =	shalt  }
0x7a: {  	_ =	shalt  }
0x7b: {  	_ =	shalt  }
0x7c: {  	_ =	shalt  }
0x7d: {  	_ =	shalt  }
0x7e: {  	_ =	shalt  }
0x7f: {  	_ =	shalt  }
0x80: {  	_ =	shalt  }
0x81: {  	_ =	shalt  }
0x82: {  	_ =	shalt  }
0x83: {  	_ =	shalt  }
0x84: {  	_ =	shalt  }
0x85: {  	_ =	shalt  }
0x86: {  	_ =	shalt  }
0x87: {  	_ =	shalt  }
.Lfunc_end0:
.L_simem_size_0:
called_computation.3_lowered:
.L_overlay_start_0:
0x88: {  	s2 =	sld [smem:$0x3FD9]  }
0x89: {  	s3 =	sld [smem:$0x3FFE];
	_ =	sdelay $0x1  }
0x8a: {  	s1 =	srdreg.scid  }
0x8b: {  	s0 =	sand.u32 $0x1, s1  }
0x8c: {  	s17 =	sshll.u32 s0, $0xA;
	s2 =	sadd.s32 s3, s2  }
0x8d: {  	s2 =	sadd.s32 s2, s17  }
0x8e: {  	[smem:$0x3FB6] =	sst s2  }
0x8f: {  	_ = 	snop  }
0x90: {  	(tm) =	ssettm $0x1  }
0x91: {  	s18 =	sld [smem:$0x3FFB];
	_ =	sdelay $0x3  }
0x92: {  	_ =	strace s18  }
0x93: {  	s2 =	sld [smem:$0x3FFC];
	_ =	sdelay $0x3  }
0x94: {  	_ =	strace s2  }
0x95: {  	s2 =	sld [smem:$0x3FFD];
	_ =	sdelay $0x3  }
0x96: {  	_ =	strace s2  }
0x97: {  	_ =	strace $0x8FFFFFFF  }
0x98: {  	s19 =	sld [smem:$0x3FDB];
	_ =	sdelay $0x1  }
0x99: {  	s20 =	simm.s32 $_scs_section_size  }
0x9a: {  	s4 =	simm.s32 $_size__tile_overlayer_lowered;
	s5 =	simm.s32 $_tile_overlayer_lowered  }
0x9b: {  	s6 =	simm.s32 $0x1BFF;
	s21 =	sshll.u32 s5, $0x1;
	s3 =	sadd.s32 s20, s19  }
0x9c: {  	s22 =	simm.s32 $0x0;
	s4 =	sshll.u32 s4, $0x1;
	s5 =	sadd.s32 s21, s3  }
0x9d: {  	[timem:s22], [sflag:s6] =	dma.local [hbm:s5], s4  }
0x9e: {  	_ =	swait.ge [sflag:s6], s4  }
0x9f: {  	s4 =	ssub.s32 $0x0, s4;
	[sflag:s6] =	ssyncset.done $0x0  }
0xa0: {  	[sflag:s6] =	ssyncadd.s32 s4;
	_ =	sdelay $0x1  }
0xa1: {  	s23 =	simm.s32 $0x1B8B  }
0xa2: {  	_ =	swait.ge [sflag:s23], $0x1  }
0xa3: {  	[sflag:s23] =	ssyncset.done $0x0  }
0xa4: {  	[sflag:s23] =	ssyncadd.s32 $0xFFFFFFFF  }
0xa5: {  	s4 =	sld [smem:$0x0]  }
0xa6: {  	s5 =	sand.u32 $0xFFFFFFFE, s1  }
0xa7: {  	p0 =	sne.s32 s1, s5  }
0xa8: {  	s5 =	sshll.u32 @p0 s5, $0xE  }
0xa9: {  	s5 =	sadd.s32 @p0 $0x11B8D, s5;
	s6 =	sshll.u32 @p0 s4, $0x11  }
0xaa: {  	s5 =	sor.u32 @p0 s6, s5  }
0xab: {  	[sflag:s5] =	ssyncadd.remote.s32 @p0 $0x1;
	_ =	sdelay $0x1  }
0xac: {  	s5 =	simm.s32 @p0 $0x1B8D  }
0xad: {  	_ =	swait.eq @p0 [sflag:s5], $0x1  }
0xae: {  	[sflag:s5] =	ssyncadd.s32 @p0 $0xFFFFFFFF  }
0xaf: {  	s6 =	sshll.u32 @!p0 s1, $0xE  }
0xb0: {  	s6 =	sor.u32 @!p0 $0x4000, s6;
	s5 =	simm.s32 @!p0 $0x1B8D  }
0xb1: {  	s4 =	sshll.u32 @!p0 s4, $0x11;
	s6 =	sadd.s32 @!p0 $0x11B8D, s6;
	_ =	swait.eq @!p0 [sflag:s5], $0x1  }
0xb2: {  	s4 =	sor.u32 @!p0 s4, s6;
	[sflag:s5] =	ssyncadd.s32 @!p0 $0xFFFFFFFF  }
0xb3: {  	s25 =	simm.s32 $0x1B8E;
	s24 =	sld [smem:$0x3FFE];
	[sflag:s4] =	ssyncadd.remote.s32 @!p0 $0x1  }
0xb4: {  	s26 =	simm.s32 $execute0_lowered;
	[smem:$0x3FD2] =	sst s25  }
0xb5: {  	s5 =	sshll.u32 s26, $0x1;
	_ =	strace $0x8000004C;
	[dreg:$0x1] =	wrdreg $0xFFFFFFFF  }
0xb6: {  	s28 =	simm.s32 $_size_execute0_lowered;
	s3 =	sadd.s32 s3, s5;
	[dreg:$0x0] =	wrdreg $0x0  }
0xb7: {  	s5 =	sshll.u32 s28, $0x1;
	[dreg:$0x2] =	wrdreg s3  }
0xb8: {  	[dreg:$0x3] =	wrdreg s5  }
0xb9: {  	[dreg:$0x4] =	wrdreg $0xC0  }
0xba: {  	_ =	task [dreg:s22], $0x5FFFF  }
0xbb: {  	[dreg:$0x1] =	wrdreg $0xFFFFFFFF  }
0xbc: {  	[dreg:$0x0] =	wrdreg $0x60  }
0xbd: {  	[dreg:$0x2] =	wrdreg s24  }
0xbe: {  	[dreg:$0x3] =	wrdreg $0xC  }
0xbf: {  	_ =	task.clear_ibuf [dreg:s22], $0x4FFFF;
	_ =	strace $0x9000004C  }
0xc0: {  	s29 =	simm.s32 $0xC;
	_ =	strace $0x8000004E  }
0xc1: {  	_ =	swait.ge [sflag:s29], $0x1  }
0xc2: {  	[sflag:s29] =	ssyncadd.s32 $0xFFFFFFFF  }
0xc3: {  	_ =	strace $0x9000004E  }
0xc4: {  	_ =	sfence  }
0xc5: {  	s30 =	sld [smem:$0x0];
	_ =	sdelay $0x2  }
0xc6: {  	s31 =	sshll.u32 s1, $0xD;
	s1 =	sshrl.u32 s1, $0x2  }
0xc7: {  	s4 =	sand.u32 $0x4000, s31;
	s1 =	sadd.s32 s1, s30  }
0xc8: {  	s0 =	sor.u32 s4, s0;
	s1 =	sshll.u32 s1, $0x11  }
0xc9: {  	s0 =	sor.u32 s1, s0  }
0xca: {  	s0 =	sadd.s32 $0x8F2B, s0  }
0xcb: {  	[sflag:s0] =	ssyncadd.remote.s32 $0x1  }
0xcc: {  	_ =	sfence.sel $0xFFFF  }
0xcd: {  	[dreg:$0x0] =	wrdreg $0xFFFFFFFF;
	(pc) =	sbr.abs _section_cstart, $3  }
0xce: {  	[dreg:$0x1] =	wrdreg $0xFFFFFFFF  }
0xcf: {  	_ =	task.clear_ibuf [dreg:s22], $0x2FFFF;
	_ =	strace $0x9FFFFFFF  }
0xd0: {  	(tm) =	ssettm $0x7FFFFFFF  }
0xd1: {  	_ =	shalt  }
tec
execute0_lowered:
.L_overlay_start_1:
0x0: {  	(tag) =	ssettag $0x1  }
0x1: {  	s4 =	rddreg [dreg:$0x0]  }
0x2: {  	s0 =	rddreg [dreg:$0x1]  }
0x3: {  	s2 =	simm.s32 $0x0;
	s1 =	srdreg.scid;
	s18 =	simm.s32 $0x400  }
0x4: {  	s19 =	simm.s32 $0x800;
	s20 =	simm.s32 $0x480;
	s21 =	simm.s32 $0x500  }
0x5: {  	s24 =	simm.s32 $0x0;
	[smem:$0x7FF] =	sst s2;
	s5 =	sand.u32 $0x1, s1  }
0x6: {  	s1 =	stileid.u32;
	s3 =	sadd.s32 $0x1E800, s4;
	s10 =	sadd.s32 $0x25800, s4  }
0x7: {  	s14 =	sadd.s32 $0x75800, s4;
	s6 =	smul.u32 $0x140000, s5;
	_ =	strace $0x8000004D  }
0x8: {  	s7 =	sshll.u32 s1, $0x7;
	s8 =	smul.u32 $0x14000, s1;
	s9 =	ssub.s32 $0x2, s5  }
0x9: {  	s22 =	sshll.u32 s5, $0x7;
	s7 =	sadd.s32 s7, s4;
	s11 =	sshrl.u32 s9, $0x1  }
0xa: {  	s23 =	sor.u32 $0x100, s22;
	v0 =	vmov s22;
	s22 =	simm.s32 $0x580;
	s6 =	sadd.s32 s8, s6  }
0xb: {  	s15 =	ssub.s32 s9, s11;
	s4 =	sadd.s32 $0xA000, s7;
	s31 =	sshrl.u32 s6, $0x3  }
0xc: {  	v1 =	vmov s23;
	s23 =	simm.s32 $0x600;
	s15 =	smax.u32 s15, $0x1;
	s12 =	sadd.s32 $0x800, s31  }
0xd: {  	s5 =	sadd.s32 s10, s31;
	s13 =	sadd.s32 $0x1000, s31;
	s16 =	sadd.s32 $0x1800, s31  }
0xe: {  	s17 =	sadd.s32 $0x2000, s31;
	s6 =	sadd.s32 s10, s12;
	s7 =	sadd.s32 s10, s13  }
0xf: {  	s8 =	sadd.s32 s10, s16;
	s9 =	sadd.s32 s10, s17;
	s10 =	sadd.s32 s14, s31  }
0x10: {  	s11 =	sadd.s32 s14, s12;
	s12 =	sadd.s32 s14, s13;
	s13 =	sadd.s32 s14, s16  }
0x11: {  	s14 =	sadd.s32 s14, s17;
	s16 =	simm.s32 $0x1;
	s17 =	simm.s32 $0x80  }
.LBB2_1:
0x12: {  	[tilespmem:s2], [sflag:$0x1] =	stream.linear.gather [hbm4b:s4+s2], $0x280, $0x38;
	[tilespmem:$0x4800] =	vst v63  }
0x13: {  	_ =	swait.ge [sflag:s16], $0x280  }
0x14: {  	[sflag:s16] =	ssyncset.done $0x0  }
0x15: {  	s25 =	simm.s32 $0x0;
	[sflag:s16] =	ssyncadd.s32 $0xFFFFFD80  }
0x16: {  	s26 =	simm.s32 $0x40;
	v2 =	vld [tilespmem:s25+$0x0]  }
.LBB2_2:
0x17: {  	p0 =	sne.s32 s26, $0x9C0  }
.Ltmp0:
0x18: {  	_ = 	snop;
	(pc) =	sbr.rel @p0 .LBB2_2-.Ltmp0, $3  }
0x19: {  	_ =	sdelay $0x1  }
0x1a: {  	s28 =	sshra.s32 s26, $0x2;
	s26 =	sadd.s32 $0x40, s26;
	v3 =	vadd.s32 v0, v2  }
0x1b: {  	v2 =	vld [tilespmem:s28+$0x0];
	[tilespmem:s25+$0x400] =	vst v3;
	s25 =	smov.u32 s28  }
0x1c: {  	_ =	sdelay $0x3  }
0x1d: {  	v2 =	vadd.s32 v0, v2  }
0x1e: {  	[tilespmem:s25+$0x400] =	vst v2  }
0x1f: {  	[tilespmem:s19], [sflag:$0x1] =	stream.indirect.gather [hbm4b:s3+s17], $0x80, s18, s17, $0xb8;
	[tilespmem:$0x4800] =	vst v63  }
0x20: {  	_ =	swait.ge [sflag:s16], $0x4000  }
0x21: {  	[sflag:s16] =	ssyncset.done $0x0  }
0x22: {  	s31 =	simm.s32 $0x0;
	[sflag:s16] =	ssyncadd.s32 $0xFFFFC000  }
0x23: {  	[hbm4b:s5+s31] =	stream.linear.scatter [tilespmem:s19], [sflag:$0x1], $0x4000, $0x38;
	[tilespmem:$0x4800] =	vst v63  }
0x24: {  	_ =	swait.ge [sflag:s16], $0x4000  }
0x25: {  	[sflag:s16] =	ssyncset.done $0x0  }
0x26: {  	[sflag:s16] =	ssyncadd.s32 $0xFFFFC000  }
0x27: {  	[tilespmem:s19], [sflag:$0x1] =	stream.indirect.gather [hbm4b:s3+s17], $0x80, s20, s17, $0xb8;
	[tilespmem:$0x4800] =	vst v63  }
0x28: {  	_ =	swait.ge [sflag:s16], $0x4000  }
0x29: {  	[sflag:s16] =	ssyncset.done $0x0  }
0x2a: {  	[sflag:s16] =	ssyncadd.s32 $0xFFFFC000  }
0x2b: {  	[hbm4b:s6+s31] =	stream.linear.scatter [tilespmem:s19], [sflag:$0x1], $0x4000, $0x38;
	[tilespmem:$0x4800] =	vst v63  }
0x2c: {  	_ =	swait.ge [sflag:s16], $0x4000  }
0x2d: {  	[sflag:s16] =	ssyncset.done $0x0  }
0x2e: {  	[sflag:s16] =	ssyncadd.s32 $0xFFFFC000  }
0x2f: {  	[tilespmem:s19], [sflag:$0x1] =	stream.indirect.gather [hbm4b:s3+s17], $0x80, s21, s17, $0xb8;
	[tilespmem:$0x4800] =	vst v63  }
0x30: {  	_ =	swait.ge [sflag:s16], $0x4000  }
0x31: {  	[sflag:s16] =	ssyncset.done $0x0  }
0x32: {  	[sflag:s16] =	ssyncadd.s32 $0xFFFFC000  }
0x33: {  	[hbm4b:s7+s31] =	stream.linear.scatter [tilespmem:s19], [sflag:$0x1], $0x4000, $0x38;
	[tilespmem:$0x4800] =	vst v63  }
0x34: {  	_ =	swait.ge [sflag:s16], $0x4000  }
0x35: {  	[sflag:s16] =	ssyncset.done $0x0  }
0x36: {  	[sflag:s16] =	ssyncadd.s32 $0xFFFFC000  }
0x37: {  	[tilespmem:s19], [sflag:$0x1] =	stream.indirect.gather [hbm4b:s3+s17], $0x80, s22, s17, $0xb8;
	[tilespmem:$0x4800] =	vst v63  }
0x38: {  	_ =	swait.ge [sflag:s16], $0x4000  }
0x39: {  	[sflag:s16] =	ssyncset.done $0x0  }
0x3a: {  	[sflag:s16] =	ssyncadd.s32 $0xFFFFC000  }
0x3b: {  	[hbm4b:s8+s31] =	stream.linear.scatter [tilespmem:s19], [sflag:$0x1], $0x4000, $0x38;
	[tilespmem:$0x4800] =	vst v63  }
0x3c: {  	_ =	swait.ge [sflag:s16], $0x4000  }
0x3d: {  	[sflag:s16] =	ssyncset.done $0x0  }
0x3e: {  	[sflag:s16] =	ssyncadd.s32 $0xFFFFC000  }
0x3f: {  	[tilespmem:s19], [sflag:$0x1] =	stream.indirect.gather [hbm4b:s3+s17], $0x80, s23, s17, $0xb8;
	[tilespmem:$0x4800] =	vst v63  }
0x40: {  	_ =	swait.ge [sflag:s16], $0x4000  }
0x41: {  	[sflag:s16] =	ssyncset.done $0x0  }
0x42: {  	[sflag:s16] =	ssyncadd.s32 $0xFFFFC000  }
0x43: {  	[hbm4b:s9+s31] =	stream.linear.scatter [tilespmem:s19], [sflag:$0x1], $0x4000, $0x38;
	[tilespmem:$0x4800] =	vst v63  }
0x44: {  	_ =	swait.ge [sflag:s16], $0x4000  }
0x45: {  	[sflag:s16] =	ssyncset.done $0x0  }
0x46: {  	s25 =	simm.s32 $0x0;
	[sflag:s16] =	ssyncadd.s32 $0xFFFFC000  }
0x47: {  	s26 =	simm.s32 $0x40;
	v2 =	vld [tilespmem:s25+$0x0]  }
.LBB2_4:
0x48: {  	p0 =	sne.s32 s26, $0x9C0  }
.Ltmp1:
0x49: {  	_ = 	snop;
	(pc) =	sbr.rel @p0 .LBB2_4-.Ltmp1, $3  }
0x4a: {  	_ =	sdelay $0x1  }
0x4b: {  	s28 =	sshra.s32 s26, $0x2;
	s26 =	sadd.s32 $0x40, s26;
	v3 =	vadd.s32 v1, v2  }
0x4c: {  	v2 =	vld [tilespmem:s28+$0x0];
	[tilespmem:s25+$0x400] =	vst v3;
	s25 =	smov.u32 s28  }
0x4d: {  	_ =	sdelay $0x3  }
0x4e: {  	v2 =	vadd.s32 v1, v2  }
0x4f: {  	[tilespmem:s25+$0x400] =	vst v2  }
0x50: {  	[tilespmem:s19], [sflag:$0x1] =	stream.indirect.gather [hbm4b:s3+s17], $0x80, s18, s17, $0xb8;
	[tilespmem:$0x4800] =	vst v63  }
0x51: {  	_ =	swait.ge [sflag:s16], $0x4000  }
0x52: {  	[sflag:s16] =	ssyncset.done $0x0  }
0x53: {  	[sflag:s16] =	ssyncadd.s32 $0xFFFFC000  }
0x54: {  	[hbm4b:s10+s2] =	stream.linear.scatter [tilespmem:s19], [sflag:$0x1], $0x4000, $0x38;
	[tilespmem:$0x4800] =	vst v63  }
0x55: {  	_ =	swait.ge [sflag:s16], $0x4000  }
0x56: {  	[sflag:s16] =	ssyncset.done $0x0  }
0x57: {  	[sflag:s16] =	ssyncadd.s32 $0xFFFFC000  }
0x58: {  	[tilespmem:s19], [sflag:$0x1] =	stream.indirect.gather [hbm4b:s3+s17], $0x80, s20, s17, $0xb8;
	[tilespmem:$0x4800] =	vst v63  }
0x59: {  	_ =	swait.ge [sflag:s16], $0x4000  }
0x5a: {  	[sflag:s16] =	ssyncset.done $0x0  }
0x5b: {  	[sflag:s16] =	ssyncadd.s32 $0xFFFFC000  }
0x5c: {  	[hbm4b:s11+s2] =	stream.linear.scatter [tilespmem:s19], [sflag:$0x1], $0x4000, $0x38;
	[tilespmem:$0x4800] =	vst v63  }
0x5d: {  	_ =	swait.ge [sflag:s16], $0x4000  }
0x5e: {  	[sflag:s16] =	ssyncset.done $0x0  }
0x5f: {  	[sflag:s16] =	ssyncadd.s32 $0xFFFFC000  }
0x60: {  	[tilespmem:s19], [sflag:$0x1] =	stream.indirect.gather [hbm4b:s3+s17], $0x80, s21, s17, $0xb8;
	[tilespmem:$0x4800] =	vst v63  }
0x61: {  	_ =	swait.ge [sflag:s16], $0x4000  }
0x62: {  	[sflag:s16] =	ssyncset.done $0x0  }
0x63: {  	[sflag:s16] =	ssyncadd.s32 $0xFFFFC000  }
0x64: {  	[hbm4b:s12+s2] =	stream.linear.scatter [tilespmem:s19], [sflag:$0x1], $0x4000, $0x38;
	[tilespmem:$0x4800] =	vst v63  }
0x65: {  	_ =	swait.ge [sflag:s16], $0x4000  }
0x66: {  	[sflag:s16] =	ssyncset.done $0x0  }
0x67: {  	[sflag:s16] =	ssyncadd.s32 $0xFFFFC000  }
0x68: {  	[tilespmem:s19], [sflag:$0x1] =	stream.indirect.gather [hbm4b:s3+s17], $0x80, s22, s17, $0xb8;
	[tilespmem:$0x4800] =	vst v63  }
0x69: {  	_ =	swait.ge [sflag:s16], $0x4000  }
0x6a: {  	[sflag:s16] =	ssyncset.done $0x0  }
0x6b: {  	[sflag:s16] =	ssyncadd.s32 $0xFFFFC000  }
0x6c: {  	[hbm4b:s13+s2] =	stream.linear.scatter [tilespmem:s19], [sflag:$0x1], $0x4000, $0x38;
	[tilespmem:$0x4800] =	vst v63  }
0x6d: {  	_ =	swait.ge [sflag:s16], $0x4000  }
0x6e: {  	[sflag:s16] =	ssyncset.done $0x0  }
0x6f: {  	[sflag:s16] =	ssyncadd.s32 $0xFFFFC000  }
0x70: {  	[tilespmem:s19], [sflag:$0x1] =	stream.indirect.gather [hbm4b:s3+s17], $0x80, s23, s17, $0xb8;
	[tilespmem:$0x4800] =	vst v63  }
0x71: {  	s24 =	sadd.s32 $0x1, s24;
	_ =	swait.ge [sflag:s16], $0x4000  }
0x72: {  	p0 =	sne.s32 s24, s15;
	[sflag:s16] =	ssyncset.done $0x0  }
.Ltmp2:
0x73: {  	[sflag:s16] =	ssyncadd.s32 $0xFFFFC000;
	(pc) =	sbr.rel @p0 .LBB2_1-.Ltmp2, $4  }
0x74: {  	[hbm4b:s14+s2] =	stream.linear.scatter [tilespmem:s19], [sflag:$0x1], $0x4000, $0x38;
	[tilespmem:$0x4800] =	vst v63  }
0x75: {  	_ =	swait.ge [sflag:s16], $0x4000  }
0x76: {  	[sflag:s16] =	ssyncset.done $0x0  }
0x77: {  	[sflag:s16] =	ssyncadd.s32 $0xFFFFC000  }
0x78: {  	_ =	sfence.sel $0x180000  }
0x79: {  	[bflag:$0x0] =	sbarrier.arrive $0xFFFF  }
0x7a: {  	p0 =	sne.s32 s1, $0x0;
	_ =	strace $0x9000004D  }
0x7b: {  	s0 =	sadd.s32 @!p0 $0x100000, s0;
	[bflag:$0x2] =	sbarrier.arrive $0xFFFF  }
0x7c: {  	[sflag:s0] =	ssyncadd.tile.s32 @!p0 $0x1;
	_ =	shalt  }
.Lfunc_end2:
_tile_overlayer_lowered:
.L_overlay_start_2:
0x7d: {  	(tag) =	ssettag $0x2  }
0x7e: {  	s0 =	rddreg [dreg:$0x0];
	s2 =	stileid.u32  }
0x7f: {  	s1 =	rddreg [dreg:$0x1];
	p0 =	sne.s32 s2, $0x0  }
0x80: {  	s3 =	rddreg [dreg:$0x2];
	[bflag:$0x3] =	sbarrier.arrive $0xFFFF;
	s2 =	simm.s32 @!p0 $0x1C01  }
0x81: {  	[timem:s3], [sflag:s2] =	dma.local @!p0 [hbm:s0], s1  }
0x82: {  	s0 =	simm.s32 @!p0 $0x1  }
0x83: {  	_ =	swait.ge @!p0 [sflag:s0], s1  }
0x84: {  	s1 =	ssub.s32 @!p0 $0x0, s1;
	[sflag:s0] =	ssyncset.done @!p0 $0x0  }
0x85: {  	[sflag:s0] =	ssyncadd.s32 @!p0 s1  }
0x86: {  	[bflag:$0x3] =	sbarrier.arrive $0xFFFF  }
0x87: {  	_ =	shalt  }

// kernel: kernel.25.cloned.1.call-start
scs
__scs_entry_jumppad:
0x0: {  	(pc) =	sbr.rel $0x88, $3  }
0x1: {  	(tag) =	ssettag $0x0;
	lr =	simm.s32 $0x1  }
0x2: {  	[smem:$0x3F8F] =	sst lr;
	_ =	strace $0xD0000000  }
0x3: {  	_ = 	snop  }
0x4: {  	_ = 	snop  }
0x5: {  	_ = 	snop  }
0x6: {  	_ = 	snop  }
0x7: {  	_ = 	snop  }
__scs_overlays_trampoline_lowered:
0x8: {  	[smem:$0x3F9E] =	sst s0  }
0x9: {  	[smem:$0x3F9F] =	sst s1  }
0xa: {  	[smem:$0x3FA0] =	sst s2  }
0xb: {  	[smem:$0x3FA1] =	sst s3  }
0xc: {  	[smem:$0x3FA2] =	sst s4  }
0xd: {  	[smem:$0x3FA3] =	sst s5  }
0xe: {  	[smem:$0x3FA4] =	sst s6  }
0xf: {  	[smem:$0x3FA5] =	sst s7  }
0x10: {  	[smem:$0x3FA6] =	sst s8  }
0x11: {  	[smem:$0x3FA7] =	sst s9;
	s0 =	simm.s32 @!p0 $0x0  }
0x12: {  	s1 =	sld [smem:$0x3F8D];
	s0 =	simm.s32 @p0 $0x1  }
0x13: {  	[smem:$0x3FA8] =	sst s0;
	s0 =	simm.s32 @!p1 $0x0  }
0x14: {  	s2 =	sld [smem:$0x3F8C];
	s0 =	simm.s32 @p1 $0x1  }
0x15: {  	[smem:$0x3FA9] =	sst s0;
	s0 =	simm.s32 @!p2 $0x0  }
0x16: {  	s3 =	sld [smem:$0x3FDB];
	s0 =	simm.s32 @p2 $0x1  }
0x17: {  	s4 =	simm.s32 $0x1BF5;
	[smem:$0x3FAB] =	sst s0  }
0x18: {  	s0 =	sld [smem:$0x3F8E];
	_ =	swait.ge [sflag:s4], $0x0  }
0x19: {  	s7 =	sld [smem:$0x3F8F]  }
0x1a: {  	s8 =	sadd.s32 $0xFFFFE003, lr  }
0x1b: {  	s9 =	sadd.s32 $0xFFFFFEF7, lr;
	s5 =	simm.s32 $0xFFFFFFFF;
	p2 =	slt.u32 s8, $0xFFFFF086  }
0x1c: {  	p1 =	slt.u32 s9, $0xF7A;
	s5 =	simm.s32 @!p2 $0x0  }
0x1d: {  	s5 =	simm.s32 @p1 $0x1;
	p0 =	seq.s32 s7, s2  }
0x1e: {  	s7 =	smul.u32 @!p0 $0xF7A, s2;
	p2 =	seq.s32 @!p0 s5, $0x0  }
0x1f: {  	s9 =	smul.u32 $0xF7A, s1;
	s8 =	simm.s32 @!p0 $0x1BF5;
	p2 =	por !p2, p0  }
0x20: {  	[sflag:s8] =	ssyncset.s32 @!p0 $0xFFFFF086;
	s6 =	sadd.s32 @!p0 s3, s7;
	s7 =	simm.s32 @!p0 $0x108  }
0x21: {  	s3 =	sadd.s32 s3, s9;
	s6 =	sadd.s32 @!p0 $0x88, s6;
	s7 =	simm.s32 @p2 $0x1082  }
0x22: {  	[simem:s7], [sflag:s8] =	dma.local @!p0 [hbm:s6], $0xF7A  }
0x23: {  	s9 =	sor.u32 $0xD0000000, s2;
	s6 =	simm.s32 $0x108;
	_ =	swait.ge @!p0 [sflag:s8], $0x0  }
0x24: {  	s3 =	sadd.s32 $0x88, s3;
	s6 =	simm.s32 @!p1 $0x1082;
	[sflag:s4] =	ssyncset.s32 $0xFFFFF086  }
0x25: {  	[simem:s6], [sflag:s4] =	dma.local [hbm:s3], $0xF7A  }
0x26: {  	[smem:$0x3F8F] =	sst s1;
	(tag) =	ssettag s2;
	_ =	strace s9  }
0x27: {  	s1 =	sld [smem:$0x3F9F]  }
0x28: {  	s2 =	sld [smem:$0x3FA0]  }
0x29: {  	s4 =	sld [smem:$0x3FA2]  }
0x2a: {  	p0 =	seq.s32 s5, $0x0;
	s5 =	sld [smem:$0x3FA3]  }
0x2b: {  	s6 =	sld [smem:$0x3FA4]  }
0x2c: {  	s7 =	sld [smem:$0x3FA5]  }
0x2d: {  	s3 =	simm.s32 $0x108;
	s8 =	sld [smem:$0x3FA6]  }
0x2e: {  	s3 =	simm.s32 @!p0 $0x1082;
	s9 =	sld [smem:$0x3FA7]  }
0x2f: {  	lr =	sadd.s32 s0, s3;
	s0 =	sld [smem:$0x3F9E]  }
0x30: {  	s3 =	sld [smem:$0x3FA1]  }
0x31: {  	[smem:$0x3FAA] =	sst s10  }
0x32: {  	s10 =	sld [smem:$0x3FA8];
	_ =	sdelay $0x3  }
0x33: {  	p0 =	seq.s32 s10, $0x1;
	s10 =	sld [smem:$0x3FAA];
	_ =	sdelay $0x3  }
0x34: {  	[smem:$0x3FAA] =	sst s10  }
0x35: {  	s10 =	sld [smem:$0x3FA9];
	_ =	sdelay $0x3  }
0x36: {  	p1 =	seq.s32 s10, $0x1;
	s10 =	sld [smem:$0x3FAA];
	_ =	sdelay $0x3  }
0x37: {  	[smem:$0x3FAA] =	sst s10  }
0x38: {  	s10 =	sld [smem:$0x3FAB]  }
0x39: {  	_ = 	snop;
	(pc) =	sbr.ind lr, $3  }
0x3a: {  	_ = 	snop  }
0x3b: {  	_ = 	snop  }
0x3c: {  	p2 =	seq.s32 s10, $0x1;
	s10 =	sld [smem:$0x3FAA]  }
0x3d: {  	_ =	shalt  }
0x3e: {  	_ =	shalt  }
0x3f: {  	_ =	shalt  }
0x40: {  	_ =	shalt  }
0x41: {  	_ =	shalt  }
0x42: {  	_ =	shalt  }
0x43: {  	_ =	shalt  }
0x44: {  	_ =	shalt  }
0x45: {  	_ =	shalt  }
0x46: {  	_ =	shalt  }
0x47: {  	_ =	shalt  }
0x48: {  	_ =	shalt  }
0x49: {  	_ =	shalt  }
0x4a: {  	_ =	shalt  }
0x4b: {  	_ =	shalt  }
0x4c: {  	_ =	shalt  }
0x4d: {  	_ =	shalt  }
0x4e: {  	_ =	shalt  }
0x4f: {  	_ =	shalt  }
0x50: {  	_ =	shalt  }
0x51: {  	_ =	shalt  }
0x52: {  	_ =	shalt  }
0x53: {  	_ =	shalt  }
0x54: {  	_ =	shalt  }
0x55: {  	_ =	shalt  }
0x56: {  	_ =	shalt  }
0x57: {  	_ =	shalt  }
0x58: {  	_ =	shalt  }
0x59: {  	_ =	shalt  }
0x5a: {  	_ =	shalt  }
0x5b: {  	_ =	shalt  }
0x5c: {  	_ =	shalt  }
0x5d: {  	_ =	shalt  }
0x5e: {  	_ =	shalt  }
0x5f: {  	_ =	shalt  }
0x60: {  	_ =	shalt  }
0x61: {  	_ =	shalt  }
0x62: {  	_ =	shalt  }
0x63: {  	_ =	shalt  }
0x64: {  	_ =	shalt  }
0x65: {  	_ =	shalt  }
0x66: {  	_ =	shalt  }
0x67: {  	_ =	shalt  }
0x68: {  	_ =	shalt  }
0x69: {  	_ =	shalt  }
0x6a: {  	_ =	shalt  }
0x6b: {  	_ =	shalt  }
0x6c: {  	_ =	shalt  }
0x6d: {  	_ =	shalt  }
0x6e: {  	_ =	shalt  }
0x6f: {  	_ =	shalt  }
0x70: {  	_ =	shalt  }
0x71: {  	_ =	shalt  }
0x72: {  	_ =	shalt  }
0x73: {  	_ =	shalt  }
0x74: {  	_ =	shalt  }
0x75: {  	_ =	shalt  }
0x76: {  	_ =	shalt  }
0x77: {  	_ =	shalt  }
0x78: {  	_ =	shalt  }
0x79: {  	_ =	shalt  }
0x7a: {  	_ =	shalt  }
0x7b: {  	_ =	shalt  }
0x7c: {  	_ =	shalt  }
0x7d: {  	_ =	shalt  }
0x7e: {  	_ =	shalt  }
0x7f: {  	_ =	shalt  }
0x80: {  	_ =	shalt  }
0x81: {  	_ =	shalt  }
0x82: {  	_ =	shalt  }
0x83: {  	_ =	shalt  }
0x84: {  	_ =	shalt  }
0x85: {  	_ =	shalt  }
0x86: {  	_ =	shalt  }
0x87: {  	_ =	shalt  }
.Lfunc_end0:
.L_simem_size_0:
called_computation.4_lowered:
.L_overlay_start_0:
0x88: {  	s2 =	sld [smem:$0x3FD9]  }
0x89: {  	s3 =	sld [smem:$0x3FFE];
	_ =	sdelay $0x1  }
0x8a: {  	s1 =	srdreg.scid  }
0x8b: {  	s0 =	sand.u32 $0x1, s1  }
0x8c: {  	s17 =	sshll.u32 s0, $0xA;
	s2 =	sadd.s32 s3, s2  }
0x8d: {  	s2 =	sadd.s32 s2, s17  }
0x8e: {  	[smem:$0x3FB6] =	sst s2  }
0x8f: {  	_ = 	snop  }
0x90: {  	(tm) =	ssettm $0x1  }
0x91: {  	s18 =	sld [smem:$0x3FFB];
	_ =	sdelay $0x3  }
0x92: {  	_ =	strace s18  }
0x93: {  	s2 =	sld [smem:$0x3FFC];
	_ =	sdelay $0x3  }
0x94: {  	_ =	strace s2  }
0x95: {  	s2 =	sld [smem:$0x3FFD];
	_ =	sdelay $0x3  }
0x96: {  	_ =	strace s2  }
0x97: {  	_ =	strace $0x8FFFFFFF  }
0x98: {  	s19 =	sld [smem:$0x3FDB];
	_ =	sdelay $0x1  }
0x99: {  	s20 =	simm.s32 $_scs_section_size  }
0x9a: {  	s4 =	simm.s32 $_size__tile_overlayer_lowered;
	s5 =	simm.s32 $_tile_overlayer_lowered  }
0x9b: {  	s6 =	simm.s32 $0x1BFF;
	s21 =	sshll.u32 s5, $0x1;
	s3 =	sadd.s32 s20, s19  }
0x9c: {  	s22 =	simm.s32 $0x0;
	s4 =	sshll.u32 s4, $0x1;
	s5 =	sadd.s32 s21, s3  }
0x9d: {  	[timem:s22], [sflag:s6] =	dma.local [hbm:s5], s4  }
0x9e: {  	_ =	swait.ge [sflag:s6], s4  }
0x9f: {  	s4 =	ssub.s32 $0x0, s4;
	[sflag:s6] =	ssyncset.done $0x0  }
0xa0: {  	[sflag:s6] =	ssyncadd.s32 s4;
	_ =	sdelay $0x1  }
0xa1: {  	s23 =	simm.s32 $0x1B8B  }
0xa2: {  	_ =	swait.ge [sflag:s23], $0x1  }
0xa3: {  	[sflag:s23] =	ssyncset.done $0x0  }
0xa4: {  	[sflag:s23] =	ssyncadd.s32 $0xFFFFFFFF  }
0xa5: {  	s4 =	sld [smem:$0x0]  }
0xa6: {  	s5 =	sand.u32 $0xFFFFFFFE, s1  }
0xa7: {  	p0 =	sne.s32 s1, s5  }
0xa8: {  	s5 =	sshll.u32 @p0 s5, $0xE  }
0xa9: {  	s5 =	sadd.s32 @p0 $0x11B8D, s5;
	s6 =	sshll.u32 @p0 s4, $0x11  }
0xaa: {  	s5 =	sor.u32 @p0 s6, s5  }
0xab: {  	[sflag:s5] =	ssyncadd.remote.s32 @p0 $0x1;
	_ =	sdelay $0x1  }
0xac: {  	s5 =	simm.s32 @p0 $0x1B8D  }
0xad: {  	_ =	swait.eq @p0 [sflag:s5], $0x1  }
0xae: {  	[sflag:s5] =	ssyncadd.s32 @p0 $0xFFFFFFFF  }
0xaf: {  	s6 =	sshll.u32 @!p0 s1, $0xE  }
0xb0: {  	s6 =	sor.u32 @!p0 $0x4000, s6;
	s5 =	simm.s32 @!p0 $0x1B8D  }
0xb1: {  	s4 =	sshll.u32 @!p0 s4, $0x11;
	s6 =	sadd.s32 @!p0 $0x11B8D, s6;
	_ =	swait.eq @!p0 [sflag:s5], $0x1  }
0xb2: {  	s4 =	sor.u32 @!p0 s4, s6;
	[sflag:s5] =	ssyncadd.s32 @!p0 $0xFFFFFFFF  }
0xb3: {  	s25 =	simm.s32 $0x1B8E;
	s24 =	sld [smem:$0x3FFE];
	[sflag:s4] =	ssyncadd.remote.s32 @!p0 $0x1  }
0xb4: {  	s26 =	simm.s32 $execute0_lowered;
	[smem:$0x3FD2] =	sst s25  }
0xb5: {  	s5 =	sshll.u32 s26, $0x1;
	_ =	strace $0x80000055;
	[dreg:$0x1] =	wrdreg $0xFFFFFFFF  }
0xb6: {  	s28 =	simm.s32 $_size_execute0_lowered;
	s3 =	sadd.s32 s3, s5;
	[dreg:$0x0] =	wrdreg $0x0  }
0xb7: {  	s5 =	sshll.u32 s28, $0x1;
	[dreg:$0x2] =	wrdreg s3  }
0xb8: {  	[dreg:$0x3] =	wrdreg s5  }
0xb9: {  	[dreg:$0x4] =	wrdreg $0xC0  }
0xba: {  	_ =	task [dreg:s22], $0x5FFFF  }
0xbb: {  	[dreg:$0x1] =	wrdreg $0xFFFFFFFF  }
0xbc: {  	[dreg:$0x0] =	wrdreg $0x60  }
0xbd: {  	[dreg:$0x2] =	wrdreg s24  }
0xbe: {  	[dreg:$0x3] =	wrdreg $0x90000  }
0xbf: {  	[dreg:$0x4] =	wrdreg $0x9  }
0xc0: {  	_ =	task.clear_ibuf [dreg:s22], $0x5FFFF;
	_ =	strace $0x90000055  }
0xc1: {  	s29 =	simm.s32 $0x9;
	_ =	strace $0x80000057  }
0xc2: {  	_ =	swait.ge [sflag:s29], $0x1  }
0xc3: {  	[sflag:s29] =	ssyncadd.s32 $0xFFFFFFFF  }
0xc4: {  	_ =	strace $0x90000057  }
0xc5: {  	_ =	sfence  }
0xc6: {  	s30 =	sld [smem:$0x0];
	_ =	sdelay $0x2  }
0xc7: {  	s31 =	sshll.u32 s1, $0xD;
	s1 =	sshrl.u32 s1, $0x2  }
0xc8: {  	s4 =	sand.u32 $0x4000, s31;
	s1 =	sadd.s32 s1, s30  }
0xc9: {  	s0 =	sor.u32 s4, s0;
	s1 =	sshll.u32 s1, $0x11  }
0xca: {  	s0 =	sor.u32 s1, s0  }
0xcb: {  	s0 =	sadd.s32 $0x8F2B, s0  }
0xcc: {  	[sflag:s0] =	ssyncadd.remote.s32 $0x1  }
0xcd: {  	_ =	sfence.sel $0xFFFF  }
0xce: {  	[dreg:$0x0] =	wrdreg $0xFFFFFFFF;
	(pc) =	sbr.abs _section_cstart, $3  }
0xcf: {  	[dreg:$0x1] =	wrdreg $0xFFFFFFFF  }
0xd0: {  	_ =	task.clear_ibuf [dreg:s22], $0x2FFFF;
	_ =	strace $0x9FFFFFFF  }
0xd1: {  	(tm) =	ssettm $0x7FFFFFFF  }
tec
execute0_lowered:
.L_overlay_start_1:
0x0: {  	(tag) =	ssettag $0x1  }
0x1: {  	s5 =	rddreg [dreg:$0x0]  }
0x2: {  	s1 =	rddreg [dreg:$0x1]  }
0x3: {  	s2 =	srdreg.scid;
	s0 =	rddreg [dreg:$0x2]  }
0x4: {  	s3 =	simm.s32 $0x0;
	s14 =	simm.s32 $0x1;
	s8 =	sand.u32 $0x1, s2  }
0x5: {  	s15 =	simm.s32 $0x2800;
	s2 =	stileid.u32;
	s6 =	smul.u32 $0x140000, s8  }
0x6: {  	s17 =	simm.s32 $0x80;
	s18 =	simm.s32 $0x0;
	s7 =	smul.u32 $0x14000, s2  }
0x7: {  	[smem:$0x7FF] =	sst s3;
	s4 =	sadd.s32 $0x125000, s5;
	s9 =	smul.u32 $0x500, s2  }
0x8: {  	_ =	strace $0x80000056;
	s30 =	ssub.s32 $0x2, s8;
	s10 =	smul.u32 $0x50000, s2  }
0x9: {  	s16 =	smul.u32 $0x2800, s8;
	s11 =	sshrl.u32 s30, $0x1;
	s6 =	sadd.s32 s7, s6  }
0xa: {  	s9 =	sadd.s32 s9, s5;
	s13 =	ssub.s32 s30, s11;
	s31 =	sshrl.u32 s10, $0x2  }
0xb: {  	v0 =	vmov s16;
	s16 =	simm.s32 $0x5000;
	s6 =	sshrl.u32 s6, $0x3;
	s7 =	sadd.s32 s31, s1  }
0xc: {  	s13 =	smax.u32 s13, $0x1;
	s12 =	sadd.s32 s6, s5;
	s5 =	sadd.s32 $0xD0000, s9  }
0xd: {  	s6 =	sadd.s32 $0xA800, s9;
	s8 =	sadd.s32 $0x4000, s7;
	s9 =	sadd.s32 $0x8000, s7  }
0xe: {  	v1 =	vimm.f32 $0.0e+00;
	s10 =	sadd.s32 $0xC000, s7;
	s11 =	sadd.s32 $0x10000, s7;
	s12 =	sadd.s32 $0x175000, s12  }
.LBB2_1:
0xf: {  	[tilespmem:s3], [sflag:$0x1] =	stream.linear.gather [hbm4b:s5+s3], $0x2780, $0x38;
	[tilespmem:$0x1D000] =	vst v63  }
0x10: {  	_ =	swait.ge [sflag:s14], $0x2780  }
0x11: {  	[sflag:s14] =	ssyncset.done $0x0  }
0x12: {  	[sflag:s14] =	ssyncadd.s32 $0xFFFFD880  }
0x13: {  	[tilespmem:s15], [sflag:$0x1] =	stream.linear.gather [hbm4b:s6+s3], $0x2780, $0x38;
	[tilespmem:$0x1D000] =	vst v63  }
0x14: {  	s19 =	sand.u32 $0xFE00, s3;
	_ =	swait.ge [sflag:s14], $0x2780  }
0x15: {  	s20 =	sand.u32 $0x70, s3;
	s19 =	sshrl.u32 s19, $0x2;
	[sflag:s14] =	ssyncset.done $0x0  }
0x16: {  	s19 =	sor.u32 s20, s19;
	[sflag:s14] =	ssyncadd.s32 $0xFFFFD880  }
0x17: {  	v2 =	vld [tilespmem:s19+$0x0];
	_ =	sdelay $0x2  }
0x18: {  	s21 =	simm.s32 $0x40  }
0x19: {  	s22 =	sand.u32 $0xFE00, s21;
	s21 =	simm.s32 $0x80;
	s20 =	simm.s32 $0x10  }
.LBB2_2:
0x1a: {  	p0 =	sne.s32 s21, $0x9DC0;
	s23 =	sand.u32 $0x70, s20;
	s22 =	sshrl.u32 s22, $0x2;
	v2 =	vadd.s32 v0, v2  }
0x1b: {  	[tilespmem:s19+$0x0] =	vst v2;
	s19 =	sor.u32 s23, s22  }
.Ltmp0:
0x1c: {  	v2 =	vld [tilespmem:s19+$0x0];
	(pc) =	sbr.rel @p0 .LBB2_2-.Ltmp0, $2  }
0x1d: {  	_ =	sdelay $0x2  }
0x1e: {  	s20 =	sadd.s32 $0x10, s20;
	s22 =	sand.u32 $0xFE00, s21;
	s21 =	sadd.s32 $0x40, s21  }
0x1f: {  	s20 =	sand.u32 $0x70, s20;
	s21 =	sshrl.u32 s22, $0x2;
	v2 =	vadd.s32 v0, v2  }
0x20: {  	s20 =	sor.u32 s20, s21;
	[tilespmem:s19+$0x0] =	vst v2  }
0x21: {  	v2 =	vld [tilespmem:s20+$0x0];
	_ =	sdelay $0x2  }
0x22: {  	s19 =	simm.s32 $0x0  }
0x23: {  	s30 =	sand.u32 $0xFE00, s19  }
0x24: {  	s31 =	sand.u32 $0x70, s19;
	s21 =	sshrl.u32 s30, $0x2;
	v2 =	vadd.s32 v0, v2  }
0x25: {  	s21 =	sor.u32 s31, s21;
	[tilespmem:s20+$0x0] =	vst v2;
	s20 =	simm.s32 $0x40  }
.LBB2_4:
0x26: {  	p0 =	sne.s32 s20, $0xFFC0  }
0x27: {  	[tilespmem:s21+$0x5000] =	vst v1;
	s19 =	sadd.s32 $0x10, s19;
	s21 =	smov.u32 s20;
	s20 =	sadd.s32 $0x40, s20  }
.Ltmp1:
0x28: {  	(pc) =	sbr.rel @p0 .LBB2_4-.Ltmp1, $4  }
0x29: {  	_ = 	snop  }
0x2a: {  	s21 =	sand.u32 $0xFE00, s21  }
0x2b: {  	s22 =	sand.u32 $0x70, s19;
	s21 =	sshrl.u32 s21, $0x2  }
0x2c: {  	s21 =	sor.u32 s22, s21  }
0x2d: {  	[tilespmem:s21+$0x5000] =	vst v1  }
0x2e: {  	[spmem:s7] =	stream.linear.scatter [tilespmem:s16], [sflag:$0x1], $0x4000, $0x38;
	[tilespmem:$0x1D000] =	vst v63  }
0x2f: {  	_ =	swait.ge [sflag:s14], $0x4000  }
0x30: {  	[sflag:s14] =	ssyncset.done $0x0  }
0x31: {  	[sflag:s14] =	ssyncadd.s32 $0xFFFFC000  }
0x32: {  	[spmem:s8] =	stream.linear.scatter [tilespmem:s16], [sflag:$0x1], $0x4000, $0x38;
	[tilespmem:$0x1D000] =	vst v63  }
0x33: {  	_ =	swait.ge [sflag:s14], $0x4000  }
0x34: {  	[sflag:s14] =	ssyncset.done $0x0  }
0x35: {  	[sflag:s14] =	ssyncadd.s32 $0xFFFFC000  }
0x36: {  	[spmem:s9] =	stream.linear.scatter [tilespmem:s16], [sflag:$0x1], $0x4000, $0x38;
	[tilespmem:$0x1D000] =	vst v63  }
0x37: {  	_ =	swait.ge [sflag:s14], $0x4000  }
0x38: {  	[sflag:s14] =	ssyncset.done $0x0  }
0x39: {  	[sflag:s14] =	ssyncadd.s32 $0xFFFFC000  }
0x3a: {  	[spmem:s10] =	stream.linear.scatter [tilespmem:s16], [sflag:$0x1], $0x4000, $0x38;
	[tilespmem:$0x1D000] =	vst v63  }
0x3b: {  	_ =	swait.ge [sflag:s14], $0x4000  }
0x3c: {  	[sflag:s14] =	ssyncset.done $0x0  }
0x3d: {  	[sflag:s14] =	ssyncadd.s32 $0xFFFFC000  }
0x3e: {  	[spmem:s11] =	stream.linear.scatter [tilespmem:s16], [sflag:$0x1], $0x4000, $0x38;
	[tilespmem:$0x1D000] =	vst v63  }
0x3f: {  	_ =	swait.ge [sflag:s14], $0x4000  }
0x40: {  	[sflag:s14] =	ssyncset.done $0x0  }
0x41: {  	[sflag:s14] =	ssyncadd.s32 $0xFFFFC000  }
0x42: {  	s19 =	simm.s32 $0x0;
	[bflag:$0x0] =	sbarrier.arrive $0xFFFF  }
0x43: {  	[tilespmem:s16], [sflag:$0x1] =	stream.indirect.gather [hbm4b:s4+s17], $0x80, s19, s17, $0xb8;
	[tilespmem:$0x1D000] =	vst v63  }
0x44: {  	_ =	swait.ge [sflag:s14], $0x4000  }
0x45: {  	[sflag:s14] =	ssyncset.done $0x0  }
0x46: {  	s31 =	simm.s32 $0x2800;
	[sflag:s14] =	ssyncadd.s32 $0xFFFFC000  }
0x47: {  	[spmem:s1] =	stream.indirect.scatter.add.f32 [tilespmem:s16], [sflag:$0x1], $0x80, s31, s17, $0xb8;
	[tilespmem:$0x1D000] =	vst v63  }
0x48: {  	_ =	swait.ge [sflag:s14], $0x4000  }
0x49: {  	s20 =	simm.s32 $0x400;
	s19 =	simm.s32 $0x200;
	[sflag:s14] =	ssyncset.done $0x0  }
.LBB2_6:
0x4a: {  	s21 =	sshra.s32 s19, $0x2  }
0x4b: {  	[sflag:s14] =	ssyncadd.s32 $0xFFFFC000;
	s19 =	smov.u32 s20;
	s22 =	sadd.s32 $0x200, s20  }
0x4c: {  	[tilespmem:s16], [sflag:$0x1] =	stream.indirect.gather [hbm4b:s4+s17], $0x80, s21, s17, $0xb8;
	[tilespmem:$0x1D000] =	vst v63  }
0x4d: {  	p0 =	sne.s32 s20, $0x9C00;
	_ =	swait.ge [sflag:s14], $0x4000  }
.Ltmp2:
0x4e: {  	[sflag:s14] =	ssyncset.done $0x0;
	(pc) =	sbr.rel @p0 .LBB2_6-.Ltmp2, $4  }
0x4f: {  	s20 =	sadd.s32 $0x2800, s21;
	[sflag:s14] =	ssyncadd.s32 $0xFFFFC000  }
0x50: {  	[spmem:s1] =	stream.indirect.scatter.add.f32 [tilespmem:s16], [sflag:$0x1], $0x80, s20, s17, $0xb8;
	[tilespmem:$0x1D000] =	vst v63  }
0x51: {  	_ =	swait.ge [sflag:s14], $0x4000  }
0x52: {  	s20 =	smov.u32 s22;
	[sflag:s14] =	ssyncset.done $0x0  }
0x53: {  	s19 =	sshra.s32 s19, $0x2;
	[sflag:s14] =	ssyncadd.s32 $0xFFFFC000  }
0x54: {  	[tilespmem:s16], [sflag:$0x1] =	stream.indirect.gather [hbm4b:s4+s17], $0x80, s19, s17, $0xb8;
	[tilespmem:$0x1D000] =	vst v63  }
0x55: {  	_ =	swait.ge [sflag:s14], $0x4000  }
0x56: {  	[sflag:s14] =	ssyncset.done $0x0  }
0x57: {  	s19 =	sadd.s32 $0x2800, s19;
	[sflag:s14] =	ssyncadd.s32 $0xFFFFC000  }
0x58: {  	[spmem:s1] =	stream.indirect.scatter.add.f32 [tilespmem:s16], [sflag:$0x1], $0x80, s19, s17, $0xb8;
	[tilespmem:$0x1D000] =	vst v63  }
0x59: {  	_ =	swait.ge [sflag:s14], $0x4000  }
0x5a: {  	s31 =	sshll.u32 s2, $0x6;
	s18 =	sadd.s32 $0x1, s18;
	[sflag:s14] =	ssyncset.done $0x0  }
0x5b: {  	s20 =	sshrl.u32 s7, $0x3;
	p0 =	sne.s32 s18, s13;
	[sflag:s14] =	ssyncadd.s32 $0xFFFFC000  }
.Ltmp3:
0x5c: {  	s19 =	sor.u32 $0x1C01, s31;
	[bflag:$0x0] =	sbarrier.arrive $0xFFFF;
	(pc) =	sbr.rel @p0 .LBB2_1-.Ltmp3, $4  }
0x5d: {  	[hbm:s12], [sflag:s19] =	dma.local [spmem:s20], $0x2800  }
0x5e: {  	_ =	swait.ge [sflag:s14], $0x2800  }
0x5f: {  	[sflag:s14] =	ssyncset.done $0x0  }
0x60: {  	[sflag:s14] =	ssyncadd.s32 $0xFFFFD800  }
0x61: {  	_ =	sfence.sel $0x180000  }
0x62: {  	[bflag:$0x0] =	sbarrier.arrive $0xFFFF  }
0x63: {  	p0 =	sne.s32 s2, $0x0;
	_ =	strace $0x90000056  }
0x64: {  	s0 =	sadd.s32 @!p0 $0x100000, s0;
	[bflag:$0x2] =	sbarrier.arrive $0xFFFF  }
0x65: {  	[sflag:s0] =	ssyncadd.tile.s32 @!p0 $0x1;
	_ =	shalt  }
.Lfunc_end2:
_tile_overlayer_lowered:
.L_overlay_start_2:
0x66: {  	(tag) =	ssettag $0x2  }
0x67: {  	s0 =	rddreg [dreg:$0x0];
	s2 =	stileid.u32  }
0x68: {  	s1 =	rddreg [dreg:$0x1];
	p0 =	sne.s32 s2, $0x0  }
0x69: {  	s3 =	rddreg [dreg:$0x2];
	[bflag:$0x3] =	sbarrier.arrive $0xFFFF;
	s2 =	simm.s32 @!p0 $0x1C01  }
0x6a: {  	[timem:s3], [sflag:s2] =	dma.local @!p0 [hbm:s0], s1  }
0x6b: {  	s0 =	simm.s32 @!p0 $0x1  }
0x6c: {  	_ =	swait.ge @!p0 [sflag:s0], s1  }
0x6d: {  	s1 =	ssub.s32 @!p0 $0x0, s1;
	[sflag:s0] =	ssyncset.done @!p0 $0x0  }
0x6e: {  	[sflag:s0] =	ssyncadd.s32 @!p0 s1  }
0x6f: {  	[bflag:$0x3] =	sbarrier.arrive $0xFFFF  }
0x70: {  	_ =	shalt  }

// kernel: kernel.28.cloned.1.call-start
scs
__scs_entry_jumppad:
0x0: {  	(pc) =	sbr.rel $0x88, $3  }
0x1: {  	(tag) =	ssettag $0x0;
	lr =	simm.s32 $0x1  }
0x2: {  	[smem:$0x3F8F] =	sst lr;
	_ =	strace $0xD0000000  }
0x3: {  	_ = 	snop  }
0x4: {  	_ = 	snop  }
0x5: {  	_ = 	snop  }
0x6: {  	_ = 	snop  }
0x7: {  	_ = 	snop  }
__scs_overlays_trampoline_lowered:
0x8: {  	[smem:$0x3F9E] =	sst s0  }
0x9: {  	[smem:$0x3F9F] =	sst s1  }
0xa: {  	[smem:$0x3FA0] =	sst s2  }
0xb: {  	[smem:$0x3FA1] =	sst s3  }
0xc: {  	[smem:$0x3FA2] =	sst s4  }
0xd: {  	[smem:$0x3FA3] =	sst s5  }
0xe: {  	[smem:$0x3FA4] =	sst s6  }
0xf: {  	[smem:$0x3FA5] =	sst s7  }
0x10: {  	[smem:$0x3FA6] =	sst s8  }
0x11: {  	[smem:$0x3FA7] =	sst s9;
	s0 =	simm.s32 @!p0 $0x0  }
0x12: {  	s1 =	sld [smem:$0x3F8D];
	s0 =	simm.s32 @p0 $0x1  }
0x13: {  	[smem:$0x3FA8] =	sst s0;
	s0 =	simm.s32 @!p1 $0x0  }
0x14: {  	s2 =	sld [smem:$0x3F8C];
	s0 =	simm.s32 @p1 $0x1  }
0x15: {  	[smem:$0x3FA9] =	sst s0;
	s0 =	simm.s32 @!p2 $0x0  }
0x16: {  	s3 =	sld [smem:$0x3FDB];
	s0 =	simm.s32 @p2 $0x1  }
0x17: {  	s4 =	simm.s32 $0x1BF5;
	[smem:$0x3FAB] =	sst s0  }
0x18: {  	s0 =	sld [smem:$0x3F8E];
	_ =	swait.ge [sflag:s4], $0x0  }
0x19: {  	s7 =	sld [smem:$0x3F8F]  }
0x1a: {  	s8 =	sadd.s32 $0xFFFFE003, lr  }
0x1b: {  	s9 =	sadd.s32 $0xFFFFFEF7, lr;
	s5 =	simm.s32 $0xFFFFFFFF;
	p2 =	slt.u32 s8, $0xFFFFF086  }
0x1c: {  	p1 =	slt.u32 s9, $0xF7A;
	s5 =	simm.s32 @!p2 $0x0  }
0x1d: {  	s5 =	simm.s32 @p1 $0x1;
	p0 =	seq.s32 s7, s2  }
0x1e: {  	s7 =	smul.u32 @!p0 $0xF7A, s2;
	p2 =	seq.s32 @!p0 s5, $0x0  }
0x1f: {  	s9 =	smul.u32 $0xF7A, s1;
	s8 =	simm.s32 @!p0 $0x1BF5;
	p2 =	por !p2, p0  }
0x20: {  	[sflag:s8] =	ssyncset.s32 @!p0 $0xFFFFF086;
	s6 =	sadd.s32 @!p0 s3, s7;
	s7 =	simm.s32 @!p0 $0x108  }
0x21: {  	s3 =	sadd.s32 s3, s9;
	s6 =	sadd.s32 @!p0 $0x88, s6;
	s7 =	simm.s32 @p2 $0x1082  }
0x22: {  	[simem:s7], [sflag:s8] =	dma.local @!p0 [hbm:s6], $0xF7A  }
0x23: {  	s9 =	sor.u32 $0xD0000000, s2;
	s6 =	simm.s32 $0x108;
	_ =	swait.ge @!p0 [sflag:s8], $0x0  }
0x24: {  	s3 =	sadd.s32 $0x88, s3;
	s6 =	simm.s32 @!p1 $0x1082;
	[sflag:s4] =	ssyncset.s32 $0xFFFFF086  }
0x25: {  	[simem:s6], [sflag:s4] =	dma.local [hbm:s3], $0xF7A  }
0x26: {  	[smem:$0x3F8F] =	sst s1;
	(tag) =	ssettag s2;
	_ =	strace s9  }
0x27: {  	s1 =	sld [smem:$0x3F9F]  }
0x28: {  	s2 =	sld [smem:$0x3FA0]  }
0x29: {  	s4 =	sld [smem:$0x3FA2]  }
0x2a: {  	p0 =	seq.s32 s5, $0x0;
	s5 =	sld [smem:$0x3FA3]  }
0x2b: {  	s6 =	sld [smem:$0x3FA4]  }
0x2c: {  	s7 =	sld [smem:$0x3FA5]  }
0x2d: {  	s3 =	simm.s32 $0x108;
	s8 =	sld [smem:$0x3FA6]  }
0x2e: {  	s3 =	simm.s32 @!p0 $0x1082;
	s9 =	sld [smem:$0x3FA7]  }
0x2f: {  	lr =	sadd.s32 s0, s3;
	s0 =	sld [smem:$0x3F9E]  }
0x30: {  	s3 =	sld [smem:$0x3FA1]  }
0x31: {  	[smem:$0x3FAA] =	sst s10  }
0x32: {  	s10 =	sld [smem:$0x3FA8];
	_ =	sdelay $0x3  }
0x33: {  	p0 =	seq.s32 s10, $0x1;
	s10 =	sld [smem:$0x3FAA];
	_ =	sdelay $0x3  }
0x34: {  	[smem:$0x3FAA] =	sst s10  }
0x35: {  	s10 =	sld [smem:$0x3FA9];
	_ =	sdelay $0x3  }
0x36: {  	p1 =	seq.s32 s10, $0x1;
	s10 =	sld [smem:$0x3FAA];
	_ =	sdelay $0x3  }
0x37: {  	[smem:$0x3FAA] =	sst s10  }
0x38: {  	s10 =	sld [smem:$0x3FAB]  }
0x39: {  	_ = 	snop;
	(pc) =	sbr.ind lr, $3  }
0x3a: {  	_ = 	snop  }
0x3b: {  	_ = 	snop  }
0x3c: {  	p2 =	seq.s32 s10, $0x1;
	s10 =	sld [smem:$0x3FAA]  }
0x3d: {  	_ =	shalt  }
0x3e: {  	_ =	shalt  }
0x3f: {  	_ =	shalt  }
0x40: {  	_ =	shalt  }
0x41: {  	_ =	shalt  }
0x42: {  	_ =	shalt  }
0x43: {  	_ =	shalt  }
0x44: {  	_ =	shalt  }
0x45: {  	_ =	shalt  }
0x46: {  	_ =	shalt  }
0x47: {  	_ =	shalt  }
0x48: {  	_ =	shalt  }
0x49: {  	_ =	shalt  }
0x4a: {  	_ =	shalt  }
0x4b: {  	_ =	shalt  }
0x4c: {  	_ =	shalt  }
0x4d: {  	_ =	shalt  }
0x4e: {  	_ =	shalt  }
0x4f: {  	_ =	shalt  }
0x50: {  	_ =	shalt  }
0x51: {  	_ =	shalt  }
0x52: {  	_ =	shalt  }
0x53: {  	_ =	shalt  }
0x54: {  	_ =	shalt  }
0x55: {  	_ =	shalt  }
0x56: {  	_ =	shalt  }
0x57: {  	_ =	shalt  }
0x58: {  	_ =	shalt  }
0x59: {  	_ =	shalt  }
0x5a: {  	_ =	shalt  }
0x5b: {  	_ =	shalt  }
0x5c: {  	_ =	shalt  }
0x5d: {  	_ =	shalt  }
0x5e: {  	_ =	shalt  }
0x5f: {  	_ =	shalt  }
0x60: {  	_ =	shalt  }
0x61: {  	_ =	shalt  }
0x62: {  	_ =	shalt  }
0x63: {  	_ =	shalt  }
0x64: {  	_ =	shalt  }
0x65: {  	_ =	shalt  }
0x66: {  	_ =	shalt  }
0x67: {  	_ =	shalt  }
0x68: {  	_ =	shalt  }
0x69: {  	_ =	shalt  }
0x6a: {  	_ =	shalt  }
0x6b: {  	_ =	shalt  }
0x6c: {  	_ =	shalt  }
0x6d: {  	_ =	shalt  }
0x6e: {  	_ =	shalt  }
0x6f: {  	_ =	shalt  }
0x70: {  	_ =	shalt  }
0x71: {  	_ =	shalt  }
0x72: {  	_ =	shalt  }
0x73: {  	_ =	shalt  }
0x74: {  	_ =	shalt  }
0x75: {  	_ =	shalt  }
0x76: {  	_ =	shalt  }
0x77: {  	_ =	shalt  }
0x78: {  	_ =	shalt  }
0x79: {  	_ =	shalt  }
0x7a: {  	_ =	shalt  }
0x7b: {  	_ =	shalt  }
0x7c: {  	_ =	shalt  }
0x7d: {  	_ =	shalt  }
0x7e: {  	_ =	shalt  }
0x7f: {  	_ =	shalt  }
0x80: {  	_ =	shalt  }
0x81: {  	_ =	shalt  }
0x82: {  	_ =	shalt  }
0x83: {  	_ =	shalt  }
0x84: {  	_ =	shalt  }
0x85: {  	_ =	shalt  }
0x86: {  	_ =	shalt  }
0x87: {  	_ =	shalt  }
.Lfunc_end0:
.L_simem_size_0:
called_computation.5_lowered:
.L_overlay_start_0:
0x88: {  	s2 =	sld [smem:$0x3FD9]  }
0x89: {  	s3 =	sld [smem:$0x3FFE];
	_ =	sdelay $0x1  }
0x8a: {  	s1 =	srdreg.scid  }
0x8b: {  	s0 =	sand.u32 $0x1, s1  }
0x8c: {  	s17 =	sshll.u32 s0, $0xA;
	s2 =	sadd.s32 s3, s2  }
0x8d: {  	s2 =	sadd.s32 s2, s17  }
0x8e: {  	[smem:$0x3FB6] =	sst s2  }
0x8f: {  	_ = 	snop  }
0x90: {  	(tm) =	ssettm $0x1  }
0x91: {  	s18 =	sld [smem:$0x3FFB];
	_ =	sdelay $0x3  }
0x92: {  	_ =	strace s18  }
0x93: {  	s2 =	sld [smem:$0x3FFC];
	_ =	sdelay $0x3  }
0x94: {  	_ =	strace s2  }
0x95: {  	s2 =	sld [smem:$0x3FFD];
	_ =	sdelay $0x3  }
0x96: {  	_ =	strace s2  }
0x97: {  	_ =	strace $0x8FFFFFFF  }
0x98: {  	s19 =	sld [smem:$0x3FDB];
	_ =	sdelay $0x1  }
0x99: {  	s20 =	simm.s32 $_scs_section_size  }
0x9a: {  	s4 =	simm.s32 $_size__tile_overlayer_lowered;
	s5 =	simm.s32 $_tile_overlayer_lowered  }
0x9b: {  	s6 =	simm.s32 $0x1BFF;
	s21 =	sshll.u32 s5, $0x1;
	s3 =	sadd.s32 s20, s19  }
0x9c: {  	s22 =	simm.s32 $0x0;
	s4 =	sshll.u32 s4, $0x1;
	s5 =	sadd.s32 s21, s3  }
0x9d: {  	[timem:s22], [sflag:s6] =	dma.local [hbm:s5], s4  }
0x9e: {  	_ =	swait.ge [sflag:s6], s4  }
0x9f: {  	s4 =	ssub.s32 $0x0, s4;
	[sflag:s6] =	ssyncset.done $0x0  }
0xa0: {  	[sflag:s6] =	ssyncadd.s32 s4;
	_ =	sdelay $0x1  }
0xa1: {  	s23 =	simm.s32 $0x1B8B  }
0xa2: {  	_ =	swait.ge [sflag:s23], $0x1  }
0xa3: {  	[sflag:s23] =	ssyncset.done $0x0  }
0xa4: {  	[sflag:s23] =	ssyncadd.s32 $0xFFFFFFFF  }
0xa5: {  	s4 =	sld [smem:$0x0]  }
0xa6: {  	s5 =	sand.u32 $0xFFFFFFFE, s1  }
0xa7: {  	p0 =	sne.s32 s1, s5  }
0xa8: {  	s5 =	sshll.u32 @p0 s5, $0xE  }
0xa9: {  	s5 =	sadd.s32 @p0 $0x11B8D, s5;
	s6 =	sshll.u32 @p0 s4, $0x11  }
0xaa: {  	s5 =	sor.u32 @p0 s6, s5  }
0xab: {  	[sflag:s5] =	ssyncadd.remote.s32 @p0 $0x1;
	_ =	sdelay $0x1  }
0xac: {  	s5 =	simm.s32 @p0 $0x1B8D  }
0xad: {  	_ =	swait.eq @p0 [sflag:s5], $0x1  }
0xae: {  	[sflag:s5] =	ssyncadd.s32 @p0 $0xFFFFFFFF  }
0xaf: {  	s6 =	sshll.u32 @!p0 s1, $0xE  }
0xb0: {  	s6 =	sor.u32 @!p0 $0x4000, s6;
	s5 =	simm.s32 @!p0 $0x1B8D  }
0xb1: {  	s4 =	sshll.u32 @!p0 s4, $0x11;
	s6 =	sadd.s32 @!p0 $0x11B8D, s6;
	_ =	swait.eq @!p0 [sflag:s5], $0x1  }
0xb2: {  	s4 =	sor.u32 @!p0 s4, s6;
	[sflag:s5] =	ssyncadd.s32 @!p0 $0xFFFFFFFF  }
0xb3: {  	s25 =	simm.s32 $0x1B8E;
	s24 =	sld [smem:$0x3FFE];
	[sflag:s4] =	ssyncadd.remote.s32 @!p0 $0x1  }
0xb4: {  	s26 =	simm.s32 $execute0_lowered;
	[smem:$0x3FD2] =	sst s25  }
0xb5: {  	s5 =	sshll.u32 s26, $0x1;
	_ =	strace $0x8000005B;
	[dreg:$0x1] =	wrdreg $0xFFFFFFFF  }
0xb6: {  	s28 =	simm.s32 $_size_execute0_lowered;
	s3 =	sadd.s32 s3, s5;
	[dreg:$0x0] =	wrdreg $0x0  }
0xb7: {  	s5 =	sshll.u32 s28, $0x1;
	[dreg:$0x2] =	wrdreg s3  }
0xb8: {  	[dreg:$0x3] =	wrdreg s5  }
0xb9: {  	[dreg:$0x4] =	wrdreg $0xC0  }
0xba: {  	_ =	task [dreg:s22], $0x5FFFF  }
0xbb: {  	[dreg:$0x1] =	wrdreg $0xFFFFFFFF  }
0xbc: {  	[dreg:$0x0] =	wrdreg $0x60  }
0xbd: {  	[dreg:$0x2] =	wrdreg s24  }
0xbe: {  	[dreg:$0x3] =	wrdreg $0x90000  }
0xbf: {  	[dreg:$0x4] =	wrdreg $0x9  }
0xc0: {  	_ =	task.clear_ibuf [dreg:s22], $0x5FFFF;
	_ =	strace $0x9000005B  }
0xc1: {  	s29 =	simm.s32 $0x9;
	_ =	strace $0x8000005D  }
0xc2: {  	_ =	swait.ge [sflag:s29], $0x1  }
0xc3: {  	[sflag:s29] =	ssyncadd.s32 $0xFFFFFFFF  }
0xc4: {  	_ =	strace $0x9000005D  }
0xc5: {  	_ =	sfence  }
0xc6: {  	s30 =	sld [smem:$0x0];
	_ =	sdelay $0x2  }
0xc7: {  	s31 =	sshll.u32 s1, $0xD;
	s1 =	sshrl.u32 s1, $0x2  }
0xc8: {  	s4 =	sand.u32 $0x4000, s31;
	s1 =	sadd.s32 s1, s30  }
0xc9: {  	s0 =	sor.u32 s4, s0;
	s1 =	sshll.u32 s1, $0x11  }
0xca: {  	s0 =	sor.u32 s1, s0  }
0xcb: {  	s0 =	sadd.s32 $0x8F2B, s0  }
0xcc: {  	[sflag:s0] =	ssyncadd.remote.s32 $0x1  }
0xcd: {  	_ =	sfence.sel $0xFFFF  }
0xce: {  	[dreg:$0x0] =	wrdreg $0xFFFFFFFF;
	(pc) =	sbr.abs _section_cstart, $3  }
0xcf: {  	[dreg:$0x1] =	wrdreg $0xFFFFFFFF  }
0xd0: {  	_ =	task.clear_ibuf [dreg:s22], $0x2FFFF;
	_ =	strace $0x9FFFFFFF  }
0xd1: {  	(tm) =	ssettm $0x7FFFFFFF  }
tec
execute0_lowered:
.L_overlay_start_1:
0x0: {  	(tag) =	ssettag $0x1  }
0x1: {  	s5 =	rddreg [dreg:$0x0]  }
0x2: {  	s1 =	rddreg [dreg:$0x1]  }
0x3: {  	s2 =	srdreg.scid;
	s0 =	rddreg [dreg:$0x2]  }
0x4: {  	s3 =	simm.s32 $0x0;
	s14 =	simm.s32 $0x1;
	s8 =	sand.u32 $0x1, s2  }
0x5: {  	s15 =	simm.s32 $0x2800;
	s2 =	stileid.u32;
	s6 =	smul.u32 $0x140000, s8  }
0x6: {  	s17 =	simm.s32 $0x80;
	s18 =	simm.s32 $0x0;
	s7 =	smul.u32 $0x14000, s2  }
0x7: {  	[smem:$0x7FF] =	sst s3;
	s4 =	sadd.s32 $0x125000, s5;
	s9 =	smul.u32 $0x500, s2  }
0x8: {  	_ =	strace $0x8000005C;
	s30 =	ssub.s32 $0x2, s8;
	s10 =	smul.u32 $0x50000, s2  }
0x9: {  	s16 =	smul.u32 $0x2800, s8;
	s11 =	sshrl.u32 s30, $0x1;
	s6 =	sadd.s32 s7, s6  }
0xa: {  	s9 =	sadd.s32 s9, s5;
	s13 =	ssub.s32 s30, s11;
	s31 =	sshrl.u32 s10, $0x2  }
0xb: {  	v0 =	vmov s16;
	s16 =	simm.s32 $0x5000;
	s6 =	sshrl.u32 s6, $0x3;
	s7 =	sadd.s32 s31, s1  }
0xc: {  	s13 =	smax.u32 s13, $0x1;
	s12 =	sadd.s32 s6, s5;
	s5 =	sadd.s32 $0xD0000, s9  }
0xd: {  	s6 =	sadd.s32 $0xA800, s9;
	s8 =	sadd.s32 $0x4000, s7;
	s9 =	sadd.s32 $0x8000, s7  }
0xe: {  	v1 =	vimm.f32 $0.0e+00;
	s10 =	sadd.s32 $0xC000, s7;
	s11 =	sadd.s32 $0x10000, s7;
	s12 =	sadd.s32 $0x175000, s12  }
.LBB2_1:
0xf: {  	[tilespmem:s3], [sflag:$0x1] =	stream.linear.gather [hbm4b:s5+s3], $0x2780, $0x38;
	[tilespmem:$0x1D000] =	vst v63  }
0x10: {  	_ =	swait.ge [sflag:s14], $0x2780  }
0x11: {  	[sflag:s14] =	ssyncset.done $0x0  }
0x12: {  	[sflag:s14] =	ssyncadd.s32 $0xFFFFD880  }
0x13: {  	[tilespmem:s15], [sflag:$0x1] =	stream.linear.gather [hbm4b:s6+s3], $0x2780, $0x38;
	[tilespmem:$0x1D000] =	vst v63  }
0x14: {  	s19 =	sand.u32 $0xFE00, s3;
	_ =	swait.ge [sflag:s14], $0x2780  }
0x15: {  	s20 =	sand.u32 $0x70, s3;
	s19 =	sshrl.u32 s19, $0x2;
	[sflag:s14] =	ssyncset.done $0x0  }
0x16: {  	s19 =	sor.u32 s20, s19;
	[sflag:s14] =	ssyncadd.s32 $0xFFFFD880  }
0x17: {  	v2 =	vld [tilespmem:s19+$0x0];
	_ =	sdelay $0x2  }
0x18: {  	s21 =	simm.s32 $0x40  }
0x19: {  	s22 =	sand.u32 $0xFE00, s21;
	s21 =	simm.s32 $0x80;
	s20 =	simm.s32 $0x10  }
.LBB2_2:
0x1a: {  	p0 =	sne.s32 s21, $0x9DC0;
	s23 =	sand.u32 $0x70, s20;
	s22 =	sshrl.u32 s22, $0x2;
	v2 =	vadd.s32 v0, v2  }
0x1b: {  	[tilespmem:s19+$0x0] =	vst v2;
	s19 =	sor.u32 s23, s22  }
.Ltmp0:
0x1c: {  	v2 =	vld [tilespmem:s19+$0x0];
	(pc) =	sbr.rel @p0 .LBB2_2-.Ltmp0, $2  }
0x1d: {  	_ =	sdelay $0x2  }
0x1e: {  	s20 =	sadd.s32 $0x10, s20;
	s22 =	sand.u32 $0xFE00, s21;
	s21 =	sadd.s32 $0x40, s21  }
0x1f: {  	s20 =	sand.u32 $0x70, s20;
	s21 =	sshrl.u32 s22, $0x2;
	v2 =	vadd.s32 v0, v2  }
0x20: {  	s20 =	sor.u32 s20, s21;
	[tilespmem:s19+$0x0] =	vst v2  }
0x21: {  	v2 =	vld [tilespmem:s20+$0x0];
	_ =	sdelay $0x2  }
0x22: {  	s19 =	simm.s32 $0x0  }
0x23: {  	s30 =	sand.u32 $0xFE00, s19  }
0x24: {  	s31 =	sand.u32 $0x70, s19;
	s21 =	sshrl.u32 s30, $0x2;
	v2 =	vadd.s32 v0, v2  }
0x25: {  	s21 =	sor.u32 s31, s21;
	[tilespmem:s20+$0x0] =	vst v2;
	s20 =	simm.s32 $0x40  }
.LBB2_4:
0x26: {  	p0 =	sne.s32 s20, $0xFFC0  }
0x27: {  	[tilespmem:s21+$0x5000] =	vst v1;
	s19 =	sadd.s32 $0x10, s19;
	s21 =	smov.u32 s20;
	s20 =	sadd.s32 $0x40, s20  }
.Ltmp1:
0x28: {  	(pc) =	sbr.rel @p0 .LBB2_4-.Ltmp1, $4  }
0x29: {  	_ = 	snop  }
0x2a: {  	s21 =	sand.u32 $0xFE00, s21  }
0x2b: {  	s22 =	sand.u32 $0x70, s19;
	s21 =	sshrl.u32 s21, $0x2  }
0x2c: {  	s21 =	sor.u32 s22, s21  }
0x2d: {  	[tilespmem:s21+$0x5000] =	vst v1  }
0x2e: {  	[spmem:s7] =	stream.linear.scatter [tilespmem:s16], [sflag:$0x1], $0x4000, $0x38;
	[tilespmem:$0x1D000] =	vst v63  }
0x2f: {  	_ =	swait.ge [sflag:s14], $0x4000  }
0x30: {  	[sflag:s14] =	ssyncset.done $0x0  }
0x31: {  	[sflag:s14] =	ssyncadd.s32 $0xFFFFC000  }
0x32: {  	[spmem:s8] =	stream.linear.scatter [tilespmem:s16], [sflag:$0x1], $0x4000, $0x38;
	[tilespmem:$0x1D000] =	vst v63  }
0x33: {  	_ =	swait.ge [sflag:s14], $0x4000  }
0x34: {  	[sflag:s14] =	ssyncset.done $0x0  }
0x35: {  	[sflag:s14] =	ssyncadd.s32 $0xFFFFC000  }
0x36: {  	[spmem:s9] =	stream.linear.scatter [tilespmem:s16], [sflag:$0x1], $0x4000, $0x38;
	[tilespmem:$0x1D000] =	vst v63  }
0x37: {  	_ =	swait.ge [sflag:s14], $0x4000  }
0x38: {  	[sflag:s14] =	ssyncset.done $0x0  }
0x39: {  	[sflag:s14] =	ssyncadd.s32 $0xFFFFC000  }
0x3a: {  	[spmem:s10] =	stream.linear.scatter [tilespmem:s16], [sflag:$0x1], $0x4000, $0x38;
	[tilespmem:$0x1D000] =	vst v63  }
0x3b: {  	_ =	swait.ge [sflag:s14], $0x4000  }
0x3c: {  	[sflag:s14] =	ssyncset.done $0x0  }
0x3d: {  	[sflag:s14] =	ssyncadd.s32 $0xFFFFC000  }
0x3e: {  	[spmem:s11] =	stream.linear.scatter [tilespmem:s16], [sflag:$0x1], $0x4000, $0x38;
	[tilespmem:$0x1D000] =	vst v63  }
0x3f: {  	_ =	swait.ge [sflag:s14], $0x4000  }
0x40: {  	[sflag:s14] =	ssyncset.done $0x0  }
0x41: {  	[sflag:s14] =	ssyncadd.s32 $0xFFFFC000  }
0x42: {  	s19 =	simm.s32 $0x0;
	[bflag:$0x0] =	sbarrier.arrive $0xFFFF  }
0x43: {  	[tilespmem:s16], [sflag:$0x1] =	stream.indirect.gather [hbm4b:s4+s17], $0x80, s19, s17, $0xb8;
	[tilespmem:$0x1D000] =	vst v63  }
0x44: {  	_ =	swait.ge [sflag:s14], $0x4000  }
0x45: {  	[sflag:s14] =	ssyncset.done $0x0  }
0x46: {  	s31 =	simm.s32 $0x2800;
	[sflag:s14] =	ssyncadd.s32 $0xFFFFC000  }
0x47: {  	[spmem:s1] =	stream.indirect.scatter.add.f32 [tilespmem:s16], [sflag:$0x1], $0x80, s31, s17, $0xb8;
	[tilespmem:$0x1D000] =	vst v63  }
0x48: {  	_ =	swait.ge [sflag:s14], $0x4000  }
0x49: {  	s20 =	simm.s32 $0x400;
	s19 =	simm.s32 $0x200;
	[sflag:s14] =	ssyncset.done $0x0  }
.LBB2_6:
0x4a: {  	s21 =	sshra.s32 s19, $0x2  }
0x4b: {  	[sflag:s14] =	ssyncadd.s32 $0xFFFFC000;
	s19 =	smov.u32 s20;
	s22 =	sadd.s32 $0x200, s20  }
0x4c: {  	[tilespmem:s16], [sflag:$0x1] =	stream.indirect.gather [hbm4b:s4+s17], $0x80, s21, s17, $0xb8;
	[tilespmem:$0x1D000] =	vst v63  }
0x4d: {  	p0 =	sne.s32 s20, $0x9C00;
	_ =	swait.ge [sflag:s14], $0x4000  }
.Ltmp2:
0x4e: {  	[sflag:s14] =	ssyncset.done $0x0;
	(pc) =	sbr.rel @p0 .LBB2_6-.Ltmp2, $4  }
0x4f: {  	s20 =	sadd.s32 $0x2800, s21;
	[sflag:s14] =	ssyncadd.s32 $0xFFFFC000  }
0x50: {  	[spmem:s1] =	stream.indirect.scatter.add.f32 [tilespmem:s16], [sflag:$0x1], $0x80, s20, s17, $0xb8;
	[tilespmem:$0x1D000] =	vst v63  }
0x51: {  	_ =	swait.ge [sflag:s14], $0x4000  }
0x52: {  	s20 =	smov.u32 s22;
	[sflag:s14] =	ssyncset.done $0x0  }
0x53: {  	s19 =	sshra.s32 s19, $0x2;
	[sflag:s14] =	ssyncadd.s32 $0xFFFFC000  }
0x54: {  	[tilespmem:s16], [sflag:$0x1] =	stream.indirect.gather [hbm4b:s4+s17], $0x80, s19, s17, $0xb8;
	[tilespmem:$0x1D000] =	vst v63  }
0x55: {  	_ =	swait.ge [sflag:s14], $0x4000  }
0x56: {  	[sflag:s14] =	ssyncset.done $0x0  }
0x57: {  	s19 =	sadd.s32 $0x2800, s19;
	[sflag:s14] =	ssyncadd.s32 $0xFFFFC000  }
0x58: {  	[spmem:s1] =	stream.indirect.scatter.add.f32 [tilespmem:s16], [sflag:$0x1], $0x80, s19, s17, $0xb8;
	[tilespmem:$0x1D000] =	vst v63  }
0x59: {  	_ =	swait.ge [sflag:s14], $0x4000  }
0x5a: {  	s31 =	sshll.u32 s2, $0x6;
	s18 =	sadd.s32 $0x1, s18;
	[sflag:s14] =	ssyncset.done $0x0  }
0x5b: {  	s20 =	sshrl.u32 s7, $0x3;
	p0 =	sne.s32 s18, s13;
	[sflag:s14] =	ssyncadd.s32 $0xFFFFC000  }
.Ltmp3:
0x5c: {  	s19 =	sor.u32 $0x1C01, s31;
	[bflag:$0x0] =	sbarrier.arrive $0xFFFF;
	(pc) =	sbr.rel @p0 .LBB2_1-.Ltmp3, $4  }
0x5d: {  	[hbm:s12], [sflag:s19] =	dma.local [spmem:s20], $0x2800  }
0x5e: {  	_ =	swait.ge [sflag:s14], $0x2800  }
0x5f: {  	[sflag:s14] =	ssyncset.done $0x0  }
0x60: {  	[sflag:s14] =	ssyncadd.s32 $0xFFFFD800  }
0x61: {  	_ =	sfence.sel $0x180000  }
0x62: {  	[bflag:$0x0] =	sbarrier.arrive $0xFFFF  }
0x63: {  	p0 =	sne.s32 s2, $0x0;
	_ =	strace $0x9000005C  }
0x64: {  	s0 =	sadd.s32 @!p0 $0x100000, s0;
	[bflag:$0x2] =	sbarrier.arrive $0xFFFF  }
0x65: {  	[sflag:s0] =	ssyncadd.tile.s32 @!p0 $0x1;
	_ =	shalt  }
.Lfunc_end2:
_tile_overlayer_lowered:
.L_overlay_start_2:
0x66: {  	(tag) =	ssettag $0x2  }
0x67: {  	s0 =	rddreg [dreg:$0x0];
	s2 =	stileid.u32  }
0x68: {  	s1 =	rddreg [dreg:$0x1];
	p0 =	sne.s32 s2, $0x0  }
0x69: {  	s3 =	rddreg [dreg:$0x2];
	[bflag:$0x3] =	sbarrier.arrive $0xFFFF;
	s2 =	simm.s32 @!p0 $0x1C01  }
0x6a: {  	[timem:s3], [sflag:s2] =	dma.local @!p0 [hbm:s0], s1  }
0x6b: {  	s0 =	simm.s32 @!p0 $0x1  }
0x6c: {  	_ =	swait.ge @!p0 [sflag:s0], s1  }
0x6d: {  	s1 =	ssub.s32 @!p0 $0x0, s1;
	[sflag:s0] =	ssyncset.done @!p0 $0x0  }
0x6e: {  	[sflag:s0] =	ssyncadd.s32 @!p0 s1  }
0x6f: {  	[bflag:$0x3] =	sbarrier.arrive $0xFFFF  }
0x70: {  	_ =	shalt  }

// kernel: kernel.31.cloned.1.call-start
scs
__scs_entry_jumppad:
0x0: {  	(pc) =	sbr.rel $0x88, $3  }
0x1: {  	(tag) =	ssettag $0x0;
	lr =	simm.s32 $0x1  }
0x2: {  	[smem:$0x3F8F] =	sst lr;
	_ =	strace $0xD0000000  }
0x3: {  	_ = 	snop  }
0x4: {  	_ = 	snop  }
0x5: {  	_ = 	snop  }
0x6: {  	_ = 	snop  }
0x7: {  	_ = 	snop  }
__scs_overlays_trampoline_lowered:
0x8: {  	[smem:$0x3F9E] =	sst s0  }
0x9: {  	[smem:$0x3F9F] =	sst s1  }
0xa: {  	[smem:$0x3FA0] =	sst s2  }
0xb: {  	[smem:$0x3FA1] =	sst s3  }
0xc: {  	[smem:$0x3FA2] =	sst s4  }
0xd: {  	[smem:$0x3FA3] =	sst s5  }
0xe: {  	[smem:$0x3FA4] =	sst s6  }
0xf: {  	[smem:$0x3FA5] =	sst s7  }
0x10: {  	[smem:$0x3FA6] =	sst s8  }
0x11: {  	[smem:$0x3FA7] =	sst s9;
	s0 =	simm.s32 @!p0 $0x0  }
0x12: {  	s1 =	sld [smem:$0x3F8D];
	s0 =	simm.s32 @p0 $0x1  }
0x13: {  	[smem:$0x3FA8] =	sst s0;
	s0 =	simm.s32 @!p1 $0x0  }
0x14: {  	s2 =	sld [smem:$0x3F8C];
	s0 =	simm.s32 @p1 $0x1  }
0x15: {  	[smem:$0x3FA9] =	sst s0;
	s0 =	simm.s32 @!p2 $0x0  }
0x16: {  	s3 =	sld [smem:$0x3FDB];
	s0 =	simm.s32 @p2 $0x1  }
0x17: {  	s4 =	simm.s32 $0x1BF5;
	[smem:$0x3FAB] =	sst s0  }
0x18: {  	s0 =	sld [smem:$0x3F8E];
	_ =	swait.ge [sflag:s4], $0x0  }
0x19: {  	s7 =	sld [smem:$0x3F8F]  }
0x1a: {  	s8 =	sadd.s32 $0xFFFFE003, lr  }
0x1b: {  	s9 =	sadd.s32 $0xFFFFFEF7, lr;
	s5 =	simm.s32 $0xFFFFFFFF;
	p2 =	slt.u32 s8, $0xFFFFF086  }
0x1c: {  	p1 =	slt.u32 s9, $0xF7A;
	s5 =	simm.s32 @!p2 $0x0  }
0x1d: {  	s5 =	simm.s32 @p1 $0x1;
	p0 =	seq.s32 s7, s2  }
0x1e: {  	s7 =	smul.u32 @!p0 $0xF7A, s2;
	p2 =	seq.s32 @!p0 s5, $0x0  }
0x1f: {  	s9 =	smul.u32 $0xF7A, s1;
	s8 =	simm.s32 @!p0 $0x1BF5;
	p2 =	por !p2, p0  }
0x20: {  	[sflag:s8] =	ssyncset.s32 @!p0 $0xFFFFF086;
	s6 =	sadd.s32 @!p0 s3, s7;
	s7 =	simm.s32 @!p0 $0x108  }
0x21: {  	s3 =	sadd.s32 s3, s9;
	s6 =	sadd.s32 @!p0 $0x88, s6;
	s7 =	simm.s32 @p2 $0x1082  }
0x22: {  	[simem:s7], [sflag:s8] =	dma.local @!p0 [hbm:s6], $0xF7A  }
0x23: {  	s9 =	sor.u32 $0xD0000000, s2;
	s6 =	simm.s32 $0x108;
	_ =	swait.ge @!p0 [sflag:s8], $0x0  }
0x24: {  	s3 =	sadd.s32 $0x88, s3;
	s6 =	simm.s32 @!p1 $0x1082;
	[sflag:s4] =	ssyncset.s32 $0xFFFFF086  }
0x25: {  	[simem:s6], [sflag:s4] =	dma.local [hbm:s3], $0xF7A  }
0x26: {  	[smem:$0x3F8F] =	sst s1;
	(tag) =	ssettag s2;
	_ =	strace s9  }
0x27: {  	s1 =	sld [smem:$0x3F9F]  }
0x28: {  	s2 =	sld [smem:$0x3FA0]  }
0x29: {  	s4 =	sld [smem:$0x3FA2]  }
0x2a: {  	p0 =	seq.s32 s5, $0x0;
	s5 =	sld [smem:$0x3FA3]  }
0x2b: {  	s6 =	sld [smem:$0x3FA4]  }
0x2c: {  	s7 =	sld [smem:$0x3FA5]  }
0x2d: {  	s3 =	simm.s32 $0x108;
	s8 =	sld [smem:$0x3FA6]  }
0x2e: {  	s3 =	simm.s32 @!p0 $0x1082;
	s9 =	sld [smem:$0x3FA7]  }
0x2f: {  	lr =	sadd.s32 s0, s3;
	s0 =	sld [smem:$0x3F9E]  }
0x30: {  	s3 =	sld [smem:$0x3FA1]  }
0x31: {  	[smem:$0x3FAA] =	sst s10  }
0x32: {  	s10 =	sld [smem:$0x3FA8];
	_ =	sdelay $0x3  }
0x33: {  	p0 =	seq.s32 s10, $0x1;
	s10 =	sld [smem:$0x3FAA];
	_ =	sdelay $0x3  }
0x34: {  	[smem:$0x3FAA] =	sst s10  }
0x35: {  	s10 =	sld [smem:$0x3FA9];
	_ =	sdelay $0x3  }
0x36: {  	p1 =	seq.s32 s10, $0x1;
	s10 =	sld [smem:$0x3FAA];
	_ =	sdelay $0x3  }
0x37: {  	[smem:$0x3FAA] =	sst s10  }
0x38: {  	s10 =	sld [smem:$0x3FAB]  }
0x39: {  	_ = 	snop;
	(pc) =	sbr.ind lr, $3  }
0x3a: {  	_ = 	snop  }
0x3b: {  	_ = 	snop  }
0x3c: {  	p2 =	seq.s32 s10, $0x1;
	s10 =	sld [smem:$0x3FAA]  }
0x3d: {  	_ =	shalt  }
0x3e: {  	_ =	shalt  }
0x3f: {  	_ =	shalt  }
0x40: {  	_ =	shalt  }
0x41: {  	_ =	shalt  }
0x42: {  	_ =	shalt  }
0x43: {  	_ =	shalt  }
0x44: {  	_ =	shalt  }
0x45: {  	_ =	shalt  }
0x46: {  	_ =	shalt  }
0x47: {  	_ =	shalt  }
0x48: {  	_ =	shalt  }
0x49: {  	_ =	shalt  }
0x4a: {  	_ =	shalt  }
0x4b: {  	_ =	shalt  }
0x4c: {  	_ =	shalt  }
0x4d: {  	_ =	shalt  }
0x4e: {  	_ =	shalt  }
0x4f: {  	_ =	shalt  }
0x50: {  	_ =	shalt  }
0x51: {  	_ =	shalt  }
0x52: {  	_ =	shalt  }
0x53: {  	_ =	shalt  }
0x54: {  	_ =	shalt  }
0x55: {  	_ =	shalt  }
0x56: {  	_ =	shalt  }
0x57: {  	_ =	shalt  }
0x58: {  	_ =	shalt  }
0x59: {  	_ =	shalt  }
0x5a: {  	_ =	shalt  }
0x5b: {  	_ =	shalt  }
0x5c: {  	_ =	shalt  }
0x5d: {  	_ =	shalt  }
0x5e: {  	_ =	shalt  }
0x5f: {  	_ =	shalt  }
0x60: {  	_ =	shalt  }
0x61: {  	_ =	shalt  }
0x62: {  	_ =	shalt  }
0x63: {  	_ =	shalt  }
0x64: {  	_ =	shalt  }
0x65: {  	_ =	shalt  }
0x66: {  	_ =	shalt  }
0x67: {  	_ =	shalt  }
0x68: {  	_ =	shalt  }
0x69: {  	_ =	shalt  }
0x6a: {  	_ =	shalt  }
0x6b: {  	_ =	shalt  }
0x6c: {  	_ =	shalt  }
0x6d: {  	_ =	shalt  }
0x6e: {  	_ =	shalt  }
0x6f: {  	_ =	shalt  }
0x70: {  	_ =	shalt  }
0x71: {  	_ =	shalt  }
0x72: {  	_ =	shalt  }
0x73: {  	_ =	shalt  }
0x74: {  	_ =	shalt  }
0x75: {  	_ =	shalt  }
0x76: {  	_ =	shalt  }
0x77: {  	_ =	shalt  }
0x78: {  	_ =	shalt  }
0x79: {  	_ =	shalt  }
0x7a: {  	_ =	shalt  }
0x7b: {  	_ =	shalt  }
0x7c: {  	_ =	shalt  }
0x7d: {  	_ =	shalt  }
0x7e: {  	_ =	shalt  }
0x7f: {  	_ =	shalt  }
0x80: {  	_ =	shalt  }
0x81: {  	_ =	shalt  }
0x82: {  	_ =	shalt  }
0x83: {  	_ =	shalt  }
0x84: {  	_ =	shalt  }
0x85: {  	_ =	shalt  }
0x86: {  	_ =	shalt  }
0x87: {  	_ =	shalt  }
.Lfunc_end0:
.L_simem_size_0:
called_computation.6_lowered:
.L_overlay_start_0:
0x88: {  	s2 =	sld [smem:$0x3FD9]  }
0x89: {  	s3 =	sld [smem:$0x3FFE];
	_ =	sdelay $0x1  }
0x8a: {  	s1 =	srdreg.scid  }
0x8b: {  	s0 =	sand.u32 $0x1, s1  }
0x8c: {  	s17 =	sshll.u32 s0, $0xA;
	s2 =	sadd.s32 s3, s2  }
0x8d: {  	s2 =	sadd.s32 s2, s17  }
0x8e: {  	[smem:$0x3FB6] =	sst s2  }
0x8f: {  	_ = 	snop  }
0x90: {  	(tm) =	ssettm $0x1  }
0x91: {  	s18 =	sld [smem:$0x3FFB];
	_ =	sdelay $0x3  }
0x92: {  	_ =	strace s18  }
0x93: {  	s2 =	sld [smem:$0x3FFC];
	_ =	sdelay $0x3  }
0x94: {  	_ =	strace s2  }
0x95: {  	s2 =	sld [smem:$0x3FFD];
	_ =	sdelay $0x3  }
0x96: {  	_ =	strace s2  }
0x97: {  	_ =	strace $0x8FFFFFFF  }
0x98: {  	s19 =	sld [smem:$0x3FDB];
	_ =	sdelay $0x1  }
0x99: {  	s20 =	simm.s32 $_scs_section_size  }
0x9a: {  	s4 =	simm.s32 $_size__tile_overlayer_lowered;
	s5 =	simm.s32 $_tile_overlayer_lowered  }
0x9b: {  	s6 =	simm.s32 $0x1BFF;
	s21 =	sshll.u32 s5, $0x1;
	s3 =	sadd.s32 s20, s19  }
0x9c: {  	s22 =	simm.s32 $0x0;
	s4 =	sshll.u32 s4, $0x1;
	s5 =	sadd.s32 s21, s3  }
0x9d: {  	[timem:s22], [sflag:s6] =	dma.local [hbm:s5], s4  }
0x9e: {  	_ =	swait.ge [sflag:s6], s4  }
0x9f: {  	s4 =	ssub.s32 $0x0, s4;
	[sflag:s6] =	ssyncset.done $0x0  }
0xa0: {  	[sflag:s6] =	ssyncadd.s32 s4;
	_ =	sdelay $0x1  }
0xa1: {  	s23 =	simm.s32 $0x1B8B  }
0xa2: {  	_ =	swait.ge [sflag:s23], $0x1  }
0xa3: {  	[sflag:s23] =	ssyncset.done $0x0  }
0xa4: {  	[sflag:s23] =	ssyncadd.s32 $0xFFFFFFFF  }
0xa5: {  	s4 =	sld [smem:$0x0]  }
0xa6: {  	s5 =	sand.u32 $0xFFFFFFFE, s1  }
0xa7: {  	p0 =	sne.s32 s1, s5  }
0xa8: {  	s5 =	sshll.u32 @p0 s5, $0xE  }
0xa9: {  	s5 =	sadd.s32 @p0 $0x11B8D, s5;
	s6 =	sshll.u32 @p0 s4, $0x11  }
0xaa: {  	s5 =	sor.u32 @p0 s6, s5  }
0xab: {  	[sflag:s5] =	ssyncadd.remote.s32 @p0 $0x1;
	_ =	sdelay $0x1  }
0xac: {  	s5 =	simm.s32 @p0 $0x1B8D  }
0xad: {  	_ =	swait.eq @p0 [sflag:s5], $0x1  }
0xae: {  	[sflag:s5] =	ssyncadd.s32 @p0 $0xFFFFFFFF  }
0xaf: {  	s6 =	sshll.u32 @!p0 s1, $0xE  }
0xb0: {  	s6 =	sor.u32 @!p0 $0x4000, s6;
	s5 =	simm.s32 @!p0 $0x1B8D  }
0xb1: {  	s4 =	sshll.u32 @!p0 s4, $0x11;
	s6 =	sadd.s32 @!p0 $0x11B8D, s6;
	_ =	swait.eq @!p0 [sflag:s5], $0x1  }
0xb2: {  	s4 =	sor.u32 @!p0 s4, s6;
	[sflag:s5] =	ssyncadd.s32 @!p0 $0xFFFFFFFF  }
0xb3: {  	s25 =	simm.s32 $0x1B8E;
	s24 =	sld [smem:$0x3FFE];
	[sflag:s4] =	ssyncadd.remote.s32 @!p0 $0x1  }
0xb4: {  	s26 =	simm.s32 $execute0_lowered;
	[smem:$0x3FD2] =	sst s25  }
0xb5: {  	s5 =	sshll.u32 s26, $0x1;
	_ =	strace $0x80000061;
	[dreg:$0x1] =	wrdreg $0xFFFFFFFF  }
0xb6: {  	s28 =	simm.s32 $_size_execute0_lowered;
	s3 =	sadd.s32 s3, s5;
	[dreg:$0x0] =	wrdreg $0x0  }
0xb7: {  	s5 =	sshll.u32 s28, $0x1;
	[dreg:$0x2] =	wrdreg s3  }
0xb8: {  	[dreg:$0x3] =	wrdreg s5  }
0xb9: {  	[dreg:$0x4] =	wrdreg $0xC0  }
0xba: {  	_ =	task [dreg:s22], $0x5FFFF  }
0xbb: {  	[dreg:$0x1] =	wrdreg $0xFFFFFFFF  }
0xbc: {  	[dreg:$0x0] =	wrdreg $0x60  }
0xbd: {  	[dreg:$0x2] =	wrdreg s24  }
0xbe: {  	[dreg:$0x3] =	wrdreg $0x90000  }
0xbf: {  	[dreg:$0x4] =	wrdreg $0x9  }
0xc0: {  	_ =	task.clear_ibuf [dreg:s22], $0x5FFFF;
	_ =	strace $0x90000061  }
0xc1: {  	s29 =	simm.s32 $0x9;
	_ =	strace $0x80000063  }
0xc2: {  	_ =	swait.ge [sflag:s29], $0x1  }
0xc3: {  	[sflag:s29] =	ssyncadd.s32 $0xFFFFFFFF  }
0xc4: {  	_ =	strace $0x90000063  }
0xc5: {  	_ =	sfence  }
0xc6: {  	s30 =	sld [smem:$0x0];
	_ =	sdelay $0x2  }
0xc7: {  	s31 =	sshll.u32 s1, $0xD;
	s1 =	sshrl.u32 s1, $0x2  }
0xc8: {  	s4 =	sand.u32 $0x4000, s31;
	s1 =	sadd.s32 s1, s30  }
0xc9: {  	s0 =	sor.u32 s4, s0;
	s1 =	sshll.u32 s1, $0x11  }
0xca: {  	s0 =	sor.u32 s1, s0  }
0xcb: {  	s0 =	sadd.s32 $0x8F2B, s0  }
0xcc: {  	[sflag:s0] =	ssyncadd.remote.s32 $0x1  }
0xcd: {  	_ =	sfence.sel $0xFFFF  }
0xce: {  	[dreg:$0x0] =	wrdreg $0xFFFFFFFF;
	(pc) =	sbr.abs _section_cstart, $3  }
0xcf: {  	[dreg:$0x1] =	wrdreg $0xFFFFFFFF  }
0xd0: {  	_ =	task.clear_ibuf [dreg:s22], $0x2FFFF;
	_ =	strace $0x9FFFFFFF  }
0xd1: {  	(tm) =	ssettm $0x7FFFFFFF  }
tec
execute0_lowered:
.L_overlay_start_1:
0x0: {  	(tag) =	ssettag $0x1  }
0x1: {  	s5 =	rddreg [dreg:$0x0]  }
0x2: {  	s1 =	rddreg [dreg:$0x1]  }
0x3: {  	s2 =	srdreg.scid;
	s0 =	rddreg [dreg:$0x2]  }
0x4: {  	s3 =	simm.s32 $0x0;
	s14 =	simm.s32 $0x1;
	s8 =	sand.u32 $0x1, s2  }
0x5: {  	s15 =	simm.s32 $0x2800;
	s2 =	stileid.u32;
	s6 =	smul.u32 $0x140000, s8  }
0x6: {  	s17 =	simm.s32 $0x80;
	s18 =	simm.s32 $0x0;
	s7 =	smul.u32 $0x14000, s2  }
0x7: {  	[smem:$0x7FF] =	sst s3;
	s4 =	sadd.s32 $0x125000, s5;
	s9 =	smul.u32 $0x500, s2  }
0x8: {  	_ =	strace $0x80000062;
	s30 =	ssub.s32 $0x2, s8;
	s10 =	smul.u32 $0x50000, s2  }
0x9: {  	s16 =	smul.u32 $0x2800, s8;
	s11 =	sshrl.u32 s30, $0x1;
	s6 =	sadd.s32 s7, s6  }
0xa: {  	s9 =	sadd.s32 s9, s5;
	s13 =	ssub.s32 s30, s11;
	s31 =	sshrl.u32 s10, $0x2  }
0xb: {  	v0 =	vmov s16;
	s16 =	simm.s32 $0x5000;
	s6 =	sshrl.u32 s6, $0x3;
	s7 =	sadd.s32 s31, s1  }
0xc: {  	s13 =	smax.u32 s13, $0x1;
	s12 =	sadd.s32 s6, s5;
	s5 =	sadd.s32 $0xD0000, s9  }
0xd: {  	s6 =	sadd.s32 $0xA800, s9;
	s8 =	sadd.s32 $0x4000, s7;
	s9 =	sadd.s32 $0x8000, s7  }
0xe: {  	v1 =	vimm.f32 $0.0e+00;
	s10 =	sadd.s32 $0xC000, s7;
	s11 =	sadd.s32 $0x10000, s7;
	s12 =	sadd.s32 $0x175000, s12  }
.LBB2_1:
0xf: {  	[tilespmem:s3], [sflag:$0x1] =	stream.linear.gather [hbm4b:s5+s3], $0x2780, $0x38;
	[tilespmem:$0x1D000] =	vst v63  }
0x10: {  	_ =	swait.ge [sflag:s14], $0x2780  }
0x11: {  	[sflag:s14] =	ssyncset.done $0x0  }
0x12: {  	[sflag:s14] =	ssyncadd.s32 $0xFFFFD880  }
0x13: {  	[tilespmem:s15], [sflag:$0x1] =	stream.linear.gather [hbm4b:s6+s3], $0x2780, $0x38;
	[tilespmem:$0x1D000] =	vst v63  }
0x14: {  	s19 =	sand.u32 $0xFE00, s3;
	_ =	swait.ge [sflag:s14], $0x2780  }
0x15: {  	s20 =	sand.u32 $0x70, s3;
	s19 =	sshrl.u32 s19, $0x2;
	[sflag:s14] =	ssyncset.done $0x0  }
0x16: {  	s19 =	sor.u32 s20, s19;
	[sflag:s14] =	ssyncadd.s32 $0xFFFFD880  }
0x17: {  	v2 =	vld [tilespmem:s19+$0x0];
	_ =	sdelay $0x2  }
0x18: {  	s21 =	simm.s32 $0x40  }
0x19: {  	s22 =	sand.u32 $0xFE00, s21;
	s21 =	simm.s32 $0x80;
	s20 =	simm.s32 $0x10  }
.LBB2_2:
0x1a: {  	p0 =	sne.s32 s21, $0x9DC0;
	s23 =	sand.u32 $0x70, s20;
	s22 =	sshrl.u32 s22, $0x2;
	v2 =	vadd.s32 v0, v2  }
0x1b: {  	[tilespmem:s19+$0x0] =	vst v2;
	s19 =	sor.u32 s23, s22  }
.Ltmp0:
0x1c: {  	v2 =	vld [tilespmem:s19+$0x0];
	(pc) =	sbr.rel @p0 .LBB2_2-.Ltmp0, $2  }
0x1d: {  	_ =	sdelay $0x2  }
0x1e: {  	s20 =	sadd.s32 $0x10, s20;
	s22 =	sand.u32 $0xFE00, s21;
	s21 =	sadd.s32 $0x40, s21  }
0x1f: {  	s20 =	sand.u32 $0x70, s20;
	s21 =	sshrl.u32 s22, $0x2;
	v2 =	vadd.s32 v0, v2  }
0x20: {  	s20 =	sor.u32 s20, s21;
	[tilespmem:s19+$0x0] =	vst v2  }
0x21: {  	v2 =	vld [tilespmem:s20+$0x0];
	_ =	sdelay $0x2  }
0x22: {  	s19 =	simm.s32 $0x0  }
0x23: {  	s30 =	sand.u32 $0xFE00, s19  }
0x24: {  	s31 =	sand.u32 $0x70, s19;
	s21 =	sshrl.u32 s30, $0x2;
	v2 =	vadd.s32 v0, v2  }
0x25: {  	s21 =	sor.u32 s31, s21;
	[tilespmem:s20+$0x0] =	vst v2;
	s20 =	simm.s32 $0x40  }
.LBB2_4:
0x26: {  	p0 =	sne.s32 s20, $0xFFC0  }
0x27: {  	[tilespmem:s21+$0x5000] =	vst v1;
	s19 =	sadd.s32 $0x10, s19;
	s21 =	smov.u32 s20;
	s20 =	sadd.s32 $0x40, s20  }
.Ltmp1:
0x28: {  	(pc) =	sbr.rel @p0 .LBB2_4-.Ltmp1, $4  }
0x29: {  	_ = 	snop  }
0x2a: {  	s21 =	sand.u32 $0xFE00, s21  }
0x2b: {  	s22 =	sand.u32 $0x70, s19;
	s21 =	sshrl.u32 s21, $0x2  }
0x2c: {  	s21 =	sor.u32 s22, s21  }
0x2d: {  	[tilespmem:s21+$0x5000] =	vst v1  }
0x2e: {  	[spmem:s7] =	stream.linear.scatter [tilespmem:s16], [sflag:$0x1], $0x4000, $0x38;
	[tilespmem:$0x1D000] =	vst v63  }
0x2f: {  	_ =	swait.ge [sflag:s14], $0x4000  }
0x30: {  	[sflag:s14] =	ssyncset.done $0x0  }
0x31: {  	[sflag:s14] =	ssyncadd.s32 $0xFFFFC000  }
0x32: {  	[spmem:s8] =	stream.linear.scatter [tilespmem:s16], [sflag:$0x1], $0x4000, $0x38;
	[tilespmem:$0x1D000] =	vst v63  }
0x33: {  	_ =	swait.ge [sflag:s14], $0x4000  }
0x34: {  	[sflag:s14] =	ssyncset.done $0x0  }
0x35: {  	[sflag:s14] =	ssyncadd.s32 $0xFFFFC000  }
0x36: {  	[spmem:s9] =	stream.linear.scatter [tilespmem:s16], [sflag:$0x1], $0x4000, $0x38;
	[tilespmem:$0x1D000] =	vst v63  }
0x37: {  	_ =	swait.ge [sflag:s14], $0x4000  }
0x38: {  	[sflag:s14] =	ssyncset.done $0x0  }
0x39: {  	[sflag:s14] =	ssyncadd.s32 $0xFFFFC000  }
0x3a: {  	[spmem:s10] =	stream.linear.scatter [tilespmem:s16], [sflag:$0x1], $0x4000, $0x38;
	[tilespmem:$0x1D000] =	vst v63  }
0x3b: {  	_ =	swait.ge [sflag:s14], $0x4000  }
0x3c: {  	[sflag:s14] =	ssyncset.done $0x0  }
0x3d: {  	[sflag:s14] =	ssyncadd.s32 $0xFFFFC000  }
0x3e: {  	[spmem:s11] =	stream.linear.scatter [tilespmem:s16], [sflag:$0x1], $0x4000, $0x38;
	[tilespmem:$0x1D000] =	vst v63  }
0x3f: {  	_ =	swait.ge [sflag:s14], $0x4000  }
0x40: {  	[sflag:s14] =	ssyncset.done $0x0  }
0x41: {  	[sflag:s14] =	ssyncadd.s32 $0xFFFFC000  }
0x42: {  	s19 =	simm.s32 $0x0;
	[bflag:$0x0] =	sbarrier.arrive $0xFFFF  }
0x43: {  	[tilespmem:s16], [sflag:$0x1] =	stream.indirect.gather [hbm4b:s4+s17], $0x80, s19, s17, $0xb8;
	[tilespmem:$0x1D000] =	vst v63  }
0x44: {  	_ =	swait.ge [sflag:s14], $0x4000  }
0x45: {  	[sflag:s14] =	ssyncset.done $0x0  }
0x46: {  	s31 =	simm.s32 $0x2800;
	[sflag:s14] =	ssyncadd.s32 $0xFFFFC000  }
0x47: {  	[spmem:s1] =	stream.indirect.scatter.add.f32 [tilespmem:s16], [sflag:$0x1], $0x80, s31, s17, $0xb8;
	[tilespmem:$0x1D000] =	vst v63  }
0x48: {  	_ =	swait.ge [sflag:s14], $0x4000  }
0x49: {  	s20 =	simm.s32 $0x400;
	s19 =	simm.s32 $0x200;
	[sflag:s14] =	ssyncset.done $0x0  }
.LBB2_6:
0x4a: {  	s21 =	sshra.s32 s19, $0x2  }
0x4b: {  	[sflag:s14] =	ssyncadd.s32 $0xFFFFC000;
	s19 =	smov.u32 s20;
	s22 =	sadd.s32 $0x200, s20  }
0x4c: {  	[tilespmem:s16], [sflag:$0x1] =	stream.indirect.gather [hbm4b:s4+s17], $0x80, s21, s17, $0xb8;
	[tilespmem:$0x1D000] =	vst v63  }
0x4d: {  	p0 =	sne.s32 s20, $0x9C00;
	_ =	swait.ge [sflag:s14], $0x4000  }
.Ltmp2:
0x4e: {  	[sflag:s14] =	ssyncset.done $0x0;
	(pc) =	sbr.rel @p0 .LBB2_6-.Ltmp2, $4  }
0x4f: {  	s20 =	sadd.s32 $0x2800, s21;
	[sflag:s14] =	ssyncadd.s32 $0xFFFFC000  }
0x50: {  	[spmem:s1] =	stream.indirect.scatter.add.f32 [tilespmem:s16], [sflag:$0x1], $0x80, s20, s17, $0xb8;
	[tilespmem:$0x1D000] =	vst v63  }
0x51: {  	_ =	swait.ge [sflag:s14], $0x4000  }
0x52: {  	s20 =	smov.u32 s22;
	[sflag:s14] =	ssyncset.done $0x0  }
0x53: {  	s19 =	sshra.s32 s19, $0x2;
	[sflag:s14] =	ssyncadd.s32 $0xFFFFC000  }
0x54: {  	[tilespmem:s16], [sflag:$0x1] =	stream.indirect.gather [hbm4b:s4+s17], $0x80, s19, s17, $0xb8;
	[tilespmem:$0x1D000] =	vst v63  }
0x55: {  	_ =	swait.ge [sflag:s14], $0x4000  }
0x56: {  	[sflag:s14] =	ssyncset.done $0x0  }
0x57: {  	s19 =	sadd.s32 $0x2800, s19;
	[sflag:s14] =	ssyncadd.s32 $0xFFFFC000  }
0x58: {  	[spmem:s1] =	stream.indirect.scatter.add.f32 [tilespmem:s16], [sflag:$0x1], $0x80, s19, s17, $0xb8;
	[tilespmem:$0x1D000] =	vst v63  }
0x59: {  	_ =	swait.ge [sflag:s14], $0x4000  }
0x5a: {  	s31 =	sshll.u32 s2, $0x6;
	s18 =	sadd.s32 $0x1, s18;
	[sflag:s14] =	ssyncset.done $0x0  }
0x5b: {  	s20 =	sshrl.u32 s7, $0x3;
	p0 =	sne.s32 s18, s13;
	[sflag:s14] =	ssyncadd.s32 $0xFFFFC000  }
.Ltmp3:
0x5c: {  	s19 =	sor.u32 $0x1C01, s31;
	[bflag:$0x0] =	sbarrier.arrive $0xFFFF;
	(pc) =	sbr.rel @p0 .LBB2_1-.Ltmp3, $4  }
0x5d: {  	[hbm:s12], [sflag:s19] =	dma.local [spmem:s20], $0x2800  }
0x5e: {  	_ =	swait.ge [sflag:s14], $0x2800  }
0x5f: {  	[sflag:s14] =	ssyncset.done $0x0  }
0x60: {  	[sflag:s14] =	ssyncadd.s32 $0xFFFFD800  }
0x61: {  	_ =	sfence.sel $0x180000  }
0x62: {  	[bflag:$0x0] =	sbarrier.arrive $0xFFFF  }
0x63: {  	p0 =	sne.s32 s2, $0x0;
	_ =	strace $0x90000062  }
0x64: {  	s0 =	sadd.s32 @!p0 $0x100000, s0;
	[bflag:$0x2] =	sbarrier.arrive $0xFFFF  }
0x65: {  	[sflag:s0] =	ssyncadd.tile.s32 @!p0 $0x1;
	_ =	shalt  }
.Lfunc_end2:
_tile_overlayer_lowered:
.L_overlay_start_2:
0x66: {  	(tag) =	ssettag $0x2  }
0x67: {  	s0 =	rddreg [dreg:$0x0];
	s2 =	stileid.u32  }
0x68: {  	s1 =	rddreg [dreg:$0x1];
	p0 =	sne.s32 s2, $0x0  }
0x69: {  	s3 =	rddreg [dreg:$0x2];
	[bflag:$0x3] =	sbarrier.arrive $0xFFFF;
	s2 =	simm.s32 @!p0 $0x1C01  }
0x6a: {  	[timem:s3], [sflag:s2] =	dma.local @!p0 [hbm:s0], s1  }
0x6b: {  	s0 =	simm.s32 @!p0 $0x1  }
0x6c: {  	_ =	swait.ge @!p0 [sflag:s0], s1  }
0x6d: {  	s1 =	ssub.s32 @!p0 $0x0, s1;
	[sflag:s0] =	ssyncset.done @!p0 $0x0  }
0x6e: {  	[sflag:s0] =	ssyncadd.s32 @!p0 s1  }
0x6f: {  	[bflag:$0x3] =	sbarrier.arrive $0xFFFF  }
0x70: {  	_ =	shalt  }

// kernel: kernel.34.cloned.1.call-start
scs
__scs_entry_jumppad:
0x0: {  	(pc) =	sbr.rel $0x88, $3  }
0x1: {  	(tag) =	ssettag $0x0;
	lr =	simm.s32 $0x1  }
0x2: {  	[smem:$0x3F8F] =	sst lr;
	_ =	strace $0xD0000000  }
0x3: {  	_ = 	snop  }
0x4: {  	_ = 	snop  }
0x5: {  	_ = 	snop  }
0x6: {  	_ = 	snop  }
0x7: {  	_ = 	snop  }
__scs_overlays_trampoline_lowered:
0x8: {  	[smem:$0x3F9E] =	sst s0  }
0x9: {  	[smem:$0x3F9F] =	sst s1  }
0xa: {  	[smem:$0x3FA0] =	sst s2  }
0xb: {  	[smem:$0x3FA1] =	sst s3  }
0xc: {  	[smem:$0x3FA2] =	sst s4  }
0xd: {  	[smem:$0x3FA3] =	sst s5  }
0xe: {  	[smem:$0x3FA4] =	sst s6  }
0xf: {  	[smem:$0x3FA5] =	sst s7  }
0x10: {  	[smem:$0x3FA6] =	sst s8  }
0x11: {  	[smem:$0x3FA7] =	sst s9;
	s0 =	simm.s32 @!p0 $0x0  }
0x12: {  	s1 =	sld [smem:$0x3F8D];
	s0 =	simm.s32 @p0 $0x1  }
0x13: {  	[smem:$0x3FA8] =	sst s0;
	s0 =	simm.s32 @!p1 $0x0  }
0x14: {  	s2 =	sld [smem:$0x3F8C];
	s0 =	simm.s32 @p1 $0x1  }
0x15: {  	[smem:$0x3FA9] =	sst s0;
	s0 =	simm.s32 @!p2 $0x0  }
0x16: {  	s3 =	sld [smem:$0x3FDB];
	s0 =	simm.s32 @p2 $0x1  }
0x17: {  	s4 =	simm.s32 $0x1BF5;
	[smem:$0x3FAB] =	sst s0  }
0x18: {  	s0 =	sld [smem:$0x3F8E];
	_ =	swait.ge [sflag:s4], $0x0  }
0x19: {  	s7 =	sld [smem:$0x3F8F]  }
0x1a: {  	s8 =	sadd.s32 $0xFFFFE003, lr  }
0x1b: {  	s9 =	sadd.s32 $0xFFFFFEF7, lr;
	s5 =	simm.s32 $0xFFFFFFFF;
	p2 =	slt.u32 s8, $0xFFFFF086  }
0x1c: {  	p1 =	slt.u32 s9, $0xF7A;
	s5 =	simm.s32 @!p2 $0x0  }
0x1d: {  	s5 =	simm.s32 @p1 $0x1;
	p0 =	seq.s32 s7, s2  }
0x1e: {  	s7 =	smul.u32 @!p0 $0xF7A, s2;
	p2 =	seq.s32 @!p0 s5, $0x0  }
0x1f: {  	s9 =	smul.u32 $0xF7A, s1;
	s8 =	simm.s32 @!p0 $0x1BF5;
	p2 =	por !p2, p0  }
0x20: {  	[sflag:s8] =	ssyncset.s32 @!p0 $0xFFFFF086;
	s6 =	sadd.s32 @!p0 s3, s7;
	s7 =	simm.s32 @!p0 $0x108  }
0x21: {  	s3 =	sadd.s32 s3, s9;
	s6 =	sadd.s32 @!p0 $0x88, s6;
	s7 =	simm.s32 @p2 $0x1082  }
0x22: {  	[simem:s7], [sflag:s8] =	dma.local @!p0 [hbm:s6], $0xF7A  }
0x23: {  	s9 =	sor.u32 $0xD0000000, s2;
	s6 =	simm.s32 $0x108;
	_ =	swait.ge @!p0 [sflag:s8], $0x0  }
0x24: {  	s3 =	sadd.s32 $0x88, s3;
	s6 =	simm.s32 @!p1 $0x1082;
	[sflag:s4] =	ssyncset.s32 $0xFFFFF086  }
0x25: {  	[simem:s6], [sflag:s4] =	dma.local [hbm:s3], $0xF7A  }
0x26: {  	[smem:$0x3F8F] =	sst s1;
	(tag) =	ssettag s2;
	_ =	strace s9  }
0x27: {  	s1 =	sld [smem:$0x3F9F]  }
0x28: {  	s2 =	sld [smem:$0x3FA0]  }
0x29: {  	s4 =	sld [smem:$0x3FA2]  }
0x2a: {  	p0 =	seq.s32 s5, $0x0;
	s5 =	sld [smem:$0x3FA3]  }
0x2b: {  	s6 =	sld [smem:$0x3FA4]  }
0x2c: {  	s7 =	sld [smem:$0x3FA5]  }
0x2d: {  	s3 =	simm.s32 $0x108;
	s8 =	sld [smem:$0x3FA6]  }
0x2e: {  	s3 =	simm.s32 @!p0 $0x1082;
	s9 =	sld [smem:$0x3FA7]  }
0x2f: {  	lr =	sadd.s32 s0, s3;
	s0 =	sld [smem:$0x3F9E]  }
0x30: {  	s3 =	sld [smem:$0x3FA1]  }
0x31: {  	[smem:$0x3FAA] =	sst s10  }
0x32: {  	s10 =	sld [smem:$0x3FA8];
	_ =	sdelay $0x3  }
0x33: {  	p0 =	seq.s32 s10, $0x1;
	s10 =	sld [smem:$0x3FAA];
	_ =	sdelay $0x3  }
0x34: {  	[smem:$0x3FAA] =	sst s10  }
0x35: {  	s10 =	sld [smem:$0x3FA9];
	_ =	sdelay $0x3  }
0x36: {  	p1 =	seq.s32 s10, $0x1;
	s10 =	sld [smem:$0x3FAA];
	_ =	sdelay $0x3  }
0x37: {  	[smem:$0x3FAA] =	sst s10  }
0x38: {  	s10 =	sld [smem:$0x3FAB]  }
0x39: {  	_ = 	snop;
	(pc) =	sbr.ind lr, $3  }
0x3a: {  	_ = 	snop  }
0x3b: {  	_ = 	snop  }
0x3c: {  	p2 =	seq.s32 s10, $0x1;
	s10 =	sld [smem:$0x3FAA]  }
0x3d: {  	_ =	shalt  }
0x3e: {  	_ =	shalt  }
0x3f: {  	_ =	shalt  }
0x40: {  	_ =	shalt  }
0x41: {  	_ =	shalt  }
0x42: {  	_ =	shalt  }
0x43: {  	_ =	shalt  }
0x44: {  	_ =	shalt  }
0x45: {  	_ =	shalt  }
0x46: {  	_ =	shalt  }
0x47: {  	_ =	shalt  }
0x48: {  	_ =	shalt  }
0x49: {  	_ =	shalt  }
0x4a: {  	_ =	shalt  }
0x4b: {  	_ =	shalt  }
0x4c: {  	_ =	shalt  }
0x4d: {  	_ =	shalt  }
0x4e: {  	_ =	shalt  }
0x4f: {  	_ =	shalt  }
0x50: {  	_ =	shalt  }
0x51: {  	_ =	shalt  }
0x52: {  	_ =	shalt  }
0x53: {  	_ =	shalt  }
0x54: {  	_ =	shalt  }
0x55: {  	_ =	shalt  }
0x56: {  	_ =	shalt  }
0x57: {  	_ =	shalt  }
0x58: {  	_ =	shalt  }
0x59: {  	_ =	shalt  }
0x5a: {  	_ =	shalt  }
0x5b: {  	_ =	shalt  }
0x5c: {  	_ =	shalt  }
0x5d: {  	_ =	shalt  }
0x5e: {  	_ =	shalt  }
0x5f: {  	_ =	shalt  }
0x60: {  	_ =	shalt  }
0x61: {  	_ =	shalt  }
0x62: {  	_ =	shalt  }
0x63: {  	_ =	shalt  }
0x64: {  	_ =	shalt  }
0x65: {  	_ =	shalt  }
0x66: {  	_ =	shalt  }
0x67: {  	_ =	shalt  }
0x68: {  	_ =	shalt  }
0x69: {  	_ =	shalt  }
0x6a: {  	_ =	shalt  }
0x6b: {  	_ =	shalt  }
0x6c: {  	_ =	shalt  }
0x6d: {  	_ =	shalt  }
0x6e: {  	_ =	shalt  }
0x6f: {  	_ =	shalt  }
0x70: {  	_ =	shalt  }
0x71: {  	_ =	shalt  }
0x72: {  	_ =	shalt  }
0x73: {  	_ =	shalt  }
0x74: {  	_ =	shalt  }
0x75: {  	_ =	shalt  }
0x76: {  	_ =	shalt  }
0x77: {  	_ =	shalt  }
0x78: {  	_ =	shalt  }
0x79: {  	_ =	shalt  }
0x7a: {  	_ =	shalt  }
0x7b: {  	_ =	shalt  }
0x7c: {  	_ =	shalt  }
0x7d: {  	_ =	shalt  }
0x7e: {  	_ =	shalt  }
0x7f: {  	_ =	shalt  }
0x80: {  	_ =	shalt  }
0x81: {  	_ =	shalt  }
0x82: {  	_ =	shalt  }
0x83: {  	_ =	shalt  }
0x84: {  	_ =	shalt  }
0x85: {  	_ =	shalt  }
0x86: {  	_ =	shalt  }
0x87: {  	_ =	shalt  }
.Lfunc_end0:
.L_simem_size_0:
called_computation.7_lowered:
.L_overlay_start_0:
0x88: {  	s2 =	sld [smem:$0x3FD9]  }
0x89: {  	s3 =	sld [smem:$0x3FFE];
	_ =	sdelay $0x1  }
0x8a: {  	s1 =	srdreg.scid  }
0x8b: {  	s0 =	sand.u32 $0x1, s1  }
0x8c: {  	s17 =	sshll.u32 s0, $0xA;
	s2 =	sadd.s32 s3, s2  }
0x8d: {  	s2 =	sadd.s32 s2, s17  }
0x8e: {  	[smem:$0x3FB6] =	sst s2  }
0x8f: {  	_ = 	snop  }
0x90: {  	(tm) =	ssettm $0x1  }
0x91: {  	s18 =	sld [smem:$0x3FFB];
	_ =	sdelay $0x3  }
0x92: {  	_ =	strace s18  }
0x93: {  	s2 =	sld [smem:$0x3FFC];
	_ =	sdelay $0x3  }
0x94: {  	_ =	strace s2  }
0x95: {  	s2 =	sld [smem:$0x3FFD];
	_ =	sdelay $0x3  }
0x96: {  	_ =	strace s2  }
0x97: {  	_ =	strace $0x8FFFFFFF  }
0x98: {  	s19 =	sld [smem:$0x3FDB];
	_ =	sdelay $0x1  }
0x99: {  	s20 =	simm.s32 $_scs_section_size  }
0x9a: {  	s4 =	simm.s32 $_size__tile_overlayer_lowered;
	s5 =	simm.s32 $_tile_overlayer_lowered  }
0x9b: {  	s6 =	simm.s32 $0x1BFF;
	s21 =	sshll.u32 s5, $0x1;
	s3 =	sadd.s32 s20, s19  }
0x9c: {  	s22 =	simm.s32 $0x0;
	s4 =	sshll.u32 s4, $0x1;
	s5 =	sadd.s32 s21, s3  }
0x9d: {  	[timem:s22], [sflag:s6] =	dma.local [hbm:s5], s4  }
0x9e: {  	_ =	swait.ge [sflag:s6], s4  }
0x9f: {  	s4 =	ssub.s32 $0x0, s4;
	[sflag:s6] =	ssyncset.done $0x0  }
0xa0: {  	[sflag:s6] =	ssyncadd.s32 s4;
	_ =	sdelay $0x1  }
0xa1: {  	s23 =	simm.s32 $0x1B8B  }
0xa2: {  	_ =	swait.ge [sflag:s23], $0x1  }
0xa3: {  	[sflag:s23] =	ssyncset.done $0x0  }
0xa4: {  	[sflag:s23] =	ssyncadd.s32 $0xFFFFFFFF  }
0xa5: {  	s4 =	sld [smem:$0x0]  }
0xa6: {  	s5 =	sand.u32 $0xFFFFFFFE, s1  }
0xa7: {  	p0 =	sne.s32 s1, s5  }
0xa8: {  	s5 =	sshll.u32 @p0 s5, $0xE  }
0xa9: {  	s5 =	sadd.s32 @p0 $0x11B8D, s5;
	s6 =	sshll.u32 @p0 s4, $0x11  }
0xaa: {  	s5 =	sor.u32 @p0 s6, s5  }
0xab: {  	[sflag:s5] =	ssyncadd.remote.s32 @p0 $0x1;
	_ =	sdelay $0x1  }
0xac: {  	s5 =	simm.s32 @p0 $0x1B8D  }
0xad: {  	_ =	swait.eq @p0 [sflag:s5], $0x1  }
0xae: {  	[sflag:s5] =	ssyncadd.s32 @p0 $0xFFFFFFFF  }
0xaf: {  	s6 =	sshll.u32 @!p0 s1, $0xE  }
0xb0: {  	s6 =	sor.u32 @!p0 $0x4000, s6;
	s5 =	simm.s32 @!p0 $0x1B8D  }
0xb1: {  	s4 =	sshll.u32 @!p0 s4, $0x11;
	s6 =	sadd.s32 @!p0 $0x11B8D, s6;
	_ =	swait.eq @!p0 [sflag:s5], $0x1  }
0xb2: {  	s4 =	sor.u32 @!p0 s4, s6;
	[sflag:s5] =	ssyncadd.s32 @!p0 $0xFFFFFFFF  }
0xb3: {  	s25 =	simm.s32 $0x1B8E;
	s24 =	sld [smem:$0x3FFE];
	[sflag:s4] =	ssyncadd.remote.s32 @!p0 $0x1  }
0xb4: {  	s26 =	simm.s32 $execute0_lowered;
	[smem:$0x3FD2] =	sst s25  }
0xb5: {  	s5 =	sshll.u32 s26, $0x1;
	_ =	strace $0x80000052;
	[dreg:$0x1] =	wrdreg $0xFFFFFFFF  }
0xb6: {  	s28 =	simm.s32 $_size_execute0_lowered;
	s3 =	sadd.s32 s3, s5;
	[dreg:$0x0] =	wrdreg $0x0  }
0xb7: {  	s5 =	sshll.u32 s28, $0x1;
	[dreg:$0x2] =	wrdreg s3  }
0xb8: {  	[dreg:$0x3] =	wrdreg s5  }
0xb9: {  	[dreg:$0x4] =	wrdreg $0xC0  }
0xba: {  	_ =	task [dreg:s22], $0x5FFFF  }
0xbb: {  	[dreg:$0x1] =	wrdreg $0xFFFFFFFF  }
0xbc: {  	[dreg:$0x0] =	wrdreg $0x60  }
0xbd: {  	[dreg:$0x2] =	wrdreg s24  }
0xbe: {  	[dreg:$0x3] =	wrdreg $0x90000  }
0xbf: {  	[dreg:$0x4] =	wrdreg $0xA  }
0xc0: {  	_ =	task.clear_ibuf [dreg:s22], $0x5FFFF;
	_ =	strace $0x90000052  }
0xc1: {  	s29 =	simm.s32 $0xA;
	_ =	strace $0x80000054  }
0xc2: {  	_ =	swait.ge [sflag:s29], $0x1  }
0xc3: {  	[sflag:s29] =	ssyncadd.s32 $0xFFFFFFFF  }
0xc4: {  	_ =	strace $0x90000054  }
0xc5: {  	_ =	sfence  }
0xc6: {  	s30 =	sld [smem:$0x0];
	_ =	sdelay $0x2  }
0xc7: {  	s31 =	sshll.u32 s1, $0xD;
	s1 =	sshrl.u32 s1, $0x2  }
0xc8: {  	s4 =	sand.u32 $0x4000, s31;
	s1 =	sadd.s32 s1, s30  }
0xc9: {  	s0 =	sor.u32 s4, s0;
	s1 =	sshll.u32 s1, $0x11  }
0xca: {  	s0 =	sor.u32 s1, s0  }
0xcb: {  	s0 =	sadd.s32 $0x8F2B, s0  }
0xcc: {  	[sflag:s0] =	ssyncadd.remote.s32 $0x1  }
0xcd: {  	_ =	sfence.sel $0xFFFF  }
0xce: {  	[dreg:$0x0] =	wrdreg $0xFFFFFFFF;
	(pc) =	sbr.abs _section_cstart, $3  }
0xcf: {  	[dreg:$0x1] =	wrdreg $0xFFFFFFFF  }
0xd0: {  	_ =	task.clear_ibuf [dreg:s22], $0x2FFFF;
	_ =	strace $0x9FFFFFFF  }
0xd1: {  	(tm) =	ssettm $0x7FFFFFFF  }
tec
execute0_lowered:
.L_overlay_start_1:
0x0: {  	(tag) =	ssettag $0x1  }
0x1: {  	s5 =	rddreg [dreg:$0x0]  }
0x2: {  	s1 =	rddreg [dreg:$0x1]  }
0x3: {  	s2 =	srdreg.scid;
	s0 =	rddreg [dreg:$0x2]  }
0x4: {  	s3 =	simm.s32 $0x0;
	s14 =	simm.s32 $0x1;
	s8 =	sand.u32 $0x1, s2  }
0x5: {  	s15 =	simm.s32 $0x2800;
	s2 =	stileid.u32;
	s6 =	smul.u32 $0x140000, s8  }
0x6: {  	s17 =	simm.s32 $0x80;
	s18 =	simm.s32 $0x0;
	s7 =	smul.u32 $0x14000, s2  }
0x7: {  	[smem:$0x7FF] =	sst s3;
	s4 =	sadd.s32 $0x75800, s5;
	s9 =	smul.u32 $0x500, s2  }
0x8: {  	_ =	strace $0x80000053;
	s30 =	ssub.s32 $0x2, s8;
	s10 =	smul.u32 $0x50000, s2  }
0x9: {  	s16 =	smul.u32 $0x2800, s8;
	s11 =	sshrl.u32 s30, $0x1;
	s6 =	sadd.s32 s7, s6  }
0xa: {  	s9 =	sadd.s32 s9, s5;
	s13 =	ssub.s32 s30, s11;
	s31 =	sshrl.u32 s10, $0x2  }
0xb: {  	v0 =	vmov s16;
	s16 =	simm.s32 $0x5000;
	s6 =	sshrl.u32 s6, $0x3;
	s7 =	sadd.s32 s31, s1  }
0xc: {  	s13 =	smax.u32 s13, $0x1;
	s12 =	sadd.s32 s6, s5;
	s5 =	sadd.s32 $0xD0000, s9  }
0xd: {  	s6 =	sadd.s32 $0xA800, s9;
	s8 =	sadd.s32 $0x4000, s7;
	s9 =	sadd.s32 $0x8000, s7  }
0xe: {  	v1 =	vimm.f32 $0.0e+00;
	s10 =	sadd.s32 $0xC000, s7;
	s11 =	sadd.s32 $0x10000, s7;
	s12 =	sadd.s32 $0xD5000, s12  }
.LBB2_1:
0xf: {  	[tilespmem:s3], [sflag:$0x1] =	stream.linear.gather [hbm4b:s5+s3], $0x2780, $0x38;
	[tilespmem:$0x1D000] =	vst v63  }
0x10: {  	_ =	swait.ge [sflag:s14], $0x2780  }
0x11: {  	[sflag:s14] =	ssyncset.done $0x0  }
0x12: {  	[sflag:s14] =	ssyncadd.s32 $0xFFFFD880  }
0x13: {  	[tilespmem:s15], [sflag:$0x1] =	stream.linear.gather [hbm4b:s6+s3], $0x2780, $0x38;
	[tilespmem:$0x1D000] =	vst v63  }
0x14: {  	s19 =	sand.u32 $0xFE00, s3;
	_ =	swait.ge [sflag:s14], $0x2780  }
0x15: {  	s20 =	sand.u32 $0x70, s3;
	s19 =	sshrl.u32 s19, $0x2;
	[sflag:s14] =	ssyncset.done $0x0  }
0x16: {  	s19 =	sor.u32 s20, s19;
	[sflag:s14] =	ssyncadd.s32 $0xFFFFD880  }
0x17: {  	v2 =	vld [tilespmem:s19+$0x0];
	_ =	sdelay $0x2  }
0x18: {  	s21 =	simm.s32 $0x40  }
0x19: {  	s22 =	sand.u32 $0xFE00, s21;
	s21 =	simm.s32 $0x80;
	s20 =	simm.s32 $0x10  }
.LBB2_2:
0x1a: {  	p0 =	sne.s32 s21, $0x9DC0;
	s23 =	sand.u32 $0x70, s20;
	s22 =	sshrl.u32 s22, $0x2;
	v2 =	vadd.s32 v0, v2  }
0x1b: {  	[tilespmem:s19+$0x0] =	vst v2;
	s19 =	sor.u32 s23, s22  }
.Ltmp0:
0x1c: {  	v2 =	vld [tilespmem:s19+$0x0];
	(pc) =	sbr.rel @p0 .LBB2_2-.Ltmp0, $2  }
0x1d: {  	_ =	sdelay $0x2  }
0x1e: {  	s20 =	sadd.s32 $0x10, s20;
	s22 =	sand.u32 $0xFE00, s21;
	s21 =	sadd.s32 $0x40, s21  }
0x1f: {  	s20 =	sand.u32 $0x70, s20;
	s21 =	sshrl.u32 s22, $0x2;
	v2 =	vadd.s32 v0, v2  }
0x20: {  	s20 =	sor.u32 s20, s21;
	[tilespmem:s19+$0x0] =	vst v2  }
0x21: {  	v2 =	vld [tilespmem:s20+$0x0];
	_ =	sdelay $0x2  }
0x22: {  	s19 =	simm.s32 $0x0  }
0x23: {  	s30 =	sand.u32 $0xFE00, s19  }
0x24: {  	s31 =	sand.u32 $0x70, s19;
	s21 =	sshrl.u32 s30, $0x2;
	v2 =	vadd.s32 v0, v2  }
0x25: {  	s21 =	sor.u32 s31, s21;
	[tilespmem:s20+$0x0] =	vst v2;
	s20 =	simm.s32 $0x40  }
.LBB2_4:
0x26: {  	p0 =	sne.s32 s20, $0xFFC0  }
0x27: {  	[tilespmem:s21+$0x5000] =	vst v1;
	s19 =	sadd.s32 $0x10, s19;
	s21 =	smov.u32 s20;
	s20 =	sadd.s32 $0x40, s20  }
.Ltmp1:
0x28: {  	(pc) =	sbr.rel @p0 .LBB2_4-.Ltmp1, $4  }
0x29: {  	_ = 	snop  }
0x2a: {  	s21 =	sand.u32 $0xFE00, s21  }
0x2b: {  	s22 =	sand.u32 $0x70, s19;
	s21 =	sshrl.u32 s21, $0x2  }
0x2c: {  	s21 =	sor.u32 s22, s21  }
0x2d: {  	[tilespmem:s21+$0x5000] =	vst v1  }
0x2e: {  	[spmem:s7] =	stream.linear.scatter [tilespmem:s16], [sflag:$0x1], $0x4000, $0x38;
	[tilespmem:$0x1D000] =	vst v63  }
0x2f: {  	_ =	swait.ge [sflag:s14], $0x4000  }
0x30: {  	[sflag:s14] =	ssyncset.done $0x0  }
0x31: {  	[sflag:s14] =	ssyncadd.s32 $0xFFFFC000  }
0x32: {  	[spmem:s8] =	stream.linear.scatter [tilespmem:s16], [sflag:$0x1], $0x4000, $0x38;
	[tilespmem:$0x1D000] =	vst v63  }
0x33: {  	_ =	swait.ge [sflag:s14], $0x4000  }
0x34: {  	[sflag:s14] =	ssyncset.done $0x0  }
0x35: {  	[sflag:s14] =	ssyncadd.s32 $0xFFFFC000  }
0x36: {  	[spmem:s9] =	stream.linear.scatter [tilespmem:s16], [sflag:$0x1], $0x4000, $0x38;
	[tilespmem:$0x1D000] =	vst v63  }
0x37: {  	_ =	swait.ge [sflag:s14], $0x4000  }
0x38: {  	[sflag:s14] =	ssyncset.done $0x0  }
0x39: {  	[sflag:s14] =	ssyncadd.s32 $0xFFFFC000  }
0x3a: {  	[spmem:s10] =	stream.linear.scatter [tilespmem:s16], [sflag:$0x1], $0x4000, $0x38;
	[tilespmem:$0x1D000] =	vst v63  }
0x3b: {  	_ =	swait.ge [sflag:s14], $0x4000  }
0x3c: {  	[sflag:s14] =	ssyncset.done $0x0  }
0x3d: {  	[sflag:s14] =	ssyncadd.s32 $0xFFFFC000  }
0x3e: {  	[spmem:s11] =	stream.linear.scatter [tilespmem:s16], [sflag:$0x1], $0x4000, $0x38;
	[tilespmem:$0x1D000] =	vst v63  }
0x3f: {  	_ =	swait.ge [sflag:s14], $0x4000  }
0x40: {  	[sflag:s14] =	ssyncset.done $0x0  }
0x41: {  	[sflag:s14] =	ssyncadd.s32 $0xFFFFC000  }
0x42: {  	s19 =	simm.s32 $0x0;
	[bflag:$0x0] =	sbarrier.arrive $0xFFFF  }
0x43: {  	[tilespmem:s16], [sflag:$0x1] =	stream.indirect.gather [hbm4b:s4+s17], $0x80, s19, s17, $0xb8;
	[tilespmem:$0x1D000] =	vst v63  }
0x44: {  	_ =	swait.ge [sflag:s14], $0x4000  }
0x45: {  	[sflag:s14] =	ssyncset.done $0x0  }
0x46: {  	s31 =	simm.s32 $0x2800;
	[sflag:s14] =	ssyncadd.s32 $0xFFFFC000  }
0x47: {  	[spmem:s1] =	stream.indirect.scatter.add.f32 [tilespmem:s16], [sflag:$0x1], $0x80, s31, s17, $0xb8;
	[tilespmem:$0x1D000] =	vst v63  }
0x48: {  	_ =	swait.ge [sflag:s14], $0x4000  }
0x49: {  	s20 =	simm.s32 $0x400;
	s19 =	simm.s32 $0x200;
	[sflag:s14] =	ssyncset.done $0x0  }
.LBB2_6:
0x4a: {  	s21 =	sshra.s32 s19, $0x2  }
0x4b: {  	[sflag:s14] =	ssyncadd.s32 $0xFFFFC000;
	s19 =	smov.u32 s20;
	s22 =	sadd.s32 $0x200, s20  }
0x4c: {  	[tilespmem:s16], [sflag:$0x1] =	stream.indirect.gather [hbm4b:s4+s17], $0x80, s21, s17, $0xb8;
	[tilespmem:$0x1D000] =	vst v63  }
0x4d: {  	p0 =	sne.s32 s20, $0x9C00;
	_ =	swait.ge [sflag:s14], $0x4000  }
.Ltmp2:
0x4e: {  	[sflag:s14] =	ssyncset.done $0x0;
	(pc) =	sbr.rel @p0 .LBB2_6-.Ltmp2, $4  }
0x4f: {  	s20 =	sadd.s32 $0x2800, s21;
	[sflag:s14] =	ssyncadd.s32 $0xFFFFC000  }
0x50: {  	[spmem:s1] =	stream.indirect.scatter.add.f32 [tilespmem:s16], [sflag:$0x1], $0x80, s20, s17, $0xb8;
	[tilespmem:$0x1D000] =	vst v63  }
0x51: {  	_ =	swait.ge [sflag:s14], $0x4000  }
0x52: {  	s20 =	smov.u32 s22;
	[sflag:s14] =	ssyncset.done $0x0  }
0x53: {  	s19 =	sshra.s32 s19, $0x2;
	[sflag:s14] =	ssyncadd.s32 $0xFFFFC000  }
0x54: {  	[tilespmem:s16], [sflag:$0x1] =	stream.indirect.gather [hbm4b:s4+s17], $0x80, s19, s17, $0xb8;
	[tilespmem:$0x1D000] =	vst v63  }
0x55: {  	_ =	swait.ge [sflag:s14], $0x4000  }
0x56: {  	[sflag:s14] =	ssyncset.done $0x0  }
0x57: {  	s19 =	sadd.s32 $0x2800, s19;
	[sflag:s14] =	ssyncadd.s32 $0xFFFFC000  }
0x58: {  	[spmem:s1] =	stream.indirect.scatter.add.f32 [tilespmem:s16], [sflag:$0x1], $0x80, s19, s17, $0xb8;
	[tilespmem:$0x1D000] =	vst v63  }
0x59: {  	_ =	swait.ge [sflag:s14], $0x4000  }
0x5a: {  	s31 =	sshll.u32 s2, $0x6;
	s18 =	sadd.s32 $0x1, s18;
	[sflag:s14] =	ssyncset.done $0x0  }
0x5b: {  	s20 =	sshrl.u32 s7, $0x3;
	p0 =	sne.s32 s18, s13;
	[sflag:s14] =	ssyncadd.s32 $0xFFFFC000  }
.Ltmp3:
0x5c: {  	s19 =	sor.u32 $0x1C01, s31;
	[bflag:$0x0] =	sbarrier.arrive $0xFFFF;
	(pc) =	sbr.rel @p0 .LBB2_1-.Ltmp3, $4  }
0x5d: {  	[hbm:s12], [sflag:s19] =	dma.local [spmem:s20], $0x2800  }
0x5e: {  	_ =	swait.ge [sflag:s14], $0x2800  }
0x5f: {  	[sflag:s14] =	ssyncset.done $0x0  }
0x60: {  	[sflag:s14] =	ssyncadd.s32 $0xFFFFD800  }
0x61: {  	_ =	sfence.sel $0x180000  }
0x62: {  	[bflag:$0x0] =	sbarrier.arrive $0xFFFF  }
0x63: {  	p0 =	sne.s32 s2, $0x0;
	_ =	strace $0x90000053  }
0x64: {  	s0 =	sadd.s32 @!p0 $0x100000, s0;
	[bflag:$0x2] =	sbarrier.arrive $0xFFFF  }
0x65: {  	[sflag:s0] =	ssyncadd.tile.s32 @!p0 $0x1;
	_ =	shalt  }
.Lfunc_end2:
_tile_overlayer_lowered:
.L_overlay_start_2:
0x66: {  	(tag) =	ssettag $0x2  }
0x67: {  	s0 =	rddreg [dreg:$0x0];
	s2 =	stileid.u32  }
0x68: {  	s1 =	rddreg [dreg:$0x1];
	p0 =	sne.s32 s2, $0x0  }
0x69: {  	s3 =	rddreg [dreg:$0x2];
	[bflag:$0x3] =	sbarrier.arrive $0xFFFF;
	s2 =	simm.s32 @!p0 $0x1C01  }
0x6a: {  	[timem:s3], [sflag:s2] =	dma.local @!p0 [hbm:s0], s1  }
0x6b: {  	s0 =	simm.s32 @!p0 $0x1  }
0x6c: {  	_ =	swait.ge @!p0 [sflag:s0], s1  }
0x6d: {  	s1 =	ssub.s32 @!p0 $0x0, s1;
	[sflag:s0] =	ssyncset.done @!p0 $0x0  }
0x6e: {  	[sflag:s0] =	ssyncadd.s32 @!p0 s1  }
0x6f: {  	[bflag:$0x3] =	sbarrier.arrive $0xFFFF  }
0x70: {  	_ =	shalt  }

// kernel: kernel.37.cloned.1.call-start
scs
__scs_entry_jumppad:
0x0: {  	(pc) =	sbr.rel $0x88, $3  }
0x1: {  	(tag) =	ssettag $0x0;
	lr =	simm.s32 $0x1  }
0x2: {  	[smem:$0x3F8F] =	sst lr;
	_ =	strace $0xD0000000  }
0x3: {  	_ = 	snop  }
0x4: {  	_ = 	snop  }
0x5: {  	_ = 	snop  }
0x6: {  	_ = 	snop  }
0x7: {  	_ = 	snop  }
__scs_overlays_trampoline_lowered:
0x8: {  	[smem:$0x3F9E] =	sst s0  }
0x9: {  	[smem:$0x3F9F] =	sst s1  }
0xa: {  	[smem:$0x3FA0] =	sst s2  }
0xb: {  	[smem:$0x3FA1] =	sst s3  }
0xc: {  	[smem:$0x3FA2] =	sst s4  }
0xd: {  	[smem:$0x3FA3] =	sst s5  }
0xe: {  	[smem:$0x3FA4] =	sst s6  }
0xf: {  	[smem:$0x3FA5] =	sst s7  }
0x10: {  	[smem:$0x3FA6] =	sst s8  }
0x11: {  	[smem:$0x3FA7] =	sst s9;
	s0 =	simm.s32 @!p0 $0x0  }
0x12: {  	s1 =	sld [smem:$0x3F8D];
	s0 =	simm.s32 @p0 $0x1  }
0x13: {  	[smem:$0x3FA8] =	sst s0;
	s0 =	simm.s32 @!p1 $0x0  }
0x14: {  	s2 =	sld [smem:$0x3F8C];
	s0 =	simm.s32 @p1 $0x1  }
0x15: {  	[smem:$0x3FA9] =	sst s0;
	s0 =	simm.s32 @!p2 $0x0  }
0x16: {  	s3 =	sld [smem:$0x3FDB];
	s0 =	simm.s32 @p2 $0x1  }
0x17: {  	s4 =	simm.s32 $0x1BF5;
	[smem:$0x3FAB] =	sst s0  }
0x18: {  	s0 =	sld [smem:$0x3F8E];
	_ =	swait.ge [sflag:s4], $0x0  }
0x19: {  	s7 =	sld [smem:$0x3F8F]  }
0x1a: {  	s8 =	sadd.s32 $0xFFFFE003, lr  }
0x1b: {  	s9 =	sadd.s32 $0xFFFFFEF7, lr;
	s5 =	simm.s32 $0xFFFFFFFF;
	p2 =	slt.u32 s8, $0xFFFFF086  }
0x1c: {  	p1 =	slt.u32 s9, $0xF7A;
	s5 =	simm.s32 @!p2 $0x0  }
0x1d: {  	s5 =	simm.s32 @p1 $0x1;
	p0 =	seq.s32 s7, s2  }
0x1e: {  	s7 =	smul.u32 @!p0 $0xF7A, s2;
	p2 =	seq.s32 @!p0 s5, $0x0  }
0x1f: {  	s9 =	smul.u32 $0xF7A, s1;
	s8 =	simm.s32 @!p0 $0x1BF5;
	p2 =	por !p2, p0  }
0x20: {  	[sflag:s8] =	ssyncset.s32 @!p0 $0xFFFFF086;
	s6 =	sadd.s32 @!p0 s3, s7;
	s7 =	simm.s32 @!p0 $0x108  }
0x21: {  	s3 =	sadd.s32 s3, s9;
	s6 =	sadd.s32 @!p0 $0x88, s6;
	s7 =	simm.s32 @p2 $0x1082  }
0x22: {  	[simem:s7], [sflag:s8] =	dma.local @!p0 [hbm:s6], $0xF7A  }
0x23: {  	s9 =	sor.u32 $0xD0000000, s2;
	s6 =	simm.s32 $0x108;
	_ =	swait.ge @!p0 [sflag:s8], $0x0  }
0x24: {  	s3 =	sadd.s32 $0x88, s3;
	s6 =	simm.s32 @!p1 $0x1082;
	[sflag:s4] =	ssyncset.s32 $0xFFFFF086  }
0x25: {  	[simem:s6], [sflag:s4] =	dma.local [hbm:s3], $0xF7A  }
0x26: {  	[smem:$0x3F8F] =	sst s1;
	(tag) =	ssettag s2;
	_ =	strace s9  }
0x27: {  	s1 =	sld [smem:$0x3F9F]  }
0x28: {  	s2 =	sld [smem:$0x3FA0]  }
0x29: {  	s4 =	sld [smem:$0x3FA2]  }
0x2a: {  	p0 =	seq.s32 s5, $0x0;
	s5 =	sld [smem:$0x3FA3]  }
0x2b: {  	s6 =	sld [smem:$0x3FA4]  }
0x2c: {  	s7 =	sld [smem:$0x3FA5]  }
0x2d: {  	s3 =	simm.s32 $0x108;
	s8 =	sld [smem:$0x3FA6]  }
0x2e: {  	s3 =	simm.s32 @!p0 $0x1082;
	s9 =	sld [smem:$0x3FA7]  }
0x2f: {  	lr =	sadd.s32 s0, s3;
	s0 =	sld [smem:$0x3F9E]  }
0x30: {  	s3 =	sld [smem:$0x3FA1]  }
0x31: {  	[smem:$0x3FAA] =	sst s10  }
0x32: {  	s10 =	sld [smem:$0x3FA8];
	_ =	sdelay $0x3  }
0x33: {  	p0 =	seq.s32 s10, $0x1;
	s10 =	sld [smem:$0x3FAA];
	_ =	sdelay $0x3  }
0x34: {  	[smem:$0x3FAA] =	sst s10  }
0x35: {  	s10 =	sld [smem:$0x3FA9];
	_ =	sdelay $0x3  }
0x36: {  	p1 =	seq.s32 s10, $0x1;
	s10 =	sld [smem:$0x3FAA];
	_ =	sdelay $0x3  }
0x37: {  	[smem:$0x3FAA] =	sst s10  }
0x38: {  	s10 =	sld [smem:$0x3FAB]  }
0x39: {  	_ = 	snop;
	(pc) =	sbr.ind lr, $3  }
0x3a: {  	_ = 	snop  }
0x3b: {  	_ = 	snop  }
0x3c: {  	p2 =	seq.s32 s10, $0x1;
	s10 =	sld [smem:$0x3FAA]  }
0x3d: {  	_ =	shalt  }
0x3e: {  	_ =	shalt  }
0x3f: {  	_ =	shalt  }
0x40: {  	_ =	shalt  }
0x41: {  	_ =	shalt  }
0x42: {  	_ =	shalt  }
0x43: {  	_ =	shalt  }
0x44: {  	_ =	shalt  }
0x45: {  	_ =	shalt  }
0x46: {  	_ =	shalt  }
0x47: {  	_ =	shalt  }
0x48: {  	_ =	shalt  }
0x49: {  	_ =	shalt  }
0x4a: {  	_ =	shalt  }
0x4b: {  	_ =	shalt  }
0x4c: {  	_ =	shalt  }
0x4d: {  	_ =	shalt  }
0x4e: {  	_ =	shalt  }
0x4f: {  	_ =	shalt  }
0x50: {  	_ =	shalt  }
0x51: {  	_ =	shalt  }
0x52: {  	_ =	shalt  }
0x53: {  	_ =	shalt  }
0x54: {  	_ =	shalt  }
0x55: {  	_ =	shalt  }
0x56: {  	_ =	shalt  }
0x57: {  	_ =	shalt  }
0x58: {  	_ =	shalt  }
0x59: {  	_ =	shalt  }
0x5a: {  	_ =	shalt  }
0x5b: {  	_ =	shalt  }
0x5c: {  	_ =	shalt  }
0x5d: {  	_ =	shalt  }
0x5e: {  	_ =	shalt  }
0x5f: {  	_ =	shalt  }
0x60: {  	_ =	shalt  }
0x61: {  	_ =	shalt  }
0x62: {  	_ =	shalt  }
0x63: {  	_ =	shalt  }
0x64: {  	_ =	shalt  }
0x65: {  	_ =	shalt  }
0x66: {  	_ =	shalt  }
0x67: {  	_ =	shalt  }
0x68: {  	_ =	shalt  }
0x69: {  	_ =	shalt  }
0x6a: {  	_ =	shalt  }
0x6b: {  	_ =	shalt  }
0x6c: {  	_ =	shalt  }
0x6d: {  	_ =	shalt  }
0x6e: {  	_ =	shalt  }
0x6f: {  	_ =	shalt  }
0x70: {  	_ =	shalt  }
0x71: {  	_ =	shalt  }
0x72: {  	_ =	shalt  }
0x73: {  	_ =	shalt  }
0x74: {  	_ =	shalt  }
0x75: {  	_ =	shalt  }
0x76: {  	_ =	shalt  }
0x77: {  	_ =	shalt  }
0x78: {  	_ =	shalt  }
0x79: {  	_ =	shalt  }
0x7a: {  	_ =	shalt  }
0x7b: {  	_ =	shalt  }
0x7c: {  	_ =	shalt  }
0x7d: {  	_ =	shalt  }
0x7e: {  	_ =	shalt  }
0x7f: {  	_ =	shalt  }
0x80: {  	_ =	shalt  }
0x81: {  	_ =	shalt  }
0x82: {  	_ =	shalt  }
0x83: {  	_ =	shalt  }
0x84: {  	_ =	shalt  }
0x85: {  	_ =	shalt  }
0x86: {  	_ =	shalt  }
0x87: {  	_ =	shalt  }
.Lfunc_end0:
.L_simem_size_0:
called_computation.8_lowered:
.L_overlay_start_0:
0x88: {  	s2 =	sld [smem:$0x3FD9]  }
0x89: {  	s3 =	sld [smem:$0x3FFE];
	_ =	sdelay $0x1  }
0x8a: {  	s1 =	srdreg.scid  }
0x8b: {  	s0 =	sand.u32 $0x1, s1  }
0x8c: {  	s17 =	sshll.u32 s0, $0xA;
	s2 =	sadd.s32 s3, s2  }
0x8d: {  	s2 =	sadd.s32 s2, s17  }
0x8e: {  	[smem:$0x3FB6] =	sst s2  }
0x8f: {  	_ = 	snop  }
0x90: {  	(tm) =	ssettm $0x1  }
0x91: {  	s18 =	sld [smem:$0x3FFB];
	_ =	sdelay $0x3  }
0x92: {  	_ =	strace s18  }
0x93: {  	s2 =	sld [smem:$0x3FFC];
	_ =	sdelay $0x3  }
0x94: {  	_ =	strace s2  }
0x95: {  	s2 =	sld [smem:$0x3FFD];
	_ =	sdelay $0x3  }
0x96: {  	_ =	strace s2  }
0x97: {  	_ =	strace $0x8FFFFFFF  }
0x98: {  	s19 =	sld [smem:$0x3FDB];
	_ =	sdelay $0x1  }
0x99: {  	s20 =	simm.s32 $_scs_section_size  }
0x9a: {  	s4 =	simm.s32 $_size__tile_overlayer_lowered;
	s5 =	simm.s32 $_tile_overlayer_lowered  }
0x9b: {  	s6 =	simm.s32 $0x1BFF;
	s21 =	sshll.u32 s5, $0x1;
	s3 =	sadd.s32 s20, s19  }
0x9c: {  	s22 =	simm.s32 $0x0;
	s4 =	sshll.u32 s4, $0x1;
	s5 =	sadd.s32 s21, s3  }
0x9d: {  	[timem:s22], [sflag:s6] =	dma.local [hbm:s5], s4  }
0x9e: {  	_ =	swait.ge [sflag:s6], s4  }
0x9f: {  	s4 =	ssub.s32 $0x0, s4;
	[sflag:s6] =	ssyncset.done $0x0  }
0xa0: {  	[sflag:s6] =	ssyncadd.s32 s4;
	_ =	sdelay $0x1  }
0xa1: {  	s23 =	simm.s32 $0x1B8B  }
0xa2: {  	_ =	swait.ge [sflag:s23], $0x1  }
0xa3: {  	[sflag:s23] =	ssyncset.done $0x0  }
0xa4: {  	[sflag:s23] =	ssyncadd.s32 $0xFFFFFFFF  }
0xa5: {  	s4 =	sld [smem:$0x0]  }
0xa6: {  	s5 =	sand.u32 $0xFFFFFFFE, s1  }
0xa7: {  	p0 =	sne.s32 s1, s5  }
0xa8: {  	s5 =	sshll.u32 @p0 s5, $0xE  }
0xa9: {  	s5 =	sadd.s32 @p0 $0x11B8D, s5;
	s6 =	sshll.u32 @p0 s4, $0x11  }
0xaa: {  	s5 =	sor.u32 @p0 s6, s5  }
0xab: {  	[sflag:s5] =	ssyncadd.remote.s32 @p0 $0x1;
	_ =	sdelay $0x1  }
0xac: {  	s5 =	simm.s32 @p0 $0x1B8D  }
0xad: {  	_ =	swait.eq @p0 [sflag:s5], $0x1  }
0xae: {  	[sflag:s5] =	ssyncadd.s32 @p0 $0xFFFFFFFF  }
0xaf: {  	s6 =	sshll.u32 @!p0 s1, $0xE  }
0xb0: {  	s6 =	sor.u32 @!p0 $0x4000, s6;
	s5 =	simm.s32 @!p0 $0x1B8D  }
0xb1: {  	s4 =	sshll.u32 @!p0 s4, $0x11;
	s6 =	sadd.s32 @!p0 $0x11B8D, s6;
	_ =	swait.eq @!p0 [sflag:s5], $0x1  }
0xb2: {  	s4 =	sor.u32 @!p0 s4, s6;
	[sflag:s5] =	ssyncadd.s32 @!p0 $0xFFFFFFFF  }
0xb3: {  	s25 =	simm.s32 $0x1B8E;
	s24 =	sld [smem:$0x3FFE];
	[sflag:s4] =	ssyncadd.remote.s32 @!p0 $0x1  }
0xb4: {  	s26 =	simm.s32 $execute0_lowered;
	[smem:$0x3FD2] =	sst s25  }
0xb5: {  	s5 =	sshll.u32 s26, $0x1;
	_ =	strace $0x80000058;
	[dreg:$0x1] =	wrdreg $0xFFFFFFFF  }
0xb6: {  	s28 =	simm.s32 $_size_execute0_lowered;
	s3 =	sadd.s32 s3, s5;
	[dreg:$0x0] =	wrdreg $0x0  }
0xb7: {  	s5 =	sshll.u32 s28, $0x1;
	[dreg:$0x2] =	wrdreg s3  }
0xb8: {  	[dreg:$0x3] =	wrdreg s5  }
0xb9: {  	[dreg:$0x4] =	wrdreg $0xC0  }
0xba: {  	_ =	task [dreg:s22], $0x5FFFF  }
0xbb: {  	[dreg:$0x1] =	wrdreg $0xFFFFFFFF  }
0xbc: {  	[dreg:$0x0] =	wrdreg $0x60  }
0xbd: {  	[dreg:$0x2] =	wrdreg s24  }
0xbe: {  	[dreg:$0x3] =	wrdreg $0x90000  }
0xbf: {  	[dreg:$0x4] =	wrdreg $0xA  }
0xc0: {  	_ =	task.clear_ibuf [dreg:s22], $0x5FFFF;
	_ =	strace $0x90000058  }
0xc1: {  	s29 =	simm.s32 $0xA;
	_ =	strace $0x8000005A  }
0xc2: {  	_ =	swait.ge [sflag:s29], $0x1  }
0xc3: {  	[sflag:s29] =	ssyncadd.s32 $0xFFFFFFFF  }
0xc4: {  	_ =	strace $0x9000005A  }
0xc5: {  	_ =	sfence  }
0xc6: {  	s30 =	sld [smem:$0x0];
	_ =	sdelay $0x2  }
0xc7: {  	s31 =	sshll.u32 s1, $0xD;
	s1 =	sshrl.u32 s1, $0x2  }
0xc8: {  	s4 =	sand.u32 $0x4000, s31;
	s1 =	sadd.s32 s1, s30  }
0xc9: {  	s0 =	sor.u32 s4, s0;
	s1 =	sshll.u32 s1, $0x11  }
0xca: {  	s0 =	sor.u32 s1, s0  }
0xcb: {  	s0 =	sadd.s32 $0x8F2B, s0  }
0xcc: {  	[sflag:s0] =	ssyncadd.remote.s32 $0x1  }
0xcd: {  	_ =	sfence.sel $0xFFFF  }
0xce: {  	[dreg:$0x0] =	wrdreg $0xFFFFFFFF;
	(pc) =	sbr.abs _section_cstart, $3  }
0xcf: {  	[dreg:$0x1] =	wrdreg $0xFFFFFFFF  }
0xd0: {  	_ =	task.clear_ibuf [dreg:s22], $0x2FFFF;
	_ =	strace $0x9FFFFFFF  }
0xd1: {  	(tm) =	ssettm $0x7FFFFFFF  }
tec
execute0_lowered:
.L_overlay_start_1:
0x0: {  	(tag) =	ssettag $0x1  }
0x1: {  	s5 =	rddreg [dreg:$0x0]  }
0x2: {  	s1 =	rddreg [dreg:$0x1]  }
0x3: {  	s2 =	srdreg.scid;
	s0 =	rddreg [dreg:$0x2]  }
0x4: {  	s3 =	simm.s32 $0x0;
	s14 =	simm.s32 $0x1;
	s8 =	sand.u32 $0x1, s2  }
0x5: {  	s15 =	simm.s32 $0x2800;
	s2 =	stileid.u32;
	s6 =	smul.u32 $0x140000, s8  }
0x6: {  	s17 =	simm.s32 $0x80;
	s18 =	simm.s32 $0x0;
	s7 =	smul.u32 $0x14000, s2  }
0x7: {  	[smem:$0x7FF] =	sst s3;
	s4 =	sadd.s32 $0xD5000, s5;
	s9 =	smul.u32 $0x500, s2  }
0x8: {  	_ =	strace $0x80000059;
	s30 =	ssub.s32 $0x2, s8;
	s10 =	smul.u32 $0x50000, s2  }
0x9: {  	s16 =	smul.u32 $0x2800, s8;
	s11 =	sshrl.u32 s30, $0x1;
	s6 =	sadd.s32 s7, s6  }
0xa: {  	s9 =	sadd.s32 s9, s5;
	s13 =	ssub.s32 s30, s11;
	s31 =	sshrl.u32 s10, $0x2  }
0xb: {  	v0 =	vmov s16;
	s16 =	simm.s32 $0x5000;
	s6 =	sshrl.u32 s6, $0x3;
	s7 =	sadd.s32 s31, s1  }
0xc: {  	s13 =	smax.u32 s13, $0x1;
	s12 =	sadd.s32 s6, s5;
	s5 =	sadd.s32 $0xD0000, s9  }
0xd: {  	s6 =	sadd.s32 $0xA800, s9;
	s8 =	sadd.s32 $0x4000, s7;
	s9 =	sadd.s32 $0x8000, s7  }
0xe: {  	v1 =	vimm.f32 $0.0e+00;
	s10 =	sadd.s32 $0xC000, s7;
	s11 =	sadd.s32 $0x10000, s7;
	s12 =	sadd.s32 $0x5F800, s12  }
.LBB2_1:
0xf: {  	[tilespmem:s3], [sflag:$0x1] =	stream.linear.gather [hbm4b:s5+s3], $0x2780, $0x38;
	[tilespmem:$0x1D000] =	vst v63  }
0x10: {  	_ =	swait.ge [sflag:s14], $0x2780  }
0x11: {  	[sflag:s14] =	ssyncset.done $0x0  }
0x12: {  	[sflag:s14] =	ssyncadd.s32 $0xFFFFD880  }
0x13: {  	[tilespmem:s15], [sflag:$0x1] =	stream.linear.gather [hbm4b:s6+s3], $0x2780, $0x38;
	[tilespmem:$0x1D000] =	vst v63  }
0x14: {  	s19 =	sand.u32 $0xFE00, s3;
	_ =	swait.ge [sflag:s14], $0x2780  }
0x15: {  	s20 =	sand.u32 $0x70, s3;
	s19 =	sshrl.u32 s19, $0x2;
	[sflag:s14] =	ssyncset.done $0x0  }
0x16: {  	s19 =	sor.u32 s20, s19;
	[sflag:s14] =	ssyncadd.s32 $0xFFFFD880  }
0x17: {  	v2 =	vld [tilespmem:s19+$0x0];
	_ =	sdelay $0x2  }
0x18: {  	s21 =	simm.s32 $0x40  }
0x19: {  	s22 =	sand.u32 $0xFE00, s21;
	s21 =	simm.s32 $0x80;
	s20 =	simm.s32 $0x10  }
.LBB2_2:
0x1a: {  	p0 =	sne.s32 s21, $0x9DC0;
	s23 =	sand.u32 $0x70, s20;
	s22 =	sshrl.u32 s22, $0x2;
	v2 =	vadd.s32 v0, v2  }
0x1b: {  	[tilespmem:s19+$0x0] =	vst v2;
	s19 =	sor.u32 s23, s22  }
.Ltmp0:
0x1c: {  	v2 =	vld [tilespmem:s19+$0x0];
	(pc) =	sbr.rel @p0 .LBB2_2-.Ltmp0, $2  }
0x1d: {  	_ =	sdelay $0x2  }
0x1e: {  	s20 =	sadd.s32 $0x10, s20;
	s22 =	sand.u32 $0xFE00, s21;
	s21 =	sadd.s32 $0x40, s21  }
0x1f: {  	s20 =	sand.u32 $0x70, s20;
	s21 =	sshrl.u32 s22, $0x2;
	v2 =	vadd.s32 v0, v2  }
0x20: {  	s20 =	sor.u32 s20, s21;
	[tilespmem:s19+$0x0] =	vst v2  }
0x21: {  	v2 =	vld [tilespmem:s20+$0x0];
	_ =	sdelay $0x2  }
0x22: {  	s19 =	simm.s32 $0x0  }
0x23: {  	s30 =	sand.u32 $0xFE00, s19  }
0x24: {  	s31 =	sand.u32 $0x70, s19;
	s21 =	sshrl.u32 s30, $0x2;
	v2 =	vadd.s32 v0, v2  }
0x25: {  	s21 =	sor.u32 s31, s21;
	[tilespmem:s20+$0x0] =	vst v2;
	s20 =	simm.s32 $0x40  }
.LBB2_4:
0x26: {  	p0 =	sne.s32 s20, $0xFFC0  }
0x27: {  	[tilespmem:s21+$0x5000] =	vst v1;
	s19 =	sadd.s32 $0x10, s19;
	s21 =	smov.u32 s20;
	s20 =	sadd.s32 $0x40, s20  }
.Ltmp1:
0x28: {  	(pc) =	sbr.rel @p0 .LBB2_4-.Ltmp1, $4  }
0x29: {  	_ = 	snop  }
0x2a: {  	s21 =	sand.u32 $0xFE00, s21  }
0x2b: {  	s22 =	sand.u32 $0x70, s19;
	s21 =	sshrl.u32 s21, $0x2  }
0x2c: {  	s21 =	sor.u32 s22, s21  }
0x2d: {  	[tilespmem:s21+$0x5000] =	vst v1  }
0x2e: {  	[spmem:s7] =	stream.linear.scatter [tilespmem:s16], [sflag:$0x1], $0x4000, $0x38;
	[tilespmem:$0x1D000] =	vst v63  }
0x2f: {  	_ =	swait.ge [sflag:s14], $0x4000  }
0x30: {  	[sflag:s14] =	ssyncset.done $0x0  }
0x31: {  	[sflag:s14] =	ssyncadd.s32 $0xFFFFC000  }
0x32: {  	[spmem:s8] =	stream.linear.scatter [tilespmem:s16], [sflag:$0x1], $0x4000, $0x38;
	[tilespmem:$0x1D000] =	vst v63  }
0x33: {  	_ =	swait.ge [sflag:s14], $0x4000  }
0x34: {  	[sflag:s14] =	ssyncset.done $0x0  }
0x35: {  	[sflag:s14] =	ssyncadd.s32 $0xFFFFC000  }
0x36: {  	[spmem:s9] =	stream.linear.scatter [tilespmem:s16], [sflag:$0x1], $0x4000, $0x38;
	[tilespmem:$0x1D000] =	vst v63  }
0x37: {  	_ =	swait.ge [sflag:s14], $0x4000  }
0x38: {  	[sflag:s14] =	ssyncset.done $0x0  }
0x39: {  	[sflag:s14] =	ssyncadd.s32 $0xFFFFC000  }
0x3a: {  	[spmem:s10] =	stream.linear.scatter [tilespmem:s16], [sflag:$0x1], $0x4000, $0x38;
	[tilespmem:$0x1D000] =	vst v63  }
0x3b: {  	_ =	swait.ge [sflag:s14], $0x4000  }
0x3c: {  	[sflag:s14] =	ssyncset.done $0x0  }
0x3d: {  	[sflag:s14] =	ssyncadd.s32 $0xFFFFC000  }
0x3e: {  	[spmem:s11] =	stream.linear.scatter [tilespmem:s16], [sflag:$0x1], $0x4000, $0x38;
	[tilespmem:$0x1D000] =	vst v63  }
0x3f: {  	_ =	swait.ge [sflag:s14], $0x4000  }
0x40: {  	[sflag:s14] =	ssyncset.done $0x0  }
0x41: {  	[sflag:s14] =	ssyncadd.s32 $0xFFFFC000  }
0x42: {  	s19 =	simm.s32 $0x0;
	[bflag:$0x0] =	sbarrier.arrive $0xFFFF  }
0x43: {  	[tilespmem:s16], [sflag:$0x1] =	stream.indirect.gather [hbm4b:s4+s17], $0x80, s19, s17, $0xb8;
	[tilespmem:$0x1D000] =	vst v63  }
0x44: {  	_ =	swait.ge [sflag:s14], $0x4000  }
0x45: {  	[sflag:s14] =	ssyncset.done $0x0  }
0x46: {  	s31 =	simm.s32 $0x2800;
	[sflag:s14] =	ssyncadd.s32 $0xFFFFC000  }
0x47: {  	[spmem:s1] =	stream.indirect.scatter.add.f32 [tilespmem:s16], [sflag:$0x1], $0x80, s31, s17, $0xb8;
	[tilespmem:$0x1D000] =	vst v63  }
0x48: {  	_ =	swait.ge [sflag:s14], $0x4000  }
0x49: {  	s20 =	simm.s32 $0x400;
	s19 =	simm.s32 $0x200;
	[sflag:s14] =	ssyncset.done $0x0  }
.LBB2_6:
0x4a: {  	s21 =	sshra.s32 s19, $0x2  }
0x4b: {  	[sflag:s14] =	ssyncadd.s32 $0xFFFFC000;
	s19 =	smov.u32 s20;
	s22 =	sadd.s32 $0x200, s20  }
0x4c: {  	[tilespmem:s16], [sflag:$0x1] =	stream.indirect.gather [hbm4b:s4+s17], $0x80, s21, s17, $0xb8;
	[tilespmem:$0x1D000] =	vst v63  }
0x4d: {  	p0 =	sne.s32 s20, $0x9C00;
	_ =	swait.ge [sflag:s14], $0x4000  }
.Ltmp2:
0x4e: {  	[sflag:s14] =	ssyncset.done $0x0;
	(pc) =	sbr.rel @p0 .LBB2_6-.Ltmp2, $4  }
0x4f: {  	s20 =	sadd.s32 $0x2800, s21;
	[sflag:s14] =	ssyncadd.s32 $0xFFFFC000  }
0x50: {  	[spmem:s1] =	stream.indirect.scatter.add.f32 [tilespmem:s16], [sflag:$0x1], $0x80, s20, s17, $0xb8;
	[tilespmem:$0x1D000] =	vst v63  }
0x51: {  	_ =	swait.ge [sflag:s14], $0x4000  }
0x52: {  	s20 =	smov.u32 s22;
	[sflag:s14] =	ssyncset.done $0x0  }
0x53: {  	s19 =	sshra.s32 s19, $0x2;
	[sflag:s14] =	ssyncadd.s32 $0xFFFFC000  }
0x54: {  	[tilespmem:s16], [sflag:$0x1] =	stream.indirect.gather [hbm4b:s4+s17], $0x80, s19, s17, $0xb8;
	[tilespmem:$0x1D000] =	vst v63  }
0x55: {  	_ =	swait.ge [sflag:s14], $0x4000  }
0x56: {  	[sflag:s14] =	ssyncset.done $0x0  }
0x57: {  	s19 =	sadd.s32 $0x2800, s19;
	[sflag:s14] =	ssyncadd.s32 $0xFFFFC000  }
0x58: {  	[spmem:s1] =	stream.indirect.scatter.add.f32 [tilespmem:s16], [sflag:$0x1], $0x80, s19, s17, $0xb8;
	[tilespmem:$0x1D000] =	vst v63  }
0x59: {  	_ =	swait.ge [sflag:s14], $0x4000  }
0x5a: {  	s31 =	sshll.u32 s2, $0x6;
	s18 =	sadd.s32 $0x1, s18;
	[sflag:s14] =	ssyncset.done $0x0  }
0x5b: {  	s20 =	sshrl.u32 s7, $0x3;
	p0 =	sne.s32 s18, s13;
	[sflag:s14] =	ssyncadd.s32 $0xFFFFC000  }
.Ltmp3:
0x5c: {  	s19 =	sor.u32 $0x1C01, s31;
	[bflag:$0x0] =	sbarrier.arrive $0xFFFF;
	(pc) =	sbr.rel @p0 .LBB2_1-.Ltmp3, $4  }
0x5d: {  	[hbm:s12], [sflag:s19] =	dma.local [spmem:s20], $0x2800  }
0x5e: {  	_ =	swait.ge [sflag:s14], $0x2800  }
0x5f: {  	[sflag:s14] =	ssyncset.done $0x0  }
0x60: {  	[sflag:s14] =	ssyncadd.s32 $0xFFFFD800  }
0x61: {  	_ =	sfence.sel $0x180000  }
0x62: {  	[bflag:$0x0] =	sbarrier.arrive $0xFFFF  }
0x63: {  	p0 =	sne.s32 s2, $0x0;
	_ =	strace $0x90000059  }
0x64: {  	s0 =	sadd.s32 @!p0 $0x100000, s0;
	[bflag:$0x2] =	sbarrier.arrive $0xFFFF  }
0x65: {  	[sflag:s0] =	ssyncadd.tile.s32 @!p0 $0x1;
	_ =	shalt  }
.Lfunc_end2:
_tile_overlayer_lowered:
.L_overlay_start_2:
0x66: {  	(tag) =	ssettag $0x2  }
0x67: {  	s0 =	rddreg [dreg:$0x0];
	s2 =	stileid.u32  }
0x68: {  	s1 =	rddreg [dreg:$0x1];
	p0 =	sne.s32 s2, $0x0  }
0x69: {  	s3 =	rddreg [dreg:$0x2];
	[bflag:$0x3] =	sbarrier.arrive $0xFFFF;
	s2 =	simm.s32 @!p0 $0x1C01  }
0x6a: {  	[timem:s3], [sflag:s2] =	dma.local @!p0 [hbm:s0], s1  }
0x6b: {  	s0 =	simm.s32 @!p0 $0x1  }
0x6c: {  	_ =	swait.ge @!p0 [sflag:s0], s1  }
0x6d: {  	s1 =	ssub.s32 @!p0 $0x0, s1;
	[sflag:s0] =	ssyncset.done @!p0 $0x0  }
0x6e: {  	[sflag:s0] =	ssyncadd.s32 @!p0 s1  }
0x6f: {  	[bflag:$0x3] =	sbarrier.arrive $0xFFFF  }
0x70: {  	_ =	shalt  }

// kernel: kernel.40.cloned.1.call-start
scs
__scs_entry_jumppad:
0x0: {  	(pc) =	sbr.rel $0x88, $3  }
0x1: {  	(tag) =	ssettag $0x0;
	lr =	simm.s32 $0x1  }
0x2: {  	[smem:$0x3F8F] =	sst lr;
	_ =	strace $0xD0000000  }
0x3: {  	_ = 	snop  }
0x4: {  	_ = 	snop  }
0x5: {  	_ = 	snop  }
0x6: {  	_ = 	snop  }
0x7: {  	_ = 	snop  }
__scs_overlays_trampoline_lowered:
0x8: {  	[smem:$0x3F9E] =	sst s0  }
0x9: {  	[smem:$0x3F9F] =	sst s1  }
0xa: {  	[smem:$0x3FA0] =	sst s2  }
0xb: {  	[smem:$0x3FA1] =	sst s3  }
0xc: {  	[smem:$0x3FA2] =	sst s4  }
0xd: {  	[smem:$0x3FA3] =	sst s5  }
0xe: {  	[smem:$0x3FA4] =	sst s6  }
0xf: {  	[smem:$0x3FA5] =	sst s7  }
0x10: {  	[smem:$0x3FA6] =	sst s8  }
0x11: {  	[smem:$0x3FA7] =	sst s9;
	s0 =	simm.s32 @!p0 $0x0  }
0x12: {  	s1 =	sld [smem:$0x3F8D];
	s0 =	simm.s32 @p0 $0x1  }
0x13: {  	[smem:$0x3FA8] =	sst s0;
	s0 =	simm.s32 @!p1 $0x0  }
0x14: {  	s2 =	sld [smem:$0x3F8C];
	s0 =	simm.s32 @p1 $0x1  }
0x15: {  	[smem:$0x3FA9] =	sst s0;
	s0 =	simm.s32 @!p2 $0x0  }
0x16: {  	s3 =	sld [smem:$0x3FDB];
	s0 =	simm.s32 @p2 $0x1  }
0x17: {  	s4 =	simm.s32 $0x1BF5;
	[smem:$0x3FAB] =	sst s0  }
0x18: {  	s0 =	sld [smem:$0x3F8E];
	_ =	swait.ge [sflag:s4], $0x0  }
0x19: {  	s7 =	sld [smem:$0x3F8F]  }
0x1a: {  	s8 =	sadd.s32 $0xFFFFE003, lr  }
0x1b: {  	s9 =	sadd.s32 $0xFFFFFEF7, lr;
	s5 =	simm.s32 $0xFFFFFFFF;
	p2 =	slt.u32 s8, $0xFFFFF086  }
0x1c: {  	p1 =	slt.u32 s9, $0xF7A;
	s5 =	simm.s32 @!p2 $0x0  }
0x1d: {  	s5 =	simm.s32 @p1 $0x1;
	p0 =	seq.s32 s7, s2  }
0x1e: {  	s7 =	smul.u32 @!p0 $0xF7A, s2;
	p2 =	seq.s32 @!p0 s5, $0x0  }
0x1f: {  	s9 =	smul.u32 $0xF7A, s1;
	s8 =	simm.s32 @!p0 $0x1BF5;
	p2 =	por !p2, p0  }
0x20: {  	[sflag:s8] =	ssyncset.s32 @!p0 $0xFFFFF086;
	s6 =	sadd.s32 @!p0 s3, s7;
	s7 =	simm.s32 @!p0 $0x108  }
0x21: {  	s3 =	sadd.s32 s3, s9;
	s6 =	sadd.s32 @!p0 $0x88, s6;
	s7 =	simm.s32 @p2 $0x1082  }
0x22: {  	[simem:s7], [sflag:s8] =	dma.local @!p0 [hbm:s6], $0xF7A  }
0x23: {  	s9 =	sor.u32 $0xD0000000, s2;
	s6 =	simm.s32 $0x108;
	_ =	swait.ge @!p0 [sflag:s8], $0x0  }
0x24: {  	s3 =	sadd.s32 $0x88, s3;
	s6 =	simm.s32 @!p1 $0x1082;
	[sflag:s4] =	ssyncset.s32 $0xFFFFF086  }
0x25: {  	[simem:s6], [sflag:s4] =	dma.local [hbm:s3], $0xF7A  }
0x26: {  	[smem:$0x3F8F] =	sst s1;
	(tag) =	ssettag s2;
	_ =	strace s9  }
0x27: {  	s1 =	sld [smem:$0x3F9F]  }
0x28: {  	s2 =	sld [smem:$0x3FA0]  }
0x29: {  	s4 =	sld [smem:$0x3FA2]  }
0x2a: {  	p0 =	seq.s32 s5, $0x0;
	s5 =	sld [smem:$0x3FA3]  }
0x2b: {  	s6 =	sld [smem:$0x3FA4]  }
0x2c: {  	s7 =	sld [smem:$0x3FA5]  }
0x2d: {  	s3 =	simm.s32 $0x108;
	s8 =	sld [smem:$0x3FA6]  }
0x2e: {  	s3 =	simm.s32 @!p0 $0x1082;
	s9 =	sld [smem:$0x3FA7]  }
0x2f: {  	lr =	sadd.s32 s0, s3;
	s0 =	sld [smem:$0x3F9E]  }
0x30: {  	s3 =	sld [smem:$0x3FA1]  }
0x31: {  	[smem:$0x3FAA] =	sst s10  }
0x32: {  	s10 =	sld [smem:$0x3FA8];
	_ =	sdelay $0x3  }
0x33: {  	p0 =	seq.s32 s10, $0x1;
	s10 =	sld [smem:$0x3FAA];
	_ =	sdelay $0x3  }
0x34: {  	[smem:$0x3FAA] =	sst s10  }
0x35: {  	s10 =	sld [smem:$0x3FA9];
	_ =	sdelay $0x3  }
0x36: {  	p1 =	seq.s32 s10, $0x1;
	s10 =	sld [smem:$0x3FAA];
	_ =	sdelay $0x3  }
0x37: {  	[smem:$0x3FAA] =	sst s10  }
0x38: {  	s10 =	sld [smem:$0x3FAB]  }
0x39: {  	_ = 	snop;
	(pc) =	sbr.ind lr, $3  }
0x3a: {  	_ = 	snop  }
0x3b: {  	_ = 	snop  }
0x3c: {  	p2 =	seq.s32 s10, $0x1;
	s10 =	sld [smem:$0x3FAA]  }
0x3d: {  	_ =	shalt  }
0x3e: {  	_ =	shalt  }
0x3f: {  	_ =	shalt  }
0x40: {  	_ =	shalt  }
0x41: {  	_ =	shalt  }
0x42: {  	_ =	shalt  }
0x43: {  	_ =	shalt  }
0x44: {  	_ =	shalt  }
0x45: {  	_ =	shalt  }
0x46: {  	_ =	shalt  }
0x47: {  	_ =	shalt  }
0x48: {  	_ =	shalt  }
0x49: {  	_ =	shalt  }
0x4a: {  	_ =	shalt  }
0x4b: {  	_ =	shalt  }
0x4c: {  	_ =	shalt  }
0x4d: {  	_ =	shalt  }
0x4e: {  	_ =	shalt  }
0x4f: {  	_ =	shalt  }
0x50: {  	_ =	shalt  }
0x51: {  	_ =	shalt  }
0x52: {  	_ =	shalt  }
0x53: {  	_ =	shalt  }
0x54: {  	_ =	shalt  }
0x55: {  	_ =	shalt  }
0x56: {  	_ =	shalt  }
0x57: {  	_ =	shalt  }
0x58: {  	_ =	shalt  }
0x59: {  	_ =	shalt  }
0x5a: {  	_ =	shalt  }
0x5b: {  	_ =	shalt  }
0x5c: {  	_ =	shalt  }
0x5d: {  	_ =	shalt  }
0x5e: {  	_ =	shalt  }
0x5f: {  	_ =	shalt  }
0x60: {  	_ =	shalt  }
0x61: {  	_ =	shalt  }
0x62: {  	_ =	shalt  }
0x63: {  	_ =	shalt  }
0x64: {  	_ =	shalt  }
0x65: {  	_ =	shalt  }
0x66: {  	_ =	shalt  }
0x67: {  	_ =	shalt  }
0x68: {  	_ =	shalt  }
0x69: {  	_ =	shalt  }
0x6a: {  	_ =	shalt  }
0x6b: {  	_ =	shalt  }
0x6c: {  	_ =	shalt  }
0x6d: {  	_ =	shalt  }
0x6e: {  	_ =	shalt  }
0x6f: {  	_ =	shalt  }
0x70: {  	_ =	shalt  }
0x71: {  	_ =	shalt  }
0x72: {  	_ =	shalt  }
0x73: {  	_ =	shalt  }
0x74: {  	_ =	shalt  }
0x75: {  	_ =	shalt  }
0x76: {  	_ =	shalt  }
0x77: {  	_ =	shalt  }
0x78: {  	_ =	shalt  }
0x79: {  	_ =	shalt  }
0x7a: {  	_ =	shalt  }
0x7b: {  	_ =	shalt  }
0x7c: {  	_ =	shalt  }
0x7d: {  	_ =	shalt  }
0x7e: {  	_ =	shalt  }
0x7f: {  	_ =	shalt  }
0x80: {  	_ =	shalt  }
0x81: {  	_ =	shalt  }
0x82: {  	_ =	shalt  }
0x83: {  	_ =	shalt  }
0x84: {  	_ =	shalt  }
0x85: {  	_ =	shalt  }
0x86: {  	_ =	shalt  }
0x87: {  	_ =	shalt  }
.Lfunc_end0:
.L_simem_size_0:
called_computation.9_lowered:
.L_overlay_start_0:
0x88: {  	s2 =	sld [smem:$0x3FD9]  }
0x89: {  	s3 =	sld [smem:$0x3FFE];
	_ =	sdelay $0x1  }
0x8a: {  	s1 =	srdreg.scid  }
0x8b: {  	s0 =	sand.u32 $0x1, s1  }
0x8c: {  	s17 =	sshll.u32 s0, $0xA;
	s2 =	sadd.s32 s3, s2  }
0x8d: {  	s2 =	sadd.s32 s2, s17  }
0x8e: {  	[smem:$0x3FB6] =	sst s2  }
0x8f: {  	_ = 	snop  }
0x90: {  	(tm) =	ssettm $0x1  }
0x91: {  	s18 =	sld [smem:$0x3FFB];
	_ =	sdelay $0x3  }
0x92: {  	_ =	strace s18  }
0x93: {  	s2 =	sld [smem:$0x3FFC];
	_ =	sdelay $0x3  }
0x94: {  	_ =	strace s2  }
0x95: {  	s2 =	sld [smem:$0x3FFD];
	_ =	sdelay $0x3  }
0x96: {  	_ =	strace s2  }
0x97: {  	_ =	strace $0x8FFFFFFF  }
0x98: {  	s19 =	sld [smem:$0x3FDB];
	_ =	sdelay $0x1  }
0x99: {  	s20 =	simm.s32 $_scs_section_size  }
0x9a: {  	s4 =	simm.s32 $_size__tile_overlayer_lowered;
	s5 =	simm.s32 $_tile_overlayer_lowered  }
0x9b: {  	s6 =	simm.s32 $0x1BFF;
	s21 =	sshll.u32 s5, $0x1;
	s3 =	sadd.s32 s20, s19  }
0x9c: {  	s22 =	simm.s32 $0x0;
	s4 =	sshll.u32 s4, $0x1;
	s5 =	sadd.s32 s21, s3  }
0x9d: {  	[timem:s22], [sflag:s6] =	dma.local [hbm:s5], s4  }
0x9e: {  	_ =	swait.ge [sflag:s6], s4  }
0x9f: {  	s4 =	ssub.s32 $0x0, s4;
	[sflag:s6] =	ssyncset.done $0x0  }
0xa0: {  	[sflag:s6] =	ssyncadd.s32 s4;
	_ =	sdelay $0x1  }
0xa1: {  	s23 =	simm.s32 $0x1B8B  }
0xa2: {  	_ =	swait.ge [sflag:s23], $0x1  }
0xa3: {  	[sflag:s23] =	ssyncset.done $0x0  }
0xa4: {  	[sflag:s23] =	ssyncadd.s32 $0xFFFFFFFF  }
0xa5: {  	s4 =	sld [smem:$0x0]  }
0xa6: {  	s5 =	sand.u32 $0xFFFFFFFE, s1  }
0xa7: {  	p0 =	sne.s32 s1, s5  }
0xa8: {  	s5 =	sshll.u32 @p0 s5, $0xE  }
0xa9: {  	s5 =	sadd.s32 @p0 $0x11B8D, s5;
	s6 =	sshll.u32 @p0 s4, $0x11  }
0xaa: {  	s5 =	sor.u32 @p0 s6, s5  }
0xab: {  	[sflag:s5] =	ssyncadd.remote.s32 @p0 $0x1;
	_ =	sdelay $0x1  }
0xac: {  	s5 =	simm.s32 @p0 $0x1B8D  }
0xad: {  	_ =	swait.eq @p0 [sflag:s5], $0x1  }
0xae: {  	[sflag:s5] =	ssyncadd.s32 @p0 $0xFFFFFFFF  }
0xaf: {  	s6 =	sshll.u32 @!p0 s1, $0xE  }
0xb0: {  	s6 =	sor.u32 @!p0 $0x4000, s6;
	s5 =	simm.s32 @!p0 $0x1B8D  }
0xb1: {  	s4 =	sshll.u32 @!p0 s4, $0x11;
	s6 =	sadd.s32 @!p0 $0x11B8D, s6;
	_ =	swait.eq @!p0 [sflag:s5], $0x1  }
0xb2: {  	s4 =	sor.u32 @!p0 s4, s6;
	[sflag:s5] =	ssyncadd.s32 @!p0 $0xFFFFFFFF  }
0xb3: {  	s25 =	simm.s32 $0x1B8E;
	s24 =	sld [smem:$0x3FFE];
	[sflag:s4] =	ssyncadd.remote.s32 @!p0 $0x1  }
0xb4: {  	s26 =	simm.s32 $execute0_lowered;
	[smem:$0x3FD2] =	sst s25  }
0xb5: {  	s5 =	sshll.u32 s26, $0x1;
	_ =	strace $0x8000005E;
	[dreg:$0x1] =	wrdreg $0xFFFFFFFF  }
0xb6: {  	s28 =	simm.s32 $_size_execute0_lowered;
	s3 =	sadd.s32 s3, s5;
	[dreg:$0x0] =	wrdreg $0x0  }
0xb7: {  	s5 =	sshll.u32 s28, $0x1;
	[dreg:$0x2] =	wrdreg s3  }
0xb8: {  	[dreg:$0x3] =	wrdreg s5  }
0xb9: {  	[dreg:$0x4] =	wrdreg $0xC0  }
0xba: {  	_ =	task [dreg:s22], $0x5FFFF  }
0xbb: {  	[dreg:$0x1] =	wrdreg $0xFFFFFFFF  }
0xbc: {  	[dreg:$0x0] =	wrdreg $0x60  }
0xbd: {  	[dreg:$0x2] =	wrdreg s24  }
0xbe: {  	[dreg:$0x3] =	wrdreg $0x90000  }
0xbf: {  	[dreg:$0x4] =	wrdreg $0xA  }
0xc0: {  	_ =	task.clear_ibuf [dreg:s22], $0x5FFFF;
	_ =	strace $0x9000005E  }
0xc1: {  	s29 =	simm.s32 $0xA;
	_ =	strace $0x80000060  }
0xc2: {  	_ =	swait.ge [sflag:s29], $0x1  }
0xc3: {  	[sflag:s29] =	ssyncadd.s32 $0xFFFFFFFF  }
0xc4: {  	_ =	strace $0x90000060  }
0xc5: {  	_ =	sfence  }
0xc6: {  	s30 =	sld [smem:$0x0];
	_ =	sdelay $0x2  }
0xc7: {  	s31 =	sshll.u32 s1, $0xD;
	s1 =	sshrl.u32 s1, $0x2  }
0xc8: {  	s4 =	sand.u32 $0x4000, s31;
	s1 =	sadd.s32 s1, s30  }
0xc9: {  	s0 =	sor.u32 s4, s0;
	s1 =	sshll.u32 s1, $0x11  }
0xca: {  	s0 =	sor.u32 s1, s0  }
0xcb: {  	s0 =	sadd.s32 $0x8F2B, s0  }
0xcc: {  	[sflag:s0] =	ssyncadd.remote.s32 $0x1  }
0xcd: {  	_ =	sfence.sel $0xFFFF  }
0xce: {  	[dreg:$0x0] =	wrdreg $0xFFFFFFFF;
	(pc) =	sbr.abs _section_cstart, $3  }
0xcf: {  	[dreg:$0x1] =	wrdreg $0xFFFFFFFF  }
0xd0: {  	_ =	task.clear_ibuf [dreg:s22], $0x2FFFF;
	_ =	strace $0x9FFFFFFF  }
0xd1: {  	(tm) =	ssettm $0x7FFFFFFF  }
tec
execute0_lowered:
.L_overlay_start_1:
0x0: {  	(tag) =	ssettag $0x1  }
0x1: {  	s5 =	rddreg [dreg:$0x0]  }
0x2: {  	s1 =	rddreg [dreg:$0x1]  }
0x3: {  	s2 =	srdreg.scid;
	s0 =	rddreg [dreg:$0x2]  }
0x4: {  	s3 =	simm.s32 $0x0;
	s14 =	simm.s32 $0x1;
	s8 =	sand.u32 $0x1, s2  }
0x5: {  	s15 =	simm.s32 $0x2800;
	s2 =	stileid.u32;
	s6 =	smul.u32 $0x140000, s8  }
0x6: {  	s17 =	simm.s32 $0x80;
	s18 =	simm.s32 $0x0;
	s7 =	smul.u32 $0x14000, s2  }
0x7: {  	[smem:$0x7FF] =	sst s3;
	s4 =	sadd.s32 $0x5F800, s5;
	s9 =	smul.u32 $0x500, s2  }
0x8: {  	_ =	strace $0x8000005F;
	s30 =	ssub.s32 $0x2, s8;
	s10 =	smul.u32 $0x50000, s2  }
0x9: {  	s16 =	smul.u32 $0x2800, s8;
	s11 =	sshrl.u32 s30, $0x1;
	s6 =	sadd.s32 s7, s6  }
0xa: {  	s9 =	sadd.s32 s9, s5;
	s13 =	ssub.s32 s30, s11;
	s31 =	sshrl.u32 s10, $0x2  }
0xb: {  	v0 =	vmov s16;
	s16 =	simm.s32 $0x5000;
	s6 =	sshrl.u32 s6, $0x3;
	s7 =	sadd.s32 s31, s1  }
0xc: {  	s13 =	smax.u32 s13, $0x1;
	s12 =	sadd.s32 s6, s5;
	s5 =	sadd.s32 $0xD0000, s9  }
0xd: {  	s6 =	sadd.s32 $0xA800, s9;
	s8 =	sadd.s32 $0x4000, s7;
	s9 =	sadd.s32 $0x8000, s7  }
0xe: {  	v1 =	vimm.f32 $0.0e+00;
	s10 =	sadd.s32 $0xC000, s7;
	s11 =	sadd.s32 $0x10000, s7;
	s12 =	sadd.s32 $0xD5000, s12  }
.LBB2_1:
0xf: {  	[tilespmem:s3], [sflag:$0x1] =	stream.linear.gather [hbm4b:s5+s3], $0x2780, $0x38;
	[tilespmem:$0x1D000] =	vst v63  }
0x10: {  	_ =	swait.ge [sflag:s14], $0x2780  }
0x11: {  	[sflag:s14] =	ssyncset.done $0x0  }
0x12: {  	[sflag:s14] =	ssyncadd.s32 $0xFFFFD880  }
0x13: {  	[tilespmem:s15], [sflag:$0x1] =	stream.linear.gather [hbm4b:s6+s3], $0x2780, $0x38;
	[tilespmem:$0x1D000] =	vst v63  }
0x14: {  	s19 =	sand.u32 $0xFE00, s3;
	_ =	swait.ge [sflag:s14], $0x2780  }
0x15: {  	s20 =	sand.u32 $0x70, s3;
	s19 =	sshrl.u32 s19, $0x2;
	[sflag:s14] =	ssyncset.done $0x0  }
0x16: {  	s19 =	sor.u32 s20, s19;
	[sflag:s14] =	ssyncadd.s32 $0xFFFFD880  }
0x17: {  	v2 =	vld [tilespmem:s19+$0x0];
	_ =	sdelay $0x2  }
0x18: {  	s21 =	simm.s32 $0x40  }
0x19: {  	s22 =	sand.u32 $0xFE00, s21;
	s21 =	simm.s32 $0x80;
	s20 =	simm.s32 $0x10  }
.LBB2_2:
0x1a: {  	p0 =	sne.s32 s21, $0x9DC0;
	s23 =	sand.u32 $0x70, s20;
	s22 =	sshrl.u32 s22, $0x2;
	v2 =	vadd.s32 v0, v2  }
0x1b: {  	[tilespmem:s19+$0x0] =	vst v2;
	s19 =	sor.u32 s23, s22  }
.Ltmp0:
0x1c: {  	v2 =	vld [tilespmem:s19+$0x0];
	(pc) =	sbr.rel @p0 .LBB2_2-.Ltmp0, $2  }
0x1d: {  	_ =	sdelay $0x2  }
0x1e: {  	s20 =	sadd.s32 $0x10, s20;
	s22 =	sand.u32 $0xFE00, s21;
	s21 =	sadd.s32 $0x40, s21  }
0x1f: {  	s20 =	sand.u32 $0x70, s20;
	s21 =	sshrl.u32 s22, $0x2;
	v2 =	vadd.s32 v0, v2  }
0x20: {  	s20 =	sor.u32 s20, s21;
	[tilespmem:s19+$0x0] =	vst v2  }
0x21: {  	v2 =	vld [tilespmem:s20+$0x0];
	_ =	sdelay $0x2  }
0x22: {  	s19 =	simm.s32 $0x0  }
0x23: {  	s30 =	sand.u32 $0xFE00, s19  }
0x24: {  	s31 =	sand.u32 $0x70, s19;
	s21 =	sshrl.u32 s30, $0x2;
	v2 =	vadd.s32 v0, v2  }
0x25: {  	s21 =	sor.u32 s31, s21;
	[tilespmem:s20+$0x0] =	vst v2;
	s20 =	simm.s32 $0x40  }
.LBB2_4:
0x26: {  	p0 =	sne.s32 s20, $0xFFC0  }
0x27: {  	[tilespmem:s21+$0x5000] =	vst v1;
	s19 =	sadd.s32 $0x10, s19;
	s21 =	smov.u32 s20;
	s20 =	sadd.s32 $0x40, s20  }
.Ltmp1:
0x28: {  	(pc) =	sbr.rel @p0 .LBB2_4-.Ltmp1, $4  }
0x29: {  	_ = 	snop  }
0x2a: {  	s21 =	sand.u32 $0xFE00, s21  }
0x2b: {  	s22 =	sand.u32 $0x70, s19;
	s21 =	sshrl.u32 s21, $0x2  }
0x2c: {  	s21 =	sor.u32 s22, s21  }
0x2d: {  	[tilespmem:s21+$0x5000] =	vst v1  }
0x2e: {  	[spmem:s7] =	stream.linear.scatter [tilespmem:s16], [sflag:$0x1], $0x4000, $0x38;
	[tilespmem:$0x1D000] =	vst v63  }
0x2f: {  	_ =	swait.ge [sflag:s14], $0x4000  }
0x30: {  	[sflag:s14] =	ssyncset.done $0x0  }
0x31: {  	[sflag:s14] =	ssyncadd.s32 $0xFFFFC000  }
0x32: {  	[spmem:s8] =	stream.linear.scatter [tilespmem:s16], [sflag:$0x1], $0x4000, $0x38;
	[tilespmem:$0x1D000] =	vst v63  }
0x33: {  	_ =	swait.ge [sflag:s14], $0x4000  }
0x34: {  	[sflag:s14] =	ssyncset.done $0x0  }
0x35: {  	[sflag:s14] =	ssyncadd.s32 $0xFFFFC000  }
0x36: {  	[spmem:s9] =	stream.linear.scatter [tilespmem:s16], [sflag:$0x1], $0x4000, $0x38;
	[tilespmem:$0x1D000] =	vst v63  }
0x37: {  	_ =	swait.ge [sflag:s14], $0x4000  }
0x38: {  	[sflag:s14] =	ssyncset.done $0x0  }
0x39: {  	[sflag:s14] =	ssyncadd.s32 $0xFFFFC000  }
0x3a: {  	[spmem:s10] =	stream.linear.scatter [tilespmem:s16], [sflag:$0x1], $0x4000, $0x38;
	[tilespmem:$0x1D000] =	vst v63  }
0x3b: {  	_ =	swait.ge [sflag:s14], $0x4000  }
0x3c: {  	[sflag:s14] =	ssyncset.done $0x0  }
0x3d: {  	[sflag:s14] =	ssyncadd.s32 $0xFFFFC000  }
0x3e: {  	[spmem:s11] =	stream.linear.scatter [tilespmem:s16], [sflag:$0x1], $0x4000, $0x38;
	[tilespmem:$0x1D000] =	vst v63  }
0x3f: {  	_ =	swait.ge [sflag:s14], $0x4000  }
0x40: {  	[sflag:s14] =	ssyncset.done $0x0  }
0x41: {  	[sflag:s14] =	ssyncadd.s32 $0xFFFFC000  }
0x42: {  	s19 =	simm.s32 $0x0;
	[bflag:$0x0] =	sbarrier.arrive $0xFFFF  }
0x43: {  	[tilespmem:s16], [sflag:$0x1] =	stream.indirect.gather [hbm4b:s4+s17], $0x80, s19, s17, $0xb8;
	[tilespmem:$0x1D000] =	vst v63  }
0x44: {  	_ =	swait.ge [sflag:s14], $0x4000  }
0x45: {  	[sflag:s14] =	ssyncset.done $0x0  }
0x46: {  	s31 =	simm.s32 $0x2800;
	[sflag:s14] =	ssyncadd.s32 $0xFFFFC000  }
0x47: {  	[spmem:s1] =	stream.indirect.scatter.add.f32 [tilespmem:s16], [sflag:$0x1], $0x80, s31, s17, $0xb8;
	[tilespmem:$0x1D000] =	vst v63  }
0x48: {  	_ =	swait.ge [sflag:s14], $0x4000  }
0x49: {  	s20 =	simm.s32 $0x400;
	s19 =	simm.s32 $0x200;
	[sflag:s14] =	ssyncset.done $0x0  }
.LBB2_6:
0x4a: {  	s21 =	sshra.s32 s19, $0x2  }
0x4b: {  	[sflag:s14] =	ssyncadd.s32 $0xFFFFC000;
	s19 =	smov.u32 s20;
	s22 =	sadd.s32 $0x200, s20  }
0x4c: {  	[tilespmem:s16], [sflag:$0x1] =	stream.indirect.gather [hbm4b:s4+s17], $0x80, s21, s17, $0xb8;
	[tilespmem:$0x1D000] =	vst v63  }
0x4d: {  	p0 =	sne.s32 s20, $0x9C00;
	_ =	swait.ge [sflag:s14], $0x4000  }
.Ltmp2:
0x4e: {  	[sflag:s14] =	ssyncset.done $0x0;
	(pc) =	sbr.rel @p0 .LBB2_6-.Ltmp2, $4  }
0x4f: {  	s20 =	sadd.s32 $0x2800, s21;
	[sflag:s14] =	ssyncadd.s32 $0xFFFFC000  }
0x50: {  	[spmem:s1] =	stream.indirect.scatter.add.f32 [tilespmem:s16], [sflag:$0x1], $0x80, s20, s17, $0xb8;
	[tilespmem:$0x1D000] =	vst v63  }
0x51: {  	_ =	swait.ge [sflag:s14], $0x4000  }
0x52: {  	s20 =	smov.u32 s22;
	[sflag:s14] =	ssyncset.done $0x0  }
0x53: {  	s19 =	sshra.s32 s19, $0x2;
	[sflag:s14] =	ssyncadd.s32 $0xFFFFC000  }
0x54: {  	[tilespmem:s16], [sflag:$0x1] =	stream.indirect.gather [hbm4b:s4+s17], $0x80, s19, s17, $0xb8;
	[tilespmem:$0x1D000] =	vst v63  }
0x55: {  	_ =	swait.ge [sflag:s14], $0x4000  }
0x56: {  	[sflag:s14] =	ssyncset.done $0x0  }
0x57: {  	s19 =	sadd.s32 $0x2800, s19;
	[sflag:s14] =	ssyncadd.s32 $0xFFFFC000  }
0x58: {  	[spmem:s1] =	stream.indirect.scatter.add.f32 [tilespmem:s16], [sflag:$0x1], $0x80, s19, s17, $0xb8;
	[tilespmem:$0x1D000] =	vst v63  }
0x59: {  	_ =	swait.ge [sflag:s14], $0x4000  }
0x5a: {  	s31 =	sshll.u32 s2, $0x6;
	s18 =	sadd.s32 $0x1, s18;
	[sflag:s14] =	ssyncset.done $0x0  }
0x5b: {  	s20 =	sshrl.u32 s7, $0x3;
	p0 =	sne.s32 s18, s13;
	[sflag:s14] =	ssyncadd.s32 $0xFFFFC000  }
.Ltmp3:
0x5c: {  	s19 =	sor.u32 $0x1C01, s31;
	[bflag:$0x0] =	sbarrier.arrive $0xFFFF;
	(pc) =	sbr.rel @p0 .LBB2_1-.Ltmp3, $4  }
0x5d: {  	[hbm:s12], [sflag:s19] =	dma.local [spmem:s20], $0x2800  }
0x5e: {  	_ =	swait.ge [sflag:s14], $0x2800  }
0x5f: {  	[sflag:s14] =	ssyncset.done $0x0  }
0x60: {  	[sflag:s14] =	ssyncadd.s32 $0xFFFFD800  }
0x61: {  	_ =	sfence.sel $0x180000  }
0x62: {  	[bflag:$0x0] =	sbarrier.arrive $0xFFFF  }
0x63: {  	p0 =	sne.s32 s2, $0x0;
	_ =	strace $0x9000005F  }
0x64: {  	s0 =	sadd.s32 @!p0 $0x100000, s0;
	[bflag:$0x2] =	sbarrier.arrive $0xFFFF  }
0x65: {  	[sflag:s0] =	ssyncadd.tile.s32 @!p0 $0x1;
	_ =	shalt  }
.Lfunc_end2:
_tile_overlayer_lowered:
.L_overlay_start_2:
0x66: {  	(tag) =	ssettag $0x2  }
0x67: {  	s0 =	rddreg [dreg:$0x0];
	s2 =	stileid.u32  }
0x68: {  	s1 =	rddreg [dreg:$0x1];
	p0 =	sne.s32 s2, $0x0  }
0x69: {  	s3 =	rddreg [dreg:$0x2];
	[bflag:$0x3] =	sbarrier.arrive $0xFFFF;
	s2 =	simm.s32 @!p0 $0x1C01  }
0x6a: {  	[timem:s3], [sflag:s2] =	dma.local @!p0 [hbm:s0], s1  }
0x6b: {  	s0 =	simm.s32 @!p0 $0x1  }
0x6c: {  	_ =	swait.ge @!p0 [sflag:s0], s1  }
0x6d: {  	s1 =	ssub.s32 @!p0 $0x0, s1;
	[sflag:s0] =	ssyncset.done @!p0 $0x0  }
0x6e: {  	[sflag:s0] =	ssyncadd.s32 @!p0 s1  }
0x6f: {  	[bflag:$0x3] =	sbarrier.arrive $0xFFFF  }
0x70: {  	_ =	shalt  }

</sc_bundles>
